<compile_context>
chip_gen: v7x
topology: tpu7x:2x2x1
jax: 0.10.2.dev20260603
libtpu: 0.0.44.dev20260713+nightly
codegen_flags: <defaults>
</compile_context>

<pallas_src>
import functools
import math

import jax
import jax.numpy as jnp
from jax import lax
from jax.experimental import pallas as pl
from jax.experimental.pallas import tpu as pltpu
from jax.experimental.pallas import tpu_sc as plsc

L, N, D = 2048, 1, 768
H = 12
DH = D // H
DFF = 3072
E = 8
TOPK = 2

NPAIR = L * TOPK
BEXP = 128
NPAD = NPAIR + E * BEXP
NB = NPAD // BEXP
NBPAD = 48
NW = 32
RPW = NPAD // NW
BUFN = 2048 + 16

_PCALL = pl.pallas_call


def _gelu_exact(x):
    return 0.5 * x * (1.0 + jax.lax.erf(x * (1.0 / math.sqrt(2.0))))



BLQKV = 512


def _ln_qkv_body(x_ref, g_ref, b_ref, w_ref, bias_ref, out_ref):
    x = x_ref[...]
    mu = jnp.mean(x, axis=-1, keepdims=True)
    var = jnp.mean((x - mu) ** 2, axis=-1, keepdims=True)
    h = (x - mu) / jnp.sqrt(var + 1e-5) * g_ref[...] + b_ref[...]
    out_ref[...] = (
        jnp.dot(h, w_ref[...], preferred_element_type=jnp.float32) + bias_ref[...]
    )


def _ln_qkv(xs, g, b, w_t, bias):
    return _PCALL(
        _ln_qkv_body,
        grid=(L // BLQKV,),
        in_specs=[
            pl.BlockSpec((BLQKV, D), lambda i: (i, 0)),
            pl.BlockSpec((D,), lambda i: (0,)),
            pl.BlockSpec((D,), lambda i: (0,)),
            pl.BlockSpec((D, 3 * D), lambda i: (0, 0)),
            pl.BlockSpec((3 * D,), lambda i: (0,)),
        ],
        out_specs=pl.BlockSpec((BLQKV, 3 * D), lambda i: (i, 0)),
        out_shape=jax.ShapeDtypeStruct((L, 3 * D), jnp.float32),
    )(xs, g, b, w_t, bias)



BQ = 512
HP = 2


def _attn_body(q_ref, k_ref, v_ref, o_ref):
    outs = []
    for hh in range(HP):
        sl = slice(hh * DH, (hh + 1) * DH)
        q = q_ref[:, sl] * (1.0 / math.sqrt(DH))
        k = k_ref[:, sl]
        v = v_ref[:, sl]
        s = jax.lax.dot_general(
            q, k, (((1,), (1,)), ((), ())), preferred_element_type=jnp.float32
        )
        m = jnp.max(s, axis=-1, keepdims=True)
        p = jnp.exp(s - m)
        p = p / jnp.sum(p, axis=-1, keepdims=True)
        outs.append(jnp.dot(p, v, preferred_element_type=jnp.float32))
    o_ref[...] = jnp.concatenate(outs, axis=1)


def _attention(qkv):
    return _PCALL(
        _attn_body,
        grid=(H // HP, L // BQ),
        in_specs=[
            pl.BlockSpec((BQ, HP * DH), lambda h, i: (i, h)),
            pl.BlockSpec((L, HP * DH), lambda h, i: (0, H // HP + h)),
            pl.BlockSpec((L, HP * DH), lambda h, i: (0, 2 * (H // HP) + h)),
        ],
        out_specs=pl.BlockSpec((BQ, HP * DH), lambda h, i: (i, h)),
        out_shape=jax.ShapeDtypeStruct((L, D), jnp.float32),
    )(qkv, qkv, qkv)



BLC = 512


def _post_attn_body(o_ref, x_ref, wo_ref, bo_ref, g2_ref, b2_ref, gw_ref, gb_ref,
                    xa_ref, h2n_ref, idx_ref, sc_ref):
    o = o_ref[...]
    xa = x_ref[...] + jnp.dot(o, wo_ref[...], preferred_element_type=jnp.float32) + bo_ref[...]
    xa_ref[...] = xa
    mu = jnp.mean(xa, axis=-1, keepdims=True)
    var = jnp.mean((xa - mu) ** 2, axis=-1, keepdims=True)
    h2n = (xa - mu) / jnp.sqrt(var + 1e-5) * g2_ref[...] + b2_ref[...]
    h2n_ref[...] = h2n
    logits = jnp.dot(h2n, gw_ref[...], preferred_element_type=jnp.float32) + gb_ref[...]
    iota = jax.lax.broadcasted_iota(jnp.int32, logits.shape, 1)
    m1 = jnp.max(logits, axis=-1, keepdims=True)
    i1 = jnp.min(jnp.where(logits == m1, iota, E), axis=-1, keepdims=True)
    masked = jnp.where(iota == i1, -jnp.inf, logits)
    m2 = jnp.max(masked, axis=-1, keepdims=True)
    i2 = jnp.min(jnp.where(masked == m2, iota, E), axis=-1, keepdims=True)
    e2 = jnp.exp(m2 - m1)
    s1 = 1.0 / (1.0 + e2)
    s2 = e2 / (1.0 + e2)
    idx_ref[...] = jnp.concatenate([i1, i2], axis=1)
    sc_ref[...] = jnp.concatenate([s1, s2], axis=1)


def _post_attn(o_flat, xs, wo_t, bo, g2, b2, gw, gb):
    return _PCALL(
        _post_attn_body,
        grid=(L // BLC,),
        in_specs=[
            pl.BlockSpec((BLC, D), lambda i: (i, 0)),
            pl.BlockSpec((BLC, D), lambda i: (i, 0)),
            pl.BlockSpec((D, D), lambda i: (0, 0)),
            pl.BlockSpec((D,), lambda i: (0,)),
            pl.BlockSpec((D,), lambda i: (0,)),
            pl.BlockSpec((D,), lambda i: (0,)),
            pl.BlockSpec((D, E), lambda i: (0, 0)),
            pl.BlockSpec((E,), lambda i: (0,)),
        ],
        out_specs=[
            pl.BlockSpec((BLC, D), lambda i: (i, 0)),
            pl.BlockSpec((BLC, D), lambda i: (i, 0)),
            pl.BlockSpec((BLC, TOPK), lambda i: (i, 0)),
            pl.BlockSpec((BLC, TOPK), lambda i: (i, 0)),
        ],
        out_shape=[
            jax.ShapeDtypeStruct((L, D), jnp.float32),
            jax.ShapeDtypeStruct((L, D), jnp.float32),
            jax.ShapeDtypeStruct((L, TOPK), jnp.int32),
            jax.ShapeDtypeStruct((L, TOPK), jnp.float32),
        ],
    )(o_flat, xs, wo_t, bo, g2, b2, gw, gb)



_SC_MESH = plsc.VectorSubcoreMesh(core_axis_name="c", subcore_axis_name="s")
_SC_PARAMS = pltpu.CompilerParams(needs_layout_passes=False)


def _dispatch_body(e_hbm, w_hbm, tid_hbm, wout_hbm, be_hbm, spair_hbm,
                   e_v, w_v, tid_buf, wbuf, pair_buf, be_buf, zi_buf, zf_buf,
                   zp_buf, sem):
    wid = lax.axis_index("s") * 2 + lax.axis_index("c")

    @pl.when(wid < E)
    def _():
        pltpu.sync_copy(e_hbm, e_v)
        pltpu.sync_copy(w_hbm, w_v)

        zvec = jnp.zeros((16,), jnp.int32)

        def c_body(i, cs):
            v = e_v[pl.ds(i * 16, 16)]
            return tuple(
                cs[j] + plsc.all_reduce_population_count(v == j)
                for j in range(E)
            )

        cvecs = lax.fori_loop(0, NPAIR // 16, c_body, (zvec,) * E)
        counts = [cvecs[j][0] for j in range(E)]
        nbw = [((counts[j] + (BEXP - 1)) // BEXP) * BEXP for j in range(E)]
        off = jnp.int32(0)
        total = jnp.int32(0)
        nbw_self = jnp.int32(0)
        for j in range(E):
            off = off + jnp.where(jnp.int32(j) < wid, nbw[j], 0)
            nbw_self = nbw_self + jnp.where(jnp.int32(j) == wid, nbw[j], 0)
            total = total + nbw[j]

        zf = jnp.zeros((16,), jnp.float32)
        iota16 = lax.iota(jnp.int32, 16)

        def z_body(i, carry):
            tid_buf[pl.ds(i * 16, 16)] = ((iota16 + i * 16) & 31) * 64
            wbuf[pl.ds(i * 16, 16)] = zf
            pair_buf[pl.ds(i * 16, 16)] = jnp.full((16,), NPAIR, jnp.int32)
            return carry

        lax.fori_loop(0, BUFN // 16, z_body, jnp.int32(0))


        def p2_body(i, cnt):
            v = e_v[pl.ds(i * 16, 16)]
            mask = v == wid
            pvec = iota16 + i * 16
            plsc.store_compressed(tid_buf.at[pl.ds(cnt, 16)], pvec >> 1,
                                  mask=mask)
            plsc.store_compressed(wbuf.at[pl.ds(cnt, 16)],
                                  w_v[pl.ds(i * 16, 16)], mask=mask)
            plsc.store_compressed(pair_buf.at[pl.ds(cnt, 16)], pvec,
                                  mask=mask)
            return cnt + plsc.all_reduce_population_count(mask)[0]

        lax.fori_loop(0, NPAIR // 16, p2_body, jnp.int32(0))

        nch = nbw_self // BEXP

        def fire_body(b, carry):
            ob = pl.multiple_of(off + b * BEXP, BEXP)
            pltpu.async_copy(tid_buf.at[pl.ds(b * BEXP, BEXP)],
                             tid_hbm.at[pl.ds(ob, BEXP)], sem)
            pltpu.async_copy(wbuf.at[pl.ds(b * BEXP, BEXP)],
                             wout_hbm.at[pl.ds(ob, BEXP)], sem)
            pltpu.async_copy(pair_buf.at[pl.ds(b * BEXP, BEXP)],
                             spair_hbm.at[pl.ds(ob, BEXP)], sem)
            return carry

        lax.fori_loop(0, nch, fire_body, jnp.int32(0))

        def drain_body(b, carry):
            ob = pl.multiple_of(off + b * BEXP, BEXP)
            pltpu.make_async_copy(tid_buf.at[pl.ds(b * BEXP, BEXP)],
                                  tid_hbm.at[pl.ds(ob, BEXP)], sem).wait()
            pltpu.make_async_copy(wbuf.at[pl.ds(b * BEXP, BEXP)],
                                  wout_hbm.at[pl.ds(ob, BEXP)], sem).wait()
            pltpu.make_async_copy(pair_buf.at[pl.ds(b * BEXP, BEXP)],
                                  spair_hbm.at[pl.ds(ob, BEXP)], sem).wait()
            return carry

        lax.fori_loop(0, nch, drain_body, jnp.int32(0))

        @pl.when(wid == 0)
        def _():
            for t in range(NBPAD // 16):
                bidx = lax.iota(jnp.int32, 16) + t * 16
                be = jnp.zeros((16,), jnp.int32)
                ao = jnp.int32(0)
                for eidx in range(1, E):
                    ao = ao + nbw[eidx - 1]
                    be = be + jnp.where(bidx * BEXP >= ao, 1, 0)
                be_buf[pl.ds(t * 16, 16)] = be
            pltpu.sync_copy(be_buf, be_hbm)

        @pl.when(wid == E - 1)
        def _():
            for i in range(BEXP // 16):
                zi_buf[pl.ds(i * 16, 16)] = ((iota16 + i * 16) & 31) * 64
                zf_buf[pl.ds(i * 16, 16)] = zf
                zp_buf[pl.ds(i * 16, 16)] = jnp.full((16,), NPAIR, jnp.int32)
            tb = total // BEXP

            def tfire(b, carry):
                ob = pl.multiple_of(b * BEXP, BEXP)
                pltpu.async_copy(zi_buf, tid_hbm.at[pl.ds(ob, BEXP)], sem)
                pltpu.async_copy(zf_buf, wout_hbm.at[pl.ds(ob, BEXP)], sem)
                pltpu.async_copy(zp_buf, spair_hbm.at[pl.ds(ob, BEXP)], sem)
                return carry

            lax.fori_loop(tb, NB, tfire, jnp.int32(0))

            def tdrain(b, carry):
                ob = pl.multiple_of(b * BEXP, BEXP)
                pltpu.make_async_copy(zi_buf, tid_hbm.at[pl.ds(ob, BEXP)],
                                      sem).wait()
                pltpu.make_async_copy(zf_buf, wout_hbm.at[pl.ds(ob, BEXP)],
                                      sem).wait()
                pltpu.make_async_copy(zp_buf, spair_hbm.at[pl.ds(ob, BEXP)],
                                      sem).wait()
                return carry

            lax.fori_loop(tb, NB, tdrain, jnp.int32(0))


@functools.partial(
    pl.kernel,
    out_type=[
        jax.ShapeDtypeStruct((NPAD,), jnp.int32),
        jax.ShapeDtypeStruct((NPAD,), jnp.float32),
        jax.ShapeDtypeStruct((NBPAD,), jnp.int32),
        jax.ShapeDtypeStruct((NPAD,), jnp.int32),
    ],
    mesh=_SC_MESH,
    compiler_params=_SC_PARAMS,
    scratch_types=[
        pltpu.VMEM((NPAIR,), jnp.int32),
        pltpu.VMEM((NPAIR,), jnp.float32),
        pltpu.VMEM((BUFN,), jnp.int32),
        pltpu.VMEM((BUFN,), jnp.float32),
        pltpu.VMEM((BUFN,), jnp.int32),
        pltpu.VMEM((NBPAD,), jnp.int32),
        pltpu.VMEM((BEXP,), jnp.int32),
        pltpu.VMEM((BEXP,), jnp.float32),
        pltpu.VMEM((BEXP,), jnp.int32),
        pltpu.SemaphoreType.DMA,
    ],
)
def _dispatch(e_hbm, w_hbm, tid_hbm, wout_hbm, be_hbm, spair_hbm,
              e_v, w_v, tid_buf, wbuf, pair_buf, be_buf, zi_buf, zf_buf,
              zp_buf, sem):
    _dispatch_body(e_hbm, w_hbm, tid_hbm, wout_hbm, be_hbm, spair_hbm,
                   e_v, w_v, tid_buf, wbuf, pair_buf, be_buf, zi_buf, zf_buf,
                   zp_buf, sem)



GCH = 80


@functools.partial(
    pl.kernel,
    out_type=jax.ShapeDtypeStruct((NPAD, D), jnp.float32),
    mesh=_SC_MESH,
    compiler_params=_SC_PARAMS,
    scratch_types=[
        pltpu.VMEM((GCH,), jnp.int32),
        pltpu.VMEM((GCH, D), jnp.float32),
        pltpu.SemaphoreType.DMA,
    ],
)
def _gather(tab_hbm, idx_hbm, out_hbm, idx_v, rows_v, sem):
    wid = lax.axis_index("s") * 2 + lax.axis_index("c")
    base = wid * RPW
    for ch in range(RPW // GCH):
        b0 = pl.multiple_of(base + ch * GCH, GCH)
        pltpu.sync_copy(idx_hbm.at[pl.ds(b0, GCH)], idx_v)
        pltpu.async_copy(tab_hbm.at[idx_v], rows_v, sem).wait()
        pltpu.sync_copy(rows_v, out_hbm.at[pl.ds(b0, GCH)])




def _ffn_body(be_ref, x_ref, w1_ref, b1_ref, w2_ref, b2_ref, wrow_ref, out_ref):
    x = x_ref[...].astype(jnp.bfloat16)
    h1 = jnp.dot(x, w1_ref[0], preferred_element_type=jnp.float32) + b1_ref[0]
    h1 = _gelu_exact(h1).astype(jnp.bfloat16)
    h2 = jnp.dot(h1, w2_ref[0], preferred_element_type=jnp.float32) + b2_ref[0]
    out_ref[...] = h2 * wrow_ref[...]


def _ffn(be_arr, x_sorted, w1, b1, w2, b2, w_sorted):
    grid_spec = pltpu.PrefetchScalarGridSpec(
        num_scalar_prefetch=1,
        grid=(NB,),
        in_specs=[
            pl.BlockSpec((BEXP, D), lambda i, be: (i, 0)),
            pl.BlockSpec((1, D, DFF), lambda i, be: (be[i], 0, 0)),
            pl.BlockSpec((1, 1, DFF), lambda i, be: (be[i], 0, 0)),
            pl.BlockSpec((1, DFF, D), lambda i, be: (be[i], 0, 0)),
            pl.BlockSpec((1, 1, D), lambda i, be: (be[i], 0, 0)),
            pl.BlockSpec((BEXP, 1), lambda i, be: (i, 0)),
        ],
        out_specs=pl.BlockSpec((BEXP, D), lambda i, be: (i, 0)),
    )
    return _PCALL(
        _ffn_body,
        grid_spec=grid_spec,
        out_shape=jax.ShapeDtypeStruct((NPAD, D), jnp.float32),
    )(be_arr, x_sorted, w1.astype(jnp.bfloat16), b1.reshape(E, 1, DFF),
      w2.astype(jnp.bfloat16), b2.reshape(E, 1, D), w_sorted.reshape(NPAD, 1))



TPW = L // NW
PPW = TPW * TOPK


@functools.partial(
    pl.kernel,
    out_type=jax.ShapeDtypeStruct((L, D), jnp.float32),
    mesh=_SC_MESH,
    compiler_params=_SC_PARAMS,
    scratch_types=[
        pltpu.VMEM((NPAD,), jnp.int32),
        pltpu.VMEM((PPW + 16,), jnp.int32),
        pltpu.VMEM((PPW + 16,), jnp.int32),
        pltpu.VMEM((PPW,), jnp.int32),
        pltpu.VMEM((PPW // 2, D), jnp.float32),
        pltpu.VMEM((TPW, D), jnp.float32),
        pltpu.SemaphoreType.DMA,
    ],
)
def _combine(rows_hbm, spair_hbm, xa_hbm, out_hbm, sp_v, sl_v, pr_v, invl_v,
             rows_v, acc_v, sem):
    wid = lax.axis_index("s") * 2 + lax.axis_index("c")
    t0 = wid * TPW
    p0 = t0 * TOPK
    ot = pl.multiple_of(t0, TPW)
    pltpu.async_copy(xa_hbm.at[pl.ds(ot, TPW)], acc_v, sem)
    pltpu.sync_copy(spair_hbm, sp_v)
    iota16 = lax.iota(jnp.int32, 16)

    def s_body(i, cnt):
        v = sp_v[pl.ds(i * 16, 16)]
        mask = (v >= p0) & (v < p0 + PPW)
        plsc.store_compressed(sl_v.at[pl.ds(cnt, 16)], iota16 + i * 16,
                              mask=mask)
        plsc.store_compressed(pr_v.at[pl.ds(cnt, 16)], v, mask=mask)
        return cnt + plsc.all_reduce_population_count(mask)[0]

    lax.fori_loop(0, NPAD // 16, s_body, jnp.int32(0))

    for i in range(PPW // 16):
        plsc.store_scatter(invl_v, [pr_v[pl.ds(i * 16, 16)] - p0],
                           sl_v[pl.ds(i * 16, 16)])

    pltpu.make_async_copy(xa_hbm.at[pl.ds(ot, TPW)], acc_v, sem).wait()

    for half in range(2):
        pltpu.async_copy(
            rows_hbm.at[invl_v.at[pl.ds(half * (PPW // 2), PPW // 2)]],
            rows_v, sem).wait()

        def add_body(r, carry):
            ra = r + half * (TPW // 2)
            for cc in range(D // 16):
                acc_v[ra, pl.ds(cc * 16, 16)] = (
                    acc_v[ra, pl.ds(cc * 16, 16)]
                    + rows_v[2 * r, pl.ds(cc * 16, 16)]
                    + rows_v[2 * r + 1, pl.ds(cc * 16, 16)]
                )
            return carry

        lax.fori_loop(0, TPW // 2, add_body, jnp.int32(0))

    pltpu.sync_copy(acc_v, out_hbm.at[pl.ds(ot, TPW)])




def kernel(x, norm1_g, norm1_b, in_proj_w, in_proj_b, out_proj_w, out_proj_b,
           norm2_g, norm2_b, gate_w, gate_b, w1, b1, w2, b2):
    xs = x.reshape(L, D)
    qkv = _ln_qkv(xs, norm1_g, norm1_b, in_proj_w.T, in_proj_b)
    o_flat = _attention(qkv)
    xa, h2n, idx2, sc2 = _post_attn(o_flat, xs, out_proj_w.T, out_proj_b,
                                    norm2_g, norm2_b, gate_w, gate_b)
    eflat = idx2.reshape(NPAIR)
    wflat = sc2.reshape(NPAIR)
    sorted_tid, sorted_w, be_arr, spair = _dispatch(eflat, wflat)
    x_sorted = _gather(h2n, sorted_tid)
    out_sorted = _ffn(be_arr, x_sorted, w1, b1, w2, b2, sorted_w)
    out = _combine(out_sorted, spair, xa)
    return out.reshape(L, N, D)

# --- scband reference (transcript-rebuilt; emitter-appended) ---
"""Pipeline reference for scband-mo-etransformer-layer-21655225106533 (READ-ONLY COPY).

The authoritative reference and input builder live on the scoring server;
editing this copy changes nothing except your own understanding.
"""

import jax, jax.numpy as jnp
import numpy as np

L, N, D = 2048, 1, 768
H = 12
DH = D // H
DFF = 3072
E = 8
TOPK = 2


def layer_norm(x, g, b, eps=1e-5):
    mu = jnp.mean(x, axis=-1, keepdims=True)
    var = jnp.mean((x - mu) ** 2, axis=-1, keepdims=True)
    return (x - mu) / jnp.sqrt(var + eps) * g + b


def setup_inputs(seed: int = 0) -> dict:
    key = jax.random.key(seed)
    ks = jax.random.split(key, 16)
    s = 0.02
    return {
        "x": jax.random.normal(ks[0], (L, N, D), jnp.float32),
        "norm1_g": jnp.ones((D,), jnp.float32),
        "norm1_b": jnp.zeros((D,), jnp.float32),
        "in_proj_w": jax.random.normal(ks[1], (3 * D, D), jnp.float32) * s,
        "in_proj_b": jnp.zeros((3 * D,), jnp.float32),
        "out_proj_w": jax.random.normal(ks[2], (D, D), jnp.float32) * s,
        "out_proj_b": jnp.zeros((D,), jnp.float32),
        "norm2_g": jnp.ones((D,), jnp.float32),
        "norm2_b": jnp.zeros((D,), jnp.float32),
        "gate_w": jax.random.normal(ks[3], (D, E), jnp.float32) * s,
        "gate_b": jnp.zeros((E,), jnp.float32),
        "w1": jax.random.normal(ks[4], (E, D, DFF), jnp.float32) * s,
        "b1": jnp.zeros((E, DFF), jnp.float32),
        "w2": jax.random.normal(ks[5], (E, DFF, D), jnp.float32) * s,
        "b2": jnp.zeros((E, D), jnp.float32),
    }


def reference(x, norm1_g, norm1_b, in_proj_w, in_proj_b, out_proj_w, out_proj_b,
              norm2_g, norm2_b, gate_w, gate_b, w1, b1, w2, b2):
    # --- self attention block (dropout is identity in eval) ---
    residual = x
    h = layer_norm(x, norm1_g, norm1_b)
    qkv = h @ in_proj_w.T + in_proj_b  # [L, N, 3D]
    q, k, v = jnp.split(qkv, 3, axis=-1)
    # [L, N, D] -> [N*H, L, DH]
    q = q.reshape(L, N * H, DH).transpose(1, 0, 2) / jnp.sqrt(DH).astype(jnp.float32)
    k = k.reshape(L, N * H, DH).transpose(1, 0, 2)
    v = v.reshape(L, N * H, DH).transpose(1, 0, 2)
    attn = jax.nn.softmax(q @ k.transpose(0, 2, 1), axis=-1)  # [N*H, L, L]
    o = attn @ v  # [N*H, L, DH]
    o = o.transpose(1, 0, 2).reshape(L, N, D)
    o = o @ out_proj_w.T + out_proj_b
    x = residual + o
    # --- MoE block ---
    residual = x
    h = layer_norm(x, norm2_g, norm2_b)
    flat = h.reshape(-1, D)  # [T, D]
    logits = flat @ gate_w + gate_b  # [T, E]
    top_vals, top_idx = jax.lax.top_k(logits, TOPK)  # [T, K]
    scores = jax.nn.softmax(top_vals, axis=-1)  # [T, K]
    combine = (jax.nn.one_hot(top_idx, E, dtype=flat.dtype) * scores[..., None]).sum(axis=1)  # [T, E]
    h1 = jnp.einsum('td,edf->etf', flat, w1) + b1[:, None, :]
    h1 = jax.nn.gelu(h1, approximate=False)
    h2 = jnp.einsum('etf,efd->etd', h1, w2) + b2[:, None, :]
    moe_out = jnp.einsum('etd,te->td', h2, combine)
    x = residual + moe_out.reshape(L, N, D)
    return x

if __name__ == "__main__":
    import jax
    _d = setup_inputs()
    print(jax.jit(kernel)(*tuple(_d.values())))

</pallas_src>

<mosaic_0001>
#map = affine_map<(d0, d1) -> (0)>
module attributes {stable_mosaic.version = 14 : i64} {
  func.func @_dispatch(%arg0: i32, %arg1: i32, %arg2: memref<4096xi32, #tpu.memory_space<hbm>>, %arg3: memref<4096xf32, #tpu.memory_space<hbm>>, %arg4: memref<5120xi32, #tpu.memory_space<hbm>>, %arg5: memref<5120xf32, #tpu.memory_space<hbm>>, %arg6: memref<48xi32, #tpu.memory_space<hbm>>, %arg7: memref<5120xi32, #tpu.memory_space<hbm>>, %arg8: memref<4096xi32, #tpu.memory_space<vmem>>, %arg9: memref<4096xf32, #tpu.memory_space<vmem>>, %arg10: memref<2064xi32, #tpu.memory_space<vmem>>, %arg11: memref<2064xf32, #tpu.memory_space<vmem>>, %arg12: memref<2064xi32, #tpu.memory_space<vmem>>, %arg13: memref<48xi32, #tpu.memory_space<vmem>>, %arg14: memref<128xi32, #tpu.memory_space<vmem>>, %arg15: memref<128xf32, #tpu.memory_space<vmem>>, %arg16: memref<128xi32, #tpu.memory_space<vmem>>, %arg17: memref<!tpu.dma_semaphore, #tpu.memory_space<semaphore_mem>>) attributes {dimension_semantics = [#tpu.dimension_semantics<core_parallel>, #tpu.dimension_semantics<subcore_parallel>], iteration_bounds = array<i64: 2, 16>, scalar_prefetch = 0 : i64, scratch_operands = 10 : i64, tpu.core_type = #tpu.core_type<sc_vector_subcore>, window_params = [{transform_indices = #map}, {transform_indices = #map}, {transform_indices = #map}, {transform_indices = #map}, {transform_indices = #map}, {transform_indices = #map}]} {
    %mul3A = arith.constant 2 : i32
    %mul3A_0 = arith.muli %arg1, %mul3A : i32
    %add3A = arith.addi %mul3A_0, %arg0 : i32
    %lt3A = arith.constant 8 : i32
    %lt3A_1 = arith.cmpi slt, %add3A, %lt3A : i32
    %convert_element_type3A = arith.extui %lt3A_1 : i1 to i32
    %cond3A = arith.constant 0 : i32
    %cond3A_2 = arith.cmpi ne, %convert_element_type3A, %cond3A : i32
    scf.if %cond3A_2 {
      "tpu.region"() ({
        %run_scoped3A = tpu.sem_alloc : memref<!tpu.dma_semaphore, #tpu.memory_space<semaphore_mem>>
        tpu.enqueue_dma source(%arg2 : memref<4096xi32, #tpu.memory_space<hbm>>) target(%arg8 : memref<4096xi32, #tpu.memory_space<vmem>>) target_semaphore(%run_scoped3A : memref<!tpu.dma_semaphore, #tpu.memory_space<semaphore_mem>>)
        tpu.wait_dma2 semaphore(%run_scoped3A : memref<!tpu.dma_semaphore, #tpu.memory_space<semaphore_mem>>) src(%arg2 : memref<4096xi32, #tpu.memory_space<hbm>>) dst(%arg8 : memref<4096xi32, #tpu.memory_space<vmem>>)
        tpu.yield
      }) : () -> ()
      "tpu.region"() ({
        %run_scoped3A = tpu.sem_alloc : memref<!tpu.dma_semaphore, #tpu.memory_space<semaphore_mem>>
        tpu.enqueue_dma source(%arg3 : memref<4096xf32, #tpu.memory_space<hbm>>) target(%arg9 : memref<4096xf32, #tpu.memory_space<vmem>>) target_semaphore(%run_scoped3A : memref<!tpu.dma_semaphore, #tpu.memory_space<semaphore_mem>>)
        tpu.wait_dma2 semaphore(%run_scoped3A : memref<!tpu.dma_semaphore, #tpu.memory_space<semaphore_mem>>) src(%arg3 : memref<4096xf32, #tpu.memory_space<hbm>>) dst(%arg9 : memref<4096xf32, #tpu.memory_space<vmem>>)
        tpu.yield
      }) : () -> ()
      %broadcast_in_dim3A = arith.constant 0 : i32
      %broadcast_in_dim3A_3 = vector.broadcast %broadcast_in_dim3A : i32 to vector<16xi32>
      %scan3A = arith.constant 0 : i32
      %scan3A_4 = arith.constant 256 : i32
      %scan3A_5 = arith.addi %scan3A, %scan3A_4 : i32
      %scan3A_6 = arith.constant 1 : i32
      %scan3A_7:8 = scf.for %scan3A_397 = %scan3A to %scan3A_5 step %scan3A_6 iter_args(%scan3A_398 = %broadcast_in_dim3A_3, %scan3A_399 = %broadcast_in_dim3A_3, %scan3A_400 = %broadcast_in_dim3A_3, %scan3A_401 = %broadcast_in_dim3A_3, %scan3A_402 = %broadcast_in_dim3A_3, %scan3A_403 = %broadcast_in_dim3A_3, %scan3A_404 = %broadcast_in_dim3A_3, %scan3A_405 = %broadcast_in_dim3A_3) -> (vector<16xi32>, vector<16xi32>, vector<16xi32>, vector<16xi32>, vector<16xi32>, vector<16xi32>, vector<16xi32>, vector<16xi32>)  : i32 {
        %mul3A_406 = arith.constant 16 : i32
        %mul3A_407 = arith.muli %scan3A_397, %mul3A_406 : i32
        %get3A = arith.index_cast %mul3A_407 : i32 to index
        %get3A_408 = tpu.vector_load %arg8[%get3A] {strides = array<i32>} : memref<4096xi32, #tpu.memory_space<vmem>>, vector<16xi32>,
        %eq3A_409 = arith.constant 0 : i32
        %eq3A_410 = vector.broadcast %eq3A_409 : i32 to vector<16xi32>
        %eq3A_411 = arith.cmpi eq, %get3A_408, %eq3A_410 : vector<16xi32>
        %all_reduce_population_count3A = tpu.all_reduce %eq3A_411 {dim = 0 : i64, kind = #tpu.reduction_kind<sum>} : vector<16xi1> -> vector<16xi32>
        %add3A_412 = arith.addi %scan3A_398, %all_reduce_population_count3A : vector<16xi32>
        %eq3A_413 = arith.constant 1 : i32
        %eq3A_414 = vector.broadcast %eq3A_413 : i32 to vector<16xi32>
        %eq3A_415 = arith.cmpi eq, %get3A_408, %eq3A_414 : vector<16xi32>
        %all_reduce_population_count3A_416 = tpu.all_reduce %eq3A_415 {dim = 0 : i64, kind = #tpu.reduction_kind<sum>} : vector<16xi1> -> vector<16xi32>
        %add3A_417 = arith.addi %scan3A_399, %all_reduce_population_count3A_416 : vector<16xi32>
        %eq3A_418 = arith.constant 2 : i32
        %eq3A_419 = vector.broadcast %eq3A_418 : i32 to vector<16xi32>
        %eq3A_420 = arith.cmpi eq, %get3A_408, %eq3A_419 : vector<16xi32>
        %all_reduce_population_count3A_421 = tpu.all_reduce %eq3A_420 {dim = 0 : i64, kind = #tpu.reduction_kind<sum>} : vector<16xi1> -> vector<16xi32>
        %add3A_422 = arith.addi %scan3A_400, %all_reduce_population_count3A_421 : vector<16xi32>
        %eq3A_423 = arith.constant 3 : i32
        %eq3A_424 = vector.broadcast %eq3A_423 : i32 to vector<16xi32>
        %eq3A_425 = arith.cmpi eq, %get3A_408, %eq3A_424 : vector<16xi32>
        %all_reduce_population_count3A_426 = tpu.all_reduce %eq3A_425 {dim = 0 : i64, kind = #tpu.reduction_kind<sum>} : vector<16xi1> -> vector<16xi32>
        %add3A_427 = arith.addi %scan3A_401, %all_reduce_population_count3A_426 : vector<16xi32>
        %eq3A_428 = arith.constant 4 : i32
        %eq3A_429 = vector.broadcast %eq3A_428 : i32 to vector<16xi32>
        %eq3A_430 = arith.cmpi eq, %get3A_408, %eq3A_429 : vector<16xi32>
        %all_reduce_population_count3A_431 = tpu.all_reduce %eq3A_430 {dim = 0 : i64, kind = #tpu.reduction_kind<sum>} : vector<16xi1> -> vector<16xi32>
        %add3A_432 = arith.addi %scan3A_402, %all_reduce_population_count3A_431 : vector<16xi32>
        %eq3A_433 = arith.constant 5 : i32
        %eq3A_434 = vector.broadcast %eq3A_433 : i32 to vector<16xi32>
        %eq3A_435 = arith.cmpi eq, %get3A_408, %eq3A_434 : vector<16xi32>
        %all_reduce_population_count3A_436 = tpu.all_reduce %eq3A_435 {dim = 0 : i64, kind = #tpu.reduction_kind<sum>} : vector<16xi1> -> vector<16xi32>
        %add3A_437 = arith.addi %scan3A_403, %all_reduce_population_count3A_436 : vector<16xi32>
        %eq3A_438 = arith.constant 6 : i32
        %eq3A_439 = vector.broadcast %eq3A_438 : i32 to vector<16xi32>
        %eq3A_440 = arith.cmpi eq, %get3A_408, %eq3A_439 : vector<16xi32>
        %all_reduce_population_count3A_441 = tpu.all_reduce %eq3A_440 {dim = 0 : i64, kind = #tpu.reduction_kind<sum>} : vector<16xi1> -> vector<16xi32>
        %add3A_442 = arith.addi %scan3A_404, %all_reduce_population_count3A_441 : vector<16xi32>
        %eq3A_443 = arith.constant 7 : i32
        %eq3A_444 = vector.broadcast %eq3A_443 : i32 to vector<16xi32>
        %eq3A_445 = arith.cmpi eq, %get3A_408, %eq3A_444 : vector<16xi32>
        %all_reduce_population_count3A_446 = tpu.all_reduce %eq3A_445 {dim = 0 : i64, kind = #tpu.reduction_kind<sum>} : vector<16xi1> -> vector<16xi32>
        %add3A_447 = arith.addi %scan3A_405, %all_reduce_population_count3A_446 : vector<16xi32>
        scf.yield %add3A_412, %add3A_417, %add3A_422, %add3A_427, %add3A_432, %add3A_437, %add3A_442, %add3A_447 : vector<16xi32>, vector<16xi32>, vector<16xi32>, vector<16xi32>, vector<16xi32>, vector<16xi32>, vector<16xi32>, vector<16xi32>
      }
      %scan3A_8 = arith.constant 256 : i32
      %slice3A = vector.extract_strided_slice %scan3A_7#0 {offsets = [0], sizes = [1], strides = [1]} : vector<16xi32> to vector<1xi32>
      %squeeze3A = vector.extract %slice3A[0] : i32 from vector<1xi32>
      %slice3A_9 = vector.extract_strided_slice %scan3A_7#1 {offsets = [0], sizes = [1], strides = [1]} : vector<16xi32> to vector<1xi32>
      %squeeze3A_10 = vector.extract %slice3A_9[0] : i32 from vector<1xi32>
      %slice3A_11 = vector.extract_strided_slice %scan3A_7#2 {offsets = [0], sizes = [1], strides = [1]} : vector<16xi32> to vector<1xi32>
      %squeeze3A_12 = vector.extract %slice3A_11[0] : i32 from vector<1xi32>
      %slice3A_13 = vector.extract_strided_slice %scan3A_7#3 {offsets = [0], sizes = [1], strides = [1]} : vector<16xi32> to vector<1xi32>
      %squeeze3A_14 = vector.extract %slice3A_13[0] : i32 from vector<1xi32>
      %slice3A_15 = vector.extract_strided_slice %scan3A_7#4 {offsets = [0], sizes = [1], strides = [1]} : vector<16xi32> to vector<1xi32>
      %squeeze3A_16 = vector.extract %slice3A_15[0] : i32 from vector<1xi32>
      %slice3A_17 = vector.extract_strided_slice %scan3A_7#5 {offsets = [0], sizes = [1], strides = [1]} : vector<16xi32> to vector<1xi32>
      %squeeze3A_18 = vector.extract %slice3A_17[0] : i32 from vector<1xi32>
      %slice3A_19 = vector.extract_strided_slice %scan3A_7#6 {offsets = [0], sizes = [1], strides = [1]} : vector<16xi32> to vector<1xi32>
      %squeeze3A_20 = vector.extract %slice3A_19[0] : i32 from vector<1xi32>
      %slice3A_21 = vector.extract_strided_slice %scan3A_7#7 {offsets = [0], sizes = [1], strides = [1]} : vector<16xi32> to vector<1xi32>
      %squeeze3A_22 = vector.extract %slice3A_21[0] : i32 from vector<1xi32>
      %add3A_23 = arith.constant 127 : i32
      %add3A_24 = arith.addi %squeeze3A, %add3A_23 : i32
      %jit3A = arith.constant 128 : i32
      %div3A = arith.divsi %add3A_24, %jit3A : i32
      %sign3A = arith.constant 0 : i32
      %sign3A_25 = arith.cmpi sgt, %add3A_24, %sign3A : i32
      %sign3A_26 = arith.extui %sign3A_25 : i1 to i32
      %sign3A_27 = arith.constant 0 : i32
      %sign3A_28 = arith.cmpi slt, %add3A_24, %sign3A_27 : i32
      %sign3A_29 = arith.extui %sign3A_28 : i1 to i32
      %sign3A_30 = arith.subi %sign3A_26, %sign3A_29 : i32
      %sign3A_31 = arith.constant 0 : i32
      %sign3A_32 = arith.cmpi sgt, %jit3A, %sign3A_31 : i32
      %sign3A_33 = arith.extui %sign3A_32 : i1 to i32
      %sign3A_34 = arith.constant 0 : i32
      %sign3A_35 = arith.cmpi slt, %jit3A, %sign3A_34 : i32
      %sign3A_36 = arith.extui %sign3A_35 : i1 to i32
      %sign3A_37 = arith.subi %sign3A_33, %sign3A_36 : i32
      %ne3A = arith.cmpi ne, %sign3A_30, %sign3A_37 : i32
      %rem3A = arith.remsi %add3A_24, %jit3A : i32
      %ne3A_38 = arith.constant 0 : i32
      %ne3A_39 = arith.cmpi ne, %rem3A, %ne3A_38 : i32
      %and3A = arith.andi %ne3A, %ne3A_39 : i1
      %sub3A = arith.constant 1 : i32
      %sub3A_40 = arith.subi %div3A, %sub3A : i32
      %select_n3A = arith.select %and3A, %sub3A_40, %div3A : i32
      %mul3A_41 = arith.constant 128 : i32
      %mul3A_42 = arith.muli %select_n3A, %mul3A_41 : i32
      %add3A_43 = arith.constant 127 : i32
      %add3A_44 = arith.addi %squeeze3A_10, %add3A_43 : i32
      %jit3A_45 = arith.constant 128 : i32
      %div3A_46 = arith.divsi %add3A_44, %jit3A_45 : i32
      %sign3A_47 = arith.constant 0 : i32
      %sign3A_48 = arith.cmpi sgt, %add3A_44, %sign3A_47 : i32
      %sign3A_49 = arith.extui %sign3A_48 : i1 to i32
      %sign3A_50 = arith.constant 0 : i32
      %sign3A_51 = arith.cmpi slt, %add3A_44, %sign3A_50 : i32
      %sign3A_52 = arith.extui %sign3A_51 : i1 to i32
      %sign3A_53 = arith.subi %sign3A_49, %sign3A_52 : i32
      %sign3A_54 = arith.constant 0 : i32
      %sign3A_55 = arith.cmpi sgt, %jit3A_45, %sign3A_54 : i32
      %sign3A_56 = arith.extui %sign3A_55 : i1 to i32
      %sign3A_57 = arith.constant 0 : i32
      %sign3A_58 = arith.cmpi slt, %jit3A_45, %sign3A_57 : i32
      %sign3A_59 = arith.extui %sign3A_58 : i1 to i32
      %sign3A_60 = arith.subi %sign3A_56, %sign3A_59 : i32
      %ne3A_61 = arith.cmpi ne, %sign3A_53, %sign3A_60 : i32
      %rem3A_62 = arith.remsi %add3A_44, %jit3A_45 : i32
      %ne3A_63 = arith.constant 0 : i32
      %ne3A_64 = arith.cmpi ne, %rem3A_62, %ne3A_63 : i32
      %and3A_65 = arith.andi %ne3A_61, %ne3A_64 : i1
      %sub3A_66 = arith.constant 1 : i32
      %sub3A_67 = arith.subi %div3A_46, %sub3A_66 : i32
      %select_n3A_68 = arith.select %and3A_65, %sub3A_67, %div3A_46 : i32
      %mul3A_69 = arith.constant 128 : i32
      %mul3A_70 = arith.muli %select_n3A_68, %mul3A_69 : i32
      %add3A_71 = arith.constant 127 : i32
      %add3A_72 = arith.addi %squeeze3A_12, %add3A_71 : i32
      %jit3A_73 = arith.constant 128 : i32
      %div3A_74 = arith.divsi %add3A_72, %jit3A_73 : i32
      %sign3A_75 = arith.constant 0 : i32
      %sign3A_76 = arith.cmpi sgt, %add3A_72, %sign3A_75 : i32
      %sign3A_77 = arith.extui %sign3A_76 : i1 to i32
      %sign3A_78 = arith.constant 0 : i32
      %sign3A_79 = arith.cmpi slt, %add3A_72, %sign3A_78 : i32
      %sign3A_80 = arith.extui %sign3A_79 : i1 to i32
      %sign3A_81 = arith.subi %sign3A_77, %sign3A_80 : i32
      %sign3A_82 = arith.constant 0 : i32
      %sign3A_83 = arith.cmpi sgt, %jit3A_73, %sign3A_82 : i32
      %sign3A_84 = arith.extui %sign3A_83 : i1 to i32
      %sign3A_85 = arith.constant 0 : i32
      %sign3A_86 = arith.cmpi slt, %jit3A_73, %sign3A_85 : i32
      %sign3A_87 = arith.extui %sign3A_86 : i1 to i32
      %sign3A_88 = arith.subi %sign3A_84, %sign3A_87 : i32
      %ne3A_89 = arith.cmpi ne, %sign3A_81, %sign3A_88 : i32
      %rem3A_90 = arith.remsi %add3A_72, %jit3A_73 : i32
      %ne3A_91 = arith.constant 0 : i32
      %ne3A_92 = arith.cmpi ne, %rem3A_90, %ne3A_91 : i32
      %and3A_93 = arith.andi %ne3A_89, %ne3A_92 : i1
      %sub3A_94 = arith.constant 1 : i32
      %sub3A_95 = arith.subi %div3A_74, %sub3A_94 : i32
      %select_n3A_96 = arith.select %and3A_93, %sub3A_95, %div3A_74 : i32
      %mul3A_97 = arith.constant 128 : i32
      %mul3A_98 = arith.muli %select_n3A_96, %mul3A_97 : i32
      %add3A_99 = arith.constant 127 : i32
      %add3A_100 = arith.addi %squeeze3A_14, %add3A_99 : i32
      %jit3A_101 = arith.constant 128 : i32
      %div3A_102 = arith.divsi %add3A_100, %jit3A_101 : i32
      %sign3A_103 = arith.constant 0 : i32
      %sign3A_104 = arith.cmpi sgt, %add3A_100, %sign3A_103 : i32
      %sign3A_105 = arith.extui %sign3A_104 : i1 to i32
      %sign3A_106 = arith.constant 0 : i32
      %sign3A_107 = arith.cmpi slt, %add3A_100, %sign3A_106 : i32
      %sign3A_108 = arith.extui %sign3A_107 : i1 to i32
      %sign3A_109 = arith.subi %sign3A_105, %sign3A_108 : i32
      %sign3A_110 = arith.constant 0 : i32
      %sign3A_111 = arith.cmpi sgt, %jit3A_101, %sign3A_110 : i32
      %sign3A_112 = arith.extui %sign3A_111 : i1 to i32
      %sign3A_113 = arith.constant 0 : i32
      %sign3A_114 = arith.cmpi slt, %jit3A_101, %sign3A_113 : i32
      %sign3A_115 = arith.extui %sign3A_114 : i1 to i32
      %sign3A_116 = arith.subi %sign3A_112, %sign3A_115 : i32
      %ne3A_117 = arith.cmpi ne, %sign3A_109, %sign3A_116 : i32
      %rem3A_118 = arith.remsi %add3A_100, %jit3A_101 : i32
      %ne3A_119 = arith.constant 0 : i32
      %ne3A_120 = arith.cmpi ne, %rem3A_118, %ne3A_119 : i32
      %and3A_121 = arith.andi %ne3A_117, %ne3A_120 : i1
      %sub3A_122 = arith.constant 1 : i32
      %sub3A_123 = arith.subi %div3A_102, %sub3A_122 : i32
      %select_n3A_124 = arith.select %and3A_121, %sub3A_123, %div3A_102 : i32
      %mul3A_125 = arith.constant 128 : i32
      %mul3A_126 = arith.muli %select_n3A_124, %mul3A_125 : i32
      %add3A_127 = arith.constant 127 : i32
      %add3A_128 = arith.addi %squeeze3A_16, %add3A_127 : i32
      %jit3A_129 = arith.constant 128 : i32
      %div3A_130 = arith.divsi %add3A_128, %jit3A_129 : i32
      %sign3A_131 = arith.constant 0 : i32
      %sign3A_132 = arith.cmpi sgt, %add3A_128, %sign3A_131 : i32
      %sign3A_133 = arith.extui %sign3A_132 : i1 to i32
      %sign3A_134 = arith.constant 0 : i32
      %sign3A_135 = arith.cmpi slt, %add3A_128, %sign3A_134 : i32
      %sign3A_136 = arith.extui %sign3A_135 : i1 to i32
      %sign3A_137 = arith.subi %sign3A_133, %sign3A_136 : i32
      %sign3A_138 = arith.constant 0 : i32
      %sign3A_139 = arith.cmpi sgt, %jit3A_129, %sign3A_138 : i32
      %sign3A_140 = arith.extui %sign3A_139 : i1 to i32
      %sign3A_141 = arith.constant 0 : i32
      %sign3A_142 = arith.cmpi slt, %jit3A_129, %sign3A_141 : i32
      %sign3A_143 = arith.extui %sign3A_142 : i1 to i32
      %sign3A_144 = arith.subi %sign3A_140, %sign3A_143 : i32
      %ne3A_145 = arith.cmpi ne, %sign3A_137, %sign3A_144 : i32
      %rem3A_146 = arith.remsi %add3A_128, %jit3A_129 : i32
      %ne3A_147 = arith.constant 0 : i32
      %ne3A_148 = arith.cmpi ne, %rem3A_146, %ne3A_147 : i32
      %and3A_149 = arith.andi %ne3A_145, %ne3A_148 : i1
      %sub3A_150 = arith.constant 1 : i32
      %sub3A_151 = arith.subi %div3A_130, %sub3A_150 : i32
      %select_n3A_152 = arith.select %and3A_149, %sub3A_151, %div3A_130 : i32
      %mul3A_153 = arith.constant 128 : i32
      %mul3A_154 = arith.muli %select_n3A_152, %mul3A_153 : i32
      %add3A_155 = arith.constant 127 : i32
      %add3A_156 = arith.addi %squeeze3A_18, %add3A_155 : i32
      %jit3A_157 = arith.constant 128 : i32
      %div3A_158 = arith.divsi %add3A_156, %jit3A_157 : i32
      %sign3A_159 = arith.constant 0 : i32
      %sign3A_160 = arith.cmpi sgt, %add3A_156, %sign3A_159 : i32
      %sign3A_161 = arith.extui %sign3A_160 : i1 to i32
      %sign3A_162 = arith.constant 0 : i32
      %sign3A_163 = arith.cmpi slt, %add3A_156, %sign3A_162 : i32
      %sign3A_164 = arith.extui %sign3A_163 : i1 to i32
      %sign3A_165 = arith.subi %sign3A_161, %sign3A_164 : i32
      %sign3A_166 = arith.constant 0 : i32
      %sign3A_167 = arith.cmpi sgt, %jit3A_157, %sign3A_166 : i32
      %sign3A_168 = arith.extui %sign3A_167 : i1 to i32
      %sign3A_169 = arith.constant 0 : i32
      %sign3A_170 = arith.cmpi slt, %jit3A_157, %sign3A_169 : i32
      %sign3A_171 = arith.extui %sign3A_170 : i1 to i32
      %sign3A_172 = arith.subi %sign3A_168, %sign3A_171 : i32
      %ne3A_173 = arith.cmpi ne, %sign3A_165, %sign3A_172 : i32
      %rem3A_174 = arith.remsi %add3A_156, %jit3A_157 : i32
      %ne3A_175 = arith.constant 0 : i32
      %ne3A_176 = arith.cmpi ne, %rem3A_174, %ne3A_175 : i32
      %and3A_177 = arith.andi %ne3A_173, %ne3A_176 : i1
      %sub3A_178 = arith.constant 1 : i32
      %sub3A_179 = arith.subi %div3A_158, %sub3A_178 : i32
      %select_n3A_180 = arith.select %and3A_177, %sub3A_179, %div3A_158 : i32
      %mul3A_181 = arith.constant 128 : i32
      %mul3A_182 = arith.muli %select_n3A_180, %mul3A_181 : i32
      %add3A_183 = arith.constant 127 : i32
      %add3A_184 = arith.addi %squeeze3A_20, %add3A_183 : i32
      %jit3A_185 = arith.constant 128 : i32
      %div3A_186 = arith.divsi %add3A_184, %jit3A_185 : i32
      %sign3A_187 = arith.constant 0 : i32
      %sign3A_188 = arith.cmpi sgt, %add3A_184, %sign3A_187 : i32
      %sign3A_189 = arith.extui %sign3A_188 : i1 to i32
      %sign3A_190 = arith.constant 0 : i32
      %sign3A_191 = arith.cmpi slt, %add3A_184, %sign3A_190 : i32
      %sign3A_192 = arith.extui %sign3A_191 : i1 to i32
      %sign3A_193 = arith.subi %sign3A_189, %sign3A_192 : i32
      %sign3A_194 = arith.constant 0 : i32
      %sign3A_195 = arith.cmpi sgt, %jit3A_185, %sign3A_194 : i32
      %sign3A_196 = arith.extui %sign3A_195 : i1 to i32
      %sign3A_197 = arith.constant 0 : i32
      %sign3A_198 = arith.cmpi slt, %jit3A_185, %sign3A_197 : i32
      %sign3A_199 = arith.extui %sign3A_198 : i1 to i32
      %sign3A_200 = arith.subi %sign3A_196, %sign3A_199 : i32
      %ne3A_201 = arith.cmpi ne, %sign3A_193, %sign3A_200 : i32
      %rem3A_202 = arith.remsi %add3A_184, %jit3A_185 : i32
      %ne3A_203 = arith.constant 0 : i32
      %ne3A_204 = arith.cmpi ne, %rem3A_202, %ne3A_203 : i32
      %and3A_205 = arith.andi %ne3A_201, %ne3A_204 : i1
      %sub3A_206 = arith.constant 1 : i32
      %sub3A_207 = arith.subi %div3A_186, %sub3A_206 : i32
      %select_n3A_208 = arith.select %and3A_205, %sub3A_207, %div3A_186 : i32
      %mul3A_209 = arith.constant 128 : i32
      %mul3A_210 = arith.muli %select_n3A_208, %mul3A_209 : i32
      %add3A_211 = arith.constant 127 : i32
      %add3A_212 = arith.addi %squeeze3A_22, %add3A_211 : i32
      %jit3A_213 = arith.constant 128 : i32
      %div3A_214 = arith.divsi %add3A_212, %jit3A_213 : i32
      %sign3A_215 = arith.constant 0 : i32
      %sign3A_216 = arith.cmpi sgt, %add3A_212, %sign3A_215 : i32
      %sign3A_217 = arith.extui %sign3A_216 : i1 to i32
      %sign3A_218 = arith.constant 0 : i32
      %sign3A_219 = arith.cmpi slt, %add3A_212, %sign3A_218 : i32
      %sign3A_220 = arith.extui %sign3A_219 : i1 to i32
      %sign3A_221 = arith.subi %sign3A_217, %sign3A_220 : i32
      %sign3A_222 = arith.constant 0 : i32
      %sign3A_223 = arith.cmpi sgt, %jit3A_213, %sign3A_222 : i32
      %sign3A_224 = arith.extui %sign3A_223 : i1 to i32
      %sign3A_225 = arith.constant 0 : i32
      %sign3A_226 = arith.cmpi slt, %jit3A_213, %sign3A_225 : i32
      %sign3A_227 = arith.extui %sign3A_226 : i1 to i32
      %sign3A_228 = arith.subi %sign3A_224, %sign3A_227 : i32
      %ne3A_229 = arith.cmpi ne, %sign3A_221, %sign3A_228 : i32
      %rem3A_230 = arith.remsi %add3A_212, %jit3A_213 : i32
      %ne3A_231 = arith.constant 0 : i32
      %ne3A_232 = arith.cmpi ne, %rem3A_230, %ne3A_231 : i32
      %and3A_233 = arith.andi %ne3A_229, %ne3A_232 : i1
      %sub3A_234 = arith.constant 1 : i32
      %sub3A_235 = arith.subi %div3A_214, %sub3A_234 : i32
      %select_n3A_236 = arith.select %and3A_233, %sub3A_235, %div3A_214 : i32
      %mul3A_237 = arith.constant 128 : i32
      %mul3A_238 = arith.muli %select_n3A_236, %mul3A_237 : i32
      %lt3A_239 = arith.constant 0 : i32
      %lt3A_240 = arith.cmpi slt, %lt3A_239, %add3A : i32
      %jit3A_241 = arith.constant 0 : i32
      %select_n3A_242 = arith.select %lt3A_240, %mul3A_42, %jit3A_241 : i32
      %add3A_243 = arith.constant 0 : i32
      %add3A_244 = arith.addi %add3A_243, %select_n3A_242 : i32
      %eq3A = arith.constant 0 : i32
      %eq3A_245 = arith.cmpi eq, %eq3A, %add3A : i32
      %jit3A_246 = arith.constant 0 : i32
      %select_n3A_247 = arith.select %eq3A_245, %mul3A_42, %jit3A_246 : i32
      %add3A_248 = arith.constant 0 : i32
      %add3A_249 = arith.addi %add3A_248, %select_n3A_247 : i32
      %add3A_250 = arith.constant 0 : i32
      %add3A_251 = arith.addi %add3A_250, %mul3A_42 : i32
      %lt3A_252 = arith.constant 1 : i32
      %lt3A_253 = arith.cmpi slt, %lt3A_252, %add3A : i32
      %jit3A_254 = arith.constant 0 : i32
      %select_n3A_255 = arith.select %lt3A_253, %mul3A_70, %jit3A_254 : i32
      %add3A_256 = arith.addi %add3A_244, %select_n3A_255 : i32
      %eq3A_257 = arith.constant 1 : i32
      %eq3A_258 = arith.cmpi eq, %eq3A_257, %add3A : i32
      %jit3A_259 = arith.constant 0 : i32
      %select_n3A_260 = arith.select %eq3A_258, %mul3A_70, %jit3A_259 : i32
      %add3A_261 = arith.addi %add3A_249, %select_n3A_260 : i32
      %add3A_262 = arith.addi %add3A_251, %mul3A_70 : i32
      %lt3A_263 = arith.constant 2 : i32
      %lt3A_264 = arith.cmpi slt, %lt3A_263, %add3A : i32
      %jit3A_265 = arith.constant 0 : i32
      %select_n3A_266 = arith.select %lt3A_264, %mul3A_98, %jit3A_265 : i32
      %add3A_267 = arith.addi %add3A_256, %select_n3A_266 : i32
      %eq3A_268 = arith.constant 2 : i32
      %eq3A_269 = arith.cmpi eq, %eq3A_268, %add3A : i32
      %jit3A_270 = arith.constant 0 : i32
      %select_n3A_271 = arith.select %eq3A_269, %mul3A_98, %jit3A_270 : i32
      %add3A_272 = arith.addi %add3A_261, %select_n3A_271 : i32
      %add3A_273 = arith.addi %add3A_262, %mul3A_98 : i32
      %lt3A_274 = arith.constant 3 : i32
      %lt3A_275 = arith.cmpi slt, %lt3A_274, %add3A : i32
      %jit3A_276 = arith.constant 0 : i32
      %select_n3A_277 = arith.select %lt3A_275, %mul3A_126, %jit3A_276 : i32
      %add3A_278 = arith.addi %add3A_267, %select_n3A_277 : i32
      %eq3A_279 = arith.constant 3 : i32
      %eq3A_280 = arith.cmpi eq, %eq3A_279, %add3A : i32
      %jit3A_281 = arith.constant 0 : i32
      %select_n3A_282 = arith.select %eq3A_280, %mul3A_126, %jit3A_281 : i32
      %add3A_283 = arith.addi %add3A_272, %select_n3A_282 : i32
      %add3A_284 = arith.addi %add3A_273, %mul3A_126 : i32
      %lt3A_285 = arith.constant 4 : i32
      %lt3A_286 = arith.cmpi slt, %lt3A_285, %add3A : i32
      %jit3A_287 = arith.constant 0 : i32
      %select_n3A_288 = arith.select %lt3A_286, %mul3A_154, %jit3A_287 : i32
      %add3A_289 = arith.addi %add3A_278, %select_n3A_288 : i32
      %eq3A_290 = arith.constant 4 : i32
      %eq3A_291 = arith.cmpi eq, %eq3A_290, %add3A : i32
      %jit3A_292 = arith.constant 0 : i32
      %select_n3A_293 = arith.select %eq3A_291, %mul3A_154, %jit3A_292 : i32
      %add3A_294 = arith.addi %add3A_283, %select_n3A_293 : i32
      %add3A_295 = arith.addi %add3A_284, %mul3A_154 : i32
      %lt3A_296 = arith.constant 5 : i32
      %lt3A_297 = arith.cmpi slt, %lt3A_296, %add3A : i32
      %jit3A_298 = arith.constant 0 : i32
      %select_n3A_299 = arith.select %lt3A_297, %mul3A_182, %jit3A_298 : i32
      %add3A_300 = arith.addi %add3A_289, %select_n3A_299 : i32
      %eq3A_301 = arith.constant 5 : i32
      %eq3A_302 = arith.cmpi eq, %eq3A_301, %add3A : i32
      %jit3A_303 = arith.constant 0 : i32
      %select_n3A_304 = arith.select %eq3A_302, %mul3A_182, %jit3A_303 : i32
      %add3A_305 = arith.addi %add3A_294, %select_n3A_304 : i32
      %add3A_306 = arith.addi %add3A_295, %mul3A_182 : i32
      %lt3A_307 = arith.constant 6 : i32
      %lt3A_308 = arith.cmpi slt, %lt3A_307, %add3A : i32
      %jit3A_309 = arith.constant 0 : i32
      %select_n3A_310 = arith.select %lt3A_308, %mul3A_210, %jit3A_309 : i32
      %add3A_311 = arith.addi %add3A_300, %select_n3A_310 : i32
      %eq3A_312 = arith.constant 6 : i32
      %eq3A_313 = arith.cmpi eq, %eq3A_312, %add3A : i32
      %jit3A_314 = arith.constant 0 : i32
      %select_n3A_315 = arith.select %eq3A_313, %mul3A_210, %jit3A_314 : i32
      %add3A_316 = arith.addi %add3A_305, %select_n3A_315 : i32
      %add3A_317 = arith.addi %add3A_306, %mul3A_210 : i32
      %lt3A_318 = arith.constant 7 : i32
      %lt3A_319 = arith.cmpi slt, %lt3A_318, %add3A : i32
      %jit3A_320 = arith.constant 0 : i32
      %select_n3A_321 = arith.select %lt3A_319, %mul3A_238, %jit3A_320 : i32
      %add3A_322 = arith.addi %add3A_311, %select_n3A_321 : i32
      %eq3A_323 = arith.constant 7 : i32
      %eq3A_324 = arith.cmpi eq, %eq3A_323, %add3A : i32
      %jit3A_325 = arith.constant 0 : i32
      %select_n3A_326 = arith.select %eq3A_324, %mul3A_238, %jit3A_325 : i32
      %add3A_327 = arith.addi %add3A_316, %select_n3A_326 : i32
      %add3A_328 = arith.addi %add3A_317, %mul3A_238 : i32
      %broadcast_in_dim3A_329 = arith.constant 0.000000e+00 : f32
      %broadcast_in_dim3A_330 = vector.broadcast %broadcast_in_dim3A_329 : f32 to vector<16xf32>
      %iota3A = tpu.iota {dimensions = array<i32: 0>} : vector<16xi32>
      %scan3A_331 = arith.constant 0 : i32
      %scan3A_332 = arith.constant 0 : i32
      %scan3A_333 = arith.constant 129 : i32
      %scan3A_334 = arith.addi %scan3A_332, %scan3A_333 : i32
      %scan3A_335 = arith.constant 1 : i32
      scf.for %scan3A_397 = %scan3A_332 to %scan3A_334 step %scan3A_335  : i32 {
        %mul3A_398 = arith.constant 16 : i32
        %mul3A_399 = arith.muli %scan3A_397, %mul3A_398 : i32
        %add3A_400 = vector.broadcast %mul3A_399 : i32 to vector<16xi32>
        %add3A_401 = arith.addi %iota3A, %add3A_400 : vector<16xi32>
        %and3A_402 = arith.constant 31 : i32
        %and3A_403 = vector.broadcast %and3A_402 : i32 to vector<16xi32>
        %and3A_404 = arith.andi %add3A_401, %and3A_403 : vector<16xi32>
        %mul3A_405 = arith.constant 64 : i32
        %mul3A_406 = vector.broadcast %mul3A_405 : i32 to vector<16xi32>
        %mul3A_407 = arith.muli %and3A_404, %mul3A_406 : vector<16xi32>
        %mul3A_408 = arith.constant 16 : i32
        %mul3A_409 = arith.muli %scan3A_397, %mul3A_408 : i32
        %swap3A = arith.index_cast %mul3A_409 : i32 to index
        %swap3A_410 = tpu.vector_load %arg10[%swap3A] {strides = array<i32>} : memref<2064xi32, #tpu.memory_space<vmem>>, vector<16xi32>,
        tpu.vector_store %arg10[%swap3A], %mul3A_407 {strides = array<i32>} : memref<2064xi32, #tpu.memory_space<vmem>>, vector<16xi32>,
        %mul3A_411 = arith.constant 16 : i32
        %mul3A_412 = arith.muli %scan3A_397, %mul3A_411 : i32
        %swap3A_413 = arith.index_cast %mul3A_412 : i32 to index
        %swap3A_414 = tpu.vector_load %arg11[%swap3A_413] {strides = array<i32>} : memref<2064xf32, #tpu.memory_space<vmem>>, vector<16xf32>,
        tpu.vector_store %arg11[%swap3A_413], %broadcast_in_dim3A_330 {strides = array<i32>} : memref<2064xf32, #tpu.memory_space<vmem>>, vector<16xf32>,
        %broadcast_in_dim3A_415 = arith.constant 4096 : i32
        %broadcast_in_dim3A_416 = vector.broadcast %broadcast_in_dim3A_415 : i32 to vector<16xi32>
        %mul3A_417 = arith.constant 16 : i32
        %mul3A_418 = arith.muli %scan3A_397, %mul3A_417 : i32
        %swap3A_419 = arith.index_cast %mul3A_418 : i32 to index
        %swap3A_420 = tpu.vector_load %arg12[%swap3A_419] {strides = array<i32>} : memref<2064xi32, #tpu.memory_space<vmem>>, vector<16xi32>,
        tpu.vector_store %arg12[%swap3A_419], %broadcast_in_dim3A_416 {strides = array<i32>} : memref<2064xi32, #tpu.memory_space<vmem>>, vector<16xi32>,
      }
      %scan3A_336 = arith.constant 129 : i32
      %scan3A_337 = arith.constant 0 : i32
      %scan3A_338 = arith.constant 0 : i32
      %scan3A_339 = arith.constant 256 : i32
      %scan3A_340 = arith.addi %scan3A_338, %scan3A_339 : i32
      %scan3A_341 = arith.constant 1 : i32
      %scan3A_342 = scf.for %scan3A_397 = %scan3A_338 to %scan3A_340 step %scan3A_341 iter_args(%scan3A_398 = %scan3A_337) -> (i32)  : i32 {
        %mul3A_399 = arith.constant 16 : i32
        %mul3A_400 = arith.muli %scan3A_397, %mul3A_399 : i32
        %get3A = arith.index_cast %mul3A_400 : i32 to index
        %get3A_401 = tpu.vector_load %arg8[%get3A] {strides = array<i32>} : memref<4096xi32, #tpu.memory_space<vmem>>, vector<16xi32>,
        %eq3A_402 = vector.broadcast %add3A : i32 to vector<16xi32>
        %eq3A_403 = arith.cmpi eq, %get3A_401, %eq3A_402 : vector<16xi32>
        %mul3A_404 = arith.constant 16 : i32
        %mul3A_405 = arith.muli %scan3A_397, %mul3A_404 : i32
        %add3A_406 = vector.broadcast %mul3A_405 : i32 to vector<16xi32>
        %add3A_407 = arith.addi %iota3A, %add3A_406 : vector<16xi32>
        %shift_right_arithmetic3A = arith.constant 1 : i32
        %shift_right_arithmetic3A_408 = vector.broadcast %shift_right_arithmetic3A : i32 to vector<16xi32>
        %shift_right_arithmetic3A_409 = arith.shrsi %add3A_407, %shift_right_arithmetic3A_408 : vector<16xi32>
        %swap3A = arith.index_cast %scan3A_398 : i32 to index
        %swap3A_410 = tpu.vector_load %arg10[%swap3A] masked %eq3A_403 {strides = array<i32>} : memref<2064xi32, #tpu.memory_space<vmem>>, vector<16xi32>, vector<16xi1>
        tpu.vector_store %arg10[%swap3A], %shift_right_arithmetic3A_409 masked %eq3A_403 {strides = array<i32>} : memref<2064xi32, #tpu.memory_space<vmem>>, vector<16xi32>, vector<16xi1>
        %mul3A_411 = arith.constant 16 : i32
        %mul3A_412 = arith.muli %scan3A_397, %mul3A_411 : i32
        %get3A_413 = arith.index_cast %mul3A_412 : i32 to index
        %get3A_414 = tpu.vector_load %arg9[%get3A_413] {strides = array<i32>} : memref<4096xf32, #tpu.memory_space<vmem>>, vector<16xf32>,
        %swap3A_415 = arith.index_cast %scan3A_398 : i32 to index
        %swap3A_416 = tpu.vector_load %arg11[%swap3A_415] masked %eq3A_403 {strides = array<i32>} : memref<2064xf32, #tpu.memory_space<vmem>>, vector<16xf32>, vector<16xi1>
        tpu.vector_store %arg11[%swap3A_415], %get3A_414 masked %eq3A_403 {strides = array<i32>} : memref<2064xf32, #tpu.memory_space<vmem>>, vector<16xf32>, vector<16xi1>
        %swap3A_417 = arith.index_cast %scan3A_398 : i32 to index
        %swap3A_418 = tpu.vector_load %arg12[%swap3A_417] masked %eq3A_403 {strides = array<i32>} : memref<2064xi32, #tpu.memory_space<vmem>>, vector<16xi32>, vector<16xi1>
        tpu.vector_store %arg12[%swap3A_417], %add3A_407 masked %eq3A_403 {strides = array<i32>} : memref<2064xi32, #tpu.memory_space<vmem>>, vector<16xi32>, vector<16xi1>
        %all_reduce_population_count3A = tpu.all_reduce %eq3A_403 {dim = 0 : i64, kind = #tpu.reduction_kind<sum>} : vector<16xi1> -> vector<16xi32>
        %slice3A_419 = vector.extract_strided_slice %all_reduce_population_count3A {offsets = [0], sizes = [1], strides = [1]} : vector<16xi32> to vector<1xi32>
        %squeeze3A_420 = vector.extract %slice3A_419[0] : i32 from vector<1xi32>
        %add3A_421 = arith.addi %scan3A_398, %squeeze3A_420 : i32
        scf.yield %add3A_421 : i32
      }
      %scan3A_343 = arith.constant 256 : i32
      %jit3A_344 = arith.constant 128 : i32
      %div3A_345 = arith.divsi %add3A_327, %jit3A_344 : i32
      %sign3A_346 = arith.constant 0 : i32
      %sign3A_347 = arith.cmpi sgt, %add3A_327, %sign3A_346 : i32
      %sign3A_348 = arith.extui %sign3A_347 : i1 to i32
      %sign3A_349 = arith.constant 0 : i32
      %sign3A_350 = arith.cmpi slt, %add3A_327, %sign3A_349 : i32
      %sign3A_351 = arith.extui %sign3A_350 : i1 to i32
      %sign3A_352 = arith.subi %sign3A_348, %sign3A_351 : i32
      %sign3A_353 = arith.constant 0 : i32
      %sign3A_354 = arith.cmpi sgt, %jit3A_344, %sign3A_353 : i32
      %sign3A_355 = arith.extui %sign3A_354 : i1 to i32
      %sign3A_356 = arith.constant 0 : i32
      %sign3A_357 = arith.cmpi slt, %jit3A_344, %sign3A_356 : i32
      %sign3A_358 = arith.extui %sign3A_357 : i1 to i32
      %sign3A_359 = arith.subi %sign3A_355, %sign3A_358 : i32
      %ne3A_360 = arith.cmpi ne, %sign3A_352, %sign3A_359 : i32
      %rem3A_361 = arith.remsi %add3A_327, %jit3A_344 : i32
      %ne3A_362 = arith.constant 0 : i32
      %ne3A_363 = arith.cmpi ne, %rem3A_361, %ne3A_362 : i32
      %and3A_364 = arith.andi %ne3A_360, %ne3A_363 : i1
      %sub3A_365 = arith.constant 1 : i32
      %sub3A_366 = arith.subi %div3A_345, %sub3A_365 : i32
      %select_n3A_367 = arith.select %and3A_364, %sub3A_366, %div3A_345 : i32
      %while3A = arith.constant 0 : i32
      %while3A_368 = arith.constant 0 : i32
      %while3A_369 = arith.subi %select_n3A_367, %while3A_368 : i32
      %while3A_370 = arith.addi %while3A_368, %while3A_369 : i32
      %while3A_371 = arith.constant 1 : i32
      %while3A_372 = arith.divsi %while3A_369, %while3A_371 : i32
      %while3A_373 = arith.muli %while3A_372, %while3A_371 : i32
      %while3A_374 = arith.addi %while3A_368, %while3A_373 : i32
      %while3A_375 = arith.constant 1 : i32
      scf.for %while3A_397 = %while3A_368 to %while3A_374 step %while3A_375  : i32 {
        %mul3A_398 = arith.constant 128 : i32
        %mul3A_399 = arith.muli %while3A_397, %mul3A_398 : i32
        %add3A_400 = arith.addi %add3A_322, %mul3A_399 : i32
        %multiple_of3A = tpu.assume_multiple %add3A_400, 128 : i32
        %mul3A_401 = arith.constant 128 : i32
        %mul3A_402 = arith.muli %while3A_397, %mul3A_401 : i32
        %dma_start3A = tpu.memref_slice %arg10[%mul3A_402] : memref<2064xi32, #tpu.memory_space<vmem>> -> memref<128xi32, #tpu.memory_space<vmem>>
        %dma_start3A_403 = tpu.memref_slice %arg4[%multiple_of3A] : memref<5120xi32, #tpu.memory_space<hbm>> -> memref<128xi32, #tpu.memory_space<hbm>>
        %dma_start3A_404 = tpu.memref_slice %arg4[%multiple_of3A] : memref<5120xi32, #tpu.memory_space<hbm>> -> memref<128xi32, #tpu.memory_space<hbm>>
        %dma_start3A_405 = tpu.memref_slice %arg10[%mul3A_402] : memref<2064xi32, #tpu.memory_space<vmem>> -> memref<128xi32, #tpu.memory_space<vmem>>
        tpu.enqueue_dma source(%dma_start3A_405 : memref<128xi32, #tpu.memory_space<vmem>>) target(%dma_start3A_404 : memref<128xi32, #tpu.memory_space<hbm>>) target_semaphore(%arg17 : memref<!tpu.dma_semaphore, #tpu.memory_space<semaphore_mem>>)
        %mul3A_406 = arith.constant 128 : i32
        %mul3A_407 = arith.muli %while3A_397, %mul3A_406 : i32
        %dma_start3A_408 = tpu.memref_slice %arg11[%mul3A_407] : memref<2064xf32, #tpu.memory_space<vmem>> -> memref<128xf32, #tpu.memory_space<vmem>>
        %dma_start3A_409 = tpu.memref_slice %arg5[%multiple_of3A] : memref<5120xf32, #tpu.memory_space<hbm>> -> memref<128xf32, #tpu.memory_space<hbm>>
        %dma_start3A_410 = tpu.memref_slice %arg5[%multiple_of3A] : memref<5120xf32, #tpu.memory_space<hbm>> -> memref<128xf32, #tpu.memory_space<hbm>>
        %dma_start3A_411 = tpu.memref_slice %arg11[%mul3A_407] : memref<2064xf32, #tpu.memory_space<vmem>> -> memref<128xf32, #tpu.memory_space<vmem>>
        tpu.enqueue_dma source(%dma_start3A_411 : memref<128xf32, #tpu.memory_space<vmem>>) target(%dma_start3A_410 : memref<128xf32, #tpu.memory_space<hbm>>) target_semaphore(%arg17 : memref<!tpu.dma_semaphore, #tpu.memory_space<semaphore_mem>>)
        %mul3A_412 = arith.constant 128 : i32
        %mul3A_413 = arith.muli %while3A_397, %mul3A_412 : i32
        %dma_start3A_414 = tpu.memref_slice %arg12[%mul3A_413] : memref<2064xi32, #tpu.memory_space<vmem>> -> memref<128xi32, #tpu.memory_space<vmem>>
        %dma_start3A_415 = tpu.memref_slice %arg7[%multiple_of3A] : memref<5120xi32, #tpu.memory_space<hbm>> -> memref<128xi32, #tpu.memory_space<hbm>>
        %dma_start3A_416 = tpu.memref_slice %arg7[%multiple_of3A] : memref<5120xi32, #tpu.memory_space<hbm>> -> memref<128xi32, #tpu.memory_space<hbm>>
        %dma_start3A_417 = tpu.memref_slice %arg12[%mul3A_413] : memref<2064xi32, #tpu.memory_space<vmem>> -> memref<128xi32, #tpu.memory_space<vmem>>
        tpu.enqueue_dma source(%dma_start3A_417 : memref<128xi32, #tpu.memory_space<vmem>>) target(%dma_start3A_416 : memref<128xi32, #tpu.memory_space<hbm>>) target_semaphore(%arg17 : memref<!tpu.dma_semaphore, #tpu.memory_space<semaphore_mem>>)
      }
      %while3A_376 = arith.constant 1 : i32
      scf.for %while3A_397 = %while3A_374 to %while3A_370 step %while3A_376  : i32 {
        %mul3A_398 = arith.constant 128 : i32
        %mul3A_399 = arith.muli %while3A_397, %mul3A_398 : i32
        %add3A_400 = arith.addi %add3A_322, %mul3A_399 : i32
        %multiple_of3A = tpu.assume_multiple %add3A_400, 128 : i32
        %mul3A_401 = arith.constant 128 : i32
        %mul3A_402 = arith.muli %while3A_397, %mul3A_401 : i32
        %dma_start3A = tpu.memref_slice %arg10[%mul3A_402] : memref<2064xi32, #tpu.memory_space<vmem>> -> memref<128xi32, #tpu.memory_space<vmem>>
        %dma_start3A_403 = tpu.memref_slice %arg4[%multiple_of3A] : memref<5120xi32, #tpu.memory_space<hbm>> -> memref<128xi32, #tpu.memory_space<hbm>>
        %dma_start3A_404 = tpu.memref_slice %arg4[%multiple_of3A] : memref<5120xi32, #tpu.memory_space<hbm>> -> memref<128xi32, #tpu.memory_space<hbm>>
        %dma_start3A_405 = tpu.memref_slice %arg10[%mul3A_402] : memref<2064xi32, #tpu.memory_space<vmem>> -> memref<128xi32, #tpu.memory_space<vmem>>
        tpu.enqueue_dma source(%dma_start3A_405 : memref<128xi32, #tpu.memory_space<vmem>>) target(%dma_start3A_404 : memref<128xi32, #tpu.memory_space<hbm>>) target_semaphore(%arg17 : memref<!tpu.dma_semaphore, #tpu.memory_space<semaphore_mem>>)
        %mul3A_406 = arith.constant 128 : i32
        %mul3A_407 = arith.muli %while3A_397, %mul3A_406 : i32
        %dma_start3A_408 = tpu.memref_slice %arg11[%mul3A_407] : memref<2064xf32, #tpu.memory_space<vmem>> -> memref<128xf32, #tpu.memory_space<vmem>>
        %dma_start3A_409 = tpu.memref_slice %arg5[%multiple_of3A] : memref<5120xf32, #tpu.memory_space<hbm>> -> memref<128xf32, #tpu.memory_space<hbm>>
        %dma_start3A_410 = tpu.memref_slice %arg5[%multiple_of3A] : memref<5120xf32, #tpu.memory_space<hbm>> -> memref<128xf32, #tpu.memory_space<hbm>>
        %dma_start3A_411 = tpu.memref_slice %arg11[%mul3A_407] : memref<2064xf32, #tpu.memory_space<vmem>> -> memref<128xf32, #tpu.memory_space<vmem>>
        tpu.enqueue_dma source(%dma_start3A_411 : memref<128xf32, #tpu.memory_space<vmem>>) target(%dma_start3A_410 : memref<128xf32, #tpu.memory_space<hbm>>) target_semaphore(%arg17 : memref<!tpu.dma_semaphore, #tpu.memory_space<semaphore_mem>>)
        %mul3A_412 = arith.constant 128 : i32
        %mul3A_413 = arith.muli %while3A_397, %mul3A_412 : i32
        %dma_start3A_414 = tpu.memref_slice %arg12[%mul3A_413] : memref<2064xi32, #tpu.memory_space<vmem>> -> memref<128xi32, #tpu.memory_space<vmem>>
        %dma_start3A_415 = tpu.memref_slice %arg7[%multiple_of3A] : memref<5120xi32, #tpu.memory_space<hbm>> -> memref<128xi32, #tpu.memory_space<hbm>>
        %dma_start3A_416 = tpu.memref_slice %arg7[%multiple_of3A] : memref<5120xi32, #tpu.memory_space<hbm>> -> memref<128xi32, #tpu.memory_space<hbm>>
        %dma_start3A_417 = tpu.memref_slice %arg12[%mul3A_413] : memref<2064xi32, #tpu.memory_space<vmem>> -> memref<128xi32, #tpu.memory_space<vmem>>
        tpu.enqueue_dma source(%dma_start3A_417 : memref<128xi32, #tpu.memory_space<vmem>>) target(%dma_start3A_416 : memref<128xi32, #tpu.memory_space<hbm>>) target_semaphore(%arg17 : memref<!tpu.dma_semaphore, #tpu.memory_space<semaphore_mem>>)
      }
      %while3A_377 = arith.constant 0 : i32
      %while3A_378 = arith.constant 0 : i32
      %while3A_379 = arith.subi %select_n3A_367, %while3A_378 : i32
      %while3A_380 = arith.addi %while3A_378, %while3A_379 : i32
      %while3A_381 = arith.constant 1 : i32
      %while3A_382 = arith.divsi %while3A_379, %while3A_381 : i32
      %while3A_383 = arith.muli %while3A_382, %while3A_381 : i32
      %while3A_384 = arith.addi %while3A_378, %while3A_383 : i32
      %while3A_385 = arith.constant 1 : i32
      scf.for %while3A_397 = %while3A_378 to %while3A_384 step %while3A_385  : i32 {
        %mul3A_398 = arith.constant 128 : i32
        %mul3A_399 = arith.muli %while3A_397, %mul3A_398 : i32
        %add3A_400 = arith.addi %add3A_322, %mul3A_399 : i32
        %multiple_of3A = tpu.assume_multiple %add3A_400, 128 : i32
        %mul3A_401 = arith.constant 128 : i32
        %mul3A_402 = arith.muli %while3A_397, %mul3A_401 : i32
        %dma_wait3A = tpu.memref_slice %arg10[%mul3A_402] : memref<2064xi32, #tpu.memory_space<vmem>> -> memref<128xi32, #tpu.memory_space<vmem>>
        %dma_wait3A_403 = tpu.memref_slice %arg4[%multiple_of3A] : memref<5120xi32, #tpu.memory_space<hbm>> -> memref<128xi32, #tpu.memory_space<hbm>>
        %dma_wait3A_404 = tpu.memref_slice %arg4[%multiple_of3A] : memref<5120xi32, #tpu.memory_space<hbm>> -> memref<128xi32, #tpu.memory_space<hbm>>
        %dma_wait3A_405 = tpu.memref_slice %arg10[%mul3A_402] : memref<2064xi32, #tpu.memory_space<vmem>> -> memref<128xi32, #tpu.memory_space<vmem>>
        tpu.wait_dma2 semaphore(%arg17 : memref<!tpu.dma_semaphore, #tpu.memory_space<semaphore_mem>>) src(%dma_wait3A_405 : memref<128xi32, #tpu.memory_space<vmem>>) dst(%dma_wait3A_404 : memref<128xi32, #tpu.memory_space<hbm>>)
        %mul3A_406 = arith.constant 128 : i32
        %mul3A_407 = arith.muli %while3A_397, %mul3A_406 : i32
        %dma_wait3A_408 = tpu.memref_slice %arg11[%mul3A_407] : memref<2064xf32, #tpu.memory_space<vmem>> -> memref<128xf32, #tpu.memory_space<vmem>>
        %dma_wait3A_409 = tpu.memref_slice %arg5[%multiple_of3A] : memref<5120xf32, #tpu.memory_space<hbm>> -> memref<128xf32, #tpu.memory_space<hbm>>
        %dma_wait3A_410 = tpu.memref_slice %arg5[%multiple_of3A] : memref<5120xf32, #tpu.memory_space<hbm>> -> memref<128xf32, #tpu.memory_space<hbm>>
        %dma_wait3A_411 = tpu.memref_slice %arg11[%mul3A_407] : memref<2064xf32, #tpu.memory_space<vmem>> -> memref<128xf32, #tpu.memory_space<vmem>>
        tpu.wait_dma2 semaphore(%arg17 : memref<!tpu.dma_semaphore, #tpu.memory_space<semaphore_mem>>) src(%dma_wait3A_411 : memref<128xf32, #tpu.memory_space<vmem>>) dst(%dma_wait3A_410 : memref<128xf32, #tpu.memory_space<hbm>>)
        %mul3A_412 = arith.constant 128 : i32
        %mul3A_413 = arith.muli %while3A_397, %mul3A_412 : i32
        %dma_wait3A_414 = tpu.memref_slice %arg12[%mul3A_413] : memref<2064xi32, #tpu.memory_space<vmem>> -> memref<128xi32, #tpu.memory_space<vmem>>
        %dma_wait3A_415 = tpu.memref_slice %arg7[%multiple_of3A] : memref<5120xi32, #tpu.memory_space<hbm>> -> memref<128xi32, #tpu.memory_space<hbm>>
        %dma_wait3A_416 = tpu.memref_slice %arg7[%multiple_of3A] : memref<5120xi32, #tpu.memory_space<hbm>> -> memref<128xi32, #tpu.memory_space<hbm>>
        %dma_wait3A_417 = tpu.memref_slice %arg12[%mul3A_413] : memref<2064xi32, #tpu.memory_space<vmem>> -> memref<128xi32, #tpu.memory_space<vmem>>
        tpu.wait_dma2 semaphore(%arg17 : memref<!tpu.dma_semaphore, #tpu.memory_space<semaphore_mem>>) src(%dma_wait3A_417 : memref<128xi32, #tpu.memory_space<vmem>>) dst(%dma_wait3A_416 : memref<128xi32, #tpu.memory_space<hbm>>)
      }
      %while3A_386 = arith.constant 1 : i32
      scf.for %while3A_397 = %while3A_384 to %while3A_380 step %while3A_386  : i32 {
        %mul3A_398 = arith.constant 128 : i32
        %mul3A_399 = arith.muli %while3A_397, %mul3A_398 : i32
        %add3A_400 = arith.addi %add3A_322, %mul3A_399 : i32
        %multiple_of3A = tpu.assume_multiple %add3A_400, 128 : i32
        %mul3A_401 = arith.constant 128 : i32
        %mul3A_402 = arith.muli %while3A_397, %mul3A_401 : i32
        %dma_wait3A = tpu.memref_slice %arg10[%mul3A_402] : memref<2064xi32, #tpu.memory_space<vmem>> -> memref<128xi32, #tpu.memory_space<vmem>>
        %dma_wait3A_403 = tpu.memref_slice %arg4[%multiple_of3A] : memref<5120xi32, #tpu.memory_space<hbm>> -> memref<128xi32, #tpu.memory_space<hbm>>
        %dma_wait3A_404 = tpu.memref_slice %arg4[%multiple_of3A] : memref<5120xi32, #tpu.memory_space<hbm>> -> memref<128xi32, #tpu.memory_space<hbm>>
        %dma_wait3A_405 = tpu.memref_slice %arg10[%mul3A_402] : memref<2064xi32, #tpu.memory_space<vmem>> -> memref<128xi32, #tpu.memory_space<vmem>>
        tpu.wait_dma2 semaphore(%arg17 : memref<!tpu.dma_semaphore, #tpu.memory_space<semaphore_mem>>) src(%dma_wait3A_405 : memref<128xi32, #tpu.memory_space<vmem>>) dst(%dma_wait3A_404 : memref<128xi32, #tpu.memory_space<hbm>>)
        %mul3A_406 = arith.constant 128 : i32
        %mul3A_407 = arith.muli %while3A_397, %mul3A_406 : i32
        %dma_wait3A_408 = tpu.memref_slice %arg11[%mul3A_407] : memref<2064xf32, #tpu.memory_space<vmem>> -> memref<128xf32, #tpu.memory_space<vmem>>
        %dma_wait3A_409 = tpu.memref_slice %arg5[%multiple_of3A] : memref<5120xf32, #tpu.memory_space<hbm>> -> memref<128xf32, #tpu.memory_space<hbm>>
        %dma_wait3A_410 = tpu.memref_slice %arg5[%multiple_of3A] : memref<5120xf32, #tpu.memory_space<hbm>> -> memref<128xf32, #tpu.memory_space<hbm>>
        %dma_wait3A_411 = tpu.memref_slice %arg11[%mul3A_407] : memref<2064xf32, #tpu.memory_space<vmem>> -> memref<128xf32, #tpu.memory_space<vmem>>
        tpu.wait_dma2 semaphore(%arg17 : memref<!tpu.dma_semaphore, #tpu.memory_space<semaphore_mem>>) src(%dma_wait3A_411 : memref<128xf32, #tpu.memory_space<vmem>>) dst(%dma_wait3A_410 : memref<128xf32, #tpu.memory_space<hbm>>)
        %mul3A_412 = arith.constant 128 : i32
        %mul3A_413 = arith.muli %while3A_397, %mul3A_412 : i32
        %dma_wait3A_414 = tpu.memref_slice %arg12[%mul3A_413] : memref<2064xi32, #tpu.memory_space<vmem>> -> memref<128xi32, #tpu.memory_space<vmem>>
        %dma_wait3A_415 = tpu.memref_slice %arg7[%multiple_of3A] : memref<5120xi32, #tpu.memory_space<hbm>> -> memref<128xi32, #tpu.memory_space<hbm>>
        %dma_wait3A_416 = tpu.memref_slice %arg7[%multiple_of3A] : memref<5120xi32, #tpu.memory_space<hbm>> -> memref<128xi32, #tpu.memory_space<hbm>>
        %dma_wait3A_417 = tpu.memref_slice %arg12[%mul3A_413] : memref<2064xi32, #tpu.memory_space<vmem>> -> memref<128xi32, #tpu.memory_space<vmem>>
        tpu.wait_dma2 semaphore(%arg17 : memref<!tpu.dma_semaphore, #tpu.memory_space<semaphore_mem>>) src(%dma_wait3A_417 : memref<128xi32, #tpu.memory_space<vmem>>) dst(%dma_wait3A_416 : memref<128xi32, #tpu.memory_space<hbm>>)
      }
      %eq3A_387 = arith.constant 0 : i32
      %eq3A_388 = arith.cmpi eq, %add3A, %eq3A_387 : i32
      %convert_element_type3A_389 = arith.extui %eq3A_388 : i1 to i32
      %cond3A_390 = arith.constant 0 : i32
      %cond3A_391 = arith.cmpi ne, %convert_element_type3A_389, %cond3A_390 : i32
      scf.if %cond3A_391 {
        %iota3A_397 = tpu.iota {dimensions = array<i32: 0>} : vector<16xi32>
        %add3A_398 = arith.constant 0 : i32
        %add3A_399 = vector.broadcast %add3A_398 : i32 to vector<16xi32>
        %add3A_400 = arith.addi %iota3A_397, %add3A_399 : vector<16xi32>
        %broadcast_in_dim3A_401 = arith.constant 0 : i32
        %broadcast_in_dim3A_402 = vector.broadcast %broadcast_in_dim3A_401 : i32 to vector<16xi32>
        %add3A_403 = arith.constant 0 : i32
        %add3A_404 = arith.addi %add3A_403, %mul3A_42 : i32
        %mul3A_405 = arith.constant 128 : i32
        %mul3A_406 = vector.broadcast %mul3A_405 : i32 to vector<16xi32>
        %mul3A_407 = arith.muli %add3A_400, %mul3A_406 : vector<16xi32>
        %ge3A = vector.broadcast %add3A_404 : i32 to vector<16xi32>
        %ge3A_408 = arith.cmpi sge, %mul3A_407, %ge3A : vector<16xi32>
        %jit3A_409 = arith.constant 1 : i32
        %jit3A_410 = arith.constant 0 : i32
        %broadcast_in_dim3A_411 = vector.broadcast %jit3A_409 : i32 to vector<16xi32>
        %broadcast_in_dim3A_412 = vector.broadcast %jit3A_410 : i32 to vector<16xi32>
        %select_n3A_413 = arith.select %ge3A_408, %broadcast_in_dim3A_411, %broadcast_in_dim3A_412 : vector<16xi1>, vector<16xi32>
        %add3A_414 = arith.addi %broadcast_in_dim3A_402, %select_n3A_413 : vector<16xi32>
        %add3A_415 = arith.addi %add3A_404, %mul3A_70 : i32
        %mul3A_416 = arith.constant 128 : i32
        %mul3A_417 = vector.broadcast %mul3A_416 : i32 to vector<16xi32>
        %mul3A_418 = arith.muli %add3A_400, %mul3A_417 : vector<16xi32>
        %ge3A_419 = vector.broadcast %add3A_415 : i32 to vector<16xi32>
        %ge3A_420 = arith.cmpi sge, %mul3A_418, %ge3A_419 : vector<16xi32>
        %jit3A_421 = arith.constant 1 : i32
        %jit3A_422 = arith.constant 0 : i32
        %broadcast_in_dim3A_423 = vector.broadcast %jit3A_421 : i32 to vector<16xi32>
        %broadcast_in_dim3A_424 = vector.broadcast %jit3A_422 : i32 to vector<16xi32>
        %select_n3A_425 = arith.select %ge3A_420, %broadcast_in_dim3A_423, %broadcast_in_dim3A_424 : vector<16xi1>, vector<16xi32>
        %add3A_426 = arith.addi %add3A_414, %select_n3A_425 : vector<16xi32>
        %add3A_427 = arith.addi %add3A_415, %mul3A_98 : i32
        %mul3A_428 = arith.constant 128 : i32
        %mul3A_429 = vector.broadcast %mul3A_428 : i32 to vector<16xi32>
        %mul3A_430 = arith.muli %add3A_400, %mul3A_429 : vector<16xi32>
        %ge3A_431 = vector.broadcast %add3A_427 : i32 to vector<16xi32>
        %ge3A_432 = arith.cmpi sge, %mul3A_430, %ge3A_431 : vector<16xi32>
        %jit3A_433 = arith.constant 1 : i32
        %jit3A_434 = arith.constant 0 : i32
        %broadcast_in_dim3A_435 = vector.broadcast %jit3A_433 : i32 to vector<16xi32>
        %broadcast_in_dim3A_436 = vector.broadcast %jit3A_434 : i32 to vector<16xi32>
        %select_n3A_437 = arith.select %ge3A_432, %broadcast_in_dim3A_435, %broadcast_in_dim3A_436 : vector<16xi1>, vector<16xi32>
        %add3A_438 = arith.addi %add3A_426, %select_n3A_437 : vector<16xi32>
        %add3A_439 = arith.addi %add3A_427, %mul3A_126 : i32
        %mul3A_440 = arith.constant 128 : i32
        %mul3A_441 = vector.broadcast %mul3A_440 : i32 to vector<16xi32>
        %mul3A_442 = arith.muli %add3A_400, %mul3A_441 : vector<16xi32>
        %ge3A_443 = vector.broadcast %add3A_439 : i32 to vector<16xi32>
        %ge3A_444 = arith.cmpi sge, %mul3A_442, %ge3A_443 : vector<16xi32>
        %jit3A_445 = arith.constant 1 : i32
        %jit3A_446 = arith.constant 0 : i32
        %broadcast_in_dim3A_447 = vector.broadcast %jit3A_445 : i32 to vector<16xi32>
        %broadcast_in_dim3A_448 = vector.broadcast %jit3A_446 : i32 to vector<16xi32>
        %select_n3A_449 = arith.select %ge3A_444, %broadcast_in_dim3A_447, %broadcast_in_dim3A_448 : vector<16xi1>, vector<16xi32>
        %add3A_450 = arith.addi %add3A_438, %select_n3A_449 : vector<16xi32>
        %add3A_451 = arith.addi %add3A_439, %mul3A_154 : i32
        %mul3A_452 = arith.constant 128 : i32
        %mul3A_453 = vector.broadcast %mul3A_452 : i32 to vector<16xi32>
        %mul3A_454 = arith.muli %add3A_400, %mul3A_453 : vector<16xi32>
        %ge3A_455 = vector.broadcast %add3A_451 : i32 to vector<16xi32>
        %ge3A_456 = arith.cmpi sge, %mul3A_454, %ge3A_455 : vector<16xi32>
        %jit3A_457 = arith.constant 1 : i32
        %jit3A_458 = arith.constant 0 : i32
        %broadcast_in_dim3A_459 = vector.broadcast %jit3A_457 : i32 to vector<16xi32>
        %broadcast_in_dim3A_460 = vector.broadcast %jit3A_458 : i32 to vector<16xi32>
        %select_n3A_461 = arith.select %ge3A_456, %broadcast_in_dim3A_459, %broadcast_in_dim3A_460 : vector<16xi1>, vector<16xi32>
        %add3A_462 = arith.addi %add3A_450, %select_n3A_461 : vector<16xi32>
        %add3A_463 = arith.addi %add3A_451, %mul3A_182 : i32
        %mul3A_464 = arith.constant 128 : i32
        %mul3A_465 = vector.broadcast %mul3A_464 : i32 to vector<16xi32>
        %mul3A_466 = arith.muli %add3A_400, %mul3A_465 : vector<16xi32>
        %ge3A_467 = vector.broadcast %add3A_463 : i32 to vector<16xi32>
        %ge3A_468 = arith.cmpi sge, %mul3A_466, %ge3A_467 : vector<16xi32>
        %jit3A_469 = arith.constant 1 : i32
        %jit3A_470 = arith.constant 0 : i32
        %broadcast_in_dim3A_471 = vector.broadcast %jit3A_469 : i32 to vector<16xi32>
        %broadcast_in_dim3A_472 = vector.broadcast %jit3A_470 : i32 to vector<16xi32>
        %select_n3A_473 = arith.select %ge3A_468, %broadcast_in_dim3A_471, %broadcast_in_dim3A_472 : vector<16xi1>, vector<16xi32>
        %add3A_474 = arith.addi %add3A_462, %select_n3A_473 : vector<16xi32>
        %add3A_475 = arith.addi %add3A_463, %mul3A_210 : i32
        %mul3A_476 = arith.constant 128 : i32
        %mul3A_477 = vector.broadcast %mul3A_476 : i32 to vector<16xi32>
        %mul3A_478 = arith.muli %add3A_400, %mul3A_477 : vector<16xi32>
        %ge3A_479 = vector.broadcast %add3A_475 : i32 to vector<16xi32>
        %ge3A_480 = arith.cmpi sge, %mul3A_478, %ge3A_479 : vector<16xi32>
        %jit3A_481 = arith.constant 1 : i32
        %jit3A_482 = arith.constant 0 : i32
        %broadcast_in_dim3A_483 = vector.broadcast %jit3A_481 : i32 to vector<16xi32>
        %broadcast_in_dim3A_484 = vector.broadcast %jit3A_482 : i32 to vector<16xi32>
        %select_n3A_485 = arith.select %ge3A_480, %broadcast_in_dim3A_483, %broadcast_in_dim3A_484 : vector<16xi1>, vector<16xi32>
        %add3A_486 = arith.addi %add3A_474, %select_n3A_485 : vector<16xi32>
        %swap3A = arith.constant 0 : index
        %swap3A_487 = tpu.vector_load %arg13[%swap3A] {strides = array<i32>} : memref<48xi32, #tpu.memory_space<vmem>>, vector<16xi32>,
        tpu.vector_store %arg13[%swap3A], %add3A_486 {strides = array<i32>} : memref<48xi32, #tpu.memory_space<vmem>>, vector<16xi32>,
        %iota3A_488 = tpu.iota {dimensions = array<i32: 0>} : vector<16xi32>
        %add3A_489 = arith.constant 16 : i32
        %add3A_490 = vector.broadcast %add3A_489 : i32 to vector<16xi32>
        %add3A_491 = arith.addi %iota3A_488, %add3A_490 : vector<16xi32>
        %broadcast_in_dim3A_492 = arith.constant 0 : i32
        %broadcast_in_dim3A_493 = vector.broadcast %broadcast_in_dim3A_492 : i32 to vector<16xi32>
        %add3A_494 = arith.constant 0 : i32
        %add3A_495 = arith.addi %add3A_494, %mul3A_42 : i32
        %mul3A_496 = arith.constant 128 : i32
        %mul3A_497 = vector.broadcast %mul3A_496 : i32 to vector<16xi32>
        %mul3A_498 = arith.muli %add3A_491, %mul3A_497 : vector<16xi32>
        %ge3A_499 = vector.broadcast %add3A_495 : i32 to vector<16xi32>
        %ge3A_500 = arith.cmpi sge, %mul3A_498, %ge3A_499 : vector<16xi32>
        %jit3A_501 = arith.constant 1 : i32
        %jit3A_502 = arith.constant 0 : i32
        %broadcast_in_dim3A_503 = vector.broadcast %jit3A_501 : i32 to vector<16xi32>
        %broadcast_in_dim3A_504 = vector.broadcast %jit3A_502 : i32 to vector<16xi32>
        %select_n3A_505 = arith.select %ge3A_500, %broadcast_in_dim3A_503, %broadcast_in_dim3A_504 : vector<16xi1>, vector<16xi32>
        %add3A_506 = arith.addi %broadcast_in_dim3A_493, %select_n3A_505 : vector<16xi32>
        %add3A_507 = arith.addi %add3A_495, %mul3A_70 : i32
        %mul3A_508 = arith.constant 128 : i32
        %mul3A_509 = vector.broadcast %mul3A_508 : i32 to vector<16xi32>
        %mul3A_510 = arith.muli %add3A_491, %mul3A_509 : vector<16xi32>
        %ge3A_511 = vector.broadcast %add3A_507 : i32 to vector<16xi32>
        %ge3A_512 = arith.cmpi sge, %mul3A_510, %ge3A_511 : vector<16xi32>
        %jit3A_513 = arith.constant 1 : i32
        %jit3A_514 = arith.constant 0 : i32
        %broadcast_in_dim3A_515 = vector.broadcast %jit3A_513 : i32 to vector<16xi32>
        %broadcast_in_dim3A_516 = vector.broadcast %jit3A_514 : i32 to vector<16xi32>
        %select_n3A_517 = arith.select %ge3A_512, %broadcast_in_dim3A_515, %broadcast_in_dim3A_516 : vector<16xi1>, vector<16xi32>
        %add3A_518 = arith.addi %add3A_506, %select_n3A_517 : vector<16xi32>
        %add3A_519 = arith.addi %add3A_507, %mul3A_98 : i32
        %mul3A_520 = arith.constant 128 : i32
        %mul3A_521 = vector.broadcast %mul3A_520 : i32 to vector<16xi32>
        %mul3A_522 = arith.muli %add3A_491, %mul3A_521 : vector<16xi32>
        %ge3A_523 = vector.broadcast %add3A_519 : i32 to vector<16xi32>
        %ge3A_524 = arith.cmpi sge, %mul3A_522, %ge3A_523 : vector<16xi32>
        %jit3A_525 = arith.constant 1 : i32
        %jit3A_526 = arith.constant 0 : i32
        %broadcast_in_dim3A_527 = vector.broadcast %jit3A_525 : i32 to vector<16xi32>
        %broadcast_in_dim3A_528 = vector.broadcast %jit3A_526 : i32 to vector<16xi32>
        %select_n3A_529 = arith.select %ge3A_524, %broadcast_in_dim3A_527, %broadcast_in_dim3A_528 : vector<16xi1>, vector<16xi32>
        %add3A_530 = arith.addi %add3A_518, %select_n3A_529 : vector<16xi32>
        %add3A_531 = arith.addi %add3A_519, %mul3A_126 : i32
        %mul3A_532 = arith.constant 128 : i32
        %mul3A_533 = vector.broadcast %mul3A_532 : i32 to vector<16xi32>
        %mul3A_534 = arith.muli %add3A_491, %mul3A_533 : vector<16xi32>
        %ge3A_535 = vector.broadcast %add3A_531 : i32 to vector<16xi32>
        %ge3A_536 = arith.cmpi sge, %mul3A_534, %ge3A_535 : vector<16xi32>
        %jit3A_537 = arith.constant 1 : i32
        %jit3A_538 = arith.constant 0 : i32
        %broadcast_in_dim3A_539 = vector.broadcast %jit3A_537 : i32 to vector<16xi32>
        %broadcast_in_dim3A_540 = vector.broadcast %jit3A_538 : i32 to vector<16xi32>
        %select_n3A_541 = arith.select %ge3A_536, %broadcast_in_dim3A_539, %broadcast_in_dim3A_540 : vector<16xi1>, vector<16xi32>
        %add3A_542 = arith.addi %add3A_530, %select_n3A_541 : vector<16xi32>
        %add3A_543 = arith.addi %add3A_531, %mul3A_154 : i32
        %mul3A_544 = arith.constant 128 : i32
        %mul3A_545 = vector.broadcast %mul3A_544 : i32 to vector<16xi32>
        %mul3A_546 = arith.muli %add3A_491, %mul3A_545 : vector<16xi32>
        %ge3A_547 = vector.broadcast %add3A_543 : i32 to vector<16xi32>
        %ge3A_548 = arith.cmpi sge, %mul3A_546, %ge3A_547 : vector<16xi32>
        %jit3A_549 = arith.constant 1 : i32
        %jit3A_550 = arith.constant 0 : i32
        %broadcast_in_dim3A_551 = vector.broadcast %jit3A_549 : i32 to vector<16xi32>
        %broadcast_in_dim3A_552 = vector.broadcast %jit3A_550 : i32 to vector<16xi32>
        %select_n3A_553 = arith.select %ge3A_548, %broadcast_in_dim3A_551, %broadcast_in_dim3A_552 : vector<16xi1>, vector<16xi32>
        %add3A_554 = arith.addi %add3A_542, %select_n3A_553 : vector<16xi32>
        %add3A_555 = arith.addi %add3A_543, %mul3A_182 : i32
        %mul3A_556 = arith.constant 128 : i32
        %mul3A_557 = vector.broadcast %mul3A_556 : i32 to vector<16xi32>
        %mul3A_558 = arith.muli %add3A_491, %mul3A_557 : vector<16xi32>
        %ge3A_559 = vector.broadcast %add3A_555 : i32 to vector<16xi32>
        %ge3A_560 = arith.cmpi sge, %mul3A_558, %ge3A_559 : vector<16xi32>
        %jit3A_561 = arith.constant 1 : i32
        %jit3A_562 = arith.constant 0 : i32
        %broadcast_in_dim3A_563 = vector.broadcast %jit3A_561 : i32 to vector<16xi32>
        %broadcast_in_dim3A_564 = vector.broadcast %jit3A_562 : i32 to vector<16xi32>
        %select_n3A_565 = arith.select %ge3A_560, %broadcast_in_dim3A_563, %broadcast_in_dim3A_564 : vector<16xi1>, vector<16xi32>
        %add3A_566 = arith.addi %add3A_554, %select_n3A_565 : vector<16xi32>
        %add3A_567 = arith.addi %add3A_555, %mul3A_210 : i32
        %mul3A_568 = arith.constant 128 : i32
        %mul3A_569 = vector.broadcast %mul3A_568 : i32 to vector<16xi32>
        %mul3A_570 = arith.muli %add3A_491, %mul3A_569 : vector<16xi32>
        %ge3A_571 = vector.broadcast %add3A_567 : i32 to vector<16xi32>
        %ge3A_572 = arith.cmpi sge, %mul3A_570, %ge3A_571 : vector<16xi32>
        %jit3A_573 = arith.constant 1 : i32
        %jit3A_574 = arith.constant 0 : i32
        %broadcast_in_dim3A_575 = vector.broadcast %jit3A_573 : i32 to vector<16xi32>
        %broadcast_in_dim3A_576 = vector.broadcast %jit3A_574 : i32 to vector<16xi32>
        %select_n3A_577 = arith.select %ge3A_572, %broadcast_in_dim3A_575, %broadcast_in_dim3A_576 : vector<16xi1>, vector<16xi32>
        %add3A_578 = arith.addi %add3A_566, %select_n3A_577 : vector<16xi32>
        %swap3A_579 = arith.constant 16 : index
        %swap3A_580 = tpu.vector_load %arg13[%swap3A_579] {strides = array<i32>} : memref<48xi32, #tpu.memory_space<vmem>>, vector<16xi32>,
        tpu.vector_store %arg13[%swap3A_579], %add3A_578 {strides = array<i32>} : memref<48xi32, #tpu.memory_space<vmem>>, vector<16xi32>,
        %iota3A_581 = tpu.iota {dimensions = array<i32: 0>} : vector<16xi32>
        %add3A_582 = arith.constant 32 : i32
        %add3A_583 = vector.broadcast %add3A_582 : i32 to vector<16xi32>
        %add3A_584 = arith.addi %iota3A_581, %add3A_583 : vector<16xi32>
        %broadcast_in_dim3A_585 = arith.constant 0 : i32
        %broadcast_in_dim3A_586 = vector.broadcast %broadcast_in_dim3A_585 : i32 to vector<16xi32>
        %add3A_587 = arith.constant 0 : i32
        %add3A_588 = arith.addi %add3A_587, %mul3A_42 : i32
        %mul3A_589 = arith.constant 128 : i32
        %mul3A_590 = vector.broadcast %mul3A_589 : i32 to vector<16xi32>
        %mul3A_591 = arith.muli %add3A_584, %mul3A_590 : vector<16xi32>
        %ge3A_592 = vector.broadcast %add3A_588 : i32 to vector<16xi32>
        %ge3A_593 = arith.cmpi sge, %mul3A_591, %ge3A_592 : vector<16xi32>
        %jit3A_594 = arith.constant 1 : i32
        %jit3A_595 = arith.constant 0 : i32
        %broadcast_in_dim3A_596 = vector.broadcast %jit3A_594 : i32 to vector<16xi32>
        %broadcast_in_dim3A_597 = vector.broadcast %jit3A_595 : i32 to vector<16xi32>
        %select_n3A_598 = arith.select %ge3A_593, %broadcast_in_dim3A_596, %broadcast_in_dim3A_597 : vector<16xi1>, vector<16xi32>
        %add3A_599 = arith.addi %broadcast_in_dim3A_586, %select_n3A_598 : vector<16xi32>
        %add3A_600 = arith.addi %add3A_588, %mul3A_70 : i32
        %mul3A_601 = arith.constant 128 : i32
        %mul3A_602 = vector.broadcast %mul3A_601 : i32 to vector<16xi32>
        %mul3A_603 = arith.muli %add3A_584, %mul3A_602 : vector<16xi32>
        %ge3A_604 = vector.broadcast %add3A_600 : i32 to vector<16xi32>
        %ge3A_605 = arith.cmpi sge, %mul3A_603, %ge3A_604 : vector<16xi32>
        %jit3A_606 = arith.constant 1 : i32
        %jit3A_607 = arith.constant 0 : i32
        %broadcast_in_dim3A_608 = vector.broadcast %jit3A_606 : i32 to vector<16xi32>
        %broadcast_in_dim3A_609 = vector.broadcast %jit3A_607 : i32 to vector<16xi32>
        %select_n3A_610 = arith.select %ge3A_605, %broadcast_in_dim3A_608, %broadcast_in_dim3A_609 : vector<16xi1>, vector<16xi32>
        %add3A_611 = arith.addi %add3A_599, %select_n3A_610 : vector<16xi32>
        %add3A_612 = arith.addi %add3A_600, %mul3A_98 : i32
        %mul3A_613 = arith.constant 128 : i32
        %mul3A_614 = vector.broadcast %mul3A_613 : i32 to vector<16xi32>
        %mul3A_615 = arith.muli %add3A_584, %mul3A_614 : vector<16xi32>
        %ge3A_616 = vector.broadcast %add3A_612 : i32 to vector<16xi32>
        %ge3A_617 = arith.cmpi sge, %mul3A_615, %ge3A_616 : vector<16xi32>
        %jit3A_618 = arith.constant 1 : i32
        %jit3A_619 = arith.constant 0 : i32
        %broadcast_in_dim3A_620 = vector.broadcast %jit3A_618 : i32 to vector<16xi32>
        %broadcast_in_dim3A_621 = vector.broadcast %jit3A_619 : i32 to vector<16xi32>
        %select_n3A_622 = arith.select %ge3A_617, %broadcast_in_dim3A_620, %broadcast_in_dim3A_621 : vector<16xi1>, vector<16xi32>
        %add3A_623 = arith.addi %add3A_611, %select_n3A_622 : vector<16xi32>
        %add3A_624 = arith.addi %add3A_612, %mul3A_126 : i32
        %mul3A_625 = arith.constant 128 : i32
        %mul3A_626 = vector.broadcast %mul3A_625 : i32 to vector<16xi32>
        %mul3A_627 = arith.muli %add3A_584, %mul3A_626 : vector<16xi32>
        %ge3A_628 = vector.broadcast %add3A_624 : i32 to vector<16xi32>
        %ge3A_629 = arith.cmpi sge, %mul3A_627, %ge3A_628 : vector<16xi32>
        %jit3A_630 = arith.constant 1 : i32
        %jit3A_631 = arith.constant 0 : i32
        %broadcast_in_dim3A_632 = vector.broadcast %jit3A_630 : i32 to vector<16xi32>
        %broadcast_in_dim3A_633 = vector.broadcast %jit3A_631 : i32 to vector<16xi32>
        %select_n3A_634 = arith.select %ge3A_629, %broadcast_in_dim3A_632, %broadcast_in_dim3A_633 : vector<16xi1>, vector<16xi32>
        %add3A_635 = arith.addi %add3A_623, %select_n3A_634 : vector<16xi32>
        %add3A_636 = arith.addi %add3A_624, %mul3A_154 : i32
        %mul3A_637 = arith.constant 128 : i32
        %mul3A_638 = vector.broadcast %mul3A_637 : i32 to vector<16xi32>
        %mul3A_639 = arith.muli %add3A_584, %mul3A_638 : vector<16xi32>
        %ge3A_640 = vector.broadcast %add3A_636 : i32 to vector<16xi32>
        %ge3A_641 = arith.cmpi sge, %mul3A_639, %ge3A_640 : vector<16xi32>
        %jit3A_642 = arith.constant 1 : i32
        %jit3A_643 = arith.constant 0 : i32
        %broadcast_in_dim3A_644 = vector.broadcast %jit3A_642 : i32 to vector<16xi32>
        %broadcast_in_dim3A_645 = vector.broadcast %jit3A_643 : i32 to vector<16xi32>
        %select_n3A_646 = arith.select %ge3A_641, %broadcast_in_dim3A_644, %broadcast_in_dim3A_645 : vector<16xi1>, vector<16xi32>
        %add3A_647 = arith.addi %add3A_635, %select_n3A_646 : vector<16xi32>
        %add3A_648 = arith.addi %add3A_636, %mul3A_182 : i32
        %mul3A_649 = arith.constant 128 : i32
        %mul3A_650 = vector.broadcast %mul3A_649 : i32 to vector<16xi32>
        %mul3A_651 = arith.muli %add3A_584, %mul3A_650 : vector<16xi32>
        %ge3A_652 = vector.broadcast %add3A_648 : i32 to vector<16xi32>
        %ge3A_653 = arith.cmpi sge, %mul3A_651, %ge3A_652 : vector<16xi32>
        %jit3A_654 = arith.constant 1 : i32
        %jit3A_655 = arith.constant 0 : i32
        %broadcast_in_dim3A_656 = vector.broadcast %jit3A_654 : i32 to vector<16xi32>
        %broadcast_in_dim3A_657 = vector.broadcast %jit3A_655 : i32 to vector<16xi32>
        %select_n3A_658 = arith.select %ge3A_653, %broadcast_in_dim3A_656, %broadcast_in_dim3A_657 : vector<16xi1>, vector<16xi32>
        %add3A_659 = arith.addi %add3A_647, %select_n3A_658 : vector<16xi32>
        %add3A_660 = arith.addi %add3A_648, %mul3A_210 : i32
        %mul3A_661 = arith.constant 128 : i32
        %mul3A_662 = vector.broadcast %mul3A_661 : i32 to vector<16xi32>
        %mul3A_663 = arith.muli %add3A_584, %mul3A_662 : vector<16xi32>
        %ge3A_664 = vector.broadcast %add3A_660 : i32 to vector<16xi32>
        %ge3A_665 = arith.cmpi sge, %mul3A_663, %ge3A_664 : vector<16xi32>
        %jit3A_666 = arith.constant 1 : i32
        %jit3A_667 = arith.constant 0 : i32
        %broadcast_in_dim3A_668 = vector.broadcast %jit3A_666 : i32 to vector<16xi32>
        %broadcast_in_dim3A_669 = vector.broadcast %jit3A_667 : i32 to vector<16xi32>
        %select_n3A_670 = arith.select %ge3A_665, %broadcast_in_dim3A_668, %broadcast_in_dim3A_669 : vector<16xi1>, vector<16xi32>
        %add3A_671 = arith.addi %add3A_659, %select_n3A_670 : vector<16xi32>
        %swap3A_672 = arith.constant 32 : index
        %swap3A_673 = tpu.vector_load %arg13[%swap3A_672] {strides = array<i32>} : memref<48xi32, #tpu.memory_space<vmem>>, vector<16xi32>,
        tpu.vector_store %arg13[%swap3A_672], %add3A_671 {strides = array<i32>} : memref<48xi32, #tpu.memory_space<vmem>>, vector<16xi32>,
        "tpu.region"() ({
          %run_scoped3A = tpu.sem_alloc : memref<!tpu.dma_semaphore, #tpu.memory_space<semaphore_mem>>
          tpu.enqueue_dma source(%arg13 : memref<48xi32, #tpu.memory_space<vmem>>) target(%arg6 : memref<48xi32, #tpu.memory_space<hbm>>) target_semaphore(%run_scoped3A : memref<!tpu.dma_semaphore, #tpu.memory_space<semaphore_mem>>)
          tpu.wait_dma2 semaphore(%run_scoped3A : memref<!tpu.dma_semaphore, #tpu.memory_space<semaphore_mem>>) src(%arg13 : memref<48xi32, #tpu.memory_space<vmem>>) dst(%arg6 : memref<48xi32, #tpu.memory_space<hbm>>)
          tpu.yield
        }) : () -> ()
      } else {
      }
      %eq3A_392 = arith.constant 7 : i32
      %eq3A_393 = arith.cmpi eq, %add3A, %eq3A_392 : i32
      %convert_element_type3A_394 = arith.extui %eq3A_393 : i1 to i32
      %cond3A_395 = arith.constant 0 : i32
      %cond3A_396 = arith.cmpi ne, %convert_element_type3A_394, %cond3A_395 : i32
      scf.if %cond3A_396 {
        %add3A_397 = arith.constant 0 : i32
        %add3A_398 = vector.broadcast %add3A_397 : i32 to vector<16xi32>
        %add3A_399 = arith.addi %iota3A, %add3A_398 : vector<16xi32>
        %and3A_400 = arith.constant 31 : i32
        %and3A_401 = vector.broadcast %and3A_400 : i32 to vector<16xi32>
        %and3A_402 = arith.andi %add3A_399, %and3A_401 : vector<16xi32>
        %mul3A_403 = arith.constant 64 : i32
        %mul3A_404 = vector.broadcast %mul3A_403 : i32 to vector<16xi32>
        %mul3A_405 = arith.muli %and3A_402, %mul3A_404 : vector<16xi32>
        %swap3A = arith.constant 0 : index
        %swap3A_406 = tpu.vector_load %arg14[%swap3A] {strides = array<i32>} : memref<128xi32, #tpu.memory_space<vmem>>, vector<16xi32>,
        tpu.vector_store %arg14[%swap3A], %mul3A_405 {strides = array<i32>} : memref<128xi32, #tpu.memory_space<vmem>>, vector<16xi32>,
        %swap3A_407 = arith.constant 0 : index
        %swap3A_408 = tpu.vector_load %arg15[%swap3A_407] {strides = array<i32>} : memref<128xf32, #tpu.memory_space<vmem>>, vector<16xf32>,
        tpu.vector_store %arg15[%swap3A_407], %broadcast_in_dim3A_330 {strides = array<i32>} : memref<128xf32, #tpu.memory_space<vmem>>, vector<16xf32>,
        %broadcast_in_dim3A_409 = arith.constant 4096 : i32
        %broadcast_in_dim3A_410 = vector.broadcast %broadcast_in_dim3A_409 : i32 to vector<16xi32>
        %swap3A_411 = arith.constant 0 : index
        %swap3A_412 = tpu.vector_load %arg16[%swap3A_411] {strides = array<i32>} : memref<128xi32, #tpu.memory_space<vmem>>, vector<16xi32>,
        tpu.vector_store %arg16[%swap3A_411], %broadcast_in_dim3A_410 {strides = array<i32>} : memref<128xi32, #tpu.memory_space<vmem>>, vector<16xi32>,
        %add3A_413 = arith.constant 16 : i32
        %add3A_414 = vector.broadcast %add3A_413 : i32 to vector<16xi32>
        %add3A_415 = arith.addi %iota3A, %add3A_414 : vector<16xi32>
        %and3A_416 = arith.constant 31 : i32
        %and3A_417 = vector.broadcast %and3A_416 : i32 to vector<16xi32>
        %and3A_418 = arith.andi %add3A_415, %and3A_417 : vector<16xi32>
        %mul3A_419 = arith.constant 64 : i32
        %mul3A_420 = vector.broadcast %mul3A_419 : i32 to vector<16xi32>
        %mul3A_421 = arith.muli %and3A_418, %mul3A_420 : vector<16xi32>
        %swap3A_422 = arith.constant 16 : index
        %swap3A_423 = tpu.vector_load %arg14[%swap3A_422] {strides = array<i32>} : memref<128xi32, #tpu.memory_space<vmem>>, vector<16xi32>,
        tpu.vector_store %arg14[%swap3A_422], %mul3A_421 {strides = array<i32>} : memref<128xi32, #tpu.memory_space<vmem>>, vector<16xi32>,
        %swap3A_424 = arith.constant 16 : index
        %swap3A_425 = tpu.vector_load %arg15[%swap3A_424] {strides = array<i32>} : memref<128xf32, #tpu.memory_space<vmem>>, vector<16xf32>,
        tpu.vector_store %arg15[%swap3A_424], %broadcast_in_dim3A_330 {strides = array<i32>} : memref<128xf32, #tpu.memory_space<vmem>>, vector<16xf32>,
        %broadcast_in_dim3A_426 = arith.constant 4096 : i32
        %broadcast_in_dim3A_427 = vector.broadcast %broadcast_in_dim3A_426 : i32 to vector<16xi32>
        %swap3A_428 = arith.constant 16 : index
        %swap3A_429 = tpu.vector_load %arg16[%swap3A_428] {strides = array<i32>} : memref<128xi32, #tpu.memory_space<vmem>>, vector<16xi32>,
        tpu.vector_store %arg16[%swap3A_428], %broadcast_in_dim3A_427 {strides = array<i32>} : memref<128xi32, #tpu.memory_space<vmem>>, vector<16xi32>,
        %add3A_430 = arith.constant 32 : i32
        %add3A_431 = vector.broadcast %add3A_430 : i32 to vector<16xi32>
        %add3A_432 = arith.addi %iota3A, %add3A_431 : vector<16xi32>
        %and3A_433 = arith.constant 31 : i32
        %and3A_434 = vector.broadcast %and3A_433 : i32 to vector<16xi32>
        %and3A_435 = arith.andi %add3A_432, %and3A_434 : vector<16xi32>
        %mul3A_436 = arith.constant 64 : i32
        %mul3A_437 = vector.broadcast %mul3A_436 : i32 to vector<16xi32>
        %mul3A_438 = arith.muli %and3A_435, %mul3A_437 : vector<16xi32>
        %swap3A_439 = arith.constant 32 : index
        %swap3A_440 = tpu.vector_load %arg14[%swap3A_439] {strides = array<i32>} : memref<128xi32, #tpu.memory_space<vmem>>, vector<16xi32>,
        tpu.vector_store %arg14[%swap3A_439], %mul3A_438 {strides = array<i32>} : memref<128xi32, #tpu.memory_space<vmem>>, vector<16xi32>,
        %swap3A_441 = arith.constant 32 : index
        %swap3A_442 = tpu.vector_load %arg15[%swap3A_441] {strides = array<i32>} : memref<128xf32, #tpu.memory_space<vmem>>, vector<16xf32>,
        tpu.vector_store %arg15[%swap3A_441], %broadcast_in_dim3A_330 {strides = array<i32>} : memref<128xf32, #tpu.memory_space<vmem>>, vector<16xf32>,
        %broadcast_in_dim3A_443 = arith.constant 4096 : i32
        %broadcast_in_dim3A_444 = vector.broadcast %broadcast_in_dim3A_443 : i32 to vector<16xi32>
        %swap3A_445 = arith.constant 32 : index
        %swap3A_446 = tpu.vector_load %arg16[%swap3A_445] {strides = array<i32>} : memref<128xi32, #tpu.memory_space<vmem>>, vector<16xi32>,
        tpu.vector_store %arg16[%swap3A_445], %broadcast_in_dim3A_444 {strides = array<i32>} : memref<128xi32, #tpu.memory_space<vmem>>, vector<16xi32>,
        %add3A_447 = arith.constant 48 : i32
        %add3A_448 = vector.broadcast %add3A_447 : i32 to vector<16xi32>
        %add3A_449 = arith.addi %iota3A, %add3A_448 : vector<16xi32>
        %and3A_450 = arith.constant 31 : i32
        %and3A_451 = vector.broadcast %and3A_450 : i32 to vector<16xi32>
        %and3A_452 = arith.andi %add3A_449, %and3A_451 : vector<16xi32>
        %mul3A_453 = arith.constant 64 : i32
        %mul3A_454 = vector.broadcast %mul3A_453 : i32 to vector<16xi32>
        %mul3A_455 = arith.muli %and3A_452, %mul3A_454 : vector<16xi32>
        %swap3A_456 = arith.constant 48 : index
        %swap3A_457 = tpu.vector_load %arg14[%swap3A_456] {strides = array<i32>} : memref<128xi32, #tpu.memory_space<vmem>>, vector<16xi32>,
        tpu.vector_store %arg14[%swap3A_456], %mul3A_455 {strides = array<i32>} : memref<128xi32, #tpu.memory_space<vmem>>, vector<16xi32>,
        %swap3A_458 = arith.constant 48 : index
        %swap3A_459 = tpu.vector_load %arg15[%swap3A_458] {strides = array<i32>} : memref<128xf32, #tpu.memory_space<vmem>>, vector<16xf32>,
        tpu.vector_store %arg15[%swap3A_458], %broadcast_in_dim3A_330 {strides = array<i32>} : memref<128xf32, #tpu.memory_space<vmem>>, vector<16xf32>,
        %broadcast_in_dim3A_460 = arith.constant 4096 : i32
        %broadcast_in_dim3A_461 = vector.broadcast %broadcast_in_dim3A_460 : i32 to vector<16xi32>
        %swap3A_462 = arith.constant 48 : index
        %swap3A_463 = tpu.vector_load %arg16[%swap3A_462] {strides = array<i32>} : memref<128xi32, #tpu.memory_space<vmem>>, vector<16xi32>,
        tpu.vector_store %arg16[%swap3A_462], %broadcast_in_dim3A_461 {strides = array<i32>} : memref<128xi32, #tpu.memory_space<vmem>>, vector<16xi32>,
        %add3A_464 = arith.constant 64 : i32
        %add3A_465 = vector.broadcast %add3A_464 : i32 to vector<16xi32>
        %add3A_466 = arith.addi %iota3A, %add3A_465 : vector<16xi32>
        %and3A_467 = arith.constant 31 : i32
        %and3A_468 = vector.broadcast %and3A_467 : i32 to vector<16xi32>
        %and3A_469 = arith.andi %add3A_466, %and3A_468 : vector<16xi32>
        %mul3A_470 = arith.constant 64 : i32
        %mul3A_471 = vector.broadcast %mul3A_470 : i32 to vector<16xi32>
        %mul3A_472 = arith.muli %and3A_469, %mul3A_471 : vector<16xi32>
        %swap3A_473 = arith.constant 64 : index
        %swap3A_474 = tpu.vector_load %arg14[%swap3A_473] {strides = array<i32>} : memref<128xi32, #tpu.memory_space<vmem>>, vector<16xi32>,
        tpu.vector_store %arg14[%swap3A_473], %mul3A_472 {strides = array<i32>} : memref<128xi32, #tpu.memory_space<vmem>>, vector<16xi32>,
        %swap3A_475 = arith.constant 64 : index
        %swap3A_476 = tpu.vector_load %arg15[%swap3A_475] {strides = array<i32>} : memref<128xf32, #tpu.memory_space<vmem>>, vector<16xf32>,
        tpu.vector_store %arg15[%swap3A_475], %broadcast_in_dim3A_330 {strides = array<i32>} : memref<128xf32, #tpu.memory_space<vmem>>, vector<16xf32>,
        %broadcast_in_dim3A_477 = arith.constant 4096 : i32
        %broadcast_in_dim3A_478 = vector.broadcast %broadcast_in_dim3A_477 : i32 to vector<16xi32>
        %swap3A_479 = arith.constant 64 : index
        %swap3A_480 = tpu.vector_load %arg16[%swap3A_479] {strides = array<i32>} : memref<128xi32, #tpu.memory_space<vmem>>, vector<16xi32>,
        tpu.vector_store %arg16[%swap3A_479], %broadcast_in_dim3A_478 {strides = array<i32>} : memref<128xi32, #tpu.memory_space<vmem>>, vector<16xi32>,
        %add3A_481 = arith.constant 80 : i32
        %add3A_482 = vector.broadcast %add3A_481 : i32 to vector<16xi32>
        %add3A_483 = arith.addi %iota3A, %add3A_482 : vector<16xi32>
        %and3A_484 = arith.constant 31 : i32
        %and3A_485 = vector.broadcast %and3A_484 : i32 to vector<16xi32>
        %and3A_486 = arith.andi %add3A_483, %and3A_485 : vector<16xi32>
        %mul3A_487 = arith.constant 64 : i32
        %mul3A_488 = vector.broadcast %mul3A_487 : i32 to vector<16xi32>
        %mul3A_489 = arith.muli %and3A_486, %mul3A_488 : vector<16xi32>
        %swap3A_490 = arith.constant 80 : index
        %swap3A_491 = tpu.vector_load %arg14[%swap3A_490] {strides = array<i32>} : memref<128xi32, #tpu.memory_space<vmem>>, vector<16xi32>,
        tpu.vector_store %arg14[%swap3A_490], %mul3A_489 {strides = array<i32>} : memref<128xi32, #tpu.memory_space<vmem>>, vector<16xi32>,
        %swap3A_492 = arith.constant 80 : index
        %swap3A_493 = tpu.vector_load %arg15[%swap3A_492] {strides = array<i32>} : memref<128xf32, #tpu.memory_space<vmem>>, vector<16xf32>,
        tpu.vector_store %arg15[%swap3A_492], %broadcast_in_dim3A_330 {strides = array<i32>} : memref<128xf32, #tpu.memory_space<vmem>>, vector<16xf32>,
        %broadcast_in_dim3A_494 = arith.constant 4096 : i32
        %broadcast_in_dim3A_495 = vector.broadcast %broadcast_in_dim3A_494 : i32 to vector<16xi32>
        %swap3A_496 = arith.constant 80 : index
        %swap3A_497 = tpu.vector_load %arg16[%swap3A_496] {strides = array<i32>} : memref<128xi32, #tpu.memory_space<vmem>>, vector<16xi32>,
        tpu.vector_store %arg16[%swap3A_496], %broadcast_in_dim3A_495 {strides = array<i32>} : memref<128xi32, #tpu.memory_space<vmem>>, vector<16xi32>,
        %add3A_498 = arith.constant 96 : i32
        %add3A_499 = vector.broadcast %add3A_498 : i32 to vector<16xi32>
        %add3A_500 = arith.addi %iota3A, %add3A_499 : vector<16xi32>
        %and3A_501 = arith.constant 31 : i32
        %and3A_502 = vector.broadcast %and3A_501 : i32 to vector<16xi32>
        %and3A_503 = arith.andi %add3A_500, %and3A_502 : vector<16xi32>
        %mul3A_504 = arith.constant 64 : i32
        %mul3A_505 = vector.broadcast %mul3A_504 : i32 to vector<16xi32>
        %mul3A_506 = arith.muli %and3A_503, %mul3A_505 : vector<16xi32>
        %swap3A_507 = arith.constant 96 : index
        %swap3A_508 = tpu.vector_load %arg14[%swap3A_507] {strides = array<i32>} : memref<128xi32, #tpu.memory_space<vmem>>, vector<16xi32>,
        tpu.vector_store %arg14[%swap3A_507], %mul3A_506 {strides = array<i32>} : memref<128xi32, #tpu.memory_space<vmem>>, vector<16xi32>,
        %swap3A_509 = arith.constant 96 : index
        %swap3A_510 = tpu.vector_load %arg15[%swap3A_509] {strides = array<i32>} : memref<128xf32, #tpu.memory_space<vmem>>, vector<16xf32>,
        tpu.vector_store %arg15[%swap3A_509], %broadcast_in_dim3A_330 {strides = array<i32>} : memref<128xf32, #tpu.memory_space<vmem>>, vector<16xf32>,
        %broadcast_in_dim3A_511 = arith.constant 4096 : i32
        %broadcast_in_dim3A_512 = vector.broadcast %broadcast_in_dim3A_511 : i32 to vector<16xi32>
        %swap3A_513 = arith.constant 96 : index
        %swap3A_514 = tpu.vector_load %arg16[%swap3A_513] {strides = array<i32>} : memref<128xi32, #tpu.memory_space<vmem>>, vector<16xi32>,
        tpu.vector_store %arg16[%swap3A_513], %broadcast_in_dim3A_512 {strides = array<i32>} : memref<128xi32, #tpu.memory_space<vmem>>, vector<16xi32>,
        %add3A_515 = arith.constant 112 : i32
        %add3A_516 = vector.broadcast %add3A_515 : i32 to vector<16xi32>
        %add3A_517 = arith.addi %iota3A, %add3A_516 : vector<16xi32>
        %and3A_518 = arith.constant 31 : i32
        %and3A_519 = vector.broadcast %and3A_518 : i32 to vector<16xi32>
        %and3A_520 = arith.andi %add3A_517, %and3A_519 : vector<16xi32>
        %mul3A_521 = arith.constant 64 : i32
        %mul3A_522 = vector.broadcast %mul3A_521 : i32 to vector<16xi32>
        %mul3A_523 = arith.muli %and3A_520, %mul3A_522 : vector<16xi32>
        %swap3A_524 = arith.constant 112 : index
        %swap3A_525 = tpu.vector_load %arg14[%swap3A_524] {strides = array<i32>} : memref<128xi32, #tpu.memory_space<vmem>>, vector<16xi32>,
        tpu.vector_store %arg14[%swap3A_524], %mul3A_523 {strides = array<i32>} : memref<128xi32, #tpu.memory_space<vmem>>, vector<16xi32>,
        %swap3A_526 = arith.constant 112 : index
        %swap3A_527 = tpu.vector_load %arg15[%swap3A_526] {strides = array<i32>} : memref<128xf32, #tpu.memory_space<vmem>>, vector<16xf32>,
        tpu.vector_store %arg15[%swap3A_526], %broadcast_in_dim3A_330 {strides = array<i32>} : memref<128xf32, #tpu.memory_space<vmem>>, vector<16xf32>,
        %broadcast_in_dim3A_528 = arith.constant 4096 : i32
        %broadcast_in_dim3A_529 = vector.broadcast %broadcast_in_dim3A_528 : i32 to vector<16xi32>
        %swap3A_530 = arith.constant 112 : index
        %swap3A_531 = tpu.vector_load %arg16[%swap3A_530] {strides = array<i32>} : memref<128xi32, #tpu.memory_space<vmem>>, vector<16xi32>,
        tpu.vector_store %arg16[%swap3A_530], %broadcast_in_dim3A_529 {strides = array<i32>} : memref<128xi32, #tpu.memory_space<vmem>>, vector<16xi32>,
        %jit3A_532 = arith.constant 128 : i32
        %div3A_533 = arith.divsi %add3A_328, %jit3A_532 : i32
        %sign3A_534 = arith.constant 0 : i32
        %sign3A_535 = arith.cmpi sgt, %add3A_328, %sign3A_534 : i32
        %sign3A_536 = arith.extui %sign3A_535 : i1 to i32
        %sign3A_537 = arith.constant 0 : i32
        %sign3A_538 = arith.cmpi slt, %add3A_328, %sign3A_537 : i32
        %sign3A_539 = arith.extui %sign3A_538 : i1 to i32
        %sign3A_540 = arith.subi %sign3A_536, %sign3A_539 : i32
        %sign3A_541 = arith.constant 0 : i32
        %sign3A_542 = arith.cmpi sgt, %jit3A_532, %sign3A_541 : i32
        %sign3A_543 = arith.extui %sign3A_542 : i1 to i32
        %sign3A_544 = arith.constant 0 : i32
        %sign3A_545 = arith.cmpi slt, %jit3A_532, %sign3A_544 : i32
        %sign3A_546 = arith.extui %sign3A_545 : i1 to i32
        %sign3A_547 = arith.subi %sign3A_543, %sign3A_546 : i32
        %ne3A_548 = arith.cmpi ne, %sign3A_540, %sign3A_547 : i32
        %rem3A_549 = arith.remsi %add3A_328, %jit3A_532 : i32
        %ne3A_550 = arith.constant 0 : i32
        %ne3A_551 = arith.cmpi ne, %rem3A_549, %ne3A_550 : i32
        %and3A_552 = arith.andi %ne3A_548, %ne3A_551 : i1
        %sub3A_553 = arith.constant 1 : i32
        %sub3A_554 = arith.subi %div3A_533, %sub3A_553 : i32
        %select_n3A_555 = arith.select %and3A_552, %sub3A_554, %div3A_533 : i32
        %while3A_556 = arith.constant 0 : i32
        %while3A_557 = arith.constant 40 : i32
        %while3A_558 = arith.subi %while3A_557, %select_n3A_555 : i32
        %while3A_559 = arith.addi %select_n3A_555, %while3A_558 : i32
        %while3A_560 = arith.constant 1 : i32
        %while3A_561 = arith.divsi %while3A_558, %while3A_560 : i32
        %while3A_562 = arith.muli %while3A_561, %while3A_560 : i32
        %while3A_563 = arith.addi %select_n3A_555, %while3A_562 : i32
        %while3A_564 = arith.constant 1 : i32
        scf.for %while3A_576 = %select_n3A_555 to %while3A_563 step %while3A_564  : i32 {
          %mul3A_577 = arith.constant 128 : i32
          %mul3A_578 = arith.muli %while3A_576, %mul3A_577 : i32
          %multiple_of3A = tpu.assume_multiple %mul3A_578, 128 : i32
          %dma_start3A = tpu.memref_slice %arg4[%multiple_of3A] : memref<5120xi32, #tpu.memory_space<hbm>> -> memref<128xi32, #tpu.memory_space<hbm>>
          %dma_start3A_579 = tpu.memref_slice %arg4[%multiple_of3A] : memref<5120xi32, #tpu.memory_space<hbm>> -> memref<128xi32, #tpu.memory_space<hbm>>
          tpu.enqueue_dma source(%arg14 : memref<128xi32, #tpu.memory_space<vmem>>) target(%dma_start3A_579 : memref<128xi32, #tpu.memory_space<hbm>>) target_semaphore(%arg17 : memref<!tpu.dma_semaphore, #tpu.memory_space<semaphore_mem>>)
          %dma_start3A_580 = tpu.memref_slice %arg5[%multiple_of3A] : memref<5120xf32, #tpu.memory_space<hbm>> -> memref<128xf32, #tpu.memory_space<hbm>>
          %dma_start3A_581 = tpu.memref_slice %arg5[%multiple_of3A] : memref<5120xf32, #tpu.memory_space<hbm>> -> memref<128xf32, #tpu.memory_space<hbm>>
          tpu.enqueue_dma source(%arg15 : memref<128xf32, #tpu.memory_space<vmem>>) target(%dma_start3A_581 : memref<128xf32, #tpu.memory_space<hbm>>) target_semaphore(%arg17 : memref<!tpu.dma_semaphore, #tpu.memory_space<semaphore_mem>>)
          %dma_start3A_582 = tpu.memref_slice %arg7[%multiple_of3A] : memref<5120xi32, #tpu.memory_space<hbm>> -> memref<128xi32, #tpu.memory_space<hbm>>
          %dma_start3A_583 = tpu.memref_slice %arg7[%multiple_of3A] : memref<5120xi32, #tpu.memory_space<hbm>> -> memref<128xi32, #tpu.memory_space<hbm>>
          tpu.enqueue_dma source(%arg16 : memref<128xi32, #tpu.memory_space<vmem>>) target(%dma_start3A_583 : memref<128xi32, #tpu.memory_space<hbm>>) target_semaphore(%arg17 : memref<!tpu.dma_semaphore, #tpu.memory_space<semaphore_mem>>)
        }
        %while3A_565 = arith.constant 1 : i32
        scf.for %while3A_576 = %while3A_563 to %while3A_559 step %while3A_565  : i32 {
          %mul3A_577 = arith.constant 128 : i32
          %mul3A_578 = arith.muli %while3A_576, %mul3A_577 : i32
          %multiple_of3A = tpu.assume_multiple %mul3A_578, 128 : i32
          %dma_start3A = tpu.memref_slice %arg4[%multiple_of3A] : memref<5120xi32, #tpu.memory_space<hbm>> -> memref<128xi32, #tpu.memory_space<hbm>>
          %dma_start3A_579 = tpu.memref_slice %arg4[%multiple_of3A] : memref<5120xi32, #tpu.memory_space<hbm>> -> memref<128xi32, #tpu.memory_space<hbm>>
          tpu.enqueue_dma source(%arg14 : memref<128xi32, #tpu.memory_space<vmem>>) target(%dma_start3A_579 : memref<128xi32, #tpu.memory_space<hbm>>) target_semaphore(%arg17 : memref<!tpu.dma_semaphore, #tpu.memory_space<semaphore_mem>>)
          %dma_start3A_580 = tpu.memref_slice %arg5[%multiple_of3A] : memref<5120xf32, #tpu.memory_space<hbm>> -> memref<128xf32, #tpu.memory_space<hbm>>
          %dma_start3A_581 = tpu.memref_slice %arg5[%multiple_of3A] : memref<5120xf32, #tpu.memory_space<hbm>> -> memref<128xf32, #tpu.memory_space<hbm>>
          tpu.enqueue_dma source(%arg15 : memref<128xf32, #tpu.memory_space<vmem>>) target(%dma_start3A_581 : memref<128xf32, #tpu.memory_space<hbm>>) target_semaphore(%arg17 : memref<!tpu.dma_semaphore, #tpu.memory_space<semaphore_mem>>)
          %dma_start3A_582 = tpu.memref_slice %arg7[%multiple_of3A] : memref<5120xi32, #tpu.memory_space<hbm>> -> memref<128xi32, #tpu.memory_space<hbm>>
          %dma_start3A_583 = tpu.memref_slice %arg7[%multiple_of3A] : memref<5120xi32, #tpu.memory_space<hbm>> -> memref<128xi32, #tpu.memory_space<hbm>>
          tpu.enqueue_dma source(%arg16 : memref<128xi32, #tpu.memory_space<vmem>>) target(%dma_start3A_583 : memref<128xi32, #tpu.memory_space<hbm>>) target_semaphore(%arg17 : memref<!tpu.dma_semaphore, #tpu.memory_space<semaphore_mem>>)
        }
        %while3A_566 = arith.constant 0 : i32
        %while3A_567 = arith.constant 40 : i32
        %while3A_568 = arith.subi %while3A_567, %select_n3A_555 : i32
        %while3A_569 = arith.addi %select_n3A_555, %while3A_568 : i32
        %while3A_570 = arith.constant 1 : i32
        %while3A_571 = arith.divsi %while3A_568, %while3A_570 : i32
        %while3A_572 = arith.muli %while3A_571, %while3A_570 : i32
        %while3A_573 = arith.addi %select_n3A_555, %while3A_572 : i32
        %while3A_574 = arith.constant 1 : i32
        scf.for %while3A_576 = %select_n3A_555 to %while3A_573 step %while3A_574  : i32 {
          %mul3A_577 = arith.constant 128 : i32
          %mul3A_578 = arith.muli %while3A_576, %mul3A_577 : i32
          %multiple_of3A = tpu.assume_multiple %mul3A_578, 128 : i32
          %dma_wait3A = tpu.memref_slice %arg4[%multiple_of3A] : memref<5120xi32, #tpu.memory_space<hbm>> -> memref<128xi32, #tpu.memory_space<hbm>>
          %dma_wait3A_579 = tpu.memref_slice %arg4[%multiple_of3A] : memref<5120xi32, #tpu.memory_space<hbm>> -> memref<128xi32, #tpu.memory_space<hbm>>
          tpu.wait_dma2 semaphore(%arg17 : memref<!tpu.dma_semaphore, #tpu.memory_space<semaphore_mem>>) src(%arg14 : memref<128xi32, #tpu.memory_space<vmem>>) dst(%dma_wait3A_579 : memref<128xi32, #tpu.memory_space<hbm>>)
          %dma_wait3A_580 = tpu.memref_slice %arg5[%multiple_of3A] : memref<5120xf32, #tpu.memory_space<hbm>> -> memref<128xf32, #tpu.memory_space<hbm>>
          %dma_wait3A_581 = tpu.memref_slice %arg5[%multiple_of3A] : memref<5120xf32, #tpu.memory_space<hbm>> -> memref<128xf32, #tpu.memory_space<hbm>>
          tpu.wait_dma2 semaphore(%arg17 : memref<!tpu.dma_semaphore, #tpu.memory_space<semaphore_mem>>) src(%arg15 : memref<128xf32, #tpu.memory_space<vmem>>) dst(%dma_wait3A_581 : memref<128xf32, #tpu.memory_space<hbm>>)
          %dma_wait3A_582 = tpu.memref_slice %arg7[%multiple_of3A] : memref<5120xi32, #tpu.memory_space<hbm>> -> memref<128xi32, #tpu.memory_space<hbm>>
          %dma_wait3A_583 = tpu.memref_slice %arg7[%multiple_of3A] : memref<5120xi32, #tpu.memory_space<hbm>> -> memref<128xi32, #tpu.memory_space<hbm>>
          tpu.wait_dma2 semaphore(%arg17 : memref<!tpu.dma_semaphore, #tpu.memory_space<semaphore_mem>>) src(%arg16 : memref<128xi32, #tpu.memory_space<vmem>>) dst(%dma_wait3A_583 : memref<128xi32, #tpu.memory_space<hbm>>)
        }
        %while3A_575 = arith.constant 1 : i32
        scf.for %while3A_576 = %while3A_573 to %while3A_569 step %while3A_575  : i32 {
          %mul3A_577 = arith.constant 128 : i32
          %mul3A_578 = arith.muli %while3A_576, %mul3A_577 : i32
          %multiple_of3A = tpu.assume_multiple %mul3A_578, 128 : i32
          %dma_wait3A = tpu.memref_slice %arg4[%multiple_of3A] : memref<5120xi32, #tpu.memory_space<hbm>> -> memref<128xi32, #tpu.memory_space<hbm>>
          %dma_wait3A_579 = tpu.memref_slice %arg4[%multiple_of3A] : memref<5120xi32, #tpu.memory_space<hbm>> -> memref<128xi32, #tpu.memory_space<hbm>>
          tpu.wait_dma2 semaphore(%arg17 : memref<!tpu.dma_semaphore, #tpu.memory_space<semaphore_mem>>) src(%arg14 : memref<128xi32, #tpu.memory_space<vmem>>) dst(%dma_wait3A_579 : memref<128xi32, #tpu.memory_space<hbm>>)
          %dma_wait3A_580 = tpu.memref_slice %arg5[%multiple_of3A] : memref<5120xf32, #tpu.memory_space<hbm>> -> memref<128xf32, #tpu.memory_space<hbm>>
          %dma_wait3A_581 = tpu.memref_slice %arg5[%multiple_of3A] : memref<5120xf32, #tpu.memory_space<hbm>> -> memref<128xf32, #tpu.memory_space<hbm>>
          tpu.wait_dma2 semaphore(%arg17 : memref<!tpu.dma_semaphore, #tpu.memory_space<semaphore_mem>>) src(%arg15 : memref<128xf32, #tpu.memory_space<vmem>>) dst(%dma_wait3A_581 : memref<128xf32, #tpu.memory_space<hbm>>)
          %dma_wait3A_582 = tpu.memref_slice %arg7[%multiple_of3A] : memref<5120xi32, #tpu.memory_space<hbm>> -> memref<128xi32, #tpu.memory_space<hbm>>
          %dma_wait3A_583 = tpu.memref_slice %arg7[%multiple_of3A] : memref<5120xi32, #tpu.memory_space<hbm>> -> memref<128xi32, #tpu.memory_space<hbm>>
          tpu.wait_dma2 semaphore(%arg17 : memref<!tpu.dma_semaphore, #tpu.memory_space<semaphore_mem>>) src(%arg16 : memref<128xi32, #tpu.memory_space<vmem>>) dst(%dma_wait3A_583 : memref<128xi32, #tpu.memory_space<hbm>>)
        }
      } else {
      }
    } else {
    }
    return
  }
}

#map = affine_map<(d0, d1) -> (0, 0)>
#map1 = affine_map<(d0, d1) -> (0)>
module attributes {stable_mosaic.version = 14 : i64} {
  func.func @_gather(%arg0: i32, %arg1: i32, %arg2: memref<2048x768xf32, #tpu.memory_space<hbm>>, %arg3: memref<5120xi32, #tpu.memory_space<hbm>>, %arg4: memref<5120x768xf32, #tpu.memory_space<hbm>>, %arg5: memref<80xi32, #tpu.memory_space<vmem>>, %arg6: memref<80x768xf32, #tpu.memory_space<vmem>>, %arg7: memref<!tpu.dma_semaphore, #tpu.memory_space<semaphore_mem>>) attributes {dimension_semantics = [#tpu.dimension_semantics<core_parallel>, #tpu.dimension_semantics<subcore_parallel>], iteration_bounds = array<i64: 2, 16>, scalar_prefetch = 0 : i64, scratch_operands = 3 : i64, tpu.core_type = #tpu.core_type<sc_vector_subcore>, window_params = [{transform_indices = #map}, {transform_indices = #map1}, {transform_indices = #map}]} {
    %mul3A = arith.constant 2 : i32
    %mul3A_0 = arith.muli %arg1, %mul3A : i32
    %add3A = arith.addi %mul3A_0, %arg0 : i32
    %mul3A_1 = arith.constant 160 : i32
    %mul3A_2 = arith.muli %add3A, %mul3A_1 : i32
    %add3A_3 = arith.constant 0 : i32
    %add3A_4 = arith.addi %mul3A_2, %add3A_3 : i32
    %multiple_of3A = tpu.assume_multiple %add3A_4, 80 : i32
    "tpu.region"() ({
      %run_scoped3A = tpu.sem_alloc : memref<!tpu.dma_semaphore, #tpu.memory_space<semaphore_mem>>
      %dma_start3A_18 = tpu.memref_slice %arg3[%multiple_of3A] : memref<5120xi32, #tpu.memory_space<hbm>> -> memref<80xi32, #tpu.memory_space<hbm>>
      %dma_start3A_19 = tpu.memref_slice %arg3[%multiple_of3A] : memref<5120xi32, #tpu.memory_space<hbm>> -> memref<80xi32, #tpu.memory_space<hbm>>
      tpu.enqueue_dma source(%dma_start3A_19 : memref<80xi32, #tpu.memory_space<hbm>>) target(%arg5 : memref<80xi32, #tpu.memory_space<vmem>>) target_semaphore(%run_scoped3A : memref<!tpu.dma_semaphore, #tpu.memory_space<semaphore_mem>>)
      %dma_wait3A_20 = tpu.memref_slice %arg3[%multiple_of3A] : memref<5120xi32, #tpu.memory_space<hbm>> -> memref<80xi32, #tpu.memory_space<hbm>>
      %dma_wait3A_21 = tpu.memref_slice %arg3[%multiple_of3A] : memref<5120xi32, #tpu.memory_space<hbm>> -> memref<80xi32, #tpu.memory_space<hbm>>
      tpu.wait_dma2 semaphore(%run_scoped3A : memref<!tpu.dma_semaphore, #tpu.memory_space<semaphore_mem>>) src(%dma_wait3A_21 : memref<80xi32, #tpu.memory_space<hbm>>) dst(%arg5 : memref<80xi32, #tpu.memory_space<vmem>>)
      tpu.yield
    }) : () -> ()
    %dma_start3A = arith.constant 0 : i32
    %dma_start3A_5 = arith.constant 0 : i32
    %dma_start3A_6 = tpu.memref_slice %arg2[%dma_start3A, %dma_start3A_5] : memref<2048x768xf32, #tpu.memory_space<hbm>> -> memref<2048x768xf32, #tpu.memory_space<hbm>>
    tpu.enqueue_indirect_dma source(%dma_start3A_6 : memref<2048x768xf32, #tpu.memory_space<hbm>>) target(%arg6 : memref<80x768xf32, #tpu.memory_space<vmem>>) offsets(%arg5 : memref<80xi32, #tpu.memory_space<vmem>>) semaphore(%arg7 : memref<!tpu.dma_semaphore, #tpu.memory_space<semaphore_mem>>)
    %dma_wait3A = arith.constant 0 : i32
    %dma_wait3A_7 = arith.constant 0 : i32
    %dma_wait3A_8 = tpu.memref_slice %arg2[%dma_wait3A, %dma_wait3A_7] : memref<2048x768xf32, #tpu.memory_space<hbm>> -> memref<2048x768xf32, #tpu.memory_space<hbm>>
    tpu.wait_indirect_dma semaphore(%arg7 : memref<!tpu.dma_semaphore, #tpu.memory_space<semaphore_mem>>) src(%dma_wait3A_8 : memref<2048x768xf32, #tpu.memory_space<hbm>>) dst(%arg6 : memref<80x768xf32, #tpu.memory_space<vmem>>)
    "tpu.region"() ({
      %run_scoped3A = tpu.sem_alloc : memref<!tpu.dma_semaphore, #tpu.memory_space<semaphore_mem>>
      %dma_start3A_18 = arith.constant 0 : i32
      %dma_start3A_19 = tpu.memref_slice %arg4[%multiple_of3A, %dma_start3A_18] : memref<5120x768xf32, #tpu.memory_space<hbm>> -> memref<80x768xf32, #tpu.memory_space<hbm>>
      %dma_start3A_20 = arith.constant 0 : i32
      %dma_start3A_21 = tpu.memref_slice %arg4[%multiple_of3A, %dma_start3A_20] : memref<5120x768xf32, #tpu.memory_space<hbm>> -> memref<80x768xf32, #tpu.memory_space<hbm>>
      tpu.enqueue_dma source(%arg6 : memref<80x768xf32, #tpu.memory_space<vmem>>) target(%dma_start3A_21 : memref<80x768xf32, #tpu.memory_space<hbm>>) target_semaphore(%run_scoped3A : memref<!tpu.dma_semaphore, #tpu.memory_space<semaphore_mem>>)
      %dma_wait3A_22 = arith.constant 0 : i32
      %dma_wait3A_23 = tpu.memref_slice %arg4[%multiple_of3A, %dma_wait3A_22] : memref<5120x768xf32, #tpu.memory_space<hbm>> -> memref<80x768xf32, #tpu.memory_space<hbm>>
      %dma_wait3A_24 = arith.constant 0 : i32
      %dma_wait3A_25 = tpu.memref_slice %arg4[%multiple_of3A, %dma_wait3A_24] : memref<5120x768xf32, #tpu.memory_space<hbm>> -> memref<80x768xf32, #tpu.memory_space<hbm>>
      tpu.wait_dma2 semaphore(%run_scoped3A : memref<!tpu.dma_semaphore, #tpu.memory_space<semaphore_mem>>) src(%arg6 : memref<80x768xf32, #tpu.memory_space<vmem>>) dst(%dma_wait3A_25 : memref<80x768xf32, #tpu.memory_space<hbm>>)
      tpu.yield
    }) : () -> ()
    %add3A_9 = arith.constant 80 : i32
    %add3A_10 = arith.addi %mul3A_2, %add3A_9 : i32
    %multiple_of3A_11 = tpu.assume_multiple %add3A_10, 80 : i32
    "tpu.region"() ({
      %run_scoped3A = tpu.sem_alloc : memref<!tpu.dma_semaphore, #tpu.memory_space<semaphore_mem>>
      %dma_start3A_18 = tpu.memref_slice %arg3[%multiple_of3A_11] : memref<5120xi32, #tpu.memory_space<hbm>> -> memref<80xi32, #tpu.memory_space<hbm>>
      %dma_start3A_19 = tpu.memref_slice %arg3[%multiple_of3A_11] : memref<5120xi32, #tpu.memory_space<hbm>> -> memref<80xi32, #tpu.memory_space<hbm>>
      tpu.enqueue_dma source(%dma_start3A_19 : memref<80xi32, #tpu.memory_space<hbm>>) target(%arg5 : memref<80xi32, #tpu.memory_space<vmem>>) target_semaphore(%run_scoped3A : memref<!tpu.dma_semaphore, #tpu.memory_space<semaphore_mem>>)
      %dma_wait3A_20 = tpu.memref_slice %arg3[%multiple_of3A_11] : memref<5120xi32, #tpu.memory_space<hbm>> -> memref<80xi32, #tpu.memory_space<hbm>>
      %dma_wait3A_21 = tpu.memref_slice %arg3[%multiple_of3A_11] : memref<5120xi32, #tpu.memory_space<hbm>> -> memref<80xi32, #tpu.memory_space<hbm>>
      tpu.wait_dma2 semaphore(%run_scoped3A : memref<!tpu.dma_semaphore, #tpu.memory_space<semaphore_mem>>) src(%dma_wait3A_21 : memref<80xi32, #tpu.memory_space<hbm>>) dst(%arg5 : memref<80xi32, #tpu.memory_space<vmem>>)
      tpu.yield
    }) : () -> ()
    %dma_start3A_12 = arith.constant 0 : i32
    %dma_start3A_13 = arith.constant 0 : i32
    %dma_start3A_14 = tpu.memref_slice %arg2[%dma_start3A_12, %dma_start3A_13] : memref<2048x768xf32, #tpu.memory_space<hbm>> -> memref<2048x768xf32, #tpu.memory_space<hbm>>
    tpu.enqueue_indirect_dma source(%dma_start3A_14 : memref<2048x768xf32, #tpu.memory_space<hbm>>) target(%arg6 : memref<80x768xf32, #tpu.memory_space<vmem>>) offsets(%arg5 : memref<80xi32, #tpu.memory_space<vmem>>) semaphore(%arg7 : memref<!tpu.dma_semaphore, #tpu.memory_space<semaphore_mem>>)
    %dma_wait3A_15 = arith.constant 0 : i32
    %dma_wait3A_16 = arith.constant 0 : i32
    %dma_wait3A_17 = tpu.memref_slice %arg2[%dma_wait3A_15, %dma_wait3A_16] : memref<2048x768xf32, #tpu.memory_space<hbm>> -> memref<2048x768xf32, #tpu.memory_space<hbm>>
    tpu.wait_indirect_dma semaphore(%arg7 : memref<!tpu.dma_semaphore, #tpu.memory_space<semaphore_mem>>) src(%dma_wait3A_17 : memref<2048x768xf32, #tpu.memory_space<hbm>>) dst(%arg6 : memref<80x768xf32, #tpu.memory_space<vmem>>)
    "tpu.region"() ({
      %run_scoped3A = tpu.sem_alloc : memref<!tpu.dma_semaphore, #tpu.memory_space<semaphore_mem>>
      %dma_start3A_18 = arith.constant 0 : i32
      %dma_start3A_19 = tpu.memref_slice %arg4[%multiple_of3A_11, %dma_start3A_18] : memref<5120x768xf32, #tpu.memory_space<hbm>> -> memref<80x768xf32, #tpu.memory_space<hbm>>
      %dma_start3A_20 = arith.constant 0 : i32
      %dma_start3A_21 = tpu.memref_slice %arg4[%multiple_of3A_11, %dma_start3A_20] : memref<5120x768xf32, #tpu.memory_space<hbm>> -> memref<80x768xf32, #tpu.memory_space<hbm>>
      tpu.enqueue_dma source(%arg6 : memref<80x768xf32, #tpu.memory_space<vmem>>) target(%dma_start3A_21 : memref<80x768xf32, #tpu.memory_space<hbm>>) target_semaphore(%run_scoped3A : memref<!tpu.dma_semaphore, #tpu.memory_space<semaphore_mem>>)
      %dma_wait3A_22 = arith.constant 0 : i32
      %dma_wait3A_23 = tpu.memref_slice %arg4[%multiple_of3A_11, %dma_wait3A_22] : memref<5120x768xf32, #tpu.memory_space<hbm>> -> memref<80x768xf32, #tpu.memory_space<hbm>>
      %dma_wait3A_24 = arith.constant 0 : i32
      %dma_wait3A_25 = tpu.memref_slice %arg4[%multiple_of3A_11, %dma_wait3A_24] : memref<5120x768xf32, #tpu.memory_space<hbm>> -> memref<80x768xf32, #tpu.memory_space<hbm>>
      tpu.wait_dma2 semaphore(%run_scoped3A : memref<!tpu.dma_semaphore, #tpu.memory_space<semaphore_mem>>) src(%arg6 : memref<80x768xf32, #tpu.memory_space<vmem>>) dst(%dma_wait3A_25 : memref<80x768xf32, #tpu.memory_space<hbm>>)
      tpu.yield
    }) : () -> ()
    return
  }
}

#map = affine_map<(d0, d1) -> (0, 0)>
#map1 = affine_map<(d0, d1) -> (0)>
module attributes {stable_mosaic.version = 14 : i64} {
  func.func @_combine(%arg0: i32, %arg1: i32, %arg2: memref<5120x768xf32, #tpu.memory_space<hbm>>, %arg3: memref<5120xi32, #tpu.memory_space<hbm>>, %arg4: memref<2048x768xf32, #tpu.memory_space<hbm>>, %arg5: memref<2048x768xf32, #tpu.memory_space<hbm>>, %arg6: memref<5120xi32, #tpu.memory_space<vmem>>, %arg7: memref<144xi32, #tpu.memory_space<vmem>>, %arg8: memref<144xi32, #tpu.memory_space<vmem>>, %arg9: memref<128xi32, #tpu.memory_space<vmem>>, %arg10: memref<64x768xf32, #tpu.memory_space<vmem>>, %arg11: memref<64x768xf32, #tpu.memory_space<vmem>>, %arg12: memref<!tpu.dma_semaphore, #tpu.memory_space<semaphore_mem>>) attributes {dimension_semantics = [#tpu.dimension_semantics<core_parallel>, #tpu.dimension_semantics<subcore_parallel>], iteration_bounds = array<i64: 2, 16>, scalar_prefetch = 0 : i64, scratch_operands = 7 : i64, tpu.core_type = #tpu.core_type<sc_vector_subcore>, window_params = [{transform_indices = #map}, {transform_indices = #map1}, {transform_indices = #map}, {transform_indices = #map}]} {
    %mul3A = arith.constant 2 : i32
    %mul3A_0 = arith.muli %arg1, %mul3A : i32
    %add3A = arith.addi %mul3A_0, %arg0 : i32
    %mul3A_1 = arith.constant 64 : i32
    %mul3A_2 = arith.muli %add3A, %mul3A_1 : i32
    %mul3A_3 = arith.constant 2 : i32
    %mul3A_4 = arith.muli %mul3A_2, %mul3A_3 : i32
    %multiple_of3A = tpu.assume_multiple %mul3A_2, 64 : i32
    %dma_start3A = arith.constant 0 : i32
    %dma_start3A_5 = tpu.memref_slice %arg4[%multiple_of3A, %dma_start3A] : memref<2048x768xf32, #tpu.memory_space<hbm>> -> memref<64x768xf32, #tpu.memory_space<hbm>>
    %dma_start3A_6 = arith.constant 0 : i32
    %dma_start3A_7 = tpu.memref_slice %arg4[%multiple_of3A, %dma_start3A_6] : memref<2048x768xf32, #tpu.memory_space<hbm>> -> memref<64x768xf32, #tpu.memory_space<hbm>>
    tpu.enqueue_dma source(%dma_start3A_7 : memref<64x768xf32, #tpu.memory_space<hbm>>) target(%arg11 : memref<64x768xf32, #tpu.memory_space<vmem>>) target_semaphore(%arg12 : memref<!tpu.dma_semaphore, #tpu.memory_space<semaphore_mem>>)
    "tpu.region"() ({
      %run_scoped3A = tpu.sem_alloc : memref<!tpu.dma_semaphore, #tpu.memory_space<semaphore_mem>>
      tpu.enqueue_dma source(%arg3 : memref<5120xi32, #tpu.memory_space<hbm>>) target(%arg6 : memref<5120xi32, #tpu.memory_space<vmem>>) target_semaphore(%run_scoped3A : memref<!tpu.dma_semaphore, #tpu.memory_space<semaphore_mem>>)
      tpu.wait_dma2 semaphore(%run_scoped3A : memref<!tpu.dma_semaphore, #tpu.memory_space<semaphore_mem>>) src(%arg3 : memref<5120xi32, #tpu.memory_space<hbm>>) dst(%arg6 : memref<5120xi32, #tpu.memory_space<vmem>>)
      tpu.yield
    }) : () -> ()
    %iota3A = tpu.iota {dimensions = array<i32: 0>} : vector<16xi32>
    %scan3A = arith.constant 0 : i32
    %scan3A_8 = arith.constant 0 : i32
    %scan3A_9 = arith.constant 320 : i32
    %scan3A_10 = arith.addi %scan3A_8, %scan3A_9 : i32
    %scan3A_11 = arith.constant 1 : i32
    %scan3A_12 = scf.for %scan3A_95 = %scan3A_8 to %scan3A_10 step %scan3A_11 iter_args(%scan3A_96 = %scan3A) -> (i32)  : i32 {
      %mul3A_97 = arith.constant 16 : i32
      %mul3A_98 = arith.muli %scan3A_95, %mul3A_97 : i32
      %get3A_99 = arith.index_cast %mul3A_98 : i32 to index
      %get3A_100 = tpu.vector_load %arg6[%get3A_99] {strides = array<i32>} : memref<5120xi32, #tpu.memory_space<vmem>>, vector<16xi32>,
      %ge3A = vector.broadcast %mul3A_4 : i32 to vector<16xi32>
      %ge3A_101 = arith.cmpi sge, %get3A_100, %ge3A : vector<16xi32>
      %add3A_102 = arith.constant 128 : i32
      %add3A_103 = arith.addi %mul3A_4, %add3A_102 : i32
      %lt3A = vector.broadcast %add3A_103 : i32 to vector<16xi32>
      %lt3A_104 = arith.cmpi slt, %get3A_100, %lt3A : vector<16xi32>
      %and3A = arith.andi %ge3A_101, %lt3A_104 : vector<16xi1>
      %mul3A_105 = arith.constant 16 : i32
      %mul3A_106 = arith.muli %scan3A_95, %mul3A_105 : i32
      %add3A_107 = vector.broadcast %mul3A_106 : i32 to vector<16xi32>
      %add3A_108 = arith.addi %iota3A, %add3A_107 : vector<16xi32>
      %swap3A = arith.index_cast %scan3A_96 : i32 to index
      %swap3A_109 = tpu.vector_load %arg7[%swap3A] masked %and3A {strides = array<i32>} : memref<144xi32, #tpu.memory_space<vmem>>, vector<16xi32>, vector<16xi1>
      tpu.vector_store %arg7[%swap3A], %add3A_108 masked %and3A {strides = array<i32>} : memref<144xi32, #tpu.memory_space<vmem>>, vector<16xi32>, vector<16xi1>
      %swap3A_110 = arith.index_cast %scan3A_96 : i32 to index
      %swap3A_111 = tpu.vector_load %arg8[%swap3A_110] masked %and3A {strides = array<i32>} : memref<144xi32, #tpu.memory_space<vmem>>, vector<16xi32>, vector<16xi1>
      tpu.vector_store %arg8[%swap3A_110], %get3A_100 masked %and3A {strides = array<i32>} : memref<144xi32, #tpu.memory_space<vmem>>, vector<16xi32>, vector<16xi1>
      %all_reduce_population_count3A = tpu.all_reduce %and3A {dim = 0 : i64, kind = #tpu.reduction_kind<sum>} : vector<16xi1> -> vector<16xi32>
      %slice3A = vector.extract_strided_slice %all_reduce_population_count3A {offsets = [0], sizes = [1], strides = [1]} : vector<16xi32> to vector<1xi32>
      %squeeze3A = vector.extract %slice3A[0] : i32 from vector<1xi32>
      %add3A_112 = arith.addi %scan3A_96, %squeeze3A : i32
      scf.yield %add3A_112 : i32
    }
    %scan3A_13 = arith.constant 320 : i32
    %get3A = arith.constant 0 : index
    %get3A_14 = tpu.vector_load %arg8[%get3A] {strides = array<i32>} : memref<144xi32, #tpu.memory_space<vmem>>, vector<16xi32>,
    %sub3A = vector.broadcast %mul3A_4 : i32 to vector<16xi32>
    %sub3A_15 = arith.subi %get3A_14, %sub3A : vector<16xi32>
    %get3A_16 = arith.constant 0 : index
    %get3A_17 = tpu.vector_load %arg7[%get3A_16] {strides = array<i32>} : memref<144xi32, #tpu.memory_space<vmem>>, vector<16xi32>,
    tpu.vector_store_idx %arg9[%sub3A_15], %get3A_17 : memref<128xi32, #tpu.memory_space<vmem>>[vector<16xi32>], vector<16xi32>,
    %get3A_18 = arith.constant 16 : index
    %get3A_19 = tpu.vector_load %arg8[%get3A_18] {strides = array<i32>} : memref<144xi32, #tpu.memory_space<vmem>>, vector<16xi32>,
    %sub3A_20 = vector.broadcast %mul3A_4 : i32 to vector<16xi32>
    %sub3A_21 = arith.subi %get3A_19, %sub3A_20 : vector<16xi32>
    %get3A_22 = arith.constant 16 : index
    %get3A_23 = tpu.vector_load %arg7[%get3A_22] {strides = array<i32>} : memref<144xi32, #tpu.memory_space<vmem>>, vector<16xi32>,
    tpu.vector_store_idx %arg9[%sub3A_21], %get3A_23 : memref<128xi32, #tpu.memory_space<vmem>>[vector<16xi32>], vector<16xi32>,
    %get3A_24 = arith.constant 32 : index
    %get3A_25 = tpu.vector_load %arg8[%get3A_24] {strides = array<i32>} : memref<144xi32, #tpu.memory_space<vmem>>, vector<16xi32>,
    %sub3A_26 = vector.broadcast %mul3A_4 : i32 to vector<16xi32>
    %sub3A_27 = arith.subi %get3A_25, %sub3A_26 : vector<16xi32>
    %get3A_28 = arith.constant 32 : index
    %get3A_29 = tpu.vector_load %arg7[%get3A_28] {strides = array<i32>} : memref<144xi32, #tpu.memory_space<vmem>>, vector<16xi32>,
    tpu.vector_store_idx %arg9[%sub3A_27], %get3A_29 : memref<128xi32, #tpu.memory_space<vmem>>[vector<16xi32>], vector<16xi32>,
    %get3A_30 = arith.constant 48 : index
    %get3A_31 = tpu.vector_load %arg8[%get3A_30] {strides = array<i32>} : memref<144xi32, #tpu.memory_space<vmem>>, vector<16xi32>,
    %sub3A_32 = vector.broadcast %mul3A_4 : i32 to vector<16xi32>
    %sub3A_33 = arith.subi %get3A_31, %sub3A_32 : vector<16xi32>
    %get3A_34 = arith.constant 48 : index
    %get3A_35 = tpu.vector_load %arg7[%get3A_34] {strides = array<i32>} : memref<144xi32, #tpu.memory_space<vmem>>, vector<16xi32>,
    tpu.vector_store_idx %arg9[%sub3A_33], %get3A_35 : memref<128xi32, #tpu.memory_space<vmem>>[vector<16xi32>], vector<16xi32>,
    %get3A_36 = arith.constant 64 : index
    %get3A_37 = tpu.vector_load %arg8[%get3A_36] {strides = array<i32>} : memref<144xi32, #tpu.memory_space<vmem>>, vector<16xi32>,
    %sub3A_38 = vector.broadcast %mul3A_4 : i32 to vector<16xi32>
    %sub3A_39 = arith.subi %get3A_37, %sub3A_38 : vector<16xi32>
    %get3A_40 = arith.constant 64 : index
    %get3A_41 = tpu.vector_load %arg7[%get3A_40] {strides = array<i32>} : memref<144xi32, #tpu.memory_space<vmem>>, vector<16xi32>,
    tpu.vector_store_idx %arg9[%sub3A_39], %get3A_41 : memref<128xi32, #tpu.memory_space<vmem>>[vector<16xi32>], vector<16xi32>,
    %get3A_42 = arith.constant 80 : index
    %get3A_43 = tpu.vector_load %arg8[%get3A_42] {strides = array<i32>} : memref<144xi32, #tpu.memory_space<vmem>>, vector<16xi32>,
    %sub3A_44 = vector.broadcast %mul3A_4 : i32 to vector<16xi32>
    %sub3A_45 = arith.subi %get3A_43, %sub3A_44 : vector<16xi32>
    %get3A_46 = arith.constant 80 : index
    %get3A_47 = tpu.vector_load %arg7[%get3A_46] {strides = array<i32>} : memref<144xi32, #tpu.memory_space<vmem>>, vector<16xi32>,
    tpu.vector_store_idx %arg9[%sub3A_45], %get3A_47 : memref<128xi32, #tpu.memory_space<vmem>>[vector<16xi32>], vector<16xi32>,
    %get3A_48 = arith.constant 96 : index
    %get3A_49 = tpu.vector_load %arg8[%get3A_48] {strides = array<i32>} : memref<144xi32, #tpu.memory_space<vmem>>, vector<16xi32>,
    %sub3A_50 = vector.broadcast %mul3A_4 : i32 to vector<16xi32>
    %sub3A_51 = arith.subi %get3A_49, %sub3A_50 : vector<16xi32>
    %get3A_52 = arith.constant 96 : index
    %get3A_53 = tpu.vector_load %arg7[%get3A_52] {strides = array<i32>} : memref<144xi32, #tpu.memory_space<vmem>>, vector<16xi32>,
    tpu.vector_store_idx %arg9[%sub3A_51], %get3A_53 : memref<128xi32, #tpu.memory_space<vmem>>[vector<16xi32>], vector<16xi32>,
    %get3A_54 = arith.constant 112 : index
    %get3A_55 = tpu.vector_load %arg8[%get3A_54] {strides = array<i32>} : memref<144xi32, #tpu.memory_space<vmem>>, vector<16xi32>,
    %sub3A_56 = vector.broadcast %mul3A_4 : i32 to vector<16xi32>
    %sub3A_57 = arith.subi %get3A_55, %sub3A_56 : vector<16xi32>
    %get3A_58 = arith.constant 112 : index
    %get3A_59 = tpu.vector_load %arg7[%get3A_58] {strides = array<i32>} : memref<144xi32, #tpu.memory_space<vmem>>, vector<16xi32>,
    tpu.vector_store_idx %arg9[%sub3A_57], %get3A_59 : memref<128xi32, #tpu.memory_space<vmem>>[vector<16xi32>], vector<16xi32>,
    %dma_wait3A = arith.constant 0 : i32
    %dma_wait3A_60 = tpu.memref_slice %arg4[%multiple_of3A, %dma_wait3A] : memref<2048x768xf32, #tpu.memory_space<hbm>> -> memref<64x768xf32, #tpu.memory_space<hbm>>
    %dma_wait3A_61 = arith.constant 0 : i32
    %dma_wait3A_62 = tpu.memref_slice %arg4[%multiple_of3A, %dma_wait3A_61] : memref<2048x768xf32, #tpu.memory_space<hbm>> -> memref<64x768xf32, #tpu.memory_space<hbm>>
    tpu.wait_dma2 semaphore(%arg12 : memref<!tpu.dma_semaphore, #tpu.memory_space<semaphore_mem>>) src(%dma_wait3A_62 : memref<64x768xf32, #tpu.memory_space<hbm>>) dst(%arg11 : memref<64x768xf32, #tpu.memory_space<vmem>>)
    %dma_start3A_63 = arith.constant 0 : i32
    %dma_start3A_64 = tpu.memref_slice %arg9[%dma_start3A_63] : memref<128xi32, #tpu.memory_space<vmem>> -> memref<64xi32, #tpu.memory_space<vmem>>
    %dma_start3A_65 = arith.constant 0 : i32
    %dma_start3A_66 = arith.constant 0 : i32
    %dma_start3A_67 = tpu.memref_slice %arg2[%dma_start3A_65, %dma_start3A_66] : memref<5120x768xf32, #tpu.memory_space<hbm>> -> memref<5120x768xf32, #tpu.memory_space<hbm>>
    tpu.enqueue_indirect_dma source(%dma_start3A_67 : memref<5120x768xf32, #tpu.memory_space<hbm>>) target(%arg10 : memref<64x768xf32, #tpu.memory_space<vmem>>) offsets(%dma_start3A_64 : memref<64xi32, #tpu.memory_space<vmem>>) semaphore(%arg12 : memref<!tpu.dma_semaphore, #tpu.memory_space<semaphore_mem>>)
    %dma_wait3A_68 = arith.constant 0 : i32
    %dma_wait3A_69 = tpu.memref_slice %arg9[%dma_wait3A_68] : memref<128xi32, #tpu.memory_space<vmem>> -> memref<64xi32, #tpu.memory_space<vmem>>
    %dma_wait3A_70 = arith.constant 0 : i32
    %dma_wait3A_71 = arith.constant 0 : i32
    %dma_wait3A_72 = tpu.memref_slice %arg2[%dma_wait3A_70, %dma_wait3A_71] : memref<5120x768xf32, #tpu.memory_space<hbm>> -> memref<5120x768xf32, #tpu.memory_space<hbm>>
    tpu.wait_indirect_dma semaphore(%arg12 : memref<!tpu.dma_semaphore, #tpu.memory_space<semaphore_mem>>) src(%dma_wait3A_72 : memref<5120x768xf32, #tpu.memory_space<hbm>>) dst(%arg10 : memref<64x768xf32, #tpu.memory_space<vmem>>)
    %scan3A_73 = arith.constant 0 : i32
    %scan3A_74 = arith.constant 0 : i32
    %scan3A_75 = arith.constant 32 : i32
    %scan3A_76 = arith.addi %scan3A_74, %scan3A_75 : i32
    %scan3A_77 = arith.constant 1 : i32
    scf.for %scan3A_95 = %scan3A_74 to %scan3A_76 step %scan3A_77  : i32 {
      %add3A_96 = arith.constant 0 : i32
      %add3A_97 = arith.addi %scan3A_95, %add3A_96 : i32
      %get3A_98 = arith.index_cast %add3A_97 : i32 to index
      %get3A_99 = arith.constant 0 : index
      %get3A_100 = tpu.vector_load %arg11[%get3A_98, %get3A_99] {strides = array<i32>} : memref<64x768xf32, #tpu.memory_space<vmem>>, vector<16xf32>,
      %mul3A_101 = arith.constant 2 : i32
      %mul3A_102 = arith.muli %mul3A_101, %scan3A_95 : i32
      %get3A_103 = arith.index_cast %mul3A_102 : i32 to index
      %get3A_104 = arith.constant 0 : index
      %get3A_105 = tpu.vector_load %arg10[%get3A_103, %get3A_104] {strides = array<i32>} : memref<64x768xf32, #tpu.memory_space<vmem>>, vector<16xf32>,
      %add3A_106 = arith.addf %get3A_100, %get3A_105 : vector<16xf32>
      %mul3A_107 = arith.constant 2 : i32
      %mul3A_108 = arith.muli %mul3A_107, %scan3A_95 : i32
      %add3A_109 = arith.constant 1 : i32
      %add3A_110 = arith.addi %mul3A_108, %add3A_109 : i32
      %get3A_111 = arith.index_cast %add3A_110 : i32 to index
      %get3A_112 = arith.constant 0 : index
      %get3A_113 = tpu.vector_load %arg10[%get3A_111, %get3A_112] {strides = array<i32>} : memref<64x768xf32, #tpu.memory_space<vmem>>, vector<16xf32>,
      %add3A_114 = arith.addf %add3A_106, %get3A_113 : vector<16xf32>
      %swap3A = arith.index_cast %add3A_97 : i32 to index
      %swap3A_115 = arith.constant 0 : index
      %swap3A_116 = tpu.vector_load %arg11[%swap3A, %swap3A_115] {strides = array<i32>} : memref<64x768xf32, #tpu.memory_space<vmem>>, vector<16xf32>,
      tpu.vector_store %arg11[%swap3A, %swap3A_115], %add3A_114 {strides = array<i32>} : memref<64x768xf32, #tpu.memory_space<vmem>>, vector<16xf32>,
      %get3A_117 = arith.index_cast %add3A_97 : i32 to index
      %get3A_118 = arith.constant 16 : index
      %get3A_119 = tpu.vector_load %arg11[%get3A_117, %get3A_118] {strides = array<i32>} : memref<64x768xf32, #tpu.memory_space<vmem>>, vector<16xf32>,
      %mul3A_120 = arith.constant 2 : i32
      %mul3A_121 = arith.muli %mul3A_120, %scan3A_95 : i32
      %get3A_122 = arith.index_cast %mul3A_121 : i32 to index
      %get3A_123 = arith.constant 16 : index
      %get3A_124 = tpu.vector_load %arg10[%get3A_122, %get3A_123] {strides = array<i32>} : memref<64x768xf32, #tpu.memory_space<vmem>>, vector<16xf32>,
      %add3A_125 = arith.addf %get3A_119, %get3A_124 : vector<16xf32>
      %mul3A_126 = arith.constant 2 : i32
      %mul3A_127 = arith.muli %mul3A_126, %scan3A_95 : i32
      %add3A_128 = arith.constant 1 : i32
      %add3A_129 = arith.addi %mul3A_127, %add3A_128 : i32
      %get3A_130 = arith.index_cast %add3A_129 : i32 to index
      %get3A_131 = arith.constant 16 : index
      %get3A_132 = tpu.vector_load %arg10[%get3A_130, %get3A_131] {strides = array<i32>} : memref<64x768xf32, #tpu.memory_space<vmem>>, vector<16xf32>,
      %add3A_133 = arith.addf %add3A_125, %get3A_132 : vector<16xf32>
      %swap3A_134 = arith.index_cast %add3A_97 : i32 to index
      %swap3A_135 = arith.constant 16 : index
      %swap3A_136 = tpu.vector_load %arg11[%swap3A_134, %swap3A_135] {strides = array<i32>} : memref<64x768xf32, #tpu.memory_space<vmem>>, vector<16xf32>,
      tpu.vector_store %arg11[%swap3A_134, %swap3A_135], %add3A_133 {strides = array<i32>} : memref<64x768xf32, #tpu.memory_space<vmem>>, vector<16xf32>,
      %get3A_137 = arith.index_cast %add3A_97 : i32 to index
      %get3A_138 = arith.constant 32 : index
      %get3A_139 = tpu.vector_load %arg11[%get3A_137, %get3A_138] {strides = array<i32>} : memref<64x768xf32, #tpu.memory_space<vmem>>, vector<16xf32>,
      %mul3A_140 = arith.constant 2 : i32
      %mul3A_141 = arith.muli %mul3A_140, %scan3A_95 : i32
      %get3A_142 = arith.index_cast %mul3A_141 : i32 to index
      %get3A_143 = arith.constant 32 : index
      %get3A_144 = tpu.vector_load %arg10[%get3A_142, %get3A_143] {strides = array<i32>} : memref<64x768xf32, #tpu.memory_space<vmem>>, vector<16xf32>,
      %add3A_145 = arith.addf %get3A_139, %get3A_144 : vector<16xf32>
      %mul3A_146 = arith.constant 2 : i32
      %mul3A_147 = arith.muli %mul3A_146, %scan3A_95 : i32
      %add3A_148 = arith.constant 1 : i32
      %add3A_149 = arith.addi %mul3A_147, %add3A_148 : i32
      %get3A_150 = arith.index_cast %add3A_149 : i32 to index
      %get3A_151 = arith.constant 32 : index
      %get3A_152 = tpu.vector_load %arg10[%get3A_150, %get3A_151] {strides = array<i32>} : memref<64x768xf32, #tpu.memory_space<vmem>>, vector<16xf32>,
      %add3A_153 = arith.addf %add3A_145, %get3A_152 : vector<16xf32>
      %swap3A_154 = arith.index_cast %add3A_97 : i32 to index
      %swap3A_155 = arith.constant 32 : index
      %swap3A_156 = tpu.vector_load %arg11[%swap3A_154, %swap3A_155] {strides = array<i32>} : memref<64x768xf32, #tpu.memory_space<vmem>>, vector<16xf32>,
      tpu.vector_store %arg11[%swap3A_154, %swap3A_155], %add3A_153 {strides = array<i32>} : memref<64x768xf32, #tpu.memory_space<vmem>>, vector<16xf32>,
      %get3A_157 = arith.index_cast %add3A_97 : i32 to index
      %get3A_158 = arith.constant 48 : index
      %get3A_159 = tpu.vector_load %arg11[%get3A_157, %get3A_158] {strides = array<i32>} : memref<64x768xf32, #tpu.memory_space<vmem>>, vector<16xf32>,
      %mul3A_160 = arith.constant 2 : i32
      %mul3A_161 = arith.muli %mul3A_160, %scan3A_95 : i32
      %get3A_162 = arith.index_cast %mul3A_161 : i32 to index
      %get3A_163 = arith.constant 48 : index
      %get3A_164 = tpu.vector_load %arg10[%get3A_162, %get3A_163] {strides = array<i32>} : memref<64x768xf32, #tpu.memory_space<vmem>>, vector<16xf32>,
      %add3A_165 = arith.addf %get3A_159, %get3A_164 : vector<16xf32>
      %mul3A_166 = arith.constant 2 : i32
      %mul3A_167 = arith.muli %mul3A_166, %scan3A_95 : i32
      %add3A_168 = arith.constant 1 : i32
      %add3A_169 = arith.addi %mul3A_167, %add3A_168 : i32
      %get3A_170 = arith.index_cast %add3A_169 : i32 to index
      %get3A_171 = arith.constant 48 : index
      %get3A_172 = tpu.vector_load %arg10[%get3A_170, %get3A_171] {strides = array<i32>} : memref<64x768xf32, #tpu.memory_space<vmem>>, vector<16xf32>,
      %add3A_173 = arith.addf %add3A_165, %get3A_172 : vector<16xf32>
      %swap3A_174 = arith.index_cast %add3A_97 : i32 to index
      %swap3A_175 = arith.constant 48 : index
      %swap3A_176 = tpu.vector_load %arg11[%swap3A_174, %swap3A_175] {strides = array<i32>} : memref<64x768xf32, #tpu.memory_space<vmem>>, vector<16xf32>,
      tpu.vector_store %arg11[%swap3A_174, %swap3A_175], %add3A_173 {strides = array<i32>} : memref<64x768xf32, #tpu.memory_space<vmem>>, vector<16xf32>,
      %get3A_177 = arith.index_cast %add3A_97 : i32 to index
      %get3A_178 = arith.constant 64 : index
      %get3A_179 = tpu.vector_load %arg11[%get3A_177, %get3A_178] {strides = array<i32>} : memref<64x768xf32, #tpu.memory_space<vmem>>, vector<16xf32>,
      %mul3A_180 = arith.constant 2 : i32
      %mul3A_181 = arith.muli %mul3A_180, %scan3A_95 : i32
      %get3A_182 = arith.index_cast %mul3A_181 : i32 to index
      %get3A_183 = arith.constant 64 : index
      %get3A_184 = tpu.vector_load %arg10[%get3A_182, %get3A_183] {strides = array<i32>} : memref<64x768xf32, #tpu.memory_space<vmem>>, vector<16xf32>,
      %add3A_185 = arith.addf %get3A_179, %get3A_184 : vector<16xf32>
      %mul3A_186 = arith.constant 2 : i32
      %mul3A_187 = arith.muli %mul3A_186, %scan3A_95 : i32
      %add3A_188 = arith.constant 1 : i32
      %add3A_189 = arith.addi %mul3A_187, %add3A_188 : i32
      %get3A_190 = arith.index_cast %add3A_189 : i32 to index
      %get3A_191 = arith.constant 64 : index
      %get3A_192 = tpu.vector_load %arg10[%get3A_190, %get3A_191] {strides = array<i32>} : memref<64x768xf32, #tpu.memory_space<vmem>>, vector<16xf32>,
      %add3A_193 = arith.addf %add3A_185, %get3A_192 : vector<16xf32>
      %swap3A_194 = arith.index_cast %add3A_97 : i32 to index
      %swap3A_195 = arith.constant 64 : index
      %swap3A_196 = tpu.vector_load %arg11[%swap3A_194, %swap3A_195] {strides = array<i32>} : memref<64x768xf32, #tpu.memory_space<vmem>>, vector<16xf32>,
      tpu.vector_store %arg11[%swap3A_194, %swap3A_195], %add3A_193 {strides = array<i32>} : memref<64x768xf32, #tpu.memory_space<vmem>>, vector<16xf32>,
      %get3A_197 = arith.index_cast %add3A_97 : i32 to index
      %get3A_198 = arith.constant 80 : index
      %get3A_199 = tpu.vector_load %arg11[%get3A_197, %get3A_198] {strides = array<i32>} : memref<64x768xf32, #tpu.memory_space<vmem>>, vector<16xf32>,
      %mul3A_200 = arith.constant 2 : i32
      %mul3A_201 = arith.muli %mul3A_200, %scan3A_95 : i32
      %get3A_202 = arith.index_cast %mul3A_201 : i32 to index
      %get3A_203 = arith.constant 80 : index
      %get3A_204 = tpu.vector_load %arg10[%get3A_202, %get3A_203] {strides = array<i32>} : memref<64x768xf32, #tpu.memory_space<vmem>>, vector<16xf32>,
      %add3A_205 = arith.addf %get3A_199, %get3A_204 : vector<16xf32>
      %mul3A_206 = arith.constant 2 : i32
      %mul3A_207 = arith.muli %mul3A_206, %scan3A_95 : i32
      %add3A_208 = arith.constant 1 : i32
      %add3A_209 = arith.addi %mul3A_207, %add3A_208 : i32
      %get3A_210 = arith.index_cast %add3A_209 : i32 to index
      %get3A_211 = arith.constant 80 : index
      %get3A_212 = tpu.vector_load %arg10[%get3A_210, %get3A_211] {strides = array<i32>} : memref<64x768xf32, #tpu.memory_space<vmem>>, vector<16xf32>,
      %add3A_213 = arith.addf %add3A_205, %get3A_212 : vector<16xf32>
      %swap3A_214 = arith.index_cast %add3A_97 : i32 to index
      %swap3A_215 = arith.constant 80 : index
      %swap3A_216 = tpu.vector_load %arg11[%swap3A_214, %swap3A_215] {strides = array<i32>} : memref<64x768xf32, #tpu.memory_space<vmem>>, vector<16xf32>,
      tpu.vector_store %arg11[%swap3A_214, %swap3A_215], %add3A_213 {strides = array<i32>} : memref<64x768xf32, #tpu.memory_space<vmem>>, vector<16xf32>,
      %get3A_217 = arith.index_cast %add3A_97 : i32 to index
      %get3A_218 = arith.constant 96 : index
      %get3A_219 = tpu.vector_load %arg11[%get3A_217, %get3A_218] {strides = array<i32>} : memref<64x768xf32, #tpu.memory_space<vmem>>, vector<16xf32>,
      %mul3A_220 = arith.constant 2 : i32
      %mul3A_221 = arith.muli %mul3A_220, %scan3A_95 : i32
      %get3A_222 = arith.index_cast %mul3A_221 : i32 to index
      %get3A_223 = arith.constant 96 : index
      %get3A_224 = tpu.vector_load %arg10[%get3A_222, %get3A_223] {strides = array<i32>} : memref<64x768xf32, #tpu.memory_space<vmem>>, vector<16xf32>,
      %add3A_225 = arith.addf %get3A_219, %get3A_224 : vector<16xf32>
      %mul3A_226 = arith.constant 2 : i32
      %mul3A_227 = arith.muli %mul3A_226, %scan3A_95 : i32
      %add3A_228 = arith.constant 1 : i32
      %add3A_229 = arith.addi %mul3A_227, %add3A_228 : i32
      %get3A_230 = arith.index_cast %add3A_229 : i32 to index
      %get3A_231 = arith.constant 96 : index
      %get3A_232 = tpu.vector_load %arg10[%get3A_230, %get3A_231] {strides = array<i32>} : memref<64x768xf32, #tpu.memory_space<vmem>>, vector<16xf32>,
      %add3A_233 = arith.addf %add3A_225, %get3A_232 : vector<16xf32>
      %swap3A_234 = arith.index_cast %add3A_97 : i32 to index
      %swap3A_235 = arith.constant 96 : index
      %swap3A_236 = tpu.vector_load %arg11[%swap3A_234, %swap3A_235] {strides = array<i32>} : memref<64x768xf32, #tpu.memory_space<vmem>>, vector<16xf32>,
      tpu.vector_store %arg11[%swap3A_234, %swap3A_235], %add3A_233 {strides = array<i32>} : memref<64x768xf32, #tpu.memory_space<vmem>>, vector<16xf32>,
      %get3A_237 = arith.index_cast %add3A_97 : i32 to index
      %get3A_238 = arith.constant 112 : index
      %get3A_239 = tpu.vector_load %arg11[%get3A_237, %get3A_238] {strides = array<i32>} : memref<64x768xf32, #tpu.memory_space<vmem>>, vector<16xf32>,
      %mul3A_240 = arith.constant 2 : i32
      %mul3A_241 = arith.muli %mul3A_240, %scan3A_95 : i32
      %get3A_242 = arith.index_cast %mul3A_241 : i32 to index
      %get3A_243 = arith.constant 112 : index
      %get3A_244 = tpu.vector_load %arg10[%get3A_242, %get3A_243] {strides = array<i32>} : memref<64x768xf32, #tpu.memory_space<vmem>>, vector<16xf32>,
      %add3A_245 = arith.addf %get3A_239, %get3A_244 : vector<16xf32>
      %mul3A_246 = arith.constant 2 : i32
      %mul3A_247 = arith.muli %mul3A_246, %scan3A_95 : i32
      %add3A_248 = arith.constant 1 : i32
      %add3A_249 = arith.addi %mul3A_247, %add3A_248 : i32
      %get3A_250 = arith.index_cast %add3A_249 : i32 to index
      %get3A_251 = arith.constant 112 : index
      %get3A_252 = tpu.vector_load %arg10[%get3A_250, %get3A_251] {strides = array<i32>} : memref<64x768xf32, #tpu.memory_space<vmem>>, vector<16xf32>,
      %add3A_253 = arith.addf %add3A_245, %get3A_252 : vector<16xf32>
      %swap3A_254 = arith.index_cast %add3A_97 : i32 to index
      %swap3A_255 = arith.constant 112 : index
      %swap3A_256 = tpu.vector_load %arg11[%swap3A_254, %swap3A_255] {strides = array<i32>} : memref<64x768xf32, #tpu.memory_space<vmem>>, vector<16xf32>,
      tpu.vector_store %arg11[%swap3A_254, %swap3A_255], %add3A_253 {strides = array<i32>} : memref<64x768xf32, #tpu.memory_space<vmem>>, vector<16xf32>,
      %get3A_257 = arith.index_cast %add3A_97 : i32 to index
      %get3A_258 = arith.constant 128 : index
      %get3A_259 = tpu.vector_load %arg11[%get3A_257, %get3A_258] {strides = array<i32>} : memref<64x768xf32, #tpu.memory_space<vmem>>, vector<16xf32>,
      %mul3A_260 = arith.constant 2 : i32
      %mul3A_261 = arith.muli %mul3A_260, %scan3A_95 : i32
      %get3A_262 = arith.index_cast %mul3A_261 : i32 to index
      %get3A_263 = arith.constant 128 : index
      %get3A_264 = tpu.vector_load %arg10[%get3A_262, %get3A_263] {strides = array<i32>} : memref<64x768xf32, #tpu.memory_space<vmem>>, vector<16xf32>,
      %add3A_265 = arith.addf %get3A_259, %get3A_264 : vector<16xf32>
      %mul3A_266 = arith.constant 2 : i32
      %mul3A_267 = arith.muli %mul3A_266, %scan3A_95 : i32
      %add3A_268 = arith.constant 1 : i32
      %add3A_269 = arith.addi %mul3A_267, %add3A_268 : i32
      %get3A_270 = arith.index_cast %add3A_269 : i32 to index
      %get3A_271 = arith.constant 128 : index
      %get3A_272 = tpu.vector_load %arg10[%get3A_270, %get3A_271] {strides = array<i32>} : memref<64x768xf32, #tpu.memory_space<vmem>>, vector<16xf32>,
      %add3A_273 = arith.addf %add3A_265, %get3A_272 : vector<16xf32>
      %swap3A_274 = arith.index_cast %add3A_97 : i32 to index
      %swap3A_275 = arith.constant 128 : index
      %swap3A_276 = tpu.vector_load %arg11[%swap3A_274, %swap3A_275] {strides = array<i32>} : memref<64x768xf32, #tpu.memory_space<vmem>>, vector<16xf32>,
      tpu.vector_store %arg11[%swap3A_274, %swap3A_275], %add3A_273 {strides = array<i32>} : memref<64x768xf32, #tpu.memory_space<vmem>>, vector<16xf32>,
      %get3A_277 = arith.index_cast %add3A_97 : i32 to index
      %get3A_278 = arith.constant 144 : index
      %get3A_279 = tpu.vector_load %arg11[%get3A_277, %get3A_278] {strides = array<i32>} : memref<64x768xf32, #tpu.memory_space<vmem>>, vector<16xf32>,
      %mul3A_280 = arith.constant 2 : i32
      %mul3A_281 = arith.muli %mul3A_280, %scan3A_95 : i32
      %get3A_282 = arith.index_cast %mul3A_281 : i32 to index
      %get3A_283 = arith.constant 144 : index
      %get3A_284 = tpu.vector_load %arg10[%get3A_282, %get3A_283] {strides = array<i32>} : memref<64x768xf32, #tpu.memory_space<vmem>>, vector<16xf32>,
      %add3A_285 = arith.addf %get3A_279, %get3A_284 : vector<16xf32>
      %mul3A_286 = arith.constant 2 : i32
      %mul3A_287 = arith.muli %mul3A_286, %scan3A_95 : i32
      %add3A_288 = arith.constant 1 : i32
      %add3A_289 = arith.addi %mul3A_287, %add3A_288 : i32
      %get3A_290 = arith.index_cast %add3A_289 : i32 to index
      %get3A_291 = arith.constant 144 : index
      %get3A_292 = tpu.vector_load %arg10[%get3A_290, %get3A_291] {strides = array<i32>} : memref<64x768xf32, #tpu.memory_space<vmem>>, vector<16xf32>,
      %add3A_293 = arith.addf %add3A_285, %get3A_292 : vector<16xf32>
      %swap3A_294 = arith.index_cast %add3A_97 : i32 to index
      %swap3A_295 = arith.constant 144 : index
      %swap3A_296 = tpu.vector_load %arg11[%swap3A_294, %swap3A_295] {strides = array<i32>} : memref<64x768xf32, #tpu.memory_space<vmem>>, vector<16xf32>,
      tpu.vector_store %arg11[%swap3A_294, %swap3A_295], %add3A_293 {strides = array<i32>} : memref<64x768xf32, #tpu.memory_space<vmem>>, vector<16xf32>,
      %get3A_297 = arith.index_cast %add3A_97 : i32 to index
      %get3A_298 = arith.constant 160 : index
      %get3A_299 = tpu.vector_load %arg11[%get3A_297, %get3A_298] {strides = array<i32>} : memref<64x768xf32, #tpu.memory_space<vmem>>, vector<16xf32>,
      %mul3A_300 = arith.constant 2 : i32
      %mul3A_301 = arith.muli %mul3A_300, %scan3A_95 : i32
      %get3A_302 = arith.index_cast %mul3A_301 : i32 to index
      %get3A_303 = arith.constant 160 : index
      %get3A_304 = tpu.vector_load %arg10[%get3A_302, %get3A_303] {strides = array<i32>} : memref<64x768xf32, #tpu.memory_space<vmem>>, vector<16xf32>,
      %add3A_305 = arith.addf %get3A_299, %get3A_304 : vector<16xf32>
      %mul3A_306 = arith.constant 2 : i32
      %mul3A_307 = arith.muli %mul3A_306, %scan3A_95 : i32
      %add3A_308 = arith.constant 1 : i32
      %add3A_309 = arith.addi %mul3A_307, %add3A_308 : i32
      %get3A_310 = arith.index_cast %add3A_309 : i32 to index
      %get3A_311 = arith.constant 160 : index
      %get3A_312 = tpu.vector_load %arg10[%get3A_310, %get3A_311] {strides = array<i32>} : memref<64x768xf32, #tpu.memory_space<vmem>>, vector<16xf32>,
      %add3A_313 = arith.addf %add3A_305, %get3A_312 : vector<16xf32>
      %swap3A_314 = arith.index_cast %add3A_97 : i32 to index
      %swap3A_315 = arith.constant 160 : index
      %swap3A_316 = tpu.vector_load %arg11[%swap3A_314, %swap3A_315] {strides = array<i32>} : memref<64x768xf32, #tpu.memory_space<vmem>>, vector<16xf32>,
      tpu.vector_store %arg11[%swap3A_314, %swap3A_315], %add3A_313 {strides = array<i32>} : memref<64x768xf32, #tpu.memory_space<vmem>>, vector<16xf32>,
      %get3A_317 = arith.index_cast %add3A_97 : i32 to index
      %get3A_318 = arith.constant 176 : index
      %get3A_319 = tpu.vector_load %arg11[%get3A_317, %get3A_318] {strides = array<i32>} : memref<64x768xf32, #tpu.memory_space<vmem>>, vector<16xf32>,
      %mul3A_320 = arith.constant 2 : i32
      %mul3A_321 = arith.muli %mul3A_320, %scan3A_95 : i32
      %get3A_322 = arith.index_cast %mul3A_321 : i32 to index
      %get3A_323 = arith.constant 176 : index
      %get3A_324 = tpu.vector_load %arg10[%get3A_322, %get3A_323] {strides = array<i32>} : memref<64x768xf32, #tpu.memory_space<vmem>>, vector<16xf32>,
      %add3A_325 = arith.addf %get3A_319, %get3A_324 : vector<16xf32>
      %mul3A_326 = arith.constant 2 : i32
      %mul3A_327 = arith.muli %mul3A_326, %scan3A_95 : i32
      %add3A_328 = arith.constant 1 : i32
      %add3A_329 = arith.addi %mul3A_327, %add3A_328 : i32
      %get3A_330 = arith.index_cast %add3A_329 : i32 to index
      %get3A_331 = arith.constant 176 : index
      %get3A_332 = tpu.vector_load %arg10[%get3A_330, %get3A_331] {strides = array<i32>} : memref<64x768xf32, #tpu.memory_space<vmem>>, vector<16xf32>,
      %add3A_333 = arith.addf %add3A_325, %get3A_332 : vector<16xf32>
      %swap3A_334 = arith.index_cast %add3A_97 : i32 to index
      %swap3A_335 = arith.constant 176 : index
      %swap3A_336 = tpu.vector_load %arg11[%swap3A_334, %swap3A_335] {strides = array<i32>} : memref<64x768xf32, #tpu.memory_space<vmem>>, vector<16xf32>,
      tpu.vector_store %arg11[%swap3A_334, %swap3A_335], %add3A_333 {strides = array<i32>} : memref<64x768xf32, #tpu.memory_space<vmem>>, vector<16xf32>,
      %get3A_337 = arith.index_cast %add3A_97 : i32 to index
      %get3A_338 = arith.constant 192 : index
      %get3A_339 = tpu.vector_load %arg11[%get3A_337, %get3A_338] {strides = array<i32>} : memref<64x768xf32, #tpu.memory_space<vmem>>, vector<16xf32>,
      %mul3A_340 = arith.constant 2 : i32
      %mul3A_341 = arith.muli %mul3A_340, %scan3A_95 : i32
      %get3A_342 = arith.index_cast %mul3A_341 : i32 to index
      %get3A_343 = arith.constant 192 : index
      %get3A_344 = tpu.vector_load %arg10[%get3A_342, %get3A_343] {strides = array<i32>} : memref<64x768xf32, #tpu.memory_space<vmem>>, vector<16xf32>,
      %add3A_345 = arith.addf %get3A_339, %get3A_344 : vector<16xf32>
      %mul3A_346 = arith.constant 2 : i32
      %mul3A_347 = arith.muli %mul3A_346, %scan3A_95 : i32
      %add3A_348 = arith.constant 1 : i32
      %add3A_349 = arith.addi %mul3A_347, %add3A_348 : i32
      %get3A_350 = arith.index_cast %add3A_349 : i32 to index
      %get3A_351 = arith.constant 192 : index
      %get3A_352 = tpu.vector_load %arg10[%get3A_350, %get3A_351] {strides = array<i32>} : memref<64x768xf32, #tpu.memory_space<vmem>>, vector<16xf32>,
      %add3A_353 = arith.addf %add3A_345, %get3A_352 : vector<16xf32>
      %swap3A_354 = arith.index_cast %add3A_97 : i32 to index
      %swap3A_355 = arith.constant 192 : index
      %swap3A_356 = tpu.vector_load %arg11[%swap3A_354, %swap3A_355] {strides = array<i32>} : memref<64x768xf32, #tpu.memory_space<vmem>>, vector<16xf32>,
      tpu.vector_store %arg11[%swap3A_354, %swap3A_355], %add3A_353 {strides = array<i32>} : memref<64x768xf32, #tpu.memory_space<vmem>>, vector<16xf32>,
      %get3A_357 = arith.index_cast %add3A_97 : i32 to index
      %get3A_358 = arith.constant 208 : index
      %get3A_359 = tpu.vector_load %arg11[%get3A_357, %get3A_358] {strides = array<i32>} : memref<64x768xf32, #tpu.memory_space<vmem>>, vector<16xf32>,
      %mul3A_360 = arith.constant 2 : i32
      %mul3A_361 = arith.muli %mul3A_360, %scan3A_95 : i32
      %get3A_362 = arith.index_cast %mul3A_361 : i32 to index
      %get3A_363 = arith.constant 208 : index
      %get3A_364 = tpu.vector_load %arg10[%get3A_362, %get3A_363] {strides = array<i32>} : memref<64x768xf32, #tpu.memory_space<vmem>>, vector<16xf32>,
      %add3A_365 = arith.addf %get3A_359, %get3A_364 : vector<16xf32>
      %mul3A_366 = arith.constant 2 : i32
      %mul3A_367 = arith.muli %mul3A_366, %scan3A_95 : i32
      %add3A_368 = arith.constant 1 : i32
      %add3A_369 = arith.addi %mul3A_367, %add3A_368 : i32
      %get3A_370 = arith.index_cast %add3A_369 : i32 to index
      %get3A_371 = arith.constant 208 : index
      %get3A_372 = tpu.vector_load %arg10[%get3A_370, %get3A_371] {strides = array<i32>} : memref<64x768xf32, #tpu.memory_space<vmem>>, vector<16xf32>,
      %add3A_373 = arith.addf %add3A_365, %get3A_372 : vector<16xf32>
      %swap3A_374 = arith.index_cast %add3A_97 : i32 to index
      %swap3A_375 = arith.constant 208 : index
      %swap3A_376 = tpu.vector_load %arg11[%swap3A_374, %swap3A_375] {strides = array<i32>} : memref<64x768xf32, #tpu.memory_space<vmem>>, vector<16xf32>,
      tpu.vector_store %arg11[%swap3A_374, %swap3A_375], %add3A_373 {strides = array<i32>} : memref<64x768xf32, #tpu.memory_space<vmem>>, vector<16xf32>,
      %get3A_377 = arith.index_cast %add3A_97 : i32 to index
      %get3A_378 = arith.constant 224 : index
      %get3A_379 = tpu.vector_load %arg11[%get3A_377, %get3A_378] {strides = array<i32>} : memref<64x768xf32, #tpu.memory_space<vmem>>, vector<16xf32>,
      %mul3A_380 = arith.constant 2 : i32
      %mul3A_381 = arith.muli %mul3A_380, %scan3A_95 : i32
      %get3A_382 = arith.index_cast %mul3A_381 : i32 to index
      %get3A_383 = arith.constant 224 : index
      %get3A_384 = tpu.vector_load %arg10[%get3A_382, %get3A_383] {strides = array<i32>} : memref<64x768xf32, #tpu.memory_space<vmem>>, vector<16xf32>,
      %add3A_385 = arith.addf %get3A_379, %get3A_384 : vector<16xf32>
      %mul3A_386 = arith.constant 2 : i32
      %mul3A_387 = arith.muli %mul3A_386, %scan3A_95 : i32
      %add3A_388 = arith.constant 1 : i32
      %add3A_389 = arith.addi %mul3A_387, %add3A_388 : i32
      %get3A_390 = arith.index_cast %add3A_389 : i32 to index
      %get3A_391 = arith.constant 224 : index
      %get3A_392 = tpu.vector_load %arg10[%get3A_390, %get3A_391] {strides = array<i32>} : memref<64x768xf32, #tpu.memory_space<vmem>>, vector<16xf32>,
      %add3A_393 = arith.addf %add3A_385, %get3A_392 : vector<16xf32>
      %swap3A_394 = arith.index_cast %add3A_97 : i32 to index
      %swap3A_395 = arith.constant 224 : index
      %swap3A_396 = tpu.vector_load %arg11[%swap3A_394, %swap3A_395] {strides = array<i32>} : memref<64x768xf32, #tpu.memory_space<vmem>>, vector<16xf32>,
      tpu.vector_store %arg11[%swap3A_394, %swap3A_395], %add3A_393 {strides = array<i32>} : memref<64x768xf32, #tpu.memory_space<vmem>>, vector<16xf32>,
      %get3A_397 = arith.index_cast %add3A_97 : i32 to index
      %get3A_398 = arith.constant 240 : index
      %get3A_399 = tpu.vector_load %arg11[%get3A_397, %get3A_398] {strides = array<i32>} : memref<64x768xf32, #tpu.memory_space<vmem>>, vector<16xf32>,
      %mul3A_400 = arith.constant 2 : i32
      %mul3A_401 = arith.muli %mul3A_400, %scan3A_95 : i32
      %get3A_402 = arith.index_cast %mul3A_401 : i32 to index
      %get3A_403 = arith.constant 240 : index
      %get3A_404 = tpu.vector_load %arg10[%get3A_402, %get3A_403] {strides = array<i32>} : memref<64x768xf32, #tpu.memory_space<vmem>>, vector<16xf32>,
      %add3A_405 = arith.addf %get3A_399, %get3A_404 : vector<16xf32>
      %mul3A_406 = arith.constant 2 : i32
      %mul3A_407 = arith.muli %mul3A_406, %scan3A_95 : i32
      %add3A_408 = arith.constant 1 : i32
      %add3A_409 = arith.addi %mul3A_407, %add3A_408 : i32
      %get3A_410 = arith.index_cast %add3A_409 : i32 to index
      %get3A_411 = arith.constant 240 : index
      %get3A_412 = tpu.vector_load %arg10[%get3A_410, %get3A_411] {strides = array<i32>} : memref<64x768xf32, #tpu.memory_space<vmem>>, vector<16xf32>,
      %add3A_413 = arith.addf %add3A_405, %get3A_412 : vector<16xf32>
      %swap3A_414 = arith.index_cast %add3A_97 : i32 to index
      %swap3A_415 = arith.constant 240 : index
      %swap3A_416 = tpu.vector_load %arg11[%swap3A_414, %swap3A_415] {strides = array<i32>} : memref<64x768xf32, #tpu.memory_space<vmem>>, vector<16xf32>,
      tpu.vector_store %arg11[%swap3A_414, %swap3A_415], %add3A_413 {strides = array<i32>} : memref<64x768xf32, #tpu.memory_space<vmem>>, vector<16xf32>,
      %get3A_417 = arith.index_cast %add3A_97 : i32 to index
      %get3A_418 = arith.constant 256 : index
      %get3A_419 = tpu.vector_load %arg11[%get3A_417, %get3A_418] {strides = array<i32>} : memref<64x768xf32, #tpu.memory_space<vmem>>, vector<16xf32>,
      %mul3A_420 = arith.constant 2 : i32
      %mul3A_421 = arith.muli %mul3A_420, %scan3A_95 : i32
      %get3A_422 = arith.index_cast %mul3A_421 : i32 to index
      %get3A_423 = arith.constant 256 : index
      %get3A_424 = tpu.vector_load %arg10[%get3A_422, %get3A_423] {strides = array<i32>} : memref<64x768xf32, #tpu.memory_space<vmem>>, vector<16xf32>,
      %add3A_425 = arith.addf %get3A_419, %get3A_424 : vector<16xf32>
      %mul3A_426 = arith.constant 2 : i32
      %mul3A_427 = arith.muli %mul3A_426, %scan3A_95 : i32
      %add3A_428 = arith.constant 1 : i32
      %add3A_429 = arith.addi %mul3A_427, %add3A_428 : i32
      %get3A_430 = arith.index_cast %add3A_429 : i32 to index
      %get3A_431 = arith.constant 256 : index
      %get3A_432 = tpu.vector_load %arg10[%get3A_430, %get3A_431] {strides = array<i32>} : memref<64x768xf32, #tpu.memory_space<vmem>>, vector<16xf32>,
      %add3A_433 = arith.addf %add3A_425, %get3A_432 : vector<16xf32>
      %swap3A_434 = arith.index_cast %add3A_97 : i32 to index
      %swap3A_435 = arith.constant 256 : index
      %swap3A_436 = tpu.vector_load %arg11[%swap3A_434, %swap3A_435] {strides = array<i32>} : memref<64x768xf32, #tpu.memory_space<vmem>>, vector<16xf32>,
      tpu.vector_store %arg11[%swap3A_434, %swap3A_435], %add3A_433 {strides = array<i32>} : memref<64x768xf32, #tpu.memory_space<vmem>>, vector<16xf32>,
      %get3A_437 = arith.index_cast %add3A_97 : i32 to index
      %get3A_438 = arith.constant 272 : index
      %get3A_439 = tpu.vector_load %arg11[%get3A_437, %get3A_438] {strides = array<i32>} : memref<64x768xf32, #tpu.memory_space<vmem>>, vector<16xf32>,
      %mul3A_440 = arith.constant 2 : i32
      %mul3A_441 = arith.muli %mul3A_440, %scan3A_95 : i32
      %get3A_442 = arith.index_cast %mul3A_441 : i32 to index
      %get3A_443 = arith.constant 272 : index
      %get3A_444 = tpu.vector_load %arg10[%get3A_442, %get3A_443] {strides = array<i32>} : memref<64x768xf32, #tpu.memory_space<vmem>>, vector<16xf32>,
      %add3A_445 = arith.addf %get3A_439, %get3A_444 : vector<16xf32>
      %mul3A_446 = arith.constant 2 : i32
      %mul3A_447 = arith.muli %mul3A_446, %scan3A_95 : i32
      %add3A_448 = arith.constant 1 : i32
      %add3A_449 = arith.addi %mul3A_447, %add3A_448 : i32
      %get3A_450 = arith.index_cast %add3A_449 : i32 to index
      %get3A_451 = arith.constant 272 : index
      %get3A_452 = tpu.vector_load %arg10[%get3A_450, %get3A_451] {strides = array<i32>} : memref<64x768xf32, #tpu.memory_space<vmem>>, vector<16xf32>,
      %add3A_453 = arith.addf %add3A_445, %get3A_452 : vector<16xf32>
      %swap3A_454 = arith.index_cast %add3A_97 : i32 to index
      %swap3A_455 = arith.constant 272 : index
      %swap3A_456 = tpu.vector_load %arg11[%swap3A_454, %swap3A_455] {strides = array<i32>} : memref<64x768xf32, #tpu.memory_space<vmem>>, vector<16xf32>,
      tpu.vector_store %arg11[%swap3A_454, %swap3A_455], %add3A_453 {strides = array<i32>} : memref<64x768xf32, #tpu.memory_space<vmem>>, vector<16xf32>,
      %get3A_457 = arith.index_cast %add3A_97 : i32 to index
      %get3A_458 = arith.constant 288 : index
      %get3A_459 = tpu.vector_load %arg11[%get3A_457, %get3A_458] {strides = array<i32>} : memref<64x768xf32, #tpu.memory_space<vmem>>, vector<16xf32>,
      %mul3A_460 = arith.constant 2 : i32
      %mul3A_461 = arith.muli %mul3A_460, %scan3A_95 : i32
      %get3A_462 = arith.index_cast %mul3A_461 : i32 to index
      %get3A_463 = arith.constant 288 : index
      %get3A_464 = tpu.vector_load %arg10[%get3A_462, %get3A_463] {strides = array<i32>} : memref<64x768xf32, #tpu.memory_space<vmem>>, vector<16xf32>,
      %add3A_465 = arith.addf %get3A_459, %get3A_464 : vector<16xf32>
      %mul3A_466 = arith.constant 2 : i32
      %mul3A_467 = arith.muli %mul3A_466, %scan3A_95 : i32
      %add3A_468 = arith.constant 1 : i32
      %add3A_469 = arith.addi %mul3A_467, %add3A_468 : i32
      %get3A_470 = arith.index_cast %add3A_469 : i32 to index
      %get3A_471 = arith.constant 288 : index
      %get3A_472 = tpu.vector_load %arg10[%get3A_470, %get3A_471] {strides = array<i32>} : memref<64x768xf32, #tpu.memory_space<vmem>>, vector<16xf32>,
      %add3A_473 = arith.addf %add3A_465, %get3A_472 : vector<16xf32>
      %swap3A_474 = arith.index_cast %add3A_97 : i32 to index
      %swap3A_475 = arith.constant 288 : index
      %swap3A_476 = tpu.vector_load %arg11[%swap3A_474, %swap3A_475] {strides = array<i32>} : memref<64x768xf32, #tpu.memory_space<vmem>>, vector<16xf32>,
      tpu.vector_store %arg11[%swap3A_474, %swap3A_475], %add3A_473 {strides = array<i32>} : memref<64x768xf32, #tpu.memory_space<vmem>>, vector<16xf32>,
      %get3A_477 = arith.index_cast %add3A_97 : i32 to index
      %get3A_478 = arith.constant 304 : index
      %get3A_479 = tpu.vector_load %arg11[%get3A_477, %get3A_478] {strides = array<i32>} : memref<64x768xf32, #tpu.memory_space<vmem>>, vector<16xf32>,
      %mul3A_480 = arith.constant 2 : i32
      %mul3A_481 = arith.muli %mul3A_480, %scan3A_95 : i32
      %get3A_482 = arith.index_cast %mul3A_481 : i32 to index
      %get3A_483 = arith.constant 304 : index
      %get3A_484 = tpu.vector_load %arg10[%get3A_482, %get3A_483] {strides = array<i32>} : memref<64x768xf32, #tpu.memory_space<vmem>>, vector<16xf32>,
      %add3A_485 = arith.addf %get3A_479, %get3A_484 : vector<16xf32>
      %mul3A_486 = arith.constant 2 : i32
      %mul3A_487 = arith.muli %mul3A_486, %scan3A_95 : i32
      %add3A_488 = arith.constant 1 : i32
      %add3A_489 = arith.addi %mul3A_487, %add3A_488 : i32
      %get3A_490 = arith.index_cast %add3A_489 : i32 to index
      %get3A_491 = arith.constant 304 : index
      %get3A_492 = tpu.vector_load %arg10[%get3A_490, %get3A_491] {strides = array<i32>} : memref<64x768xf32, #tpu.memory_space<vmem>>, vector<16xf32>,
      %add3A_493 = arith.addf %add3A_485, %get3A_492 : vector<16xf32>
      %swap3A_494 = arith.index_cast %add3A_97 : i32 to index
      %swap3A_495 = arith.constant 304 : index
      %swap3A_496 = tpu.vector_load %arg11[%swap3A_494, %swap3A_495] {strides = array<i32>} : memref<64x768xf32, #tpu.memory_space<vmem>>, vector<16xf32>,
      tpu.vector_store %arg11[%swap3A_494, %swap3A_495], %add3A_493 {strides = array<i32>} : memref<64x768xf32, #tpu.memory_space<vmem>>, vector<16xf32>,
      %get3A_497 = arith.index_cast %add3A_97 : i32 to index
      %get3A_498 = arith.constant 320 : index
      %get3A_499 = tpu.vector_load %arg11[%get3A_497, %get3A_498] {strides = array<i32>} : memref<64x768xf32, #tpu.memory_space<vmem>>, vector<16xf32>,
      %mul3A_500 = arith.constant 2 : i32
      %mul3A_501 = arith.muli %mul3A_500, %scan3A_95 : i32
      %get3A_502 = arith.index_cast %mul3A_501 : i32 to index
      %get3A_503 = arith.constant 320 : index
      %get3A_504 = tpu.vector_load %arg10[%get3A_502, %get3A_503] {strides = array<i32>} : memref<64x768xf32, #tpu.memory_space<vmem>>, vector<16xf32>,
      %add3A_505 = arith.addf %get3A_499, %get3A_504 : vector<16xf32>
      %mul3A_506 = arith.constant 2 : i32
      %mul3A_507 = arith.muli %mul3A_506, %scan3A_95 : i32
      %add3A_508 = arith.constant 1 : i32
      %add3A_509 = arith.addi %mul3A_507, %add3A_508 : i32
      %get3A_510 = arith.index_cast %add3A_509 : i32 to index
      %get3A_511 = arith.constant 320 : index
      %get3A_512 = tpu.vector_load %arg10[%get3A_510, %get3A_511] {strides = array<i32>} : memref<64x768xf32, #tpu.memory_space<vmem>>, vector<16xf32>,
      %add3A_513 = arith.addf %add3A_505, %get3A_512 : vector<16xf32>
      %swap3A_514 = arith.index_cast %add3A_97 : i32 to index
      %swap3A_515 = arith.constant 320 : index
      %swap3A_516 = tpu.vector_load %arg11[%swap3A_514, %swap3A_515] {strides = array<i32>} : memref<64x768xf32, #tpu.memory_space<vmem>>, vector<16xf32>,
      tpu.vector_store %arg11[%swap3A_514, %swap3A_515], %add3A_513 {strides = array<i32>} : memref<64x768xf32, #tpu.memory_space<vmem>>, vector<16xf32>,
      %get3A_517 = arith.index_cast %add3A_97 : i32 to index
      %get3A_518 = arith.constant 336 : index
      %get3A_519 = tpu.vector_load %arg11[%get3A_517, %get3A_518] {strides = array<i32>} : memref<64x768xf32, #tpu.memory_space<vmem>>, vector<16xf32>,
      %mul3A_520 = arith.constant 2 : i32
      %mul3A_521 = arith.muli %mul3A_520, %scan3A_95 : i32
      %get3A_522 = arith.index_cast %mul3A_521 : i32 to index
      %get3A_523 = arith.constant 336 : index
      %get3A_524 = tpu.vector_load %arg10[%get3A_522, %get3A_523] {strides = array<i32>} : memref<64x768xf32, #tpu.memory_space<vmem>>, vector<16xf32>,
      %add3A_525 = arith.addf %get3A_519, %get3A_524 : vector<16xf32>
      %mul3A_526 = arith.constant 2 : i32
      %mul3A_527 = arith.muli %mul3A_526, %scan3A_95 : i32
      %add3A_528 = arith.constant 1 : i32
      %add3A_529 = arith.addi %mul3A_527, %add3A_528 : i32
      %get3A_530 = arith.index_cast %add3A_529 : i32 to index
      %get3A_531 = arith.constant 336 : index
      %get3A_532 = tpu.vector_load %arg10[%get3A_530, %get3A_531] {strides = array<i32>} : memref<64x768xf32, #tpu.memory_space<vmem>>, vector<16xf32>,
      %add3A_533 = arith.addf %add3A_525, %get3A_532 : vector<16xf32>
      %swap3A_534 = arith.index_cast %add3A_97 : i32 to index
      %swap3A_535 = arith.constant 336 : index
      %swap3A_536 = tpu.vector_load %arg11[%swap3A_534, %swap3A_535] {strides = array<i32>} : memref<64x768xf32, #tpu.memory_space<vmem>>, vector<16xf32>,
      tpu.vector_store %arg11[%swap3A_534, %swap3A_535], %add3A_533 {strides = array<i32>} : memref<64x768xf32, #tpu.memory_space<vmem>>, vector<16xf32>,
      %get3A_537 = arith.index_cast %add3A_97 : i32 to index
      %get3A_538 = arith.constant 352 : index
      %get3A_539 = tpu.vector_load %arg11[%get3A_537, %get3A_538] {strides = array<i32>} : memref<64x768xf32, #tpu.memory_space<vmem>>, vector<16xf32>,
      %mul3A_540 = arith.constant 2 : i32
      %mul3A_541 = arith.muli %mul3A_540, %scan3A_95 : i32
      %get3A_542 = arith.index_cast %mul3A_541 : i32 to index
      %get3A_543 = arith.constant 352 : index
      %get3A_544 = tpu.vector_load %arg10[%get3A_542, %get3A_543] {strides = array<i32>} : memref<64x768xf32, #tpu.memory_space<vmem>>, vector<16xf32>,
      %add3A_545 = arith.addf %get3A_539, %get3A_544 : vector<16xf32>
      %mul3A_546 = arith.constant 2 : i32
      %mul3A_547 = arith.muli %mul3A_546, %scan3A_95 : i32
      %add3A_548 = arith.constant 1 : i32
      %add3A_549 = arith.addi %mul3A_547, %add3A_548 : i32
      %get3A_550 = arith.index_cast %add3A_549 : i32 to index
      %get3A_551 = arith.constant 352 : index
      %get3A_552 = tpu.vector_load %arg10[%get3A_550, %get3A_551] {strides = array<i32>} : memref<64x768xf32, #tpu.memory_space<vmem>>, vector<16xf32>,
      %add3A_553 = arith.addf %add3A_545, %get3A_552 : vector<16xf32>
      %swap3A_554 = arith.index_cast %add3A_97 : i32 to index
      %swap3A_555 = arith.constant 352 : index
      %swap3A_556 = tpu.vector_load %arg11[%swap3A_554, %swap3A_555] {strides = array<i32>} : memref<64x768xf32, #tpu.memory_space<vmem>>, vector<16xf32>,
      tpu.vector_store %arg11[%swap3A_554, %swap3A_555], %add3A_553 {strides = array<i32>} : memref<64x768xf32, #tpu.memory_space<vmem>>, vector<16xf32>,
      %get3A_557 = arith.index_cast %add3A_97 : i32 to index
      %get3A_558 = arith.constant 368 : index
      %get3A_559 = tpu.vector_load %arg11[%get3A_557, %get3A_558] {strides = array<i32>} : memref<64x768xf32, #tpu.memory_space<vmem>>, vector<16xf32>,
      %mul3A_560 = arith.constant 2 : i32
      %mul3A_561 = arith.muli %mul3A_560, %scan3A_95 : i32
      %get3A_562 = arith.index_cast %mul3A_561 : i32 to index
      %get3A_563 = arith.constant 368 : index
      %get3A_564 = tpu.vector_load %arg10[%get3A_562, %get3A_563] {strides = array<i32>} : memref<64x768xf32, #tpu.memory_space<vmem>>, vector<16xf32>,
      %add3A_565 = arith.addf %get3A_559, %get3A_564 : vector<16xf32>
      %mul3A_566 = arith.constant 2 : i32
      %mul3A_567 = arith.muli %mul3A_566, %scan3A_95 : i32
      %add3A_568 = arith.constant 1 : i32
      %add3A_569 = arith.addi %mul3A_567, %add3A_568 : i32
      %get3A_570 = arith.index_cast %add3A_569 : i32 to index
      %get3A_571 = arith.constant 368 : index
      %get3A_572 = tpu.vector_load %arg10[%get3A_570, %get3A_571] {strides = array<i32>} : memref<64x768xf32, #tpu.memory_space<vmem>>, vector<16xf32>,
      %add3A_573 = arith.addf %add3A_565, %get3A_572 : vector<16xf32>
      %swap3A_574 = arith.index_cast %add3A_97 : i32 to index
      %swap3A_575 = arith.constant 368 : index
      %swap3A_576 = tpu.vector_load %arg11[%swap3A_574, %swap3A_575] {strides = array<i32>} : memref<64x768xf32, #tpu.memory_space<vmem>>, vector<16xf32>,
      tpu.vector_store %arg11[%swap3A_574, %swap3A_575], %add3A_573 {strides = array<i32>} : memref<64x768xf32, #tpu.memory_space<vmem>>, vector<16xf32>,
      %get3A_577 = arith.index_cast %add3A_97 : i32 to index
      %get3A_578 = arith.constant 384 : index
      %get3A_579 = tpu.vector_load %arg11[%get3A_577, %get3A_578] {strides = array<i32>} : memref<64x768xf32, #tpu.memory_space<vmem>>, vector<16xf32>,
      %mul3A_580 = arith.constant 2 : i32
      %mul3A_581 = arith.muli %mul3A_580, %scan3A_95 : i32
      %get3A_582 = arith.index_cast %mul3A_581 : i32 to index
      %get3A_583 = arith.constant 384 : index
      %get3A_584 = tpu.vector_load %arg10[%get3A_582, %get3A_583] {strides = array<i32>} : memref<64x768xf32, #tpu.memory_space<vmem>>, vector<16xf32>,
      %add3A_585 = arith.addf %get3A_579, %get3A_584 : vector<16xf32>
      %mul3A_586 = arith.constant 2 : i32
      %mul3A_587 = arith.muli %mul3A_586, %scan3A_95 : i32
      %add3A_588 = arith.constant 1 : i32
      %add3A_589 = arith.addi %mul3A_587, %add3A_588 : i32
      %get3A_590 = arith.index_cast %add3A_589 : i32 to index
      %get3A_591 = arith.constant 384 : index
      %get3A_592 = tpu.vector_load %arg10[%get3A_590, %get3A_591] {strides = array<i32>} : memref<64x768xf32, #tpu.memory_space<vmem>>, vector<16xf32>,
      %add3A_593 = arith.addf %add3A_585, %get3A_592 : vector<16xf32>
      %swap3A_594 = arith.index_cast %add3A_97 : i32 to index
      %swap3A_595 = arith.constant 384 : index
      %swap3A_596 = tpu.vector_load %arg11[%swap3A_594, %swap3A_595] {strides = array<i32>} : memref<64x768xf32, #tpu.memory_space<vmem>>, vector<16xf32>,
      tpu.vector_store %arg11[%swap3A_594, %swap3A_595], %add3A_593 {strides = array<i32>} : memref<64x768xf32, #tpu.memory_space<vmem>>, vector<16xf32>,
      %get3A_597 = arith.index_cast %add3A_97 : i32 to index
      %get3A_598 = arith.constant 400 : index
      %get3A_599 = tpu.vector_load %arg11[%get3A_597, %get3A_598] {strides = array<i32>} : memref<64x768xf32, #tpu.memory_space<vmem>>, vector<16xf32>,
      %mul3A_600 = arith.constant 2 : i32
      %mul3A_601 = arith.muli %mul3A_600, %scan3A_95 : i32
      %get3A_602 = arith.index_cast %mul3A_601 : i32 to index
      %get3A_603 = arith.constant 400 : index
      %get3A_604 = tpu.vector_load %arg10[%get3A_602, %get3A_603] {strides = array<i32>} : memref<64x768xf32, #tpu.memory_space<vmem>>, vector<16xf32>,
      %add3A_605 = arith.addf %get3A_599, %get3A_604 : vector<16xf32>
      %mul3A_606 = arith.constant 2 : i32
      %mul3A_607 = arith.muli %mul3A_606, %scan3A_95 : i32
      %add3A_608 = arith.constant 1 : i32
      %add3A_609 = arith.addi %mul3A_607, %add3A_608 : i32
      %get3A_610 = arith.index_cast %add3A_609 : i32 to index
      %get3A_611 = arith.constant 400 : index
      %get3A_612 = tpu.vector_load %arg10[%get3A_610, %get3A_611] {strides = array<i32>} : memref<64x768xf32, #tpu.memory_space<vmem>>, vector<16xf32>,
      %add3A_613 = arith.addf %add3A_605, %get3A_612 : vector<16xf32>
      %swap3A_614 = arith.index_cast %add3A_97 : i32 to index
      %swap3A_615 = arith.constant 400 : index
      %swap3A_616 = tpu.vector_load %arg11[%swap3A_614, %swap3A_615] {strides = array<i32>} : memref<64x768xf32, #tpu.memory_space<vmem>>, vector<16xf32>,
      tpu.vector_store %arg11[%swap3A_614, %swap3A_615], %add3A_613 {strides = array<i32>} : memref<64x768xf32, #tpu.memory_space<vmem>>, vector<16xf32>,
      %get3A_617 = arith.index_cast %add3A_97 : i32 to index
      %get3A_618 = arith.constant 416 : index
      %get3A_619 = tpu.vector_load %arg11[%get3A_617, %get3A_618] {strides = array<i32>} : memref<64x768xf32, #tpu.memory_space<vmem>>, vector<16xf32>,
      %mul3A_620 = arith.constant 2 : i32
      %mul3A_621 = arith.muli %mul3A_620, %scan3A_95 : i32
      %get3A_622 = arith.index_cast %mul3A_621 : i32 to index
      %get3A_623 = arith.constant 416 : index
      %get3A_624 = tpu.vector_load %arg10[%get3A_622, %get3A_623] {strides = array<i32>} : memref<64x768xf32, #tpu.memory_space<vmem>>, vector<16xf32>,
      %add3A_625 = arith.addf %get3A_619, %get3A_624 : vector<16xf32>
      %mul3A_626 = arith.constant 2 : i32
      %mul3A_627 = arith.muli %mul3A_626, %scan3A_95 : i32
      %add3A_628 = arith.constant 1 : i32
      %add3A_629 = arith.addi %mul3A_627, %add3A_628 : i32
      %get3A_630 = arith.index_cast %add3A_629 : i32 to index
      %get3A_631 = arith.constant 416 : index
      %get3A_632 = tpu.vector_load %arg10[%get3A_630, %get3A_631] {strides = array<i32>} : memref<64x768xf32, #tpu.memory_space<vmem>>, vector<16xf32>,
      %add3A_633 = arith.addf %add3A_625, %get3A_632 : vector<16xf32>
      %swap3A_634 = arith.index_cast %add3A_97 : i32 to index
      %swap3A_635 = arith.constant 416 : index
      %swap3A_636 = tpu.vector_load %arg11[%swap3A_634, %swap3A_635] {strides = array<i32>} : memref<64x768xf32, #tpu.memory_space<vmem>>, vector<16xf32>,
      tpu.vector_store %arg11[%swap3A_634, %swap3A_635], %add3A_633 {strides = array<i32>} : memref<64x768xf32, #tpu.memory_space<vmem>>, vector<16xf32>,
      %get3A_637 = arith.index_cast %add3A_97 : i32 to index
      %get3A_638 = arith.constant 432 : index
      %get3A_639 = tpu.vector_load %arg11[%get3A_637, %get3A_638] {strides = array<i32>} : memref<64x768xf32, #tpu.memory_space<vmem>>, vector<16xf32>,
      %mul3A_640 = arith.constant 2 : i32
      %mul3A_641 = arith.muli %mul3A_640, %scan3A_95 : i32
      %get3A_642 = arith.index_cast %mul3A_641 : i32 to index
      %get3A_643 = arith.constant 432 : index
      %get3A_644 = tpu.vector_load %arg10[%get3A_642, %get3A_643] {strides = array<i32>} : memref<64x768xf32, #tpu.memory_space<vmem>>, vector<16xf32>,
      %add3A_645 = arith.addf %get3A_639, %get3A_644 : vector<16xf32>
      %mul3A_646 = arith.constant 2 : i32
      %mul3A_647 = arith.muli %mul3A_646, %scan3A_95 : i32
      %add3A_648 = arith.constant 1 : i32
      %add3A_649 = arith.addi %mul3A_647, %add3A_648 : i32
      %get3A_650 = arith.index_cast %add3A_649 : i32 to index
      %get3A_651 = arith.constant 432 : index
      %get3A_652 = tpu.vector_load %arg10[%get3A_650, %get3A_651] {strides = array<i32>} : memref<64x768xf32, #tpu.memory_space<vmem>>, vector<16xf32>,
      %add3A_653 = arith.addf %add3A_645, %get3A_652 : vector<16xf32>
      %swap3A_654 = arith.index_cast %add3A_97 : i32 to index
      %swap3A_655 = arith.constant 432 : index
      %swap3A_656 = tpu.vector_load %arg11[%swap3A_654, %swap3A_655] {strides = array<i32>} : memref<64x768xf32, #tpu.memory_space<vmem>>, vector<16xf32>,
      tpu.vector_store %arg11[%swap3A_654, %swap3A_655], %add3A_653 {strides = array<i32>} : memref<64x768xf32, #tpu.memory_space<vmem>>, vector<16xf32>,
      %get3A_657 = arith.index_cast %add3A_97 : i32 to index
      %get3A_658 = arith.constant 448 : index
      %get3A_659 = tpu.vector_load %arg11[%get3A_657, %get3A_658] {strides = array<i32>} : memref<64x768xf32, #tpu.memory_space<vmem>>, vector<16xf32>,
      %mul3A_660 = arith.constant 2 : i32
      %mul3A_661 = arith.muli %mul3A_660, %scan3A_95 : i32
      %get3A_662 = arith.index_cast %mul3A_661 : i32 to index
      %get3A_663 = arith.constant 448 : index
      %get3A_664 = tpu.vector_load %arg10[%get3A_662, %get3A_663] {strides = array<i32>} : memref<64x768xf32, #tpu.memory_space<vmem>>, vector<16xf32>,
      %add3A_665 = arith.addf %get3A_659, %get3A_664 : vector<16xf32>
      %mul3A_666 = arith.constant 2 : i32
      %mul3A_667 = arith.muli %mul3A_666, %scan3A_95 : i32
      %add3A_668 = arith.constant 1 : i32
      %add3A_669 = arith.addi %mul3A_667, %add3A_668 : i32
      %get3A_670 = arith.index_cast %add3A_669 : i32 to index
      %get3A_671 = arith.constant 448 : index
      %get3A_672 = tpu.vector_load %arg10[%get3A_670, %get3A_671] {strides = array<i32>} : memref<64x768xf32, #tpu.memory_space<vmem>>, vector<16xf32>,
      %add3A_673 = arith.addf %add3A_665, %get3A_672 : vector<16xf32>
      %swap3A_674 = arith.index_cast %add3A_97 : i32 to index
      %swap3A_675 = arith.constant 448 : index
      %swap3A_676 = tpu.vector_load %arg11[%swap3A_674, %swap3A_675] {strides = array<i32>} : memref<64x768xf32, #tpu.memory_space<vmem>>, vector<16xf32>,
      tpu.vector_store %arg11[%swap3A_674, %swap3A_675], %add3A_673 {strides = array<i32>} : memref<64x768xf32, #tpu.memory_space<vmem>>, vector<16xf32>,
      %get3A_677 = arith.index_cast %add3A_97 : i32 to index
      %get3A_678 = arith.constant 464 : index
      %get3A_679 = tpu.vector_load %arg11[%get3A_677, %get3A_678] {strides = array<i32>} : memref<64x768xf32, #tpu.memory_space<vmem>>, vector<16xf32>,
      %mul3A_680 = arith.constant 2 : i32
      %mul3A_681 = arith.muli %mul3A_680, %scan3A_95 : i32
      %get3A_682 = arith.index_cast %mul3A_681 : i32 to index
      %get3A_683 = arith.constant 464 : index
      %get3A_684 = tpu.vector_load %arg10[%get3A_682, %get3A_683] {strides = array<i32>} : memref<64x768xf32, #tpu.memory_space<vmem>>, vector<16xf32>,
      %add3A_685 = arith.addf %get3A_679, %get3A_684 : vector<16xf32>
      %mul3A_686 = arith.constant 2 : i32
      %mul3A_687 = arith.muli %mul3A_686, %scan3A_95 : i32
      %add3A_688 = arith.constant 1 : i32
      %add3A_689 = arith.addi %mul3A_687, %add3A_688 : i32
      %get3A_690 = arith.index_cast %add3A_689 : i32 to index
      %get3A_691 = arith.constant 464 : index
      %get3A_692 = tpu.vector_load %arg10[%get3A_690, %get3A_691] {strides = array<i32>} : memref<64x768xf32, #tpu.memory_space<vmem>>, vector<16xf32>,
      %add3A_693 = arith.addf %add3A_685, %get3A_692 : vector<16xf32>
      %swap3A_694 = arith.index_cast %add3A_97 : i32 to index
      %swap3A_695 = arith.constant 464 : index
      %swap3A_696 = tpu.vector_load %arg11[%swap3A_694, %swap3A_695] {strides = array<i32>} : memref<64x768xf32, #tpu.memory_space<vmem>>, vector<16xf32>,
      tpu.vector_store %arg11[%swap3A_694, %swap3A_695], %add3A_693 {strides = array<i32>} : memref<64x768xf32, #tpu.memory_space<vmem>>, vector<16xf32>,
      %get3A_697 = arith.index_cast %add3A_97 : i32 to index
      %get3A_698 = arith.constant 480 : index
      %get3A_699 = tpu.vector_load %arg11[%get3A_697, %get3A_698] {strides = array<i32>} : memref<64x768xf32, #tpu.memory_space<vmem>>, vector<16xf32>,
      %mul3A_700 = arith.constant 2 : i32
      %mul3A_701 = arith.muli %mul3A_700, %scan3A_95 : i32
      %get3A_702 = arith.index_cast %mul3A_701 : i32 to index
      %get3A_703 = arith.constant 480 : index
      %get3A_704 = tpu.vector_load %arg10[%get3A_702, %get3A_703] {strides = array<i32>} : memref<64x768xf32, #tpu.memory_space<vmem>>, vector<16xf32>,
      %add3A_705 = arith.addf %get3A_699, %get3A_704 : vector<16xf32>
      %mul3A_706 = arith.constant 2 : i32
      %mul3A_707 = arith.muli %mul3A_706, %scan3A_95 : i32
      %add3A_708 = arith.constant 1 : i32
      %add3A_709 = arith.addi %mul3A_707, %add3A_708 : i32
      %get3A_710 = arith.index_cast %add3A_709 : i32 to index
      %get3A_711 = arith.constant 480 : index
      %get3A_712 = tpu.vector_load %arg10[%get3A_710, %get3A_711] {strides = array<i32>} : memref<64x768xf32, #tpu.memory_space<vmem>>, vector<16xf32>,
      %add3A_713 = arith.addf %add3A_705, %get3A_712 : vector<16xf32>
      %swap3A_714 = arith.index_cast %add3A_97 : i32 to index
      %swap3A_715 = arith.constant 480 : index
      %swap3A_716 = tpu.vector_load %arg11[%swap3A_714, %swap3A_715] {strides = array<i32>} : memref<64x768xf32, #tpu.memory_space<vmem>>, vector<16xf32>,
      tpu.vector_store %arg11[%swap3A_714, %swap3A_715], %add3A_713 {strides = array<i32>} : memref<64x768xf32, #tpu.memory_space<vmem>>, vector<16xf32>,
      %get3A_717 = arith.index_cast %add3A_97 : i32 to index
      %get3A_718 = arith.constant 496 : index
      %get3A_719 = tpu.vector_load %arg11[%get3A_717, %get3A_718] {strides = array<i32>} : memref<64x768xf32, #tpu.memory_space<vmem>>, vector<16xf32>,
      %mul3A_720 = arith.constant 2 : i32
      %mul3A_721 = arith.muli %mul3A_720, %scan3A_95 : i32
      %get3A_722 = arith.index_cast %mul3A_721 : i32 to index
      %get3A_723 = arith.constant 496 : index
      %get3A_724 = tpu.vector_load %arg10[%get3A_722, %get3A_723] {strides = array<i32>} : memref<64x768xf32, #tpu.memory_space<vmem>>, vector<16xf32>,
      %add3A_725 = arith.addf %get3A_719, %get3A_724 : vector<16xf32>
      %mul3A_726 = arith.constant 2 : i32
      %mul3A_727 = arith.muli %mul3A_726, %scan3A_95 : i32
      %add3A_728 = arith.constant 1 : i32
      %add3A_729 = arith.addi %mul3A_727, %add3A_728 : i32
      %get3A_730 = arith.index_cast %add3A_729 : i32 to index
      %get3A_731 = arith.constant 496 : index
      %get3A_732 = tpu.vector_load %arg10[%get3A_730, %get3A_731] {strides = array<i32>} : memref<64x768xf32, #tpu.memory_space<vmem>>, vector<16xf32>,
      %add3A_733 = arith.addf %add3A_725, %get3A_732 : vector<16xf32>
      %swap3A_734 = arith.index_cast %add3A_97 : i32 to index
      %swap3A_735 = arith.constant 496 : index
      %swap3A_736 = tpu.vector_load %arg11[%swap3A_734, %swap3A_735] {strides = array<i32>} : memref<64x768xf32, #tpu.memory_space<vmem>>, vector<16xf32>,
      tpu.vector_store %arg11[%swap3A_734, %swap3A_735], %add3A_733 {strides = array<i32>} : memref<64x768xf32, #tpu.memory_space<vmem>>, vector<16xf32>,
      %get3A_737 = arith.index_cast %add3A_97 : i32 to index
      %get3A_738 = arith.constant 512 : index
      %get3A_739 = tpu.vector_load %arg11[%get3A_737, %get3A_738] {strides = array<i32>} : memref<64x768xf32, #tpu.memory_space<vmem>>, vector<16xf32>,
      %mul3A_740 = arith.constant 2 : i32
      %mul3A_741 = arith.muli %mul3A_740, %scan3A_95 : i32
      %get3A_742 = arith.index_cast %mul3A_741 : i32 to index
      %get3A_743 = arith.constant 512 : index
      %get3A_744 = tpu.vector_load %arg10[%get3A_742, %get3A_743] {strides = array<i32>} : memref<64x768xf32, #tpu.memory_space<vmem>>, vector<16xf32>,
      %add3A_745 = arith.addf %get3A_739, %get3A_744 : vector<16xf32>
      %mul3A_746 = arith.constant 2 : i32
      %mul3A_747 = arith.muli %mul3A_746, %scan3A_95 : i32
      %add3A_748 = arith.constant 1 : i32
      %add3A_749 = arith.addi %mul3A_747, %add3A_748 : i32
      %get3A_750 = arith.index_cast %add3A_749 : i32 to index
      %get3A_751 = arith.constant 512 : index
      %get3A_752 = tpu.vector_load %arg10[%get3A_750, %get3A_751] {strides = array<i32>} : memref<64x768xf32, #tpu.memory_space<vmem>>, vector<16xf32>,
      %add3A_753 = arith.addf %add3A_745, %get3A_752 : vector<16xf32>
      %swap3A_754 = arith.index_cast %add3A_97 : i32 to index
      %swap3A_755 = arith.constant 512 : index
      %swap3A_756 = tpu.vector_load %arg11[%swap3A_754, %swap3A_755] {strides = array<i32>} : memref<64x768xf32, #tpu.memory_space<vmem>>, vector<16xf32>,
      tpu.vector_store %arg11[%swap3A_754, %swap3A_755], %add3A_753 {strides = array<i32>} : memref<64x768xf32, #tpu.memory_space<vmem>>, vector<16xf32>,
      %get3A_757 = arith.index_cast %add3A_97 : i32 to index
      %get3A_758 = arith.constant 528 : index
      %get3A_759 = tpu.vector_load %arg11[%get3A_757, %get3A_758] {strides = array<i32>} : memref<64x768xf32, #tpu.memory_space<vmem>>, vector<16xf32>,
      %mul3A_760 = arith.constant 2 : i32
      %mul3A_761 = arith.muli %mul3A_760, %scan3A_95 : i32
      %get3A_762 = arith.index_cast %mul3A_761 : i32 to index
      %get3A_763 = arith.constant 528 : index
      %get3A_764 = tpu.vector_load %arg10[%get3A_762, %get3A_763] {strides = array<i32>} : memref<64x768xf32, #tpu.memory_space<vmem>>, vector<16xf32>,
      %add3A_765 = arith.addf %get3A_759, %get3A_764 : vector<16xf32>
      %mul3A_766 = arith.constant 2 : i32
      %mul3A_767 = arith.muli %mul3A_766, %scan3A_95 : i32
      %add3A_768 = arith.constant 1 : i32
      %add3A_769 = arith.addi %mul3A_767, %add3A_768 : i32
      %get3A_770 = arith.index_cast %add3A_769 : i32 to index
      %get3A_771 = arith.constant 528 : index
      %get3A_772 = tpu.vector_load %arg10[%get3A_770, %get3A_771] {strides = array<i32>} : memref<64x768xf32, #tpu.memory_space<vmem>>, vector<16xf32>,
      %add3A_773 = arith.addf %add3A_765, %get3A_772 : vector<16xf32>
      %swap3A_774 = arith.index_cast %add3A_97 : i32 to index
      %swap3A_775 = arith.constant 528 : index
      %swap3A_776 = tpu.vector_load %arg11[%swap3A_774, %swap3A_775] {strides = array<i32>} : memref<64x768xf32, #tpu.memory_space<vmem>>, vector<16xf32>,
      tpu.vector_store %arg11[%swap3A_774, %swap3A_775], %add3A_773 {strides = array<i32>} : memref<64x768xf32, #tpu.memory_space<vmem>>, vector<16xf32>,
      %get3A_777 = arith.index_cast %add3A_97 : i32 to index
      %get3A_778 = arith.constant 544 : index
      %get3A_779 = tpu.vector_load %arg11[%get3A_777, %get3A_778] {strides = array<i32>} : memref<64x768xf32, #tpu.memory_space<vmem>>, vector<16xf32>,
      %mul3A_780 = arith.constant 2 : i32
      %mul3A_781 = arith.muli %mul3A_780, %scan3A_95 : i32
      %get3A_782 = arith.index_cast %mul3A_781 : i32 to index
      %get3A_783 = arith.constant 544 : index
      %get3A_784 = tpu.vector_load %arg10[%get3A_782, %get3A_783] {strides = array<i32>} : memref<64x768xf32, #tpu.memory_space<vmem>>, vector<16xf32>,
      %add3A_785 = arith.addf %get3A_779, %get3A_784 : vector<16xf32>
      %mul3A_786 = arith.constant 2 : i32
      %mul3A_787 = arith.muli %mul3A_786, %scan3A_95 : i32
      %add3A_788 = arith.constant 1 : i32
      %add3A_789 = arith.addi %mul3A_787, %add3A_788 : i32
      %get3A_790 = arith.index_cast %add3A_789 : i32 to index
      %get3A_791 = arith.constant 544 : index
      %get3A_792 = tpu.vector_load %arg10[%get3A_790, %get3A_791] {strides = array<i32>} : memref<64x768xf32, #tpu.memory_space<vmem>>, vector<16xf32>,
      %add3A_793 = arith.addf %add3A_785, %get3A_792 : vector<16xf32>
      %swap3A_794 = arith.index_cast %add3A_97 : i32 to index
      %swap3A_795 = arith.constant 544 : index
      %swap3A_796 = tpu.vector_load %arg11[%swap3A_794, %swap3A_795] {strides = array<i32>} : memref<64x768xf32, #tpu.memory_space<vmem>>, vector<16xf32>,
      tpu.vector_store %arg11[%swap3A_794, %swap3A_795], %add3A_793 {strides = array<i32>} : memref<64x768xf32, #tpu.memory_space<vmem>>, vector<16xf32>,
      %get3A_797 = arith.index_cast %add3A_97 : i32 to index
      %get3A_798 = arith.constant 560 : index
      %get3A_799 = tpu.vector_load %arg11[%get3A_797, %get3A_798] {strides = array<i32>} : memref<64x768xf32, #tpu.memory_space<vmem>>, vector<16xf32>,
      %mul3A_800 = arith.constant 2 : i32
      %mul3A_801 = arith.muli %mul3A_800, %scan3A_95 : i32
      %get3A_802 = arith.index_cast %mul3A_801 : i32 to index
      %get3A_803 = arith.constant 560 : index
      %get3A_804 = tpu.vector_load %arg10[%get3A_802, %get3A_803] {strides = array<i32>} : memref<64x768xf32, #tpu.memory_space<vmem>>, vector<16xf32>,
      %add3A_805 = arith.addf %get3A_799, %get3A_804 : vector<16xf32>
      %mul3A_806 = arith.constant 2 : i32
      %mul3A_807 = arith.muli %mul3A_806, %scan3A_95 : i32
      %add3A_808 = arith.constant 1 : i32
      %add3A_809 = arith.addi %mul3A_807, %add3A_808 : i32
      %get3A_810 = arith.index_cast %add3A_809 : i32 to index
      %get3A_811 = arith.constant 560 : index
      %get3A_812 = tpu.vector_load %arg10[%get3A_810, %get3A_811] {strides = array<i32>} : memref<64x768xf32, #tpu.memory_space<vmem>>, vector<16xf32>,
      %add3A_813 = arith.addf %add3A_805, %get3A_812 : vector<16xf32>
      %swap3A_814 = arith.index_cast %add3A_97 : i32 to index
      %swap3A_815 = arith.constant 560 : index
      %swap3A_816 = tpu.vector_load %arg11[%swap3A_814, %swap3A_815] {strides = array<i32>} : memref<64x768xf32, #tpu.memory_space<vmem>>, vector<16xf32>,
      tpu.vector_store %arg11[%swap3A_814, %swap3A_815], %add3A_813 {strides = array<i32>} : memref<64x768xf32, #tpu.memory_space<vmem>>, vector<16xf32>,
      %get3A_817 = arith.index_cast %add3A_97 : i32 to index
      %get3A_818 = arith.constant 576 : index
      %get3A_819 = tpu.vector_load %arg11[%get3A_817, %get3A_818] {strides = array<i32>} : memref<64x768xf32, #tpu.memory_space<vmem>>, vector<16xf32>,
      %mul3A_820 = arith.constant 2 : i32
      %mul3A_821 = arith.muli %mul3A_820, %scan3A_95 : i32
      %get3A_822 = arith.index_cast %mul3A_821 : i32 to index
      %get3A_823 = arith.constant 576 : index
      %get3A_824 = tpu.vector_load %arg10[%get3A_822, %get3A_823] {strides = array<i32>} : memref<64x768xf32, #tpu.memory_space<vmem>>, vector<16xf32>,
      %add3A_825 = arith.addf %get3A_819, %get3A_824 : vector<16xf32>
      %mul3A_826 = arith.constant 2 : i32
      %mul3A_827 = arith.muli %mul3A_826, %scan3A_95 : i32
      %add3A_828 = arith.constant 1 : i32
      %add3A_829 = arith.addi %mul3A_827, %add3A_828 : i32
      %get3A_830 = arith.index_cast %add3A_829 : i32 to index
      %get3A_831 = arith.constant 576 : index
      %get3A_832 = tpu.vector_load %arg10[%get3A_830, %get3A_831] {strides = array<i32>} : memref<64x768xf32, #tpu.memory_space<vmem>>, vector<16xf32>,
      %add3A_833 = arith.addf %add3A_825, %get3A_832 : vector<16xf32>
      %swap3A_834 = arith.index_cast %add3A_97 : i32 to index
      %swap3A_835 = arith.constant 576 : index
      %swap3A_836 = tpu.vector_load %arg11[%swap3A_834, %swap3A_835] {strides = array<i32>} : memref<64x768xf32, #tpu.memory_space<vmem>>, vector<16xf32>,
      tpu.vector_store %arg11[%swap3A_834, %swap3A_835], %add3A_833 {strides = array<i32>} : memref<64x768xf32, #tpu.memory_space<vmem>>, vector<16xf32>,
      %get3A_837 = arith.index_cast %add3A_97 : i32 to index
      %get3A_838 = arith.constant 592 : index
      %get3A_839 = tpu.vector_load %arg11[%get3A_837, %get3A_838] {strides = array<i32>} : memref<64x768xf32, #tpu.memory_space<vmem>>, vector<16xf32>,
      %mul3A_840 = arith.constant 2 : i32
      %mul3A_841 = arith.muli %mul3A_840, %scan3A_95 : i32
      %get3A_842 = arith.index_cast %mul3A_841 : i32 to index
      %get3A_843 = arith.constant 592 : index
      %get3A_844 = tpu.vector_load %arg10[%get3A_842, %get3A_843] {strides = array<i32>} : memref<64x768xf32, #tpu.memory_space<vmem>>, vector<16xf32>,
      %add3A_845 = arith.addf %get3A_839, %get3A_844 : vector<16xf32>
      %mul3A_846 = arith.constant 2 : i32
      %mul3A_847 = arith.muli %mul3A_846, %scan3A_95 : i32
      %add3A_848 = arith.constant 1 : i32
      %add3A_849 = arith.addi %mul3A_847, %add3A_848 : i32
      %get3A_850 = arith.index_cast %add3A_849 : i32 to index
      %get3A_851 = arith.constant 592 : index
      %get3A_852 = tpu.vector_load %arg10[%get3A_850, %get3A_851] {strides = array<i32>} : memref<64x768xf32, #tpu.memory_space<vmem>>, vector<16xf32>,
      %add3A_853 = arith.addf %add3A_845, %get3A_852 : vector<16xf32>
      %swap3A_854 = arith.index_cast %add3A_97 : i32 to index
      %swap3A_855 = arith.constant 592 : index
      %swap3A_856 = tpu.vector_load %arg11[%swap3A_854, %swap3A_855] {strides = array<i32>} : memref<64x768xf32, #tpu.memory_space<vmem>>, vector<16xf32>,
      tpu.vector_store %arg11[%swap3A_854, %swap3A_855], %add3A_853 {strides = array<i32>} : memref<64x768xf32, #tpu.memory_space<vmem>>, vector<16xf32>,
      %get3A_857 = arith.index_cast %add3A_97 : i32 to index
      %get3A_858 = arith.constant 608 : index
      %get3A_859 = tpu.vector_load %arg11[%get3A_857, %get3A_858] {strides = array<i32>} : memref<64x768xf32, #tpu.memory_space<vmem>>, vector<16xf32>,
      %mul3A_860 = arith.constant 2 : i32
      %mul3A_861 = arith.muli %mul3A_860, %scan3A_95 : i32
      %get3A_862 = arith.index_cast %mul3A_861 : i32 to index
      %get3A_863 = arith.constant 608 : index
      %get3A_864 = tpu.vector_load %arg10[%get3A_862, %get3A_863] {strides = array<i32>} : memref<64x768xf32, #tpu.memory_space<vmem>>, vector<16xf32>,
      %add3A_865 = arith.addf %get3A_859, %get3A_864 : vector<16xf32>
      %mul3A_866 = arith.constant 2 : i32
      %mul3A_867 = arith.muli %mul3A_866, %scan3A_95 : i32
      %add3A_868 = arith.constant 1 : i32
      %add3A_869 = arith.addi %mul3A_867, %add3A_868 : i32
      %get3A_870 = arith.index_cast %add3A_869 : i32 to index
      %get3A_871 = arith.constant 608 : index
      %get3A_872 = tpu.vector_load %arg10[%get3A_870, %get3A_871] {strides = array<i32>} : memref<64x768xf32, #tpu.memory_space<vmem>>, vector<16xf32>,
      %add3A_873 = arith.addf %add3A_865, %get3A_872 : vector<16xf32>
      %swap3A_874 = arith.index_cast %add3A_97 : i32 to index
      %swap3A_875 = arith.constant 608 : index
      %swap3A_876 = tpu.vector_load %arg11[%swap3A_874, %swap3A_875] {strides = array<i32>} : memref<64x768xf32, #tpu.memory_space<vmem>>, vector<16xf32>,
      tpu.vector_store %arg11[%swap3A_874, %swap3A_875], %add3A_873 {strides = array<i32>} : memref<64x768xf32, #tpu.memory_space<vmem>>, vector<16xf32>,
      %get3A_877 = arith.index_cast %add3A_97 : i32 to index
      %get3A_878 = arith.constant 624 : index
      %get3A_879 = tpu.vector_load %arg11[%get3A_877, %get3A_878] {strides = array<i32>} : memref<64x768xf32, #tpu.memory_space<vmem>>, vector<16xf32>,
      %mul3A_880 = arith.constant 2 : i32
      %mul3A_881 = arith.muli %mul3A_880, %scan3A_95 : i32
      %get3A_882 = arith.index_cast %mul3A_881 : i32 to index
      %get3A_883 = arith.constant 624 : index
      %get3A_884 = tpu.vector_load %arg10[%get3A_882, %get3A_883] {strides = array<i32>} : memref<64x768xf32, #tpu.memory_space<vmem>>, vector<16xf32>,
      %add3A_885 = arith.addf %get3A_879, %get3A_884 : vector<16xf32>
      %mul3A_886 = arith.constant 2 : i32
      %mul3A_887 = arith.muli %mul3A_886, %scan3A_95 : i32
      %add3A_888 = arith.constant 1 : i32
      %add3A_889 = arith.addi %mul3A_887, %add3A_888 : i32
      %get3A_890 = arith.index_cast %add3A_889 : i32 to index
      %get3A_891 = arith.constant 624 : index
      %get3A_892 = tpu.vector_load %arg10[%get3A_890, %get3A_891] {strides = array<i32>} : memref<64x768xf32, #tpu.memory_space<vmem>>, vector<16xf32>,
      %add3A_893 = arith.addf %add3A_885, %get3A_892 : vector<16xf32>
      %swap3A_894 = arith.index_cast %add3A_97 : i32 to index
      %swap3A_895 = arith.constant 624 : index
      %swap3A_896 = tpu.vector_load %arg11[%swap3A_894, %swap3A_895] {strides = array<i32>} : memref<64x768xf32, #tpu.memory_space<vmem>>, vector<16xf32>,
      tpu.vector_store %arg11[%swap3A_894, %swap3A_895], %add3A_893 {strides = array<i32>} : memref<64x768xf32, #tpu.memory_space<vmem>>, vector<16xf32>,
      %get3A_897 = arith.index_cast %add3A_97 : i32 to index
      %get3A_898 = arith.constant 640 : index
      %get3A_899 = tpu.vector_load %arg11[%get3A_897, %get3A_898] {strides = array<i32>} : memref<64x768xf32, #tpu.memory_space<vmem>>, vector<16xf32>,
      %mul3A_900 = arith.constant 2 : i32
      %mul3A_901 = arith.muli %mul3A_900, %scan3A_95 : i32
      %get3A_902 = arith.index_cast %mul3A_901 : i32 to index
      %get3A_903 = arith.constant 640 : index
      %get3A_904 = tpu.vector_load %arg10[%get3A_902, %get3A_903] {strides = array<i32>} : memref<64x768xf32, #tpu.memory_space<vmem>>, vector<16xf32>,
      %add3A_905 = arith.addf %get3A_899, %get3A_904 : vector<16xf32>
      %mul3A_906 = arith.constant 2 : i32
      %mul3A_907 = arith.muli %mul3A_906, %scan3A_95 : i32
      %add3A_908 = arith.constant 1 : i32
      %add3A_909 = arith.addi %mul3A_907, %add3A_908 : i32
      %get3A_910 = arith.index_cast %add3A_909 : i32 to index
      %get3A_911 = arith.constant 640 : index
      %get3A_912 = tpu.vector_load %arg10[%get3A_910, %get3A_911] {strides = array<i32>} : memref<64x768xf32, #tpu.memory_space<vmem>>, vector<16xf32>,
      %add3A_913 = arith.addf %add3A_905, %get3A_912 : vector<16xf32>
      %swap3A_914 = arith.index_cast %add3A_97 : i32 to index
      %swap3A_915 = arith.constant 640 : index
      %swap3A_916 = tpu.vector_load %arg11[%swap3A_914, %swap3A_915] {strides = array<i32>} : memref<64x768xf32, #tpu.memory_space<vmem>>, vector<16xf32>,
      tpu.vector_store %arg11[%swap3A_914, %swap3A_915], %add3A_913 {strides = array<i32>} : memref<64x768xf32, #tpu.memory_space<vmem>>, vector<16xf32>,
      %get3A_917 = arith.index_cast %add3A_97 : i32 to index
      %get3A_918 = arith.constant 656 : index
      %get3A_919 = tpu.vector_load %arg11[%get3A_917, %get3A_918] {strides = array<i32>} : memref<64x768xf32, #tpu.memory_space<vmem>>, vector<16xf32>,
      %mul3A_920 = arith.constant 2 : i32
      %mul3A_921 = arith.muli %mul3A_920, %scan3A_95 : i32
      %get3A_922 = arith.index_cast %mul3A_921 : i32 to index
      %get3A_923 = arith.constant 656 : index
      %get3A_924 = tpu.vector_load %arg10[%get3A_922, %get3A_923] {strides = array<i32>} : memref<64x768xf32, #tpu.memory_space<vmem>>, vector<16xf32>,
      %add3A_925 = arith.addf %get3A_919, %get3A_924 : vector<16xf32>
      %mul3A_926 = arith.constant 2 : i32
      %mul3A_927 = arith.muli %mul3A_926, %scan3A_95 : i32
      %add3A_928 = arith.constant 1 : i32
      %add3A_929 = arith.addi %mul3A_927, %add3A_928 : i32
      %get3A_930 = arith.index_cast %add3A_929 : i32 to index
      %get3A_931 = arith.constant 656 : index
      %get3A_932 = tpu.vector_load %arg10[%get3A_930, %get3A_931] {strides = array<i32>} : memref<64x768xf32, #tpu.memory_space<vmem>>, vector<16xf32>,
      %add3A_933 = arith.addf %add3A_925, %get3A_932 : vector<16xf32>
      %swap3A_934 = arith.index_cast %add3A_97 : i32 to index
      %swap3A_935 = arith.constant 656 : index
      %swap3A_936 = tpu.vector_load %arg11[%swap3A_934, %swap3A_935] {strides = array<i32>} : memref<64x768xf32, #tpu.memory_space<vmem>>, vector<16xf32>,
      tpu.vector_store %arg11[%swap3A_934, %swap3A_935], %add3A_933 {strides = array<i32>} : memref<64x768xf32, #tpu.memory_space<vmem>>, vector<16xf32>,
      %get3A_937 = arith.index_cast %add3A_97 : i32 to index
      %get3A_938 = arith.constant 672 : index
      %get3A_939 = tpu.vector_load %arg11[%get3A_937, %get3A_938] {strides = array<i32>} : memref<64x768xf32, #tpu.memory_space<vmem>>, vector<16xf32>,
      %mul3A_940 = arith.constant 2 : i32
      %mul3A_941 = arith.muli %mul3A_940, %scan3A_95 : i32
      %get3A_942 = arith.index_cast %mul3A_941 : i32 to index
      %get3A_943 = arith.constant 672 : index
      %get3A_944 = tpu.vector_load %arg10[%get3A_942, %get3A_943] {strides = array<i32>} : memref<64x768xf32, #tpu.memory_space<vmem>>, vector<16xf32>,
      %add3A_945 = arith.addf %get3A_939, %get3A_944 : vector<16xf32>
      %mul3A_946 = arith.constant 2 : i32
      %mul3A_947 = arith.muli %mul3A_946, %scan3A_95 : i32
      %add3A_948 = arith.constant 1 : i32
      %add3A_949 = arith.addi %mul3A_947, %add3A_948 : i32
      %get3A_950 = arith.index_cast %add3A_949 : i32 to index
      %get3A_951 = arith.constant 672 : index
      %get3A_952 = tpu.vector_load %arg10[%get3A_950, %get3A_951] {strides = array<i32>} : memref<64x768xf32, #tpu.memory_space<vmem>>, vector<16xf32>,
      %add3A_953 = arith.addf %add3A_945, %get3A_952 : vector<16xf32>
      %swap3A_954 = arith.index_cast %add3A_97 : i32 to index
      %swap3A_955 = arith.constant 672 : index
      %swap3A_956 = tpu.vector_load %arg11[%swap3A_954, %swap3A_955] {strides = array<i32>} : memref<64x768xf32, #tpu.memory_space<vmem>>, vector<16xf32>,
      tpu.vector_store %arg11[%swap3A_954, %swap3A_955], %add3A_953 {strides = array<i32>} : memref<64x768xf32, #tpu.memory_space<vmem>>, vector<16xf32>,
      %get3A_957 = arith.index_cast %add3A_97 : i32 to index
      %get3A_958 = arith.constant 688 : index
      %get3A_959 = tpu.vector_load %arg11[%get3A_957, %get3A_958] {strides = array<i32>} : memref<64x768xf32, #tpu.memory_space<vmem>>, vector<16xf32>,
      %mul3A_960 = arith.constant 2 : i32
      %mul3A_961 = arith.muli %mul3A_960, %scan3A_95 : i32
      %get3A_962 = arith.index_cast %mul3A_961 : i32 to index
      %get3A_963 = arith.constant 688 : index
      %get3A_964 = tpu.vector_load %arg10[%get3A_962, %get3A_963] {strides = array<i32>} : memref<64x768xf32, #tpu.memory_space<vmem>>, vector<16xf32>,
      %add3A_965 = arith.addf %get3A_959, %get3A_964 : vector<16xf32>
      %mul3A_966 = arith.constant 2 : i32
      %mul3A_967 = arith.muli %mul3A_966, %scan3A_95 : i32
      %add3A_968 = arith.constant 1 : i32
      %add3A_969 = arith.addi %mul3A_967, %add3A_968 : i32
      %get3A_970 = arith.index_cast %add3A_969 : i32 to index
      %get3A_971 = arith.constant 688 : index
      %get3A_972 = tpu.vector_load %arg10[%get3A_970, %get3A_971] {strides = array<i32>} : memref<64x768xf32, #tpu.memory_space<vmem>>, vector<16xf32>,
      %add3A_973 = arith.addf %add3A_965, %get3A_972 : vector<16xf32>
      %swap3A_974 = arith.index_cast %add3A_97 : i32 to index
      %swap3A_975 = arith.constant 688 : index
      %swap3A_976 = tpu.vector_load %arg11[%swap3A_974, %swap3A_975] {strides = array<i32>} : memref<64x768xf32, #tpu.memory_space<vmem>>, vector<16xf32>,
      tpu.vector_store %arg11[%swap3A_974, %swap3A_975], %add3A_973 {strides = array<i32>} : memref<64x768xf32, #tpu.memory_space<vmem>>, vector<16xf32>,
      %get3A_977 = arith.index_cast %add3A_97 : i32 to index
      %get3A_978 = arith.constant 704 : index
      %get3A_979 = tpu.vector_load %arg11[%get3A_977, %get3A_978] {strides = array<i32>} : memref<64x768xf32, #tpu.memory_space<vmem>>, vector<16xf32>,
      %mul3A_980 = arith.constant 2 : i32
      %mul3A_981 = arith.muli %mul3A_980, %scan3A_95 : i32
      %get3A_982 = arith.index_cast %mul3A_981 : i32 to index
      %get3A_983 = arith.constant 704 : index
      %get3A_984 = tpu.vector_load %arg10[%get3A_982, %get3A_983] {strides = array<i32>} : memref<64x768xf32, #tpu.memory_space<vmem>>, vector<16xf32>,
      %add3A_985 = arith.addf %get3A_979, %get3A_984 : vector<16xf32>
      %mul3A_986 = arith.constant 2 : i32
      %mul3A_987 = arith.muli %mul3A_986, %scan3A_95 : i32
      %add3A_988 = arith.constant 1 : i32
      %add3A_989 = arith.addi %mul3A_987, %add3A_988 : i32
      %get3A_990 = arith.index_cast %add3A_989 : i32 to index
      %get3A_991 = arith.constant 704 : index
      %get3A_992 = tpu.vector_load %arg10[%get3A_990, %get3A_991] {strides = array<i32>} : memref<64x768xf32, #tpu.memory_space<vmem>>, vector<16xf32>,
      %add3A_993 = arith.addf %add3A_985, %get3A_992 : vector<16xf32>
      %swap3A_994 = arith.index_cast %add3A_97 : i32 to index
      %swap3A_995 = arith.constant 704 : index
      %swap3A_996 = tpu.vector_load %arg11[%swap3A_994, %swap3A_995] {strides = array<i32>} : memref<64x768xf32, #tpu.memory_space<vmem>>, vector<16xf32>,
      tpu.vector_store %arg11[%swap3A_994, %swap3A_995], %add3A_993 {strides = array<i32>} : memref<64x768xf32, #tpu.memory_space<vmem>>, vector<16xf32>,
      %get3A_997 = arith.index_cast %add3A_97 : i32 to index
      %get3A_998 = arith.constant 720 : index
      %get3A_999 = tpu.vector_load %arg11[%get3A_997, %get3A_998] {strides = array<i32>} : memref<64x768xf32, #tpu.memory_space<vmem>>, vector<16xf32>,
      %mul3A_1000 = arith.constant 2 : i32
      %mul3A_1001 = arith.muli %mul3A_1000, %scan3A_95 : i32
      %get3A_1002 = arith.index_cast %mul3A_1001 : i32 to index
      %get3A_1003 = arith.constant 720 : index
      %get3A_1004 = tpu.vector_load %arg10[%get3A_1002, %get3A_1003] {strides = array<i32>} : memref<64x768xf32, #tpu.memory_space<vmem>>, vector<16xf32>,
      %add3A_1005 = arith.addf %get3A_999, %get3A_1004 : vector<16xf32>
      %mul3A_1006 = arith.constant 2 : i32
      %mul3A_1007 = arith.muli %mul3A_1006, %scan3A_95 : i32
      %add3A_1008 = arith.constant 1 : i32
      %add3A_1009 = arith.addi %mul3A_1007, %add3A_1008 : i32
      %get3A_1010 = arith.index_cast %add3A_1009 : i32 to index
      %get3A_1011 = arith.constant 720 : index
      %get3A_1012 = tpu.vector_load %arg10[%get3A_1010, %get3A_1011] {strides = array<i32>} : memref<64x768xf32, #tpu.memory_space<vmem>>, vector<16xf32>,
      %add3A_1013 = arith.addf %add3A_1005, %get3A_1012 : vector<16xf32>
      %swap3A_1014 = arith.index_cast %add3A_97 : i32 to index
      %swap3A_1015 = arith.constant 720 : index
      %swap3A_1016 = tpu.vector_load %arg11[%swap3A_1014, %swap3A_1015] {strides = array<i32>} : memref<64x768xf32, #tpu.memory_space<vmem>>, vector<16xf32>,
      tpu.vector_store %arg11[%swap3A_1014, %swap3A_1015], %add3A_1013 {strides = array<i32>} : memref<64x768xf32, #tpu.memory_space<vmem>>, vector<16xf32>,
      %get3A_1017 = arith.index_cast %add3A_97 : i32 to index
      %get3A_1018 = arith.constant 736 : index
      %get3A_1019 = tpu.vector_load %arg11[%get3A_1017, %get3A_1018] {strides = array<i32>} : memref<64x768xf32, #tpu.memory_space<vmem>>, vector<16xf32>,
      %mul3A_1020 = arith.constant 2 : i32
      %mul3A_1021 = arith.muli %mul3A_1020, %scan3A_95 : i32
      %get3A_1022 = arith.index_cast %mul3A_1021 : i32 to index
      %get3A_1023 = arith.constant 736 : index
      %get3A_1024 = tpu.vector_load %arg10[%get3A_1022, %get3A_1023] {strides = array<i32>} : memref<64x768xf32, #tpu.memory_space<vmem>>, vector<16xf32>,
      %add3A_1025 = arith.addf %get3A_1019, %get3A_1024 : vector<16xf32>
      %mul3A_1026 = arith.constant 2 : i32
      %mul3A_1027 = arith.muli %mul3A_1026, %scan3A_95 : i32
      %add3A_1028 = arith.constant 1 : i32
      %add3A_1029 = arith.addi %mul3A_1027, %add3A_1028 : i32
      %get3A_1030 = arith.index_cast %add3A_1029 : i32 to index
      %get3A_1031 = arith.constant 736 : index
      %get3A_1032 = tpu.vector_load %arg10[%get3A_1030, %get3A_1031] {strides = array<i32>} : memref<64x768xf32, #tpu.memory_space<vmem>>, vector<16xf32>,
      %add3A_1033 = arith.addf %add3A_1025, %get3A_1032 : vector<16xf32>
      %swap3A_1034 = arith.index_cast %add3A_97 : i32 to index
      %swap3A_1035 = arith.constant 736 : index
      %swap3A_1036 = tpu.vector_load %arg11[%swap3A_1034, %swap3A_1035] {strides = array<i32>} : memref<64x768xf32, #tpu.memory_space<vmem>>, vector<16xf32>,
      tpu.vector_store %arg11[%swap3A_1034, %swap3A_1035], %add3A_1033 {strides = array<i32>} : memref<64x768xf32, #tpu.memory_space<vmem>>, vector<16xf32>,
      %get3A_1037 = arith.index_cast %add3A_97 : i32 to index
      %get3A_1038 = arith.constant 752 : index
      %get3A_1039 = tpu.vector_load %arg11[%get3A_1037, %get3A_1038] {strides = array<i32>} : memref<64x768xf32, #tpu.memory_space<vmem>>, vector<16xf32>,
      %mul3A_1040 = arith.constant 2 : i32
      %mul3A_1041 = arith.muli %mul3A_1040, %scan3A_95 : i32
      %get3A_1042 = arith.index_cast %mul3A_1041 : i32 to index
      %get3A_1043 = arith.constant 752 : index
      %get3A_1044 = tpu.vector_load %arg10[%get3A_1042, %get3A_1043] {strides = array<i32>} : memref<64x768xf32, #tpu.memory_space<vmem>>, vector<16xf32>,
      %add3A_1045 = arith.addf %get3A_1039, %get3A_1044 : vector<16xf32>
      %mul3A_1046 = arith.constant 2 : i32
      %mul3A_1047 = arith.muli %mul3A_1046, %scan3A_95 : i32
      %add3A_1048 = arith.constant 1 : i32
      %add3A_1049 = arith.addi %mul3A_1047, %add3A_1048 : i32
      %get3A_1050 = arith.index_cast %add3A_1049 : i32 to index
      %get3A_1051 = arith.constant 752 : index
      %get3A_1052 = tpu.vector_load %arg10[%get3A_1050, %get3A_1051] {strides = array<i32>} : memref<64x768xf32, #tpu.memory_space<vmem>>, vector<16xf32>,
      %add3A_1053 = arith.addf %add3A_1045, %get3A_1052 : vector<16xf32>
      %swap3A_1054 = arith.index_cast %add3A_97 : i32 to index
      %swap3A_1055 = arith.constant 752 : index
      %swap3A_1056 = tpu.vector_load %arg11[%swap3A_1054, %swap3A_1055] {strides = array<i32>} : memref<64x768xf32, #tpu.memory_space<vmem>>, vector<16xf32>,
      tpu.vector_store %arg11[%swap3A_1054, %swap3A_1055], %add3A_1053 {strides = array<i32>} : memref<64x768xf32, #tpu.memory_space<vmem>>, vector<16xf32>,
    }
    %scan3A_78 = arith.constant 32 : i32
    %dma_start3A_79 = arith.constant 64 : i32
    %dma_start3A_80 = tpu.memref_slice %arg9[%dma_start3A_79] : memref<128xi32, #tpu.memory_space<vmem>> -> memref<64xi32, #tpu.memory_space<vmem>>
    %dma_start3A_81 = arith.constant 0 : i32
    %dma_start3A_82 = arith.constant 0 : i32
    %dma_start3A_83 = tpu.memref_slice %arg2[%dma_start3A_81, %dma_start3A_82] : memref<5120x768xf32, #tpu.memory_space<hbm>> -> memref<5120x768xf32, #tpu.memory_space<hbm>>
    tpu.enqueue_indirect_dma source(%dma_start3A_83 : memref<5120x768xf32, #tpu.memory_space<hbm>>) target(%arg10 : memref<64x768xf32, #tpu.memory_space<vmem>>) offsets(%dma_start3A_80 : memref<64xi32, #tpu.memory_space<vmem>>) semaphore(%arg12 : memref<!tpu.dma_semaphore, #tpu.memory_space<semaphore_mem>>)
    %dma_wait3A_84 = arith.constant 64 : i32
    %dma_wait3A_85 = tpu.memref_slice %arg9[%dma_wait3A_84] : memref<128xi32, #tpu.memory_space<vmem>> -> memref<64xi32, #tpu.memory_space<vmem>>
    %dma_wait3A_86 = arith.constant 0 : i32
    %dma_wait3A_87 = arith.constant 0 : i32
    %dma_wait3A_88 = tpu.memref_slice %arg2[%dma_wait3A_86, %dma_wait3A_87] : memref<5120x768xf32, #tpu.memory_space<hbm>> -> memref<5120x768xf32, #tpu.memory_space<hbm>>
    tpu.wait_indirect_dma semaphore(%arg12 : memref<!tpu.dma_semaphore, #tpu.memory_space<semaphore_mem>>) src(%dma_wait3A_88 : memref<5120x768xf32, #tpu.memory_space<hbm>>) dst(%arg10 : memref<64x768xf32, #tpu.memory_space<vmem>>)
    %scan3A_89 = arith.constant 0 : i32
    %scan3A_90 = arith.constant 0 : i32
    %scan3A_91 = arith.constant 32 : i32
    %scan3A_92 = arith.addi %scan3A_90, %scan3A_91 : i32
    %scan3A_93 = arith.constant 1 : i32
    scf.for %scan3A_95 = %scan3A_90 to %scan3A_92 step %scan3A_93  : i32 {
      %add3A_96 = arith.constant 32 : i32
      %add3A_97 = arith.addi %scan3A_95, %add3A_96 : i32
      %get3A_98 = arith.index_cast %add3A_97 : i32 to index
      %get3A_99 = arith.constant 0 : index
      %get3A_100 = tpu.vector_load %arg11[%get3A_98, %get3A_99] {strides = array<i32>} : memref<64x768xf32, #tpu.memory_space<vmem>>, vector<16xf32>,
      %mul3A_101 = arith.constant 2 : i32
      %mul3A_102 = arith.muli %mul3A_101, %scan3A_95 : i32
      %get3A_103 = arith.index_cast %mul3A_102 : i32 to index
      %get3A_104 = arith.constant 0 : index
      %get3A_105 = tpu.vector_load %arg10[%get3A_103, %get3A_104] {strides = array<i32>} : memref<64x768xf32, #tpu.memory_space<vmem>>, vector<16xf32>,
      %add3A_106 = arith.addf %get3A_100, %get3A_105 : vector<16xf32>
      %mul3A_107 = arith.constant 2 : i32
      %mul3A_108 = arith.muli %mul3A_107, %scan3A_95 : i32
      %add3A_109 = arith.constant 1 : i32
      %add3A_110 = arith.addi %mul3A_108, %add3A_109 : i32
      %get3A_111 = arith.index_cast %add3A_110 : i32 to index
      %get3A_112 = arith.constant 0 : index
      %get3A_113 = tpu.vector_load %arg10[%get3A_111, %get3A_112] {strides = array<i32>} : memref<64x768xf32, #tpu.memory_space<vmem>>, vector<16xf32>,
      %add3A_114 = arith.addf %add3A_106, %get3A_113 : vector<16xf32>
      %swap3A = arith.index_cast %add3A_97 : i32 to index
      %swap3A_115 = arith.constant 0 : index
      %swap3A_116 = tpu.vector_load %arg11[%swap3A, %swap3A_115] {strides = array<i32>} : memref<64x768xf32, #tpu.memory_space<vmem>>, vector<16xf32>,
      tpu.vector_store %arg11[%swap3A, %swap3A_115], %add3A_114 {strides = array<i32>} : memref<64x768xf32, #tpu.memory_space<vmem>>, vector<16xf32>,
      %get3A_117 = arith.index_cast %add3A_97 : i32 to index
      %get3A_118 = arith.constant 16 : index
      %get3A_119 = tpu.vector_load %arg11[%get3A_117, %get3A_118] {strides = array<i32>} : memref<64x768xf32, #tpu.memory_space<vmem>>, vector<16xf32>,
      %mul3A_120 = arith.constant 2 : i32
      %mul3A_121 = arith.muli %mul3A_120, %scan3A_95 : i32
      %get3A_122 = arith.index_cast %mul3A_121 : i32 to index
      %get3A_123 = arith.constant 16 : index
      %get3A_124 = tpu.vector_load %arg10[%get3A_122, %get3A_123] {strides = array<i32>} : memref<64x768xf32, #tpu.memory_space<vmem>>, vector<16xf32>,
      %add3A_125 = arith.addf %get3A_119, %get3A_124 : vector<16xf32>
      %mul3A_126 = arith.constant 2 : i32
      %mul3A_127 = arith.muli %mul3A_126, %scan3A_95 : i32
      %add3A_128 = arith.constant 1 : i32
      %add3A_129 = arith.addi %mul3A_127, %add3A_128 : i32
      %get3A_130 = arith.index_cast %add3A_129 : i32 to index
      %get3A_131 = arith.constant 16 : index
      %get3A_132 = tpu.vector_load %arg10[%get3A_130, %get3A_131] {strides = array<i32>} : memref<64x768xf32, #tpu.memory_space<vmem>>, vector<16xf32>,
      %add3A_133 = arith.addf %add3A_125, %get3A_132 : vector<16xf32>
      %swap3A_134 = arith.index_cast %add3A_97 : i32 to index
      %swap3A_135 = arith.constant 16 : index
      %swap3A_136 = tpu.vector_load %arg11[%swap3A_134, %swap3A_135] {strides = array<i32>} : memref<64x768xf32, #tpu.memory_space<vmem>>, vector<16xf32>,
      tpu.vector_store %arg11[%swap3A_134, %swap3A_135], %add3A_133 {strides = array<i32>} : memref<64x768xf32, #tpu.memory_space<vmem>>, vector<16xf32>,
      %get3A_137 = arith.index_cast %add3A_97 : i32 to index
      %get3A_138 = arith.constant 32 : index
      %get3A_139 = tpu.vector_load %arg11[%get3A_137, %get3A_138] {strides = array<i32>} : memref<64x768xf32, #tpu.memory_space<vmem>>, vector<16xf32>,
      %mul3A_140 = arith.constant 2 : i32
      %mul3A_141 = arith.muli %mul3A_140, %scan3A_95 : i32
      %get3A_142 = arith.index_cast %mul3A_141 : i32 to index
      %get3A_143 = arith.constant 32 : index
      %get3A_144 = tpu.vector_load %arg10[%get3A_142, %get3A_143] {strides = array<i32>} : memref<64x768xf32, #tpu.memory_space<vmem>>, vector<16xf32>,
      %add3A_145 = arith.addf %get3A_139, %get3A_144 : vector<16xf32>
      %mul3A_146 = arith.constant 2 : i32
      %mul3A_147 = arith.muli %mul3A_146, %scan3A_95 : i32
      %add3A_148 = arith.constant 1 : i32
      %add3A_149 = arith.addi %mul3A_147, %add3A_148 : i32
      %get3A_150 = arith.index_cast %add3A_149 : i32 to index
      %get3A_151 = arith.constant 32 : index
      %get3A_152 = tpu.vector_load %arg10[%get3A_150, %get3A_151] {strides = array<i32>} : memref<64x768xf32, #tpu.memory_space<vmem>>, vector<16xf32>,
      %add3A_153 = arith.addf %add3A_145, %get3A_152 : vector<16xf32>
      %swap3A_154 = arith.index_cast %add3A_97 : i32 to index
      %swap3A_155 = arith.constant 32 : index
      %swap3A_156 = tpu.vector_load %arg11[%swap3A_154, %swap3A_155] {strides = array<i32>} : memref<64x768xf32, #tpu.memory_space<vmem>>, vector<16xf32>,
      tpu.vector_store %arg11[%swap3A_154, %swap3A_155], %add3A_153 {strides = array<i32>} : memref<64x768xf32, #tpu.memory_space<vmem>>, vector<16xf32>,
      %get3A_157 = arith.index_cast %add3A_97 : i32 to index
      %get3A_158 = arith.constant 48 : index
      %get3A_159 = tpu.vector_load %arg11[%get3A_157, %get3A_158] {strides = array<i32>} : memref<64x768xf32, #tpu.memory_space<vmem>>, vector<16xf32>,
      %mul3A_160 = arith.constant 2 : i32
      %mul3A_161 = arith.muli %mul3A_160, %scan3A_95 : i32
      %get3A_162 = arith.index_cast %mul3A_161 : i32 to index
      %get3A_163 = arith.constant 48 : index
      %get3A_164 = tpu.vector_load %arg10[%get3A_162, %get3A_163] {strides = array<i32>} : memref<64x768xf32, #tpu.memory_space<vmem>>, vector<16xf32>,
      %add3A_165 = arith.addf %get3A_159, %get3A_164 : vector<16xf32>
      %mul3A_166 = arith.constant 2 : i32
      %mul3A_167 = arith.muli %mul3A_166, %scan3A_95 : i32
      %add3A_168 = arith.constant 1 : i32
      %add3A_169 = arith.addi %mul3A_167, %add3A_168 : i32
      %get3A_170 = arith.index_cast %add3A_169 : i32 to index
      %get3A_171 = arith.constant 48 : index
      %get3A_172 = tpu.vector_load %arg10[%get3A_170, %get3A_171] {strides = array<i32>} : memref<64x768xf32, #tpu.memory_space<vmem>>, vector<16xf32>,
      %add3A_173 = arith.addf %add3A_165, %get3A_172 : vector<16xf32>
      %swap3A_174 = arith.index_cast %add3A_97 : i32 to index
      %swap3A_175 = arith.constant 48 : index
      %swap3A_176 = tpu.vector_load %arg11[%swap3A_174, %swap3A_175] {strides = array<i32>} : memref<64x768xf32, #tpu.memory_space<vmem>>, vector<16xf32>,
      tpu.vector_store %arg11[%swap3A_174, %swap3A_175], %add3A_173 {strides = array<i32>} : memref<64x768xf32, #tpu.memory_space<vmem>>, vector<16xf32>,
      %get3A_177 = arith.index_cast %add3A_97 : i32 to index
      %get3A_178 = arith.constant 64 : index
      %get3A_179 = tpu.vector_load %arg11[%get3A_177, %get3A_178] {strides = array<i32>} : memref<64x768xf32, #tpu.memory_space<vmem>>, vector<16xf32>,
      %mul3A_180 = arith.constant 2 : i32
      %mul3A_181 = arith.muli %mul3A_180, %scan3A_95 : i32
      %get3A_182 = arith.index_cast %mul3A_181 : i32 to index
      %get3A_183 = arith.constant 64 : index
      %get3A_184 = tpu.vector_load %arg10[%get3A_182, %get3A_183] {strides = array<i32>} : memref<64x768xf32, #tpu.memory_space<vmem>>, vector<16xf32>,
      %add3A_185 = arith.addf %get3A_179, %get3A_184 : vector<16xf32>
      %mul3A_186 = arith.constant 2 : i32
      %mul3A_187 = arith.muli %mul3A_186, %scan3A_95 : i32
      %add3A_188 = arith.constant 1 : i32
      %add3A_189 = arith.addi %mul3A_187, %add3A_188 : i32
      %get3A_190 = arith.index_cast %add3A_189 : i32 to index
      %get3A_191 = arith.constant 64 : index
      %get3A_192 = tpu.vector_load %arg10[%get3A_190, %get3A_191] {strides = array<i32>} : memref<64x768xf32, #tpu.memory_space<vmem>>, vector<16xf32>,
      %add3A_193 = arith.addf %add3A_185, %get3A_192 : vector<16xf32>
      %swap3A_194 = arith.index_cast %add3A_97 : i32 to index
      %swap3A_195 = arith.constant 64 : index
      %swap3A_196 = tpu.vector_load %arg11[%swap3A_194, %swap3A_195] {strides = array<i32>} : memref<64x768xf32, #tpu.memory_space<vmem>>, vector<16xf32>,
      tpu.vector_store %arg11[%swap3A_194, %swap3A_195], %add3A_193 {strides = array<i32>} : memref<64x768xf32, #tpu.memory_space<vmem>>, vector<16xf32>,
      %get3A_197 = arith.index_cast %add3A_97 : i32 to index
      %get3A_198 = arith.constant 80 : index
      %get3A_199 = tpu.vector_load %arg11[%get3A_197, %get3A_198] {strides = array<i32>} : memref<64x768xf32, #tpu.memory_space<vmem>>, vector<16xf32>,
      %mul3A_200 = arith.constant 2 : i32
      %mul3A_201 = arith.muli %mul3A_200, %scan3A_95 : i32
      %get3A_202 = arith.index_cast %mul3A_201 : i32 to index
      %get3A_203 = arith.constant 80 : index
      %get3A_204 = tpu.vector_load %arg10[%get3A_202, %get3A_203] {strides = array<i32>} : memref<64x768xf32, #tpu.memory_space<vmem>>, vector<16xf32>,
      %add3A_205 = arith.addf %get3A_199, %get3A_204 : vector<16xf32>
      %mul3A_206 = arith.constant 2 : i32
      %mul3A_207 = arith.muli %mul3A_206, %scan3A_95 : i32
      %add3A_208 = arith.constant 1 : i32
      %add3A_209 = arith.addi %mul3A_207, %add3A_208 : i32
      %get3A_210 = arith.index_cast %add3A_209 : i32 to index
      %get3A_211 = arith.constant 80 : index
      %get3A_212 = tpu.vector_load %arg10[%get3A_210, %get3A_211] {strides = array<i32>} : memref<64x768xf32, #tpu.memory_space<vmem>>, vector<16xf32>,
      %add3A_213 = arith.addf %add3A_205, %get3A_212 : vector<16xf32>
      %swap3A_214 = arith.index_cast %add3A_97 : i32 to index
      %swap3A_215 = arith.constant 80 : index
      %swap3A_216 = tpu.vector_load %arg11[%swap3A_214, %swap3A_215] {strides = array<i32>} : memref<64x768xf32, #tpu.memory_space<vmem>>, vector<16xf32>,
      tpu.vector_store %arg11[%swap3A_214, %swap3A_215], %add3A_213 {strides = array<i32>} : memref<64x768xf32, #tpu.memory_space<vmem>>, vector<16xf32>,
      %get3A_217 = arith.index_cast %add3A_97 : i32 to index
      %get3A_218 = arith.constant 96 : index
      %get3A_219 = tpu.vector_load %arg11[%get3A_217, %get3A_218] {strides = array<i32>} : memref<64x768xf32, #tpu.memory_space<vmem>>, vector<16xf32>,
      %mul3A_220 = arith.constant 2 : i32
      %mul3A_221 = arith.muli %mul3A_220, %scan3A_95 : i32
      %get3A_222 = arith.index_cast %mul3A_221 : i32 to index
      %get3A_223 = arith.constant 96 : index
      %get3A_224 = tpu.vector_load %arg10[%get3A_222, %get3A_223] {strides = array<i32>} : memref<64x768xf32, #tpu.memory_space<vmem>>, vector<16xf32>,
      %add3A_225 = arith.addf %get3A_219, %get3A_224 : vector<16xf32>
      %mul3A_226 = arith.constant 2 : i32
      %mul3A_227 = arith.muli %mul3A_226, %scan3A_95 : i32
      %add3A_228 = arith.constant 1 : i32
      %add3A_229 = arith.addi %mul3A_227, %add3A_228 : i32
      %get3A_230 = arith.index_cast %add3A_229 : i32 to index
      %get3A_231 = arith.constant 96 : index
      %get3A_232 = tpu.vector_load %arg10[%get3A_230, %get3A_231] {strides = array<i32>} : memref<64x768xf32, #tpu.memory_space<vmem>>, vector<16xf32>,
      %add3A_233 = arith.addf %add3A_225, %get3A_232 : vector<16xf32>
      %swap3A_234 = arith.index_cast %add3A_97 : i32 to index
      %swap3A_235 = arith.constant 96 : index
      %swap3A_236 = tpu.vector_load %arg11[%swap3A_234, %swap3A_235] {strides = array<i32>} : memref<64x768xf32, #tpu.memory_space<vmem>>, vector<16xf32>,
      tpu.vector_store %arg11[%swap3A_234, %swap3A_235], %add3A_233 {strides = array<i32>} : memref<64x768xf32, #tpu.memory_space<vmem>>, vector<16xf32>,
      %get3A_237 = arith.index_cast %add3A_97 : i32 to index
      %get3A_238 = arith.constant 112 : index
      %get3A_239 = tpu.vector_load %arg11[%get3A_237, %get3A_238] {strides = array<i32>} : memref<64x768xf32, #tpu.memory_space<vmem>>, vector<16xf32>,
      %mul3A_240 = arith.constant 2 : i32
      %mul3A_241 = arith.muli %mul3A_240, %scan3A_95 : i32
      %get3A_242 = arith.index_cast %mul3A_241 : i32 to index
      %get3A_243 = arith.constant 112 : index
      %get3A_244 = tpu.vector_load %arg10[%get3A_242, %get3A_243] {strides = array<i32>} : memref<64x768xf32, #tpu.memory_space<vmem>>, vector<16xf32>,
      %add3A_245 = arith.addf %get3A_239, %get3A_244 : vector<16xf32>
      %mul3A_246 = arith.constant 2 : i32
      %mul3A_247 = arith.muli %mul3A_246, %scan3A_95 : i32
      %add3A_248 = arith.constant 1 : i32
      %add3A_249 = arith.addi %mul3A_247, %add3A_248 : i32
      %get3A_250 = arith.index_cast %add3A_249 : i32 to index
      %get3A_251 = arith.constant 112 : index
      %get3A_252 = tpu.vector_load %arg10[%get3A_250, %get3A_251] {strides = array<i32>} : memref<64x768xf32, #tpu.memory_space<vmem>>, vector<16xf32>,
      %add3A_253 = arith.addf %add3A_245, %get3A_252 : vector<16xf32>
      %swap3A_254 = arith.index_cast %add3A_97 : i32 to index
      %swap3A_255 = arith.constant 112 : index
      %swap3A_256 = tpu.vector_load %arg11[%swap3A_254, %swap3A_255] {strides = array<i32>} : memref<64x768xf32, #tpu.memory_space<vmem>>, vector<16xf32>,
      tpu.vector_store %arg11[%swap3A_254, %swap3A_255], %add3A_253 {strides = array<i32>} : memref<64x768xf32, #tpu.memory_space<vmem>>, vector<16xf32>,
      %get3A_257 = arith.index_cast %add3A_97 : i32 to index
      %get3A_258 = arith.constant 128 : index
      %get3A_259 = tpu.vector_load %arg11[%get3A_257, %get3A_258] {strides = array<i32>} : memref<64x768xf32, #tpu.memory_space<vmem>>, vector<16xf32>,
      %mul3A_260 = arith.constant 2 : i32
      %mul3A_261 = arith.muli %mul3A_260, %scan3A_95 : i32
      %get3A_262 = arith.index_cast %mul3A_261 : i32 to index
      %get3A_263 = arith.constant 128 : index
      %get3A_264 = tpu.vector_load %arg10[%get3A_262, %get3A_263] {strides = array<i32>} : memref<64x768xf32, #tpu.memory_space<vmem>>, vector<16xf32>,
      %add3A_265 = arith.addf %get3A_259, %get3A_264 : vector<16xf32>
      %mul3A_266 = arith.constant 2 : i32
      %mul3A_267 = arith.muli %mul3A_266, %scan3A_95 : i32
      %add3A_268 = arith.constant 1 : i32
      %add3A_269 = arith.addi %mul3A_267, %add3A_268 : i32
      %get3A_270 = arith.index_cast %add3A_269 : i32 to index
      %get3A_271 = arith.constant 128 : index
      %get3A_272 = tpu.vector_load %arg10[%get3A_270, %get3A_271] {strides = array<i32>} : memref<64x768xf32, #tpu.memory_space<vmem>>, vector<16xf32>,
      %add3A_273 = arith.addf %add3A_265, %get3A_272 : vector<16xf32>
      %swap3A_274 = arith.index_cast %add3A_97 : i32 to index
      %swap3A_275 = arith.constant 128 : index
      %swap3A_276 = tpu.vector_load %arg11[%swap3A_274, %swap3A_275] {strides = array<i32>} : memref<64x768xf32, #tpu.memory_space<vmem>>, vector<16xf32>,
      tpu.vector_store %arg11[%swap3A_274, %swap3A_275], %add3A_273 {strides = array<i32>} : memref<64x768xf32, #tpu.memory_space<vmem>>, vector<16xf32>,
      %get3A_277 = arith.index_cast %add3A_97 : i32 to index
      %get3A_278 = arith.constant 144 : index
      %get3A_279 = tpu.vector_load %arg11[%get3A_277, %get3A_278] {strides = array<i32>} : memref<64x768xf32, #tpu.memory_space<vmem>>, vector<16xf32>,
      %mul3A_280 = arith.constant 2 : i32
      %mul3A_281 = arith.muli %mul3A_280, %scan3A_95 : i32
      %get3A_282 = arith.index_cast %mul3A_281 : i32 to index
      %get3A_283 = arith.constant 144 : index
      %get3A_284 = tpu.vector_load %arg10[%get3A_282, %get3A_283] {strides = array<i32>} : memref<64x768xf32, #tpu.memory_space<vmem>>, vector<16xf32>,
      %add3A_285 = arith.addf %get3A_279, %get3A_284 : vector<16xf32>
      %mul3A_286 = arith.constant 2 : i32
      %mul3A_287 = arith.muli %mul3A_286, %scan3A_95 : i32
      %add3A_288 = arith.constant 1 : i32
      %add3A_289 = arith.addi %mul3A_287, %add3A_288 : i32
      %get3A_290 = arith.index_cast %add3A_289 : i32 to index
      %get3A_291 = arith.constant 144 : index
      %get3A_292 = tpu.vector_load %arg10[%get3A_290, %get3A_291] {strides = array<i32>} : memref<64x768xf32, #tpu.memory_space<vmem>>, vector<16xf32>,
      %add3A_293 = arith.addf %add3A_285, %get3A_292 : vector<16xf32>
      %swap3A_294 = arith.index_cast %add3A_97 : i32 to index
      %swap3A_295 = arith.constant 144 : index
      %swap3A_296 = tpu.vector_load %arg11[%swap3A_294, %swap3A_295] {strides = array<i32>} : memref<64x768xf32, #tpu.memory_space<vmem>>, vector<16xf32>,
      tpu.vector_store %arg11[%swap3A_294, %swap3A_295], %add3A_293 {strides = array<i32>} : memref<64x768xf32, #tpu.memory_space<vmem>>, vector<16xf32>,
      %get3A_297 = arith.index_cast %add3A_97 : i32 to index
      %get3A_298 = arith.constant 160 : index
      %get3A_299 = tpu.vector_load %arg11[%get3A_297, %get3A_298] {strides = array<i32>} : memref<64x768xf32, #tpu.memory_space<vmem>>, vector<16xf32>,
      %mul3A_300 = arith.constant 2 : i32
      %mul3A_301 = arith.muli %mul3A_300, %scan3A_95 : i32
      %get3A_302 = arith.index_cast %mul3A_301 : i32 to index
      %get3A_303 = arith.constant 160 : index
      %get3A_304 = tpu.vector_load %arg10[%get3A_302, %get3A_303] {strides = array<i32>} : memref<64x768xf32, #tpu.memory_space<vmem>>, vector<16xf32>,
      %add3A_305 = arith.addf %get3A_299, %get3A_304 : vector<16xf32>
      %mul3A_306 = arith.constant 2 : i32
      %mul3A_307 = arith.muli %mul3A_306, %scan3A_95 : i32
      %add3A_308 = arith.constant 1 : i32
      %add3A_309 = arith.addi %mul3A_307, %add3A_308 : i32
      %get3A_310 = arith.index_cast %add3A_309 : i32 to index
      %get3A_311 = arith.constant 160 : index
      %get3A_312 = tpu.vector_load %arg10[%get3A_310, %get3A_311] {strides = array<i32>} : memref<64x768xf32, #tpu.memory_space<vmem>>, vector<16xf32>,
      %add3A_313 = arith.addf %add3A_305, %get3A_312 : vector<16xf32>
      %swap3A_314 = arith.index_cast %add3A_97 : i32 to index
      %swap3A_315 = arith.constant 160 : index
      %swap3A_316 = tpu.vector_load %arg11[%swap3A_314, %swap3A_315] {strides = array<i32>} : memref<64x768xf32, #tpu.memory_space<vmem>>, vector<16xf32>,
      tpu.vector_store %arg11[%swap3A_314, %swap3A_315], %add3A_313 {strides = array<i32>} : memref<64x768xf32, #tpu.memory_space<vmem>>, vector<16xf32>,
      %get3A_317 = arith.index_cast %add3A_97 : i32 to index
      %get3A_318 = arith.constant 176 : index
      %get3A_319 = tpu.vector_load %arg11[%get3A_317, %get3A_318] {strides = array<i32>} : memref<64x768xf32, #tpu.memory_space<vmem>>, vector<16xf32>,
      %mul3A_320 = arith.constant 2 : i32
      %mul3A_321 = arith.muli %mul3A_320, %scan3A_95 : i32
      %get3A_322 = arith.index_cast %mul3A_321 : i32 to index
      %get3A_323 = arith.constant 176 : index
      %get3A_324 = tpu.vector_load %arg10[%get3A_322, %get3A_323] {strides = array<i32>} : memref<64x768xf32, #tpu.memory_space<vmem>>, vector<16xf32>,
      %add3A_325 = arith.addf %get3A_319, %get3A_324 : vector<16xf32>
      %mul3A_326 = arith.constant 2 : i32
      %mul3A_327 = arith.muli %mul3A_326, %scan3A_95 : i32
      %add3A_328 = arith.constant 1 : i32
      %add3A_329 = arith.addi %mul3A_327, %add3A_328 : i32
      %get3A_330 = arith.index_cast %add3A_329 : i32 to index
      %get3A_331 = arith.constant 176 : index
      %get3A_332 = tpu.vector_load %arg10[%get3A_330, %get3A_331] {strides = array<i32>} : memref<64x768xf32, #tpu.memory_space<vmem>>, vector<16xf32>,
      %add3A_333 = arith.addf %add3A_325, %get3A_332 : vector<16xf32>
      %swap3A_334 = arith.index_cast %add3A_97 : i32 to index
      %swap3A_335 = arith.constant 176 : index
      %swap3A_336 = tpu.vector_load %arg11[%swap3A_334, %swap3A_335] {strides = array<i32>} : memref<64x768xf32, #tpu.memory_space<vmem>>, vector<16xf32>,
      tpu.vector_store %arg11[%swap3A_334, %swap3A_335], %add3A_333 {strides = array<i32>} : memref<64x768xf32, #tpu.memory_space<vmem>>, vector<16xf32>,
      %get3A_337 = arith.index_cast %add3A_97 : i32 to index
      %get3A_338 = arith.constant 192 : index
      %get3A_339 = tpu.vector_load %arg11[%get3A_337, %get3A_338] {strides = array<i32>} : memref<64x768xf32, #tpu.memory_space<vmem>>, vector<16xf32>,
      %mul3A_340 = arith.constant 2 : i32
      %mul3A_341 = arith.muli %mul3A_340, %scan3A_95 : i32
      %get3A_342 = arith.index_cast %mul3A_341 : i32 to index
      %get3A_343 = arith.constant 192 : index
      %get3A_344 = tpu.vector_load %arg10[%get3A_342, %get3A_343] {strides = array<i32>} : memref<64x768xf32, #tpu.memory_space<vmem>>, vector<16xf32>,
      %add3A_345 = arith.addf %get3A_339, %get3A_344 : vector<16xf32>
      %mul3A_346 = arith.constant 2 : i32
      %mul3A_347 = arith.muli %mul3A_346, %scan3A_95 : i32
      %add3A_348 = arith.constant 1 : i32
      %add3A_349 = arith.addi %mul3A_347, %add3A_348 : i32
      %get3A_350 = arith.index_cast %add3A_349 : i32 to index
      %get3A_351 = arith.constant 192 : index
      %get3A_352 = tpu.vector_load %arg10[%get3A_350, %get3A_351] {strides = array<i32>} : memref<64x768xf32, #tpu.memory_space<vmem>>, vector<16xf32>,
      %add3A_353 = arith.addf %add3A_345, %get3A_352 : vector<16xf32>
      %swap3A_354 = arith.index_cast %add3A_97 : i32 to index
      %swap3A_355 = arith.constant 192 : index
      %swap3A_356 = tpu.vector_load %arg11[%swap3A_354, %swap3A_355] {strides = array<i32>} : memref<64x768xf32, #tpu.memory_space<vmem>>, vector<16xf32>,
      tpu.vector_store %arg11[%swap3A_354, %swap3A_355], %add3A_353 {strides = array<i32>} : memref<64x768xf32, #tpu.memory_space<vmem>>, vector<16xf32>,
      %get3A_357 = arith.index_cast %add3A_97 : i32 to index
      %get3A_358 = arith.constant 208 : index
      %get3A_359 = tpu.vector_load %arg11[%get3A_357, %get3A_358] {strides = array<i32>} : memref<64x768xf32, #tpu.memory_space<vmem>>, vector<16xf32>,
      %mul3A_360 = arith.constant 2 : i32
      %mul3A_361 = arith.muli %mul3A_360, %scan3A_95 : i32
      %get3A_362 = arith.index_cast %mul3A_361 : i32 to index
      %get3A_363 = arith.constant 208 : index
      %get3A_364 = tpu.vector_load %arg10[%get3A_362, %get3A_363] {strides = array<i32>} : memref<64x768xf32, #tpu.memory_space<vmem>>, vector<16xf32>,
      %add3A_365 = arith.addf %get3A_359, %get3A_364 : vector<16xf32>
      %mul3A_366 = arith.constant 2 : i32
      %mul3A_367 = arith.muli %mul3A_366, %scan3A_95 : i32
      %add3A_368 = arith.constant 1 : i32
      %add3A_369 = arith.addi %mul3A_367, %add3A_368 : i32
      %get3A_370 = arith.index_cast %add3A_369 : i32 to index
      %get3A_371 = arith.constant 208 : index
      %get3A_372 = tpu.vector_load %arg10[%get3A_370, %get3A_371] {strides = array<i32>} : memref<64x768xf32, #tpu.memory_space<vmem>>, vector<16xf32>,
      %add3A_373 = arith.addf %add3A_365, %get3A_372 : vector<16xf32>
      %swap3A_374 = arith.index_cast %add3A_97 : i32 to index
      %swap3A_375 = arith.constant 208 : index
      %swap3A_376 = tpu.vector_load %arg11[%swap3A_374, %swap3A_375] {strides = array<i32>} : memref<64x768xf32, #tpu.memory_space<vmem>>, vector<16xf32>,
      tpu.vector_store %arg11[%swap3A_374, %swap3A_375], %add3A_373 {strides = array<i32>} : memref<64x768xf32, #tpu.memory_space<vmem>>, vector<16xf32>,
      %get3A_377 = arith.index_cast %add3A_97 : i32 to index
      %get3A_378 = arith.constant 224 : index
      %get3A_379 = tpu.vector_load %arg11[%get3A_377, %get3A_378] {strides = array<i32>} : memref<64x768xf32, #tpu.memory_space<vmem>>, vector<16xf32>,
      %mul3A_380 = arith.constant 2 : i32
      %mul3A_381 = arith.muli %mul3A_380, %scan3A_95 : i32
      %get3A_382 = arith.index_cast %mul3A_381 : i32 to index
      %get3A_383 = arith.constant 224 : index
      %get3A_384 = tpu.vector_load %arg10[%get3A_382, %get3A_383] {strides = array<i32>} : memref<64x768xf32, #tpu.memory_space<vmem>>, vector<16xf32>,
      %add3A_385 = arith.addf %get3A_379, %get3A_384 : vector<16xf32>
      %mul3A_386 = arith.constant 2 : i32
      %mul3A_387 = arith.muli %mul3A_386, %scan3A_95 : i32
      %add3A_388 = arith.constant 1 : i32
      %add3A_389 = arith.addi %mul3A_387, %add3A_388 : i32
      %get3A_390 = arith.index_cast %add3A_389 : i32 to index
      %get3A_391 = arith.constant 224 : index
      %get3A_392 = tpu.vector_load %arg10[%get3A_390, %get3A_391] {strides = array<i32>} : memref<64x768xf32, #tpu.memory_space<vmem>>, vector<16xf32>,
      %add3A_393 = arith.addf %add3A_385, %get3A_392 : vector<16xf32>
      %swap3A_394 = arith.index_cast %add3A_97 : i32 to index
      %swap3A_395 = arith.constant 224 : index
      %swap3A_396 = tpu.vector_load %arg11[%swap3A_394, %swap3A_395] {strides = array<i32>} : memref<64x768xf32, #tpu.memory_space<vmem>>, vector<16xf32>,
      tpu.vector_store %arg11[%swap3A_394, %swap3A_395], %add3A_393 {strides = array<i32>} : memref<64x768xf32, #tpu.memory_space<vmem>>, vector<16xf32>,
      %get3A_397 = arith.index_cast %add3A_97 : i32 to index
      %get3A_398 = arith.constant 240 : index
      %get3A_399 = tpu.vector_load %arg11[%get3A_397, %get3A_398] {strides = array<i32>} : memref<64x768xf32, #tpu.memory_space<vmem>>, vector<16xf32>,
      %mul3A_400 = arith.constant 2 : i32
      %mul3A_401 = arith.muli %mul3A_400, %scan3A_95 : i32
      %get3A_402 = arith.index_cast %mul3A_401 : i32 to index
      %get3A_403 = arith.constant 240 : index
      %get3A_404 = tpu.vector_load %arg10[%get3A_402, %get3A_403] {strides = array<i32>} : memref<64x768xf32, #tpu.memory_space<vmem>>, vector<16xf32>,
      %add3A_405 = arith.addf %get3A_399, %get3A_404 : vector<16xf32>
      %mul3A_406 = arith.constant 2 : i32
      %mul3A_407 = arith.muli %mul3A_406, %scan3A_95 : i32
      %add3A_408 = arith.constant 1 : i32
      %add3A_409 = arith.addi %mul3A_407, %add3A_408 : i32
      %get3A_410 = arith.index_cast %add3A_409 : i32 to index
      %get3A_411 = arith.constant 240 : index
      %get3A_412 = tpu.vector_load %arg10[%get3A_410, %get3A_411] {strides = array<i32>} : memref<64x768xf32, #tpu.memory_space<vmem>>, vector<16xf32>,
      %add3A_413 = arith.addf %add3A_405, %get3A_412 : vector<16xf32>
      %swap3A_414 = arith.index_cast %add3A_97 : i32 to index
      %swap3A_415 = arith.constant 240 : index
      %swap3A_416 = tpu.vector_load %arg11[%swap3A_414, %swap3A_415] {strides = array<i32>} : memref<64x768xf32, #tpu.memory_space<vmem>>, vector<16xf32>,
      tpu.vector_store %arg11[%swap3A_414, %swap3A_415], %add3A_413 {strides = array<i32>} : memref<64x768xf32, #tpu.memory_space<vmem>>, vector<16xf32>,
      %get3A_417 = arith.index_cast %add3A_97 : i32 to index
      %get3A_418 = arith.constant 256 : index
      %get3A_419 = tpu.vector_load %arg11[%get3A_417, %get3A_418] {strides = array<i32>} : memref<64x768xf32, #tpu.memory_space<vmem>>, vector<16xf32>,
      %mul3A_420 = arith.constant 2 : i32
      %mul3A_421 = arith.muli %mul3A_420, %scan3A_95 : i32
      %get3A_422 = arith.index_cast %mul3A_421 : i32 to index
      %get3A_423 = arith.constant 256 : index
      %get3A_424 = tpu.vector_load %arg10[%get3A_422, %get3A_423] {strides = array<i32>} : memref<64x768xf32, #tpu.memory_space<vmem>>, vector<16xf32>,
      %add3A_425 = arith.addf %get3A_419, %get3A_424 : vector<16xf32>
      %mul3A_426 = arith.constant 2 : i32
      %mul3A_427 = arith.muli %mul3A_426, %scan3A_95 : i32
      %add3A_428 = arith.constant 1 : i32
      %add3A_429 = arith.addi %mul3A_427, %add3A_428 : i32
      %get3A_430 = arith.index_cast %add3A_429 : i32 to index
      %get3A_431 = arith.constant 256 : index
      %get3A_432 = tpu.vector_load %arg10[%get3A_430, %get3A_431] {strides = array<i32>} : memref<64x768xf32, #tpu.memory_space<vmem>>, vector<16xf32>,
      %add3A_433 = arith.addf %add3A_425, %get3A_432 : vector<16xf32>
      %swap3A_434 = arith.index_cast %add3A_97 : i32 to index
      %swap3A_435 = arith.constant 256 : index
      %swap3A_436 = tpu.vector_load %arg11[%swap3A_434, %swap3A_435] {strides = array<i32>} : memref<64x768xf32, #tpu.memory_space<vmem>>, vector<16xf32>,
      tpu.vector_store %arg11[%swap3A_434, %swap3A_435], %add3A_433 {strides = array<i32>} : memref<64x768xf32, #tpu.memory_space<vmem>>, vector<16xf32>,
      %get3A_437 = arith.index_cast %add3A_97 : i32 to index
      %get3A_438 = arith.constant 272 : index
      %get3A_439 = tpu.vector_load %arg11[%get3A_437, %get3A_438] {strides = array<i32>} : memref<64x768xf32, #tpu.memory_space<vmem>>, vector<16xf32>,
      %mul3A_440 = arith.constant 2 : i32
      %mul3A_441 = arith.muli %mul3A_440, %scan3A_95 : i32
      %get3A_442 = arith.index_cast %mul3A_441 : i32 to index
      %get3A_443 = arith.constant 272 : index
      %get3A_444 = tpu.vector_load %arg10[%get3A_442, %get3A_443] {strides = array<i32>} : memref<64x768xf32, #tpu.memory_space<vmem>>, vector<16xf32>,
      %add3A_445 = arith.addf %get3A_439, %get3A_444 : vector<16xf32>
      %mul3A_446 = arith.constant 2 : i32
      %mul3A_447 = arith.muli %mul3A_446, %scan3A_95 : i32
      %add3A_448 = arith.constant 1 : i32
      %add3A_449 = arith.addi %mul3A_447, %add3A_448 : i32
      %get3A_450 = arith.index_cast %add3A_449 : i32 to index
      %get3A_451 = arith.constant 272 : index
      %get3A_452 = tpu.vector_load %arg10[%get3A_450, %get3A_451] {strides = array<i32>} : memref<64x768xf32, #tpu.memory_space<vmem>>, vector<16xf32>,
      %add3A_453 = arith.addf %add3A_445, %get3A_452 : vector<16xf32>
      %swap3A_454 = arith.index_cast %add3A_97 : i32 to index
      %swap3A_455 = arith.constant 272 : index
      %swap3A_456 = tpu.vector_load %arg11[%swap3A_454, %swap3A_455] {strides = array<i32>} : memref<64x768xf32, #tpu.memory_space<vmem>>, vector<16xf32>,
      tpu.vector_store %arg11[%swap3A_454, %swap3A_455], %add3A_453 {strides = array<i32>} : memref<64x768xf32, #tpu.memory_space<vmem>>, vector<16xf32>,
      %get3A_457 = arith.index_cast %add3A_97 : i32 to index
      %get3A_458 = arith.constant 288 : index
      %get3A_459 = tpu.vector_load %arg11[%get3A_457, %get3A_458] {strides = array<i32>} : memref<64x768xf32, #tpu.memory_space<vmem>>, vector<16xf32>,
      %mul3A_460 = arith.constant 2 : i32
      %mul3A_461 = arith.muli %mul3A_460, %scan3A_95 : i32
      %get3A_462 = arith.index_cast %mul3A_461 : i32 to index
      %get3A_463 = arith.constant 288 : index
      %get3A_464 = tpu.vector_load %arg10[%get3A_462, %get3A_463] {strides = array<i32>} : memref<64x768xf32, #tpu.memory_space<vmem>>, vector<16xf32>,
      %add3A_465 = arith.addf %get3A_459, %get3A_464 : vector<16xf32>
      %mul3A_466 = arith.constant 2 : i32
      %mul3A_467 = arith.muli %mul3A_466, %scan3A_95 : i32
      %add3A_468 = arith.constant 1 : i32
      %add3A_469 = arith.addi %mul3A_467, %add3A_468 : i32
      %get3A_470 = arith.index_cast %add3A_469 : i32 to index
      %get3A_471 = arith.constant 288 : index
      %get3A_472 = tpu.vector_load %arg10[%get3A_470, %get3A_471] {strides = array<i32>} : memref<64x768xf32, #tpu.memory_space<vmem>>, vector<16xf32>,
      %add3A_473 = arith.addf %add3A_465, %get3A_472 : vector<16xf32>
      %swap3A_474 = arith.index_cast %add3A_97 : i32 to index
      %swap3A_475 = arith.constant 288 : index
      %swap3A_476 = tpu.vector_load %arg11[%swap3A_474, %swap3A_475] {strides = array<i32>} : memref<64x768xf32, #tpu.memory_space<vmem>>, vector<16xf32>,
      tpu.vector_store %arg11[%swap3A_474, %swap3A_475], %add3A_473 {strides = array<i32>} : memref<64x768xf32, #tpu.memory_space<vmem>>, vector<16xf32>,
      %get3A_477 = arith.index_cast %add3A_97 : i32 to index
      %get3A_478 = arith.constant 304 : index
      %get3A_479 = tpu.vector_load %arg11[%get3A_477, %get3A_478] {strides = array<i32>} : memref<64x768xf32, #tpu.memory_space<vmem>>, vector<16xf32>,
      %mul3A_480 = arith.constant 2 : i32
      %mul3A_481 = arith.muli %mul3A_480, %scan3A_95 : i32
      %get3A_482 = arith.index_cast %mul3A_481 : i32 to index
      %get3A_483 = arith.constant 304 : index
      %get3A_484 = tpu.vector_load %arg10[%get3A_482, %get3A_483] {strides = array<i32>} : memref<64x768xf32, #tpu.memory_space<vmem>>, vector<16xf32>,
      %add3A_485 = arith.addf %get3A_479, %get3A_484 : vector<16xf32>
      %mul3A_486 = arith.constant 2 : i32
      %mul3A_487 = arith.muli %mul3A_486, %scan3A_95 : i32
      %add3A_488 = arith.constant 1 : i32
      %add3A_489 = arith.addi %mul3A_487, %add3A_488 : i32
      %get3A_490 = arith.index_cast %add3A_489 : i32 to index
      %get3A_491 = arith.constant 304 : index
      %get3A_492 = tpu.vector_load %arg10[%get3A_490, %get3A_491] {strides = array<i32>} : memref<64x768xf32, #tpu.memory_space<vmem>>, vector<16xf32>,
      %add3A_493 = arith.addf %add3A_485, %get3A_492 : vector<16xf32>
      %swap3A_494 = arith.index_cast %add3A_97 : i32 to index
      %swap3A_495 = arith.constant 304 : index
      %swap3A_496 = tpu.vector_load %arg11[%swap3A_494, %swap3A_495] {strides = array<i32>} : memref<64x768xf32, #tpu.memory_space<vmem>>, vector<16xf32>,
      tpu.vector_store %arg11[%swap3A_494, %swap3A_495], %add3A_493 {strides = array<i32>} : memref<64x768xf32, #tpu.memory_space<vmem>>, vector<16xf32>,
      %get3A_497 = arith.index_cast %add3A_97 : i32 to index
      %get3A_498 = arith.constant 320 : index
      %get3A_499 = tpu.vector_load %arg11[%get3A_497, %get3A_498] {strides = array<i32>} : memref<64x768xf32, #tpu.memory_space<vmem>>, vector<16xf32>,
      %mul3A_500 = arith.constant 2 : i32
      %mul3A_501 = arith.muli %mul3A_500, %scan3A_95 : i32
      %get3A_502 = arith.index_cast %mul3A_501 : i32 to index
      %get3A_503 = arith.constant 320 : index
      %get3A_504 = tpu.vector_load %arg10[%get3A_502, %get3A_503] {strides = array<i32>} : memref<64x768xf32, #tpu.memory_space<vmem>>, vector<16xf32>,
      %add3A_505 = arith.addf %get3A_499, %get3A_504 : vector<16xf32>
      %mul3A_506 = arith.constant 2 : i32
      %mul3A_507 = arith.muli %mul3A_506, %scan3A_95 : i32
      %add3A_508 = arith.constant 1 : i32
      %add3A_509 = arith.addi %mul3A_507, %add3A_508 : i32
      %get3A_510 = arith.index_cast %add3A_509 : i32 to index
      %get3A_511 = arith.constant 320 : index
      %get3A_512 = tpu.vector_load %arg10[%get3A_510, %get3A_511] {strides = array<i32>} : memref<64x768xf32, #tpu.memory_space<vmem>>, vector<16xf32>,
      %add3A_513 = arith.addf %add3A_505, %get3A_512 : vector<16xf32>
      %swap3A_514 = arith.index_cast %add3A_97 : i32 to index
      %swap3A_515 = arith.constant 320 : index
      %swap3A_516 = tpu.vector_load %arg11[%swap3A_514, %swap3A_515] {strides = array<i32>} : memref<64x768xf32, #tpu.memory_space<vmem>>, vector<16xf32>,
      tpu.vector_store %arg11[%swap3A_514, %swap3A_515], %add3A_513 {strides = array<i32>} : memref<64x768xf32, #tpu.memory_space<vmem>>, vector<16xf32>,
      %get3A_517 = arith.index_cast %add3A_97 : i32 to index
      %get3A_518 = arith.constant 336 : index
      %get3A_519 = tpu.vector_load %arg11[%get3A_517, %get3A_518] {strides = array<i32>} : memref<64x768xf32, #tpu.memory_space<vmem>>, vector<16xf32>,
      %mul3A_520 = arith.constant 2 : i32
      %mul3A_521 = arith.muli %mul3A_520, %scan3A_95 : i32
      %get3A_522 = arith.index_cast %mul3A_521 : i32 to index
      %get3A_523 = arith.constant 336 : index
      %get3A_524 = tpu.vector_load %arg10[%get3A_522, %get3A_523] {strides = array<i32>} : memref<64x768xf32, #tpu.memory_space<vmem>>, vector<16xf32>,
      %add3A_525 = arith.addf %get3A_519, %get3A_524 : vector<16xf32>
      %mul3A_526 = arith.constant 2 : i32
      %mul3A_527 = arith.muli %mul3A_526, %scan3A_95 : i32
      %add3A_528 = arith.constant 1 : i32
      %add3A_529 = arith.addi %mul3A_527, %add3A_528 : i32
      %get3A_530 = arith.index_cast %add3A_529 : i32 to index
      %get3A_531 = arith.constant 336 : index
      %get3A_532 = tpu.vector_load %arg10[%get3A_530, %get3A_531] {strides = array<i32>} : memref<64x768xf32, #tpu.memory_space<vmem>>, vector<16xf32>,
      %add3A_533 = arith.addf %add3A_525, %get3A_532 : vector<16xf32>
      %swap3A_534 = arith.index_cast %add3A_97 : i32 to index
      %swap3A_535 = arith.constant 336 : index
      %swap3A_536 = tpu.vector_load %arg11[%swap3A_534, %swap3A_535] {strides = array<i32>} : memref<64x768xf32, #tpu.memory_space<vmem>>, vector<16xf32>,
      tpu.vector_store %arg11[%swap3A_534, %swap3A_535], %add3A_533 {strides = array<i32>} : memref<64x768xf32, #tpu.memory_space<vmem>>, vector<16xf32>,
      %get3A_537 = arith.index_cast %add3A_97 : i32 to index
      %get3A_538 = arith.constant 352 : index
      %get3A_539 = tpu.vector_load %arg11[%get3A_537, %get3A_538] {strides = array<i32>} : memref<64x768xf32, #tpu.memory_space<vmem>>, vector<16xf32>,
      %mul3A_540 = arith.constant 2 : i32
      %mul3A_541 = arith.muli %mul3A_540, %scan3A_95 : i32
      %get3A_542 = arith.index_cast %mul3A_541 : i32 to index
      %get3A_543 = arith.constant 352 : index
      %get3A_544 = tpu.vector_load %arg10[%get3A_542, %get3A_543] {strides = array<i32>} : memref<64x768xf32, #tpu.memory_space<vmem>>, vector<16xf32>,
      %add3A_545 = arith.addf %get3A_539, %get3A_544 : vector<16xf32>
      %mul3A_546 = arith.constant 2 : i32
      %mul3A_547 = arith.muli %mul3A_546, %scan3A_95 : i32
      %add3A_548 = arith.constant 1 : i32
      %add3A_549 = arith.addi %mul3A_547, %add3A_548 : i32
      %get3A_550 = arith.index_cast %add3A_549 : i32 to index
      %get3A_551 = arith.constant 352 : index
      %get3A_552 = tpu.vector_load %arg10[%get3A_550, %get3A_551] {strides = array<i32>} : memref<64x768xf32, #tpu.memory_space<vmem>>, vector<16xf32>,
      %add3A_553 = arith.addf %add3A_545, %get3A_552 : vector<16xf32>
      %swap3A_554 = arith.index_cast %add3A_97 : i32 to index
      %swap3A_555 = arith.constant 352 : index
      %swap3A_556 = tpu.vector_load %arg11[%swap3A_554, %swap3A_555] {strides = array<i32>} : memref<64x768xf32, #tpu.memory_space<vmem>>, vector<16xf32>,
      tpu.vector_store %arg11[%swap3A_554, %swap3A_555], %add3A_553 {strides = array<i32>} : memref<64x768xf32, #tpu.memory_space<vmem>>, vector<16xf32>,
      %get3A_557 = arith.index_cast %add3A_97 : i32 to index
      %get3A_558 = arith.constant 368 : index
      %get3A_559 = tpu.vector_load %arg11[%get3A_557, %get3A_558] {strides = array<i32>} : memref<64x768xf32, #tpu.memory_space<vmem>>, vector<16xf32>,
      %mul3A_560 = arith.constant 2 : i32
      %mul3A_561 = arith.muli %mul3A_560, %scan3A_95 : i32
      %get3A_562 = arith.index_cast %mul3A_561 : i32 to index
      %get3A_563 = arith.constant 368 : index
      %get3A_564 = tpu.vector_load %arg10[%get3A_562, %get3A_563] {strides = array<i32>} : memref<64x768xf32, #tpu.memory_space<vmem>>, vector<16xf32>,
      %add3A_565 = arith.addf %get3A_559, %get3A_564 : vector<16xf32>
      %mul3A_566 = arith.constant 2 : i32
      %mul3A_567 = arith.muli %mul3A_566, %scan3A_95 : i32
      %add3A_568 = arith.constant 1 : i32
      %add3A_569 = arith.addi %mul3A_567, %add3A_568 : i32
      %get3A_570 = arith.index_cast %add3A_569 : i32 to index
      %get3A_571 = arith.constant 368 : index
      %get3A_572 = tpu.vector_load %arg10[%get3A_570, %get3A_571] {strides = array<i32>} : memref<64x768xf32, #tpu.memory_space<vmem>>, vector<16xf32>,
      %add3A_573 = arith.addf %add3A_565, %get3A_572 : vector<16xf32>
      %swap3A_574 = arith.index_cast %add3A_97 : i32 to index
      %swap3A_575 = arith.constant 368 : index
      %swap3A_576 = tpu.vector_load %arg11[%swap3A_574, %swap3A_575] {strides = array<i32>} : memref<64x768xf32, #tpu.memory_space<vmem>>, vector<16xf32>,
      tpu.vector_store %arg11[%swap3A_574, %swap3A_575], %add3A_573 {strides = array<i32>} : memref<64x768xf32, #tpu.memory_space<vmem>>, vector<16xf32>,
      %get3A_577 = arith.index_cast %add3A_97 : i32 to index
      %get3A_578 = arith.constant 384 : index
      %get3A_579 = tpu.vector_load %arg11[%get3A_577, %get3A_578] {strides = array<i32>} : memref<64x768xf32, #tpu.memory_space<vmem>>, vector<16xf32>,
      %mul3A_580 = arith.constant 2 : i32
      %mul3A_581 = arith.muli %mul3A_580, %scan3A_95 : i32
      %get3A_582 = arith.index_cast %mul3A_581 : i32 to index
      %get3A_583 = arith.constant 384 : index
      %get3A_584 = tpu.vector_load %arg10[%get3A_582, %get3A_583] {strides = array<i32>} : memref<64x768xf32, #tpu.memory_space<vmem>>, vector<16xf32>,
      %add3A_585 = arith.addf %get3A_579, %get3A_584 : vector<16xf32>
      %mul3A_586 = arith.constant 2 : i32
      %mul3A_587 = arith.muli %mul3A_586, %scan3A_95 : i32
      %add3A_588 = arith.constant 1 : i32
      %add3A_589 = arith.addi %mul3A_587, %add3A_588 : i32
      %get3A_590 = arith.index_cast %add3A_589 : i32 to index
      %get3A_591 = arith.constant 384 : index
      %get3A_592 = tpu.vector_load %arg10[%get3A_590, %get3A_591] {strides = array<i32>} : memref<64x768xf32, #tpu.memory_space<vmem>>, vector<16xf32>,
      %add3A_593 = arith.addf %add3A_585, %get3A_592 : vector<16xf32>
      %swap3A_594 = arith.index_cast %add3A_97 : i32 to index
      %swap3A_595 = arith.constant 384 : index
      %swap3A_596 = tpu.vector_load %arg11[%swap3A_594, %swap3A_595] {strides = array<i32>} : memref<64x768xf32, #tpu.memory_space<vmem>>, vector<16xf32>,
      tpu.vector_store %arg11[%swap3A_594, %swap3A_595], %add3A_593 {strides = array<i32>} : memref<64x768xf32, #tpu.memory_space<vmem>>, vector<16xf32>,
      %get3A_597 = arith.index_cast %add3A_97 : i32 to index
      %get3A_598 = arith.constant 400 : index
      %get3A_599 = tpu.vector_load %arg11[%get3A_597, %get3A_598] {strides = array<i32>} : memref<64x768xf32, #tpu.memory_space<vmem>>, vector<16xf32>,
      %mul3A_600 = arith.constant 2 : i32
      %mul3A_601 = arith.muli %mul3A_600, %scan3A_95 : i32
      %get3A_602 = arith.index_cast %mul3A_601 : i32 to index
      %get3A_603 = arith.constant 400 : index
      %get3A_604 = tpu.vector_load %arg10[%get3A_602, %get3A_603] {strides = array<i32>} : memref<64x768xf32, #tpu.memory_space<vmem>>, vector<16xf32>,
      %add3A_605 = arith.addf %get3A_599, %get3A_604 : vector<16xf32>
      %mul3A_606 = arith.constant 2 : i32
      %mul3A_607 = arith.muli %mul3A_606, %scan3A_95 : i32
      %add3A_608 = arith.constant 1 : i32
      %add3A_609 = arith.addi %mul3A_607, %add3A_608 : i32
      %get3A_610 = arith.index_cast %add3A_609 : i32 to index
      %get3A_611 = arith.constant 400 : index
      %get3A_612 = tpu.vector_load %arg10[%get3A_610, %get3A_611] {strides = array<i32>} : memref<64x768xf32, #tpu.memory_space<vmem>>, vector<16xf32>,
      %add3A_613 = arith.addf %add3A_605, %get3A_612 : vector<16xf32>
      %swap3A_614 = arith.index_cast %add3A_97 : i32 to index
      %swap3A_615 = arith.constant 400 : index
      %swap3A_616 = tpu.vector_load %arg11[%swap3A_614, %swap3A_615] {strides = array<i32>} : memref<64x768xf32, #tpu.memory_space<vmem>>, vector<16xf32>,
      tpu.vector_store %arg11[%swap3A_614, %swap3A_615], %add3A_613 {strides = array<i32>} : memref<64x768xf32, #tpu.memory_space<vmem>>, vector<16xf32>,
      %get3A_617 = arith.index_cast %add3A_97 : i32 to index
      %get3A_618 = arith.constant 416 : index
      %get3A_619 = tpu.vector_load %arg11[%get3A_617, %get3A_618] {strides = array<i32>} : memref<64x768xf32, #tpu.memory_space<vmem>>, vector<16xf32>,
      %mul3A_620 = arith.constant 2 : i32
      %mul3A_621 = arith.muli %mul3A_620, %scan3A_95 : i32
      %get3A_622 = arith.index_cast %mul3A_621 : i32 to index
      %get3A_623 = arith.constant 416 : index
      %get3A_624 = tpu.vector_load %arg10[%get3A_622, %get3A_623] {strides = array<i32>} : memref<64x768xf32, #tpu.memory_space<vmem>>, vector<16xf32>,
      %add3A_625 = arith.addf %get3A_619, %get3A_624 : vector<16xf32>
      %mul3A_626 = arith.constant 2 : i32
      %mul3A_627 = arith.muli %mul3A_626, %scan3A_95 : i32
      %add3A_628 = arith.constant 1 : i32
      %add3A_629 = arith.addi %mul3A_627, %add3A_628 : i32
      %get3A_630 = arith.index_cast %add3A_629 : i32 to index
      %get3A_631 = arith.constant 416 : index
      %get3A_632 = tpu.vector_load %arg10[%get3A_630, %get3A_631] {strides = array<i32>} : memref<64x768xf32, #tpu.memory_space<vmem>>, vector<16xf32>,
      %add3A_633 = arith.addf %add3A_625, %get3A_632 : vector<16xf32>
      %swap3A_634 = arith.index_cast %add3A_97 : i32 to index
      %swap3A_635 = arith.constant 416 : index
      %swap3A_636 = tpu.vector_load %arg11[%swap3A_634, %swap3A_635] {strides = array<i32>} : memref<64x768xf32, #tpu.memory_space<vmem>>, vector<16xf32>,
      tpu.vector_store %arg11[%swap3A_634, %swap3A_635], %add3A_633 {strides = array<i32>} : memref<64x768xf32, #tpu.memory_space<vmem>>, vector<16xf32>,
      %get3A_637 = arith.index_cast %add3A_97 : i32 to index
      %get3A_638 = arith.constant 432 : index
      %get3A_639 = tpu.vector_load %arg11[%get3A_637, %get3A_638] {strides = array<i32>} : memref<64x768xf32, #tpu.memory_space<vmem>>, vector<16xf32>,
      %mul3A_640 = arith.constant 2 : i32
      %mul3A_641 = arith.muli %mul3A_640, %scan3A_95 : i32
      %get3A_642 = arith.index_cast %mul3A_641 : i32 to index
      %get3A_643 = arith.constant 432 : index
      %get3A_644 = tpu.vector_load %arg10[%get3A_642, %get3A_643] {strides = array<i32>} : memref<64x768xf32, #tpu.memory_space<vmem>>, vector<16xf32>,
      %add3A_645 = arith.addf %get3A_639, %get3A_644 : vector<16xf32>
      %mul3A_646 = arith.constant 2 : i32
      %mul3A_647 = arith.muli %mul3A_646, %scan3A_95 : i32
      %add3A_648 = arith.constant 1 : i32
      %add3A_649 = arith.addi %mul3A_647, %add3A_648 : i32
      %get3A_650 = arith.index_cast %add3A_649 : i32 to index
      %get3A_651 = arith.constant 432 : index
      %get3A_652 = tpu.vector_load %arg10[%get3A_650, %get3A_651] {strides = array<i32>} : memref<64x768xf32, #tpu.memory_space<vmem>>, vector<16xf32>,
      %add3A_653 = arith.addf %add3A_645, %get3A_652 : vector<16xf32>
      %swap3A_654 = arith.index_cast %add3A_97 : i32 to index
      %swap3A_655 = arith.constant 432 : index
      %swap3A_656 = tpu.vector_load %arg11[%swap3A_654, %swap3A_655] {strides = array<i32>} : memref<64x768xf32, #tpu.memory_space<vmem>>, vector<16xf32>,
      tpu.vector_store %arg11[%swap3A_654, %swap3A_655], %add3A_653 {strides = array<i32>} : memref<64x768xf32, #tpu.memory_space<vmem>>, vector<16xf32>,
      %get3A_657 = arith.index_cast %add3A_97 : i32 to index
      %get3A_658 = arith.constant 448 : index
      %get3A_659 = tpu.vector_load %arg11[%get3A_657, %get3A_658] {strides = array<i32>} : memref<64x768xf32, #tpu.memory_space<vmem>>, vector<16xf32>,
      %mul3A_660 = arith.constant 2 : i32
      %mul3A_661 = arith.muli %mul3A_660, %scan3A_95 : i32
      %get3A_662 = arith.index_cast %mul3A_661 : i32 to index
      %get3A_663 = arith.constant 448 : index
      %get3A_664 = tpu.vector_load %arg10[%get3A_662, %get3A_663] {strides = array<i32>} : memref<64x768xf32, #tpu.memory_space<vmem>>, vector<16xf32>,
      %add3A_665 = arith.addf %get3A_659, %get3A_664 : vector<16xf32>
      %mul3A_666 = arith.constant 2 : i32
      %mul3A_667 = arith.muli %mul3A_666, %scan3A_95 : i32
      %add3A_668 = arith.constant 1 : i32
      %add3A_669 = arith.addi %mul3A_667, %add3A_668 : i32
      %get3A_670 = arith.index_cast %add3A_669 : i32 to index
      %get3A_671 = arith.constant 448 : index
      %get3A_672 = tpu.vector_load %arg10[%get3A_670, %get3A_671] {strides = array<i32>} : memref<64x768xf32, #tpu.memory_space<vmem>>, vector<16xf32>,
      %add3A_673 = arith.addf %add3A_665, %get3A_672 : vector<16xf32>
      %swap3A_674 = arith.index_cast %add3A_97 : i32 to index
      %swap3A_675 = arith.constant 448 : index
      %swap3A_676 = tpu.vector_load %arg11[%swap3A_674, %swap3A_675] {strides = array<i32>} : memref<64x768xf32, #tpu.memory_space<vmem>>, vector<16xf32>,
      tpu.vector_store %arg11[%swap3A_674, %swap3A_675], %add3A_673 {strides = array<i32>} : memref<64x768xf32, #tpu.memory_space<vmem>>, vector<16xf32>,
      %get3A_677 = arith.index_cast %add3A_97 : i32 to index
      %get3A_678 = arith.constant 464 : index
      %get3A_679 = tpu.vector_load %arg11[%get3A_677, %get3A_678] {strides = array<i32>} : memref<64x768xf32, #tpu.memory_space<vmem>>, vector<16xf32>,
      %mul3A_680 = arith.constant 2 : i32
      %mul3A_681 = arith.muli %mul3A_680, %scan3A_95 : i32
      %get3A_682 = arith.index_cast %mul3A_681 : i32 to index
      %get3A_683 = arith.constant 464 : index
      %get3A_684 = tpu.vector_load %arg10[%get3A_682, %get3A_683] {strides = array<i32>} : memref<64x768xf32, #tpu.memory_space<vmem>>, vector<16xf32>,
      %add3A_685 = arith.addf %get3A_679, %get3A_684 : vector<16xf32>
      %mul3A_686 = arith.constant 2 : i32
      %mul3A_687 = arith.muli %mul3A_686, %scan3A_95 : i32
      %add3A_688 = arith.constant 1 : i32
      %add3A_689 = arith.addi %mul3A_687, %add3A_688 : i32
      %get3A_690 = arith.index_cast %add3A_689 : i32 to index
      %get3A_691 = arith.constant 464 : index
      %get3A_692 = tpu.vector_load %arg10[%get3A_690, %get3A_691] {strides = array<i32>} : memref<64x768xf32, #tpu.memory_space<vmem>>, vector<16xf32>,
      %add3A_693 = arith.addf %add3A_685, %get3A_692 : vector<16xf32>
      %swap3A_694 = arith.index_cast %add3A_97 : i32 to index
      %swap3A_695 = arith.constant 464 : index
      %swap3A_696 = tpu.vector_load %arg11[%swap3A_694, %swap3A_695] {strides = array<i32>} : memref<64x768xf32, #tpu.memory_space<vmem>>, vector<16xf32>,
      tpu.vector_store %arg11[%swap3A_694, %swap3A_695], %add3A_693 {strides = array<i32>} : memref<64x768xf32, #tpu.memory_space<vmem>>, vector<16xf32>,
      %get3A_697 = arith.index_cast %add3A_97 : i32 to index
      %get3A_698 = arith.constant 480 : index
      %get3A_699 = tpu.vector_load %arg11[%get3A_697, %get3A_698] {strides = array<i32>} : memref<64x768xf32, #tpu.memory_space<vmem>>, vector<16xf32>,
      %mul3A_700 = arith.constant 2 : i32
      %mul3A_701 = arith.muli %mul3A_700, %scan3A_95 : i32
      %get3A_702 = arith.index_cast %mul3A_701 : i32 to index
      %get3A_703 = arith.constant 480 : index
      %get3A_704 = tpu.vector_load %arg10[%get3A_702, %get3A_703] {strides = array<i32>} : memref<64x768xf32, #tpu.memory_space<vmem>>, vector<16xf32>,
      %add3A_705 = arith.addf %get3A_699, %get3A_704 : vector<16xf32>
      %mul3A_706 = arith.constant 2 : i32
      %mul3A_707 = arith.muli %mul3A_706, %scan3A_95 : i32
      %add3A_708 = arith.constant 1 : i32
      %add3A_709 = arith.addi %mul3A_707, %add3A_708 : i32
      %get3A_710 = arith.index_cast %add3A_709 : i32 to index
      %get3A_711 = arith.constant 480 : index
      %get3A_712 = tpu.vector_load %arg10[%get3A_710, %get3A_711] {strides = array<i32>} : memref<64x768xf32, #tpu.memory_space<vmem>>, vector<16xf32>,
      %add3A_713 = arith.addf %add3A_705, %get3A_712 : vector<16xf32>
      %swap3A_714 = arith.index_cast %add3A_97 : i32 to index
      %swap3A_715 = arith.constant 480 : index
      %swap3A_716 = tpu.vector_load %arg11[%swap3A_714, %swap3A_715] {strides = array<i32>} : memref<64x768xf32, #tpu.memory_space<vmem>>, vector<16xf32>,
      tpu.vector_store %arg11[%swap3A_714, %swap3A_715], %add3A_713 {strides = array<i32>} : memref<64x768xf32, #tpu.memory_space<vmem>>, vector<16xf32>,
      %get3A_717 = arith.index_cast %add3A_97 : i32 to index
      %get3A_718 = arith.constant 496 : index
      %get3A_719 = tpu.vector_load %arg11[%get3A_717, %get3A_718] {strides = array<i32>} : memref<64x768xf32, #tpu.memory_space<vmem>>, vector<16xf32>,
      %mul3A_720 = arith.constant 2 : i32
      %mul3A_721 = arith.muli %mul3A_720, %scan3A_95 : i32
      %get3A_722 = arith.index_cast %mul3A_721 : i32 to index
      %get3A_723 = arith.constant 496 : index
      %get3A_724 = tpu.vector_load %arg10[%get3A_722, %get3A_723] {strides = array<i32>} : memref<64x768xf32, #tpu.memory_space<vmem>>, vector<16xf32>,
      %add3A_725 = arith.addf %get3A_719, %get3A_724 : vector<16xf32>
      %mul3A_726 = arith.constant 2 : i32
      %mul3A_727 = arith.muli %mul3A_726, %scan3A_95 : i32
      %add3A_728 = arith.constant 1 : i32
      %add3A_729 = arith.addi %mul3A_727, %add3A_728 : i32
      %get3A_730 = arith.index_cast %add3A_729 : i32 to index
      %get3A_731 = arith.constant 496 : index
      %get3A_732 = tpu.vector_load %arg10[%get3A_730, %get3A_731] {strides = array<i32>} : memref<64x768xf32, #tpu.memory_space<vmem>>, vector<16xf32>,
      %add3A_733 = arith.addf %add3A_725, %get3A_732 : vector<16xf32>
      %swap3A_734 = arith.index_cast %add3A_97 : i32 to index
      %swap3A_735 = arith.constant 496 : index
      %swap3A_736 = tpu.vector_load %arg11[%swap3A_734, %swap3A_735] {strides = array<i32>} : memref<64x768xf32, #tpu.memory_space<vmem>>, vector<16xf32>,
      tpu.vector_store %arg11[%swap3A_734, %swap3A_735], %add3A_733 {strides = array<i32>} : memref<64x768xf32, #tpu.memory_space<vmem>>, vector<16xf32>,
      %get3A_737 = arith.index_cast %add3A_97 : i32 to index
      %get3A_738 = arith.constant 512 : index
      %get3A_739 = tpu.vector_load %arg11[%get3A_737, %get3A_738] {strides = array<i32>} : memref<64x768xf32, #tpu.memory_space<vmem>>, vector<16xf32>,
      %mul3A_740 = arith.constant 2 : i32
      %mul3A_741 = arith.muli %mul3A_740, %scan3A_95 : i32
      %get3A_742 = arith.index_cast %mul3A_741 : i32 to index
      %get3A_743 = arith.constant 512 : index
      %get3A_744 = tpu.vector_load %arg10[%get3A_742, %get3A_743] {strides = array<i32>} : memref<64x768xf32, #tpu.memory_space<vmem>>, vector<16xf32>,
      %add3A_745 = arith.addf %get3A_739, %get3A_744 : vector<16xf32>
      %mul3A_746 = arith.constant 2 : i32
      %mul3A_747 = arith.muli %mul3A_746, %scan3A_95 : i32
      %add3A_748 = arith.constant 1 : i32
      %add3A_749 = arith.addi %mul3A_747, %add3A_748 : i32
      %get3A_750 = arith.index_cast %add3A_749 : i32 to index
      %get3A_751 = arith.constant 512 : index
      %get3A_752 = tpu.vector_load %arg10[%get3A_750, %get3A_751] {strides = array<i32>} : memref<64x768xf32, #tpu.memory_space<vmem>>, vector<16xf32>,
      %add3A_753 = arith.addf %add3A_745, %get3A_752 : vector<16xf32>
      %swap3A_754 = arith.index_cast %add3A_97 : i32 to index
      %swap3A_755 = arith.constant 512 : index
      %swap3A_756 = tpu.vector_load %arg11[%swap3A_754, %swap3A_755] {strides = array<i32>} : memref<64x768xf32, #tpu.memory_space<vmem>>, vector<16xf32>,
      tpu.vector_store %arg11[%swap3A_754, %swap3A_755], %add3A_753 {strides = array<i32>} : memref<64x768xf32, #tpu.memory_space<vmem>>, vector<16xf32>,
      %get3A_757 = arith.index_cast %add3A_97 : i32 to index
      %get3A_758 = arith.constant 528 : index
      %get3A_759 = tpu.vector_load %arg11[%get3A_757, %get3A_758] {strides = array<i32>} : memref<64x768xf32, #tpu.memory_space<vmem>>, vector<16xf32>,
      %mul3A_760 = arith.constant 2 : i32
      %mul3A_761 = arith.muli %mul3A_760, %scan3A_95 : i32
      %get3A_762 = arith.index_cast %mul3A_761 : i32 to index
      %get3A_763 = arith.constant 528 : index
      %get3A_764 = tpu.vector_load %arg10[%get3A_762, %get3A_763] {strides = array<i32>} : memref<64x768xf32, #tpu.memory_space<vmem>>, vector<16xf32>,
      %add3A_765 = arith.addf %get3A_759, %get3A_764 : vector<16xf32>
      %mul3A_766 = arith.constant 2 : i32
      %mul3A_767 = arith.muli %mul3A_766, %scan3A_95 : i32
      %add3A_768 = arith.constant 1 : i32
      %add3A_769 = arith.addi %mul3A_767, %add3A_768 : i32
      %get3A_770 = arith.index_cast %add3A_769 : i32 to index
      %get3A_771 = arith.constant 528 : index
      %get3A_772 = tpu.vector_load %arg10[%get3A_770, %get3A_771] {strides = array<i32>} : memref<64x768xf32, #tpu.memory_space<vmem>>, vector<16xf32>,
      %add3A_773 = arith.addf %add3A_765, %get3A_772 : vector<16xf32>
      %swap3A_774 = arith.index_cast %add3A_97 : i32 to index
      %swap3A_775 = arith.constant 528 : index
      %swap3A_776 = tpu.vector_load %arg11[%swap3A_774, %swap3A_775] {strides = array<i32>} : memref<64x768xf32, #tpu.memory_space<vmem>>, vector<16xf32>,
      tpu.vector_store %arg11[%swap3A_774, %swap3A_775], %add3A_773 {strides = array<i32>} : memref<64x768xf32, #tpu.memory_space<vmem>>, vector<16xf32>,
      %get3A_777 = arith.index_cast %add3A_97 : i32 to index
      %get3A_778 = arith.constant 544 : index
      %get3A_779 = tpu.vector_load %arg11[%get3A_777, %get3A_778] {strides = array<i32>} : memref<64x768xf32, #tpu.memory_space<vmem>>, vector<16xf32>,
      %mul3A_780 = arith.constant 2 : i32
      %mul3A_781 = arith.muli %mul3A_780, %scan3A_95 : i32
      %get3A_782 = arith.index_cast %mul3A_781 : i32 to index
      %get3A_783 = arith.constant 544 : index
      %get3A_784 = tpu.vector_load %arg10[%get3A_782, %get3A_783] {strides = array<i32>} : memref<64x768xf32, #tpu.memory_space<vmem>>, vector<16xf32>,
      %add3A_785 = arith.addf %get3A_779, %get3A_784 : vector<16xf32>
      %mul3A_786 = arith.constant 2 : i32
      %mul3A_787 = arith.muli %mul3A_786, %scan3A_95 : i32
      %add3A_788 = arith.constant 1 : i32
      %add3A_789 = arith.addi %mul3A_787, %add3A_788 : i32
      %get3A_790 = arith.index_cast %add3A_789 : i32 to index
      %get3A_791 = arith.constant 544 : index
      %get3A_792 = tpu.vector_load %arg10[%get3A_790, %get3A_791] {strides = array<i32>} : memref<64x768xf32, #tpu.memory_space<vmem>>, vector<16xf32>,
      %add3A_793 = arith.addf %add3A_785, %get3A_792 : vector<16xf32>
      %swap3A_794 = arith.index_cast %add3A_97 : i32 to index
      %swap3A_795 = arith.constant 544 : index
      %swap3A_796 = tpu.vector_load %arg11[%swap3A_794, %swap3A_795] {strides = array<i32>} : memref<64x768xf32, #tpu.memory_space<vmem>>, vector<16xf32>,
      tpu.vector_store %arg11[%swap3A_794, %swap3A_795], %add3A_793 {strides = array<i32>} : memref<64x768xf32, #tpu.memory_space<vmem>>, vector<16xf32>,
      %get3A_797 = arith.index_cast %add3A_97 : i32 to index
      %get3A_798 = arith.constant 560 : index
      %get3A_799 = tpu.vector_load %arg11[%get3A_797, %get3A_798] {strides = array<i32>} : memref<64x768xf32, #tpu.memory_space<vmem>>, vector<16xf32>,
      %mul3A_800 = arith.constant 2 : i32
      %mul3A_801 = arith.muli %mul3A_800, %scan3A_95 : i32
      %get3A_802 = arith.index_cast %mul3A_801 : i32 to index
      %get3A_803 = arith.constant 560 : index
      %get3A_804 = tpu.vector_load %arg10[%get3A_802, %get3A_803] {strides = array<i32>} : memref<64x768xf32, #tpu.memory_space<vmem>>, vector<16xf32>,
      %add3A_805 = arith.addf %get3A_799, %get3A_804 : vector<16xf32>
      %mul3A_806 = arith.constant 2 : i32
      %mul3A_807 = arith.muli %mul3A_806, %scan3A_95 : i32
      %add3A_808 = arith.constant 1 : i32
      %add3A_809 = arith.addi %mul3A_807, %add3A_808 : i32
      %get3A_810 = arith.index_cast %add3A_809 : i32 to index
      %get3A_811 = arith.constant 560 : index
      %get3A_812 = tpu.vector_load %arg10[%get3A_810, %get3A_811] {strides = array<i32>} : memref<64x768xf32, #tpu.memory_space<vmem>>, vector<16xf32>,
      %add3A_813 = arith.addf %add3A_805, %get3A_812 : vector<16xf32>
      %swap3A_814 = arith.index_cast %add3A_97 : i32 to index
      %swap3A_815 = arith.constant 560 : index
      %swap3A_816 = tpu.vector_load %arg11[%swap3A_814, %swap3A_815] {strides = array<i32>} : memref<64x768xf32, #tpu.memory_space<vmem>>, vector<16xf32>,
      tpu.vector_store %arg11[%swap3A_814, %swap3A_815], %add3A_813 {strides = array<i32>} : memref<64x768xf32, #tpu.memory_space<vmem>>, vector<16xf32>,
      %get3A_817 = arith.index_cast %add3A_97 : i32 to index
      %get3A_818 = arith.constant 576 : index
      %get3A_819 = tpu.vector_load %arg11[%get3A_817, %get3A_818] {strides = array<i32>} : memref<64x768xf32, #tpu.memory_space<vmem>>, vector<16xf32>,
      %mul3A_820 = arith.constant 2 : i32
      %mul3A_821 = arith.muli %mul3A_820, %scan3A_95 : i32
      %get3A_822 = arith.index_cast %mul3A_821 : i32 to index
      %get3A_823 = arith.constant 576 : index
      %get3A_824 = tpu.vector_load %arg10[%get3A_822, %get3A_823] {strides = array<i32>} : memref<64x768xf32, #tpu.memory_space<vmem>>, vector<16xf32>,
      %add3A_825 = arith.addf %get3A_819, %get3A_824 : vector<16xf32>
      %mul3A_826 = arith.constant 2 : i32
      %mul3A_827 = arith.muli %mul3A_826, %scan3A_95 : i32
      %add3A_828 = arith.constant 1 : i32
      %add3A_829 = arith.addi %mul3A_827, %add3A_828 : i32
      %get3A_830 = arith.index_cast %add3A_829 : i32 to index
      %get3A_831 = arith.constant 576 : index
      %get3A_832 = tpu.vector_load %arg10[%get3A_830, %get3A_831] {strides = array<i32>} : memref<64x768xf32, #tpu.memory_space<vmem>>, vector<16xf32>,
      %add3A_833 = arith.addf %add3A_825, %get3A_832 : vector<16xf32>
      %swap3A_834 = arith.index_cast %add3A_97 : i32 to index
      %swap3A_835 = arith.constant 576 : index
      %swap3A_836 = tpu.vector_load %arg11[%swap3A_834, %swap3A_835] {strides = array<i32>} : memref<64x768xf32, #tpu.memory_space<vmem>>, vector<16xf32>,
      tpu.vector_store %arg11[%swap3A_834, %swap3A_835], %add3A_833 {strides = array<i32>} : memref<64x768xf32, #tpu.memory_space<vmem>>, vector<16xf32>,
      %get3A_837 = arith.index_cast %add3A_97 : i32 to index
      %get3A_838 = arith.constant 592 : index
      %get3A_839 = tpu.vector_load %arg11[%get3A_837, %get3A_838] {strides = array<i32>} : memref<64x768xf32, #tpu.memory_space<vmem>>, vector<16xf32>,
      %mul3A_840 = arith.constant 2 : i32
      %mul3A_841 = arith.muli %mul3A_840, %scan3A_95 : i32
      %get3A_842 = arith.index_cast %mul3A_841 : i32 to index
      %get3A_843 = arith.constant 592 : index
      %get3A_844 = tpu.vector_load %arg10[%get3A_842, %get3A_843] {strides = array<i32>} : memref<64x768xf32, #tpu.memory_space<vmem>>, vector<16xf32>,
      %add3A_845 = arith.addf %get3A_839, %get3A_844 : vector<16xf32>
      %mul3A_846 = arith.constant 2 : i32
      %mul3A_847 = arith.muli %mul3A_846, %scan3A_95 : i32
      %add3A_848 = arith.constant 1 : i32
      %add3A_849 = arith.addi %mul3A_847, %add3A_848 : i32
      %get3A_850 = arith.index_cast %add3A_849 : i32 to index
      %get3A_851 = arith.constant 592 : index
      %get3A_852 = tpu.vector_load %arg10[%get3A_850, %get3A_851] {strides = array<i32>} : memref<64x768xf32, #tpu.memory_space<vmem>>, vector<16xf32>,
      %add3A_853 = arith.addf %add3A_845, %get3A_852 : vector<16xf32>
      %swap3A_854 = arith.index_cast %add3A_97 : i32 to index
      %swap3A_855 = arith.constant 592 : index
      %swap3A_856 = tpu.vector_load %arg11[%swap3A_854, %swap3A_855] {strides = array<i32>} : memref<64x768xf32, #tpu.memory_space<vmem>>, vector<16xf32>,
      tpu.vector_store %arg11[%swap3A_854, %swap3A_855], %add3A_853 {strides = array<i32>} : memref<64x768xf32, #tpu.memory_space<vmem>>, vector<16xf32>,
      %get3A_857 = arith.index_cast %add3A_97 : i32 to index
      %get3A_858 = arith.constant 608 : index
      %get3A_859 = tpu.vector_load %arg11[%get3A_857, %get3A_858] {strides = array<i32>} : memref<64x768xf32, #tpu.memory_space<vmem>>, vector<16xf32>,
      %mul3A_860 = arith.constant 2 : i32
      %mul3A_861 = arith.muli %mul3A_860, %scan3A_95 : i32
      %get3A_862 = arith.index_cast %mul3A_861 : i32 to index
      %get3A_863 = arith.constant 608 : index
      %get3A_864 = tpu.vector_load %arg10[%get3A_862, %get3A_863] {strides = array<i32>} : memref<64x768xf32, #tpu.memory_space<vmem>>, vector<16xf32>,
      %add3A_865 = arith.addf %get3A_859, %get3A_864 : vector<16xf32>
      %mul3A_866 = arith.constant 2 : i32
      %mul3A_867 = arith.muli %mul3A_866, %scan3A_95 : i32
      %add3A_868 = arith.constant 1 : i32
      %add3A_869 = arith.addi %mul3A_867, %add3A_868 : i32
      %get3A_870 = arith.index_cast %add3A_869 : i32 to index
      %get3A_871 = arith.constant 608 : index
      %get3A_872 = tpu.vector_load %arg10[%get3A_870, %get3A_871] {strides = array<i32>} : memref<64x768xf32, #tpu.memory_space<vmem>>, vector<16xf32>,
      %add3A_873 = arith.addf %add3A_865, %get3A_872 : vector<16xf32>
      %swap3A_874 = arith.index_cast %add3A_97 : i32 to index
      %swap3A_875 = arith.constant 608 : index
      %swap3A_876 = tpu.vector_load %arg11[%swap3A_874, %swap3A_875] {strides = array<i32>} : memref<64x768xf32, #tpu.memory_space<vmem>>, vector<16xf32>,
      tpu.vector_store %arg11[%swap3A_874, %swap3A_875], %add3A_873 {strides = array<i32>} : memref<64x768xf32, #tpu.memory_space<vmem>>, vector<16xf32>,
      %get3A_877 = arith.index_cast %add3A_97 : i32 to index
      %get3A_878 = arith.constant 624 : index
      %get3A_879 = tpu.vector_load %arg11[%get3A_877, %get3A_878] {strides = array<i32>} : memref<64x768xf32, #tpu.memory_space<vmem>>, vector<16xf32>,
      %mul3A_880 = arith.constant 2 : i32
      %mul3A_881 = arith.muli %mul3A_880, %scan3A_95 : i32
      %get3A_882 = arith.index_cast %mul3A_881 : i32 to index
      %get3A_883 = arith.constant 624 : index
      %get3A_884 = tpu.vector_load %arg10[%get3A_882, %get3A_883] {strides = array<i32>} : memref<64x768xf32, #tpu.memory_space<vmem>>, vector<16xf32>,
      %add3A_885 = arith.addf %get3A_879, %get3A_884 : vector<16xf32>
      %mul3A_886 = arith.constant 2 : i32
      %mul3A_887 = arith.muli %mul3A_886, %scan3A_95 : i32
      %add3A_888 = arith.constant 1 : i32
      %add3A_889 = arith.addi %mul3A_887, %add3A_888 : i32
      %get3A_890 = arith.index_cast %add3A_889 : i32 to index
      %get3A_891 = arith.constant 624 : index
      %get3A_892 = tpu.vector_load %arg10[%get3A_890, %get3A_891] {strides = array<i32>} : memref<64x768xf32, #tpu.memory_space<vmem>>, vector<16xf32>,
      %add3A_893 = arith.addf %add3A_885, %get3A_892 : vector<16xf32>
      %swap3A_894 = arith.index_cast %add3A_97 : i32 to index
      %swap3A_895 = arith.constant 624 : index
      %swap3A_896 = tpu.vector_load %arg11[%swap3A_894, %swap3A_895] {strides = array<i32>} : memref<64x768xf32, #tpu.memory_space<vmem>>, vector<16xf32>,
      tpu.vector_store %arg11[%swap3A_894, %swap3A_895], %add3A_893 {strides = array<i32>} : memref<64x768xf32, #tpu.memory_space<vmem>>, vector<16xf32>,
      %get3A_897 = arith.index_cast %add3A_97 : i32 to index
      %get3A_898 = arith.constant 640 : index
      %get3A_899 = tpu.vector_load %arg11[%get3A_897, %get3A_898] {strides = array<i32>} : memref<64x768xf32, #tpu.memory_space<vmem>>, vector<16xf32>,
      %mul3A_900 = arith.constant 2 : i32
      %mul3A_901 = arith.muli %mul3A_900, %scan3A_95 : i32
      %get3A_902 = arith.index_cast %mul3A_901 : i32 to index
      %get3A_903 = arith.constant 640 : index
      %get3A_904 = tpu.vector_load %arg10[%get3A_902, %get3A_903] {strides = array<i32>} : memref<64x768xf32, #tpu.memory_space<vmem>>, vector<16xf32>,
      %add3A_905 = arith.addf %get3A_899, %get3A_904 : vector<16xf32>
      %mul3A_906 = arith.constant 2 : i32
      %mul3A_907 = arith.muli %mul3A_906, %scan3A_95 : i32
      %add3A_908 = arith.constant 1 : i32
      %add3A_909 = arith.addi %mul3A_907, %add3A_908 : i32
      %get3A_910 = arith.index_cast %add3A_909 : i32 to index
      %get3A_911 = arith.constant 640 : index
      %get3A_912 = tpu.vector_load %arg10[%get3A_910, %get3A_911] {strides = array<i32>} : memref<64x768xf32, #tpu.memory_space<vmem>>, vector<16xf32>,
      %add3A_913 = arith.addf %add3A_905, %get3A_912 : vector<16xf32>
      %swap3A_914 = arith.index_cast %add3A_97 : i32 to index
      %swap3A_915 = arith.constant 640 : index
      %swap3A_916 = tpu.vector_load %arg11[%swap3A_914, %swap3A_915] {strides = array<i32>} : memref<64x768xf32, #tpu.memory_space<vmem>>, vector<16xf32>,
      tpu.vector_store %arg11[%swap3A_914, %swap3A_915], %add3A_913 {strides = array<i32>} : memref<64x768xf32, #tpu.memory_space<vmem>>, vector<16xf32>,
      %get3A_917 = arith.index_cast %add3A_97 : i32 to index
      %get3A_918 = arith.constant 656 : index
      %get3A_919 = tpu.vector_load %arg11[%get3A_917, %get3A_918] {strides = array<i32>} : memref<64x768xf32, #tpu.memory_space<vmem>>, vector<16xf32>,
      %mul3A_920 = arith.constant 2 : i32
      %mul3A_921 = arith.muli %mul3A_920, %scan3A_95 : i32
      %get3A_922 = arith.index_cast %mul3A_921 : i32 to index
      %get3A_923 = arith.constant 656 : index
      %get3A_924 = tpu.vector_load %arg10[%get3A_922, %get3A_923] {strides = array<i32>} : memref<64x768xf32, #tpu.memory_space<vmem>>, vector<16xf32>,
      %add3A_925 = arith.addf %get3A_919, %get3A_924 : vector<16xf32>
      %mul3A_926 = arith.constant 2 : i32
      %mul3A_927 = arith.muli %mul3A_926, %scan3A_95 : i32
      %add3A_928 = arith.constant 1 : i32
      %add3A_929 = arith.addi %mul3A_927, %add3A_928 : i32
      %get3A_930 = arith.index_cast %add3A_929 : i32 to index
      %get3A_931 = arith.constant 656 : index
      %get3A_932 = tpu.vector_load %arg10[%get3A_930, %get3A_931] {strides = array<i32>} : memref<64x768xf32, #tpu.memory_space<vmem>>, vector<16xf32>,
      %add3A_933 = arith.addf %add3A_925, %get3A_932 : vector<16xf32>
      %swap3A_934 = arith.index_cast %add3A_97 : i32 to index
      %swap3A_935 = arith.constant 656 : index
      %swap3A_936 = tpu.vector_load %arg11[%swap3A_934, %swap3A_935] {strides = array<i32>} : memref<64x768xf32, #tpu.memory_space<vmem>>, vector<16xf32>,
      tpu.vector_store %arg11[%swap3A_934, %swap3A_935], %add3A_933 {strides = array<i32>} : memref<64x768xf32, #tpu.memory_space<vmem>>, vector<16xf32>,
      %get3A_937 = arith.index_cast %add3A_97 : i32 to index
      %get3A_938 = arith.constant 672 : index
      %get3A_939 = tpu.vector_load %arg11[%get3A_937, %get3A_938] {strides = array<i32>} : memref<64x768xf32, #tpu.memory_space<vmem>>, vector<16xf32>,
      %mul3A_940 = arith.constant 2 : i32
      %mul3A_941 = arith.muli %mul3A_940, %scan3A_95 : i32
      %get3A_942 = arith.index_cast %mul3A_941 : i32 to index
      %get3A_943 = arith.constant 672 : index
      %get3A_944 = tpu.vector_load %arg10[%get3A_942, %get3A_943] {strides = array<i32>} : memref<64x768xf32, #tpu.memory_space<vmem>>, vector<16xf32>,
      %add3A_945 = arith.addf %get3A_939, %get3A_944 : vector<16xf32>
      %mul3A_946 = arith.constant 2 : i32
      %mul3A_947 = arith.muli %mul3A_946, %scan3A_95 : i32
      %add3A_948 = arith.constant 1 : i32
      %add3A_949 = arith.addi %mul3A_947, %add3A_948 : i32
      %get3A_950 = arith.index_cast %add3A_949 : i32 to index
      %get3A_951 = arith.constant 672 : index
      %get3A_952 = tpu.vector_load %arg10[%get3A_950, %get3A_951] {strides = array<i32>} : memref<64x768xf32, #tpu.memory_space<vmem>>, vector<16xf32>,
      %add3A_953 = arith.addf %add3A_945, %get3A_952 : vector<16xf32>
      %swap3A_954 = arith.index_cast %add3A_97 : i32 to index
      %swap3A_955 = arith.constant 672 : index
      %swap3A_956 = tpu.vector_load %arg11[%swap3A_954, %swap3A_955] {strides = array<i32>} : memref<64x768xf32, #tpu.memory_space<vmem>>, vector<16xf32>,
      tpu.vector_store %arg11[%swap3A_954, %swap3A_955], %add3A_953 {strides = array<i32>} : memref<64x768xf32, #tpu.memory_space<vmem>>, vector<16xf32>,
      %get3A_957 = arith.index_cast %add3A_97 : i32 to index
      %get3A_958 = arith.constant 688 : index
      %get3A_959 = tpu.vector_load %arg11[%get3A_957, %get3A_958] {strides = array<i32>} : memref<64x768xf32, #tpu.memory_space<vmem>>, vector<16xf32>,
      %mul3A_960 = arith.constant 2 : i32
      %mul3A_961 = arith.muli %mul3A_960, %scan3A_95 : i32
      %get3A_962 = arith.index_cast %mul3A_961 : i32 to index
      %get3A_963 = arith.constant 688 : index
      %get3A_964 = tpu.vector_load %arg10[%get3A_962, %get3A_963] {strides = array<i32>} : memref<64x768xf32, #tpu.memory_space<vmem>>, vector<16xf32>,
      %add3A_965 = arith.addf %get3A_959, %get3A_964 : vector<16xf32>
      %mul3A_966 = arith.constant 2 : i32
      %mul3A_967 = arith.muli %mul3A_966, %scan3A_95 : i32
      %add3A_968 = arith.constant 1 : i32
      %add3A_969 = arith.addi %mul3A_967, %add3A_968 : i32
      %get3A_970 = arith.index_cast %add3A_969 : i32 to index
      %get3A_971 = arith.constant 688 : index
      %get3A_972 = tpu.vector_load %arg10[%get3A_970, %get3A_971] {strides = array<i32>} : memref<64x768xf32, #tpu.memory_space<vmem>>, vector<16xf32>,
      %add3A_973 = arith.addf %add3A_965, %get3A_972 : vector<16xf32>
      %swap3A_974 = arith.index_cast %add3A_97 : i32 to index
      %swap3A_975 = arith.constant 688 : index
      %swap3A_976 = tpu.vector_load %arg11[%swap3A_974, %swap3A_975] {strides = array<i32>} : memref<64x768xf32, #tpu.memory_space<vmem>>, vector<16xf32>,
      tpu.vector_store %arg11[%swap3A_974, %swap3A_975], %add3A_973 {strides = array<i32>} : memref<64x768xf32, #tpu.memory_space<vmem>>, vector<16xf32>,
      %get3A_977 = arith.index_cast %add3A_97 : i32 to index
      %get3A_978 = arith.constant 704 : index
      %get3A_979 = tpu.vector_load %arg11[%get3A_977, %get3A_978] {strides = array<i32>} : memref<64x768xf32, #tpu.memory_space<vmem>>, vector<16xf32>,
      %mul3A_980 = arith.constant 2 : i32
      %mul3A_981 = arith.muli %mul3A_980, %scan3A_95 : i32
      %get3A_982 = arith.index_cast %mul3A_981 : i32 to index
      %get3A_983 = arith.constant 704 : index
      %get3A_984 = tpu.vector_load %arg10[%get3A_982, %get3A_983] {strides = array<i32>} : memref<64x768xf32, #tpu.memory_space<vmem>>, vector<16xf32>,
      %add3A_985 = arith.addf %get3A_979, %get3A_984 : vector<16xf32>
      %mul3A_986 = arith.constant 2 : i32
      %mul3A_987 = arith.muli %mul3A_986, %scan3A_95 : i32
      %add3A_988 = arith.constant 1 : i32
      %add3A_989 = arith.addi %mul3A_987, %add3A_988 : i32
      %get3A_990 = arith.index_cast %add3A_989 : i32 to index
      %get3A_991 = arith.constant 704 : index
      %get3A_992 = tpu.vector_load %arg10[%get3A_990, %get3A_991] {strides = array<i32>} : memref<64x768xf32, #tpu.memory_space<vmem>>, vector<16xf32>,
      %add3A_993 = arith.addf %add3A_985, %get3A_992 : vector<16xf32>
      %swap3A_994 = arith.index_cast %add3A_97 : i32 to index
      %swap3A_995 = arith.constant 704 : index
      %swap3A_996 = tpu.vector_load %arg11[%swap3A_994, %swap3A_995] {strides = array<i32>} : memref<64x768xf32, #tpu.memory_space<vmem>>, vector<16xf32>,
      tpu.vector_store %arg11[%swap3A_994, %swap3A_995], %add3A_993 {strides = array<i32>} : memref<64x768xf32, #tpu.memory_space<vmem>>, vector<16xf32>,
      %get3A_997 = arith.index_cast %add3A_97 : i32 to index
      %get3A_998 = arith.constant 720 : index
      %get3A_999 = tpu.vector_load %arg11[%get3A_997, %get3A_998] {strides = array<i32>} : memref<64x768xf32, #tpu.memory_space<vmem>>, vector<16xf32>,
      %mul3A_1000 = arith.constant 2 : i32
      %mul3A_1001 = arith.muli %mul3A_1000, %scan3A_95 : i32
      %get3A_1002 = arith.index_cast %mul3A_1001 : i32 to index
      %get3A_1003 = arith.constant 720 : index
      %get3A_1004 = tpu.vector_load %arg10[%get3A_1002, %get3A_1003] {strides = array<i32>} : memref<64x768xf32, #tpu.memory_space<vmem>>, vector<16xf32>,
      %add3A_1005 = arith.addf %get3A_999, %get3A_1004 : vector<16xf32>
      %mul3A_1006 = arith.constant 2 : i32
      %mul3A_1007 = arith.muli %mul3A_1006, %scan3A_95 : i32
      %add3A_1008 = arith.constant 1 : i32
      %add3A_1009 = arith.addi %mul3A_1007, %add3A_1008 : i32
      %get3A_1010 = arith.index_cast %add3A_1009 : i32 to index
      %get3A_1011 = arith.constant 720 : index
      %get3A_1012 = tpu.vector_load %arg10[%get3A_1010, %get3A_1011] {strides = array<i32>} : memref<64x768xf32, #tpu.memory_space<vmem>>, vector<16xf32>,
      %add3A_1013 = arith.addf %add3A_1005, %get3A_1012 : vector<16xf32>
      %swap3A_1014 = arith.index_cast %add3A_97 : i32 to index
      %swap3A_1015 = arith.constant 720 : index
      %swap3A_1016 = tpu.vector_load %arg11[%swap3A_1014, %swap3A_1015] {strides = array<i32>} : memref<64x768xf32, #tpu.memory_space<vmem>>, vector<16xf32>,
      tpu.vector_store %arg11[%swap3A_1014, %swap3A_1015], %add3A_1013 {strides = array<i32>} : memref<64x768xf32, #tpu.memory_space<vmem>>, vector<16xf32>,
      %get3A_1017 = arith.index_cast %add3A_97 : i32 to index
      %get3A_1018 = arith.constant 736 : index
      %get3A_1019 = tpu.vector_load %arg11[%get3A_1017, %get3A_1018] {strides = array<i32>} : memref<64x768xf32, #tpu.memory_space<vmem>>, vector<16xf32>,
      %mul3A_1020 = arith.constant 2 : i32
      %mul3A_1021 = arith.muli %mul3A_1020, %scan3A_95 : i32
      %get3A_1022 = arith.index_cast %mul3A_1021 : i32 to index
      %get3A_1023 = arith.constant 736 : index
      %get3A_1024 = tpu.vector_load %arg10[%get3A_1022, %get3A_1023] {strides = array<i32>} : memref<64x768xf32, #tpu.memory_space<vmem>>, vector<16xf32>,
      %add3A_1025 = arith.addf %get3A_1019, %get3A_1024 : vector<16xf32>
      %mul3A_1026 = arith.constant 2 : i32
      %mul3A_1027 = arith.muli %mul3A_1026, %scan3A_95 : i32
      %add3A_1028 = arith.constant 1 : i32
      %add3A_1029 = arith.addi %mul3A_1027, %add3A_1028 : i32
      %get3A_1030 = arith.index_cast %add3A_1029 : i32 to index
      %get3A_1031 = arith.constant 736 : index
      %get3A_1032 = tpu.vector_load %arg10[%get3A_1030, %get3A_1031] {strides = array<i32>} : memref<64x768xf32, #tpu.memory_space<vmem>>, vector<16xf32>,
      %add3A_1033 = arith.addf %add3A_1025, %get3A_1032 : vector<16xf32>
      %swap3A_1034 = arith.index_cast %add3A_97 : i32 to index
      %swap3A_1035 = arith.constant 736 : index
      %swap3A_1036 = tpu.vector_load %arg11[%swap3A_1034, %swap3A_1035] {strides = array<i32>} : memref<64x768xf32, #tpu.memory_space<vmem>>, vector<16xf32>,
      tpu.vector_store %arg11[%swap3A_1034, %swap3A_1035], %add3A_1033 {strides = array<i32>} : memref<64x768xf32, #tpu.memory_space<vmem>>, vector<16xf32>,
      %get3A_1037 = arith.index_cast %add3A_97 : i32 to index
      %get3A_1038 = arith.constant 752 : index
      %get3A_1039 = tpu.vector_load %arg11[%get3A_1037, %get3A_1038] {strides = array<i32>} : memref<64x768xf32, #tpu.memory_space<vmem>>, vector<16xf32>,
      %mul3A_1040 = arith.constant 2 : i32
      %mul3A_1041 = arith.muli %mul3A_1040, %scan3A_95 : i32
      %get3A_1042 = arith.index_cast %mul3A_1041 : i32 to index
      %get3A_1043 = arith.constant 752 : index
      %get3A_1044 = tpu.vector_load %arg10[%get3A_1042, %get3A_1043] {strides = array<i32>} : memref<64x768xf32, #tpu.memory_space<vmem>>, vector<16xf32>,
      %add3A_1045 = arith.addf %get3A_1039, %get3A_1044 : vector<16xf32>
      %mul3A_1046 = arith.constant 2 : i32
      %mul3A_1047 = arith.muli %mul3A_1046, %scan3A_95 : i32
      %add3A_1048 = arith.constant 1 : i32
      %add3A_1049 = arith.addi %mul3A_1047, %add3A_1048 : i32
      %get3A_1050 = arith.index_cast %add3A_1049 : i32 to index
      %get3A_1051 = arith.constant 752 : index
      %get3A_1052 = tpu.vector_load %arg10[%get3A_1050, %get3A_1051] {strides = array<i32>} : memref<64x768xf32, #tpu.memory_space<vmem>>, vector<16xf32>,
      %add3A_1053 = arith.addf %add3A_1045, %get3A_1052 : vector<16xf32>
      %swap3A_1054 = arith.index_cast %add3A_97 : i32 to index
      %swap3A_1055 = arith.constant 752 : index
      %swap3A_1056 = tpu.vector_load %arg11[%swap3A_1054, %swap3A_1055] {strides = array<i32>} : memref<64x768xf32, #tpu.memory_space<vmem>>, vector<16xf32>,
      tpu.vector_store %arg11[%swap3A_1054, %swap3A_1055], %add3A_1053 {strides = array<i32>} : memref<64x768xf32, #tpu.memory_space<vmem>>, vector<16xf32>,
    }
    %scan3A_94 = arith.constant 32 : i32
    "tpu.region"() ({
      %run_scoped3A = tpu.sem_alloc : memref<!tpu.dma_semaphore, #tpu.memory_space<semaphore_mem>>
      %dma_start3A_95 = arith.constant 0 : i32
      %dma_start3A_96 = tpu.memref_slice %arg5[%multiple_of3A, %dma_start3A_95] : memref<2048x768xf32, #tpu.memory_space<hbm>> -> memref<64x768xf32, #tpu.memory_space<hbm>>
      %dma_start3A_97 = arith.constant 0 : i32
      %dma_start3A_98 = tpu.memref_slice %arg5[%multiple_of3A, %dma_start3A_97] : memref<2048x768xf32, #tpu.memory_space<hbm>> -> memref<64x768xf32, #tpu.memory_space<hbm>>
      tpu.enqueue_dma source(%arg11 : memref<64x768xf32, #tpu.memory_space<vmem>>) target(%dma_start3A_98 : memref<64x768xf32, #tpu.memory_space<hbm>>) target_semaphore(%run_scoped3A : memref<!tpu.dma_semaphore, #tpu.memory_space<semaphore_mem>>)
      %dma_wait3A_99 = arith.constant 0 : i32
      %dma_wait3A_100 = tpu.memref_slice %arg5[%multiple_of3A, %dma_wait3A_99] : memref<2048x768xf32, #tpu.memory_space<hbm>> -> memref<64x768xf32, #tpu.memory_space<hbm>>
      %dma_wait3A_101 = arith.constant 0 : i32
      %dma_wait3A_102 = tpu.memref_slice %arg5[%multiple_of3A, %dma_wait3A_101] : memref<2048x768xf32, #tpu.memory_space<hbm>> -> memref<64x768xf32, #tpu.memory_space<hbm>>
      tpu.wait_dma2 semaphore(%run_scoped3A : memref<!tpu.dma_semaphore, #tpu.memory_space<semaphore_mem>>) src(%arg11 : memref<64x768xf32, #tpu.memory_space<vmem>>) dst(%dma_wait3A_102 : memref<64x768xf32, #tpu.memory_space<hbm>>)
      tpu.yield
    }) : () -> ()
    return
  }
}

module attributes {stable_mosaic.version = 14 : i64} {
  func.func @_ln_qkv_body(%arg0: i32, %arg1: memref<512x768xf32, #tpu.memory_space<vmem>>, %arg2: memref<768xf32, #tpu.memory_space<vmem>>, %arg3: memref<768xf32, #tpu.memory_space<vmem>>, %arg4: memref<768x2304xf32, #tpu.memory_space<vmem>>, %arg5: memref<2304xf32, #tpu.memory_space<vmem>>, %arg6: memref<512x2304xf32, #tpu.memory_space<vmem>>) attributes {dimension_semantics = [#tpu.dimension_semantics<arbitrary>], iteration_bounds = array<i64: 4>, scalar_prefetch = 0 : i64, scratch_operands = 0 : i64, tpu.core_type = #tpu.core_type<tc>, window_params = [{transform_indices = @transform_0, window_bounds = array<i64: 512, 768>}, {pipeline_mode = #tpu.pipeline_mode<synchronous>, transform_indices = @transform_1, window_bounds = array<i64: 768>}, {pipeline_mode = #tpu.pipeline_mode<synchronous>, transform_indices = @transform_2, window_bounds = array<i64: 768>}, {pipeline_mode = #tpu.pipeline_mode<synchronous>, transform_indices = @transform_3, window_bounds = array<i64: 768, 2304>}, {pipeline_mode = #tpu.pipeline_mode<synchronous>, transform_indices = @transform_4, window_bounds = array<i64: 2304>}, {transform_indices = @transform_5, window_bounds = array<i64: 512, 2304>}]} {
    %get3A = arith.constant 0 : index
    %get3A_0 = arith.constant 0 : index
    %get3A_1 = vector.load %arg1[%get3A, %get3A_0] : memref<512x768xf32, #tpu.memory_space<vmem>>, vector<512x768xf32>
    %reduce_sum3A = arith.constant dense<0.000000e+00> : vector<512xf32>
    %reduce_sum3A_2 = vector.multi_reduction <add>, %get3A_1, %reduce_sum3A [1] : vector<512x768xf32> to vector<512xf32>
    %broadcast_in_dim3A = vector.shape_cast %reduce_sum3A_2 : vector<512xf32> to vector<512x1xf32>
    %div3A = arith.constant 7.680000e+02 : f32
    %div3A_3 = vector.broadcast %div3A : f32 to vector<512x1xf32>
    %div3A_4 = arith.divf %broadcast_in_dim3A, %div3A_3 : vector<512x1xf32>
    %sub3A = vector.broadcast %div3A_4 : vector<512x1xf32> to vector<512x768xf32>
    %sub3A_5 = arith.subf %get3A_1, %sub3A : vector<512x768xf32>
    %integer_pow3A = arith.mulf %sub3A_5, %sub3A_5 : vector<512x768xf32>
    %reduce_sum3A_6 = arith.constant dense<0.000000e+00> : vector<512xf32>
    %reduce_sum3A_7 = vector.multi_reduction <add>, %integer_pow3A, %reduce_sum3A_6 [1] : vector<512x768xf32> to vector<512xf32>
    %broadcast_in_dim3A_8 = vector.shape_cast %reduce_sum3A_7 : vector<512xf32> to vector<512x1xf32>
    %div3A_9 = arith.constant 7.680000e+02 : f32
    %div3A_10 = vector.broadcast %div3A_9 : f32 to vector<512x1xf32>
    %div3A_11 = arith.divf %broadcast_in_dim3A_8, %div3A_10 : vector<512x1xf32>
    %sub3A_12 = vector.broadcast %div3A_4 : vector<512x1xf32> to vector<512x768xf32>
    %sub3A_13 = arith.subf %get3A_1, %sub3A_12 : vector<512x768xf32>
    %add3A = arith.constant 9.99999974E-6 : f32
    %add3A_14 = vector.broadcast %add3A : f32 to vector<512x1xf32>
    %add3A_15 = arith.addf %div3A_11, %add3A_14 : vector<512x1xf32>
    %sqrt3A = math.sqrt %add3A_15 : vector<512x1xf32>
    %div3A_16 = vector.broadcast %sqrt3A : vector<512x1xf32> to vector<512x768xf32>
    %div3A_17 = arith.divf %sub3A_13, %div3A_16 : vector<512x768xf32>
    %get3A_18 = arith.constant 0 : index
    %get3A_19 = vector.load %arg2[%get3A_18] : memref<768xf32, #tpu.memory_space<vmem>>, vector<768xf32>
    %broadcast_in_dim3A_20 = vector.shape_cast %get3A_19 : vector<768xf32> to vector<1x768xf32>
    %mul3A = vector.broadcast %broadcast_in_dim3A_20 : vector<1x768xf32> to vector<512x768xf32>
    %mul3A_21 = arith.mulf %div3A_17, %mul3A : vector<512x768xf32>
    %get3A_22 = arith.constant 0 : index
    %get3A_23 = vector.load %arg3[%get3A_22] : memref<768xf32, #tpu.memory_space<vmem>>, vector<768xf32>
    %broadcast_in_dim3A_24 = vector.shape_cast %get3A_23 : vector<768xf32> to vector<1x768xf32>
    %add3A_25 = vector.broadcast %broadcast_in_dim3A_24 : vector<1x768xf32> to vector<512x768xf32>
    %add3A_26 = arith.addf %mul3A_21, %add3A_25 : vector<512x768xf32>
    %get3A_27 = arith.constant 0 : index
    %get3A_28 = arith.constant 0 : index
    %get3A_29 = vector.load %arg4[%get3A_27, %get3A_28] : memref<768x2304xf32, #tpu.memory_space<vmem>>, vector<768x2304xf32>
    %dot_general3A = arith.constant dense<0.000000e+00> : vector<512x2304xf32>
    %dot_general3A_30 = tpu.matmul %add3A_26, %get3A_29, %dot_general3A {dimension_numbers = #tpu.dot_dimension_numbers<[1], [0], [0], [1], [0, 0, 1, 1], [], []>, transpose_lhs_hint = false} : vector<512x768xf32>, vector<768x2304xf32>, vector<512x2304xf32> -> vector<512x2304xf32>
    %get3A_31 = arith.constant 0 : index
    %get3A_32 = vector.load %arg5[%get3A_31] : memref<2304xf32, #tpu.memory_space<vmem>>, vector<2304xf32>
    %broadcast_in_dim3A_33 = vector.shape_cast %get3A_32 : vector<2304xf32> to vector<1x2304xf32>
    %add3A_34 = vector.broadcast %broadcast_in_dim3A_33 : vector<1x2304xf32> to vector<512x2304xf32>
    %add3A_35 = arith.addf %dot_general3A_30, %add3A_34 : vector<512x2304xf32>
    %swap3A = arith.constant 0 : index
    %swap3A_36 = arith.constant 0 : index
    %swap3A_37 = vector.load %arg6[%swap3A, %swap3A_36] : memref<512x2304xf32, #tpu.memory_space<vmem>>, vector<512x2304xf32>
    tpu.vector_store %arg6[%swap3A, %swap3A_36], %add3A_35 {strides = array<i32>} : memref<512x2304xf32, #tpu.memory_space<vmem>>, vector<512x2304xf32>,
    return
  }
  func.func @transform_0(%arg0: i32) -> (i32, i32) {
    %c0_i32 = arith.constant 0 : i32
    %c0_i32_0 = arith.constant 0 : i32
    return %arg0, %c0_i32 : i32, i32
  }
  func.func @transform_1(%arg0: i32) -> i32 {
    %c0_i32 = arith.constant 0 : i32
    %c0_i32_0 = arith.constant 0 : i32
    return %c0_i32 : i32
  }
  func.func @transform_2(%arg0: i32) -> i32 {
    %c0_i32 = arith.constant 0 : i32
    %c0_i32_0 = arith.constant 0 : i32
    return %c0_i32 : i32
  }
  func.func @transform_3(%arg0: i32) -> (i32, i32) {
    %c0_i32 = arith.constant 0 : i32
    %c0_i32_0 = arith.constant 0 : i32
    %c0_i32_1 = arith.constant 0 : i32
    return %c0_i32, %c0_i32_0 : i32, i32
  }
  func.func @transform_4(%arg0: i32) -> i32 {
    %c0_i32 = arith.constant 0 : i32
    %c0_i32_0 = arith.constant 0 : i32
    return %c0_i32 : i32
  }
  func.func @transform_5(%arg0: i32) -> (i32, i32) {
    %c0_i32 = arith.constant 0 : i32
    %c0_i32_0 = arith.constant 0 : i32
    return %arg0, %c0_i32 : i32, i32
  }
}

module attributes {stable_mosaic.version = 14 : i64} {
  func.func @_attn_body(%arg0: i32, %arg1: i32, %arg2: memref<512x128xf32, #tpu.memory_space<vmem>>, %arg3: memref<2048x128xf32, #tpu.memory_space<vmem>>, %arg4: memref<2048x128xf32, #tpu.memory_space<vmem>>, %arg5: memref<512x128xf32, #tpu.memory_space<vmem>>) attributes {dimension_semantics = [#tpu.dimension_semantics<arbitrary>, #tpu.dimension_semantics<arbitrary>], iteration_bounds = array<i64: 6, 4>, scalar_prefetch = 0 : i64, scratch_operands = 0 : i64, tpu.core_type = #tpu.core_type<tc>, window_params = [{transform_indices = @transform_0, window_bounds = array<i64: 512, 128>}, {transform_indices = @transform_1, window_bounds = array<i64: 2048, 128>}, {transform_indices = @transform_2, window_bounds = array<i64: 2048, 128>}, {transform_indices = @transform_3, window_bounds = array<i64: 512, 128>}]} {
    %get3A = arith.constant 0 : index
    %get3A_0 = arith.constant 0 : index
    %get3A_1 = vector.load %arg2[%get3A, %get3A_0] : memref<512x128xf32, #tpu.memory_space<vmem>>, vector<512x64xf32>
    %mul3A = arith.constant 1.250000e-01 : f32
    %mul3A_2 = vector.broadcast %mul3A : f32 to vector<512x64xf32>
    %mul3A_3 = arith.mulf %get3A_1, %mul3A_2 : vector<512x64xf32>
    %get3A_4 = arith.constant 0 : index
    %get3A_5 = arith.constant 0 : index
    %get3A_6 = vector.load %arg3[%get3A_4, %get3A_5] : memref<2048x128xf32, #tpu.memory_space<vmem>>, vector<2048x64xf32>
    %get3A_7 = arith.constant 0 : index
    %get3A_8 = arith.constant 0 : index
    %get3A_9 = vector.load %arg4[%get3A_7, %get3A_8] : memref<2048x128xf32, #tpu.memory_space<vmem>>, vector<2048x64xf32>
    %dot_general3A = arith.constant dense<0.000000e+00> : vector<512x2048xf32>
    %dot_general3A_10 = tpu.matmul %mul3A_3, %get3A_6, %dot_general3A {dimension_numbers = #tpu.dot_dimension_numbers<[1], [1], [0], [0], [0, 0, 1, 0], [], []>, transpose_lhs_hint = false} : vector<512x64xf32>, vector<2048x64xf32>, vector<512x2048xf32> -> vector<512x2048xf32>
    %reduce_max3A = arith.constant dense<0xFF800000> : vector<512xf32>
    %reduce_max3A_11 = vector.multi_reduction <maximumf>, %dot_general3A_10, %reduce_max3A [1] : vector<512x2048xf32> to vector<512xf32>
    %broadcast_in_dim3A = vector.shape_cast %reduce_max3A_11 : vector<512xf32> to vector<512x1xf32>
    %sub3A = vector.broadcast %broadcast_in_dim3A : vector<512x1xf32> to vector<512x2048xf32>
    %sub3A_12 = arith.subf %dot_general3A_10, %sub3A : vector<512x2048xf32>
    %exp3A = math.exp %sub3A_12 : vector<512x2048xf32>
    %reduce_sum3A = arith.constant dense<0.000000e+00> : vector<512xf32>
    %reduce_sum3A_13 = vector.multi_reduction <add>, %exp3A, %reduce_sum3A [1] : vector<512x2048xf32> to vector<512xf32>
    %broadcast_in_dim3A_14 = vector.shape_cast %reduce_sum3A_13 : vector<512xf32> to vector<512x1xf32>
    %div3A = vector.broadcast %broadcast_in_dim3A_14 : vector<512x1xf32> to vector<512x2048xf32>
    %div3A_15 = arith.divf %exp3A, %div3A : vector<512x2048xf32>
    %dot_general3A_16 = arith.constant dense<0.000000e+00> : vector<512x64xf32>
    %dot_general3A_17 = tpu.matmul %div3A_15, %get3A_9, %dot_general3A_16 {dimension_numbers = #tpu.dot_dimension_numbers<[1], [0], [0], [1], [0, 0, 1, 1], [], []>, transpose_lhs_hint = false} : vector<512x2048xf32>, vector<2048x64xf32>, vector<512x64xf32> -> vector<512x64xf32>
    %get3A_18 = arith.constant 0 : index
    %get3A_19 = arith.constant 64 : index
    %get3A_20 = vector.load %arg2[%get3A_18, %get3A_19] : memref<512x128xf32, #tpu.memory_space<vmem>>, vector<512x64xf32>
    %mul3A_21 = arith.constant 1.250000e-01 : f32
    %mul3A_22 = vector.broadcast %mul3A_21 : f32 to vector<512x64xf32>
    %mul3A_23 = arith.mulf %get3A_20, %mul3A_22 : vector<512x64xf32>
    %get3A_24 = arith.constant 0 : index
    %get3A_25 = arith.constant 64 : index
    %get3A_26 = vector.load %arg3[%get3A_24, %get3A_25] : memref<2048x128xf32, #tpu.memory_space<vmem>>, vector<2048x64xf32>
    %get3A_27 = arith.constant 0 : index
    %get3A_28 = arith.constant 64 : index
    %get3A_29 = vector.load %arg4[%get3A_27, %get3A_28] : memref<2048x128xf32, #tpu.memory_space<vmem>>, vector<2048x64xf32>
    %dot_general3A_30 = arith.constant dense<0.000000e+00> : vector<512x2048xf32>
    %dot_general3A_31 = tpu.matmul %mul3A_23, %get3A_26, %dot_general3A_30 {dimension_numbers = #tpu.dot_dimension_numbers<[1], [1], [0], [0], [0, 0, 1, 0], [], []>, transpose_lhs_hint = false} : vector<512x64xf32>, vector<2048x64xf32>, vector<512x2048xf32> -> vector<512x2048xf32>
    %reduce_max3A_32 = arith.constant dense<0xFF800000> : vector<512xf32>
    %reduce_max3A_33 = vector.multi_reduction <maximumf>, %dot_general3A_31, %reduce_max3A_32 [1] : vector<512x2048xf32> to vector<512xf32>
    %broadcast_in_dim3A_34 = vector.shape_cast %reduce_max3A_33 : vector<512xf32> to vector<512x1xf32>
    %sub3A_35 = vector.broadcast %broadcast_in_dim3A_34 : vector<512x1xf32> to vector<512x2048xf32>
    %sub3A_36 = arith.subf %dot_general3A_31, %sub3A_35 : vector<512x2048xf32>
    %exp3A_37 = math.exp %sub3A_36 : vector<512x2048xf32>
    %reduce_sum3A_38 = arith.constant dense<0.000000e+00> : vector<512xf32>
    %reduce_sum3A_39 = vector.multi_reduction <add>, %exp3A_37, %reduce_sum3A_38 [1] : vector<512x2048xf32> to vector<512xf32>
    %broadcast_in_dim3A_40 = vector.shape_cast %reduce_sum3A_39 : vector<512xf32> to vector<512x1xf32>
    %div3A_41 = vector.broadcast %broadcast_in_dim3A_40 : vector<512x1xf32> to vector<512x2048xf32>
    %div3A_42 = arith.divf %exp3A_37, %div3A_41 : vector<512x2048xf32>
    %dot_general3A_43 = arith.constant dense<0.000000e+00> : vector<512x64xf32>
    %dot_general3A_44 = tpu.matmul %div3A_42, %get3A_29, %dot_general3A_43 {dimension_numbers = #tpu.dot_dimension_numbers<[1], [0], [0], [1], [0, 0, 1, 1], [], []>, transpose_lhs_hint = false} : vector<512x2048xf32>, vector<2048x64xf32>, vector<512x64xf32> -> vector<512x64xf32>
    %concatenate3A = tpu.concatenate %dot_general3A_17, %dot_general3A_44 in 1 : vector<512x64xf32>, vector<512x64xf32> -> vector<512x128xf32>
    %swap3A = arith.constant 0 : index
    %swap3A_45 = arith.constant 0 : index
    %swap3A_46 = vector.load %arg5[%swap3A, %swap3A_45] : memref<512x128xf32, #tpu.memory_space<vmem>>, vector<512x128xf32>
    tpu.vector_store %arg5[%swap3A, %swap3A_45], %concatenate3A {strides = array<i32>} : memref<512x128xf32, #tpu.memory_space<vmem>>, vector<512x128xf32>,
    return
  }
  func.func @transform_0(%arg0: i32, %arg1: i32) -> (i32, i32) {
    %c0_i32 = arith.constant 0 : i32
    return %arg1, %arg0 : i32, i32
  }
  func.func @transform_1(%arg0: i32, %arg1: i32) -> (i32, i32) {
    %add3A = arith.constant 6 : i32
    %add3A_0 = arith.addi %add3A, %arg0 : i32
    %c0_i32 = arith.constant 0 : i32
    %c0_i32_1 = arith.constant 0 : i32
    return %c0_i32, %add3A_0 : i32, i32
  }
  func.func @transform_2(%arg0: i32, %arg1: i32) -> (i32, i32) {
    %add3A = arith.constant 12 : i32
    %add3A_0 = arith.addi %add3A, %arg0 : i32
    %c0_i32 = arith.constant 0 : i32
    %c0_i32_1 = arith.constant 0 : i32
    return %c0_i32, %add3A_0 : i32, i32
  }
  func.func @transform_3(%arg0: i32, %arg1: i32) -> (i32, i32) {
    %c0_i32 = arith.constant 0 : i32
    return %arg1, %arg0 : i32, i32
  }
}

module attributes {stable_mosaic.version = 14 : i64} {
  func.func @_post_attn_body(%arg0: i32, %arg1: memref<512x768xf32, #tpu.memory_space<vmem>>, %arg2: memref<512x768xf32, #tpu.memory_space<vmem>>, %arg3: memref<768x768xf32, #tpu.memory_space<vmem>>, %arg4: memref<768xf32, #tpu.memory_space<vmem>>, %arg5: memref<768xf32, #tpu.memory_space<vmem>>, %arg6: memref<768xf32, #tpu.memory_space<vmem>>, %arg7: memref<768x8xf32, #tpu.memory_space<vmem>>, %arg8: memref<8xf32, #tpu.memory_space<vmem>>, %arg9: memref<512x768xf32, #tpu.memory_space<vmem>>, %arg10: memref<512x768xf32, #tpu.memory_space<vmem>>, %arg11: memref<512x2xi32, #tpu.memory_space<vmem>>, %arg12: memref<512x2xf32, #tpu.memory_space<vmem>>) attributes {dimension_semantics = [#tpu.dimension_semantics<arbitrary>], iteration_bounds = array<i64: 4>, scalar_prefetch = 0 : i64, scratch_operands = 0 : i64, tpu.core_type = #tpu.core_type<tc>, window_params = [{transform_indices = @transform_0, window_bounds = array<i64: 512, 768>}, {transform_indices = @transform_1, window_bounds = array<i64: 512, 768>}, {pipeline_mode = #tpu.pipeline_mode<synchronous>, transform_indices = @transform_2, window_bounds = array<i64: 768, 768>}, {pipeline_mode = #tpu.pipeline_mode<synchronous>, transform_indices = @transform_3, window_bounds = array<i64: 768>}, {pipeline_mode = #tpu.pipeline_mode<synchronous>, transform_indices = @transform_4, window_bounds = array<i64: 768>}, {pipeline_mode = #tpu.pipeline_mode<synchronous>, transform_indices = @transform_5, window_bounds = array<i64: 768>}, {pipeline_mode = #tpu.pipeline_mode<synchronous>, transform_indices = @transform_6, window_bounds = array<i64: 768, 8>}, {pipeline_mode = #tpu.pipeline_mode<synchronous>, transform_indices = @transform_7, window_bounds = array<i64: 8>}, {transform_indices = @transform_8, window_bounds = array<i64: 512, 768>}, {transform_indices = @transform_9, window_bounds = array<i64: 512, 768>}, {transform_indices = @transform_10, window_bounds = array<i64: 512, 2>}, {transform_indices = @transform_11, window_bounds = array<i64: 512, 2>}]} {
    %get3A = arith.constant 0 : index
    %get3A_0 = arith.constant 0 : index
    %get3A_1 = vector.load %arg1[%get3A, %get3A_0] : memref<512x768xf32, #tpu.memory_space<vmem>>, vector<512x768xf32>
    %get3A_2 = arith.constant 0 : index
    %get3A_3 = arith.constant 0 : index
    %get3A_4 = vector.load %arg2[%get3A_2, %get3A_3] : memref<512x768xf32, #tpu.memory_space<vmem>>, vector<512x768xf32>
    %get3A_5 = arith.constant 0 : index
    %get3A_6 = arith.constant 0 : index
    %get3A_7 = vector.load %arg3[%get3A_5, %get3A_6] : memref<768x768xf32, #tpu.memory_space<vmem>>, vector<768x768xf32>
    %dot_general3A = arith.constant dense<0.000000e+00> : vector<512x768xf32>
    %dot_general3A_8 = tpu.matmul %get3A_1, %get3A_7, %dot_general3A {dimension_numbers = #tpu.dot_dimension_numbers<[1], [0], [0], [1], [0, 0, 1, 1], [], []>, transpose_lhs_hint = false} : vector<512x768xf32>, vector<768x768xf32>, vector<512x768xf32> -> vector<512x768xf32>
    %add3A = arith.addf %get3A_4, %dot_general3A_8 : vector<512x768xf32>
    %get3A_9 = arith.constant 0 : index
    %get3A_10 = vector.load %arg4[%get3A_9] : memref<768xf32, #tpu.memory_space<vmem>>, vector<768xf32>
    %broadcast_in_dim3A = vector.shape_cast %get3A_10 : vector<768xf32> to vector<1x768xf32>
    %add3A_11 = vector.broadcast %broadcast_in_dim3A : vector<1x768xf32> to vector<512x768xf32>
    %add3A_12 = arith.addf %add3A, %add3A_11 : vector<512x768xf32>
    %swap3A = arith.constant 0 : index
    %swap3A_13 = arith.constant 0 : index
    %swap3A_14 = vector.load %arg9[%swap3A, %swap3A_13] : memref<512x768xf32, #tpu.memory_space<vmem>>, vector<512x768xf32>
    tpu.vector_store %arg9[%swap3A, %swap3A_13], %add3A_12 {strides = array<i32>} : memref<512x768xf32, #tpu.memory_space<vmem>>, vector<512x768xf32>,
    %reduce_sum3A = arith.constant dense<0.000000e+00> : vector<512xf32>
    %reduce_sum3A_15 = vector.multi_reduction <add>, %add3A_12, %reduce_sum3A [1] : vector<512x768xf32> to vector<512xf32>
    %broadcast_in_dim3A_16 = vector.shape_cast %reduce_sum3A_15 : vector<512xf32> to vector<512x1xf32>
    %div3A = arith.constant 7.680000e+02 : f32
    %div3A_17 = vector.broadcast %div3A : f32 to vector<512x1xf32>
    %div3A_18 = arith.divf %broadcast_in_dim3A_16, %div3A_17 : vector<512x1xf32>
    %sub3A = vector.broadcast %div3A_18 : vector<512x1xf32> to vector<512x768xf32>
    %sub3A_19 = arith.subf %add3A_12, %sub3A : vector<512x768xf32>
    %integer_pow3A = arith.mulf %sub3A_19, %sub3A_19 : vector<512x768xf32>
    %reduce_sum3A_20 = arith.constant dense<0.000000e+00> : vector<512xf32>
    %reduce_sum3A_21 = vector.multi_reduction <add>, %integer_pow3A, %reduce_sum3A_20 [1] : vector<512x768xf32> to vector<512xf32>
    %broadcast_in_dim3A_22 = vector.shape_cast %reduce_sum3A_21 : vector<512xf32> to vector<512x1xf32>
    %div3A_23 = arith.constant 7.680000e+02 : f32
    %div3A_24 = vector.broadcast %div3A_23 : f32 to vector<512x1xf32>
    %div3A_25 = arith.divf %broadcast_in_dim3A_22, %div3A_24 : vector<512x1xf32>
    %sub3A_26 = vector.broadcast %div3A_18 : vector<512x1xf32> to vector<512x768xf32>
    %sub3A_27 = arith.subf %add3A_12, %sub3A_26 : vector<512x768xf32>
    %add3A_28 = arith.constant 9.99999974E-6 : f32
    %add3A_29 = vector.broadcast %add3A_28 : f32 to vector<512x1xf32>
    %add3A_30 = arith.addf %div3A_25, %add3A_29 : vector<512x1xf32>
    %sqrt3A = math.sqrt %add3A_30 : vector<512x1xf32>
    %div3A_31 = vector.broadcast %sqrt3A : vector<512x1xf32> to vector<512x768xf32>
    %div3A_32 = arith.divf %sub3A_27, %div3A_31 : vector<512x768xf32>
    %get3A_33 = arith.constant 0 : index
    %get3A_34 = vector.load %arg5[%get3A_33] : memref<768xf32, #tpu.memory_space<vmem>>, vector<768xf32>
    %broadcast_in_dim3A_35 = vector.shape_cast %get3A_34 : vector<768xf32> to vector<1x768xf32>
    %mul3A = vector.broadcast %broadcast_in_dim3A_35 : vector<1x768xf32> to vector<512x768xf32>
    %mul3A_36 = arith.mulf %div3A_32, %mul3A : vector<512x768xf32>
    %get3A_37 = arith.constant 0 : index
    %get3A_38 = vector.load %arg6[%get3A_37] : memref<768xf32, #tpu.memory_space<vmem>>, vector<768xf32>
    %broadcast_in_dim3A_39 = vector.shape_cast %get3A_38 : vector<768xf32> to vector<1x768xf32>
    %add3A_40 = vector.broadcast %broadcast_in_dim3A_39 : vector<1x768xf32> to vector<512x768xf32>
    %add3A_41 = arith.addf %mul3A_36, %add3A_40 : vector<512x768xf32>
    %swap3A_42 = arith.constant 0 : index
    %swap3A_43 = arith.constant 0 : index
    %swap3A_44 = vector.load %arg10[%swap3A_42, %swap3A_43] : memref<512x768xf32, #tpu.memory_space<vmem>>, vector<512x768xf32>
    tpu.vector_store %arg10[%swap3A_42, %swap3A_43], %add3A_41 {strides = array<i32>} : memref<512x768xf32, #tpu.memory_space<vmem>>, vector<512x768xf32>,
    %get3A_45 = arith.constant 0 : index
    %get3A_46 = arith.constant 0 : index
    %get3A_47 = vector.load %arg7[%get3A_45, %get3A_46] : memref<768x8xf32, #tpu.memory_space<vmem>>, vector<768x8xf32>
    %dot_general3A_48 = arith.constant dense<0.000000e+00> : vector<512x8xf32>
    %dot_general3A_49 = tpu.matmul %add3A_41, %get3A_47, %dot_general3A_48 {dimension_numbers = #tpu.dot_dimension_numbers<[1], [0], [0], [1], [0, 0, 1, 1], [], []>, transpose_lhs_hint = false} : vector<512x768xf32>, vector<768x8xf32>, vector<512x8xf32> -> vector<512x8xf32>
    %get3A_50 = arith.constant 0 : index
    %get3A_51 = vector.load %arg8[%get3A_50] : memref<8xf32, #tpu.memory_space<vmem>>, vector<8xf32>
    %broadcast_in_dim3A_52 = vector.shape_cast %get3A_51 : vector<8xf32> to vector<1x8xf32>
    %add3A_53 = vector.broadcast %broadcast_in_dim3A_52 : vector<1x8xf32> to vector<512x8xf32>
    %add3A_54 = arith.addf %dot_general3A_49, %add3A_53 : vector<512x8xf32>
    %iota3A = tpu.iota {dimensions = array<i32: 1>} : vector<512x8xi32>
    %reduce_max3A = arith.constant dense<0xFF800000> : vector<512xf32>
    %reduce_max3A_55 = vector.multi_reduction <maximumf>, %add3A_54, %reduce_max3A [1] : vector<512x8xf32> to vector<512xf32>
    %broadcast_in_dim3A_56 = vector.shape_cast %reduce_max3A_55 : vector<512xf32> to vector<512x1xf32>
    %eq3A = vector.broadcast %broadcast_in_dim3A_56 : vector<512x1xf32> to vector<512x8xf32>
    %eq3A_57 = arith.cmpf oeq, %add3A_54, %eq3A : vector<512x8xf32>
    %jit3A = arith.constant 8 : i32
    %broadcast_in_dim3A_58 = vector.broadcast %jit3A : i32 to vector<512x8xi32>
    %select_n3A = arith.select %eq3A_57, %iota3A, %broadcast_in_dim3A_58 : vector<512x8xi1>, vector<512x8xi32>
    %reduce_min3A = arith.constant dense<2147483647> : vector<512xi32>
    %reduce_min3A_59 = vector.multi_reduction <minsi>, %select_n3A, %reduce_min3A [1] : vector<512x8xi32> to vector<512xi32>
    %broadcast_in_dim3A_60 = vector.shape_cast %reduce_min3A_59 : vector<512xi32> to vector<512x1xi32>
    %eq3A_61 = vector.broadcast %broadcast_in_dim3A_60 : vector<512x1xi32> to vector<512x8xi32>
    %eq3A_62 = arith.cmpi eq, %iota3A, %eq3A_61 : vector<512x8xi32>
    %jit3A_63 = arith.constant 0xFF800000 : f32
    %broadcast_in_dim3A_64 = vector.broadcast %jit3A_63 : f32 to vector<512x8xf32>
    %select_n3A_65 = arith.select %eq3A_62, %broadcast_in_dim3A_64, %add3A_54 : vector<512x8xi1>, vector<512x8xf32>
    %reduce_max3A_66 = arith.constant dense<0xFF800000> : vector<512xf32>
    %reduce_max3A_67 = vector.multi_reduction <maximumf>, %select_n3A_65, %reduce_max3A_66 [1] : vector<512x8xf32> to vector<512xf32>
    %broadcast_in_dim3A_68 = vector.shape_cast %reduce_max3A_67 : vector<512xf32> to vector<512x1xf32>
    %eq3A_69 = vector.broadcast %broadcast_in_dim3A_68 : vector<512x1xf32> to vector<512x8xf32>
    %eq3A_70 = arith.cmpf oeq, %select_n3A_65, %eq3A_69 : vector<512x8xf32>
    %jit3A_71 = arith.constant 8 : i32
    %broadcast_in_dim3A_72 = vector.broadcast %jit3A_71 : i32 to vector<512x8xi32>
    %select_n3A_73 = arith.select %eq3A_70, %iota3A, %broadcast_in_dim3A_72 : vector<512x8xi1>, vector<512x8xi32>
    %reduce_min3A_74 = arith.constant dense<2147483647> : vector<512xi32>
    %reduce_min3A_75 = vector.multi_reduction <minsi>, %select_n3A_73, %reduce_min3A_74 [1] : vector<512x8xi32> to vector<512xi32>
    %broadcast_in_dim3A_76 = vector.shape_cast %reduce_min3A_75 : vector<512xi32> to vector<512x1xi32>
    %sub3A_77 = arith.subf %broadcast_in_dim3A_68, %broadcast_in_dim3A_56 : vector<512x1xf32>
    %exp3A = math.exp %sub3A_77 : vector<512x1xf32>
    %add3A_78 = arith.constant 1.000000e+00 : f32
    %add3A_79 = vector.broadcast %add3A_78 : f32 to vector<512x1xf32>
    %add3A_80 = arith.addf %add3A_79, %exp3A : vector<512x1xf32>
    %div3A_81 = arith.constant 1.000000e+00 : f32
    %div3A_82 = vector.broadcast %div3A_81 : f32 to vector<512x1xf32>
    %div3A_83 = arith.divf %div3A_82, %add3A_80 : vector<512x1xf32>
    %add3A_84 = arith.constant 1.000000e+00 : f32
    %add3A_85 = vector.broadcast %add3A_84 : f32 to vector<512x1xf32>
    %add3A_86 = arith.addf %add3A_85, %exp3A : vector<512x1xf32>
    %div3A_87 = arith.divf %exp3A, %add3A_86 : vector<512x1xf32>
    %concatenate3A = tpu.concatenate %broadcast_in_dim3A_60, %broadcast_in_dim3A_76 in 1 : vector<512x1xi32>, vector<512x1xi32> -> vector<512x2xi32>
    %swap3A_88 = arith.constant 0 : index
    %swap3A_89 = arith.constant 0 : index
    %swap3A_90 = vector.load %arg11[%swap3A_88, %swap3A_89] : memref<512x2xi32, #tpu.memory_space<vmem>>, vector<512x2xi32>
    tpu.vector_store %arg11[%swap3A_88, %swap3A_89], %concatenate3A {strides = array<i32>} : memref<512x2xi32, #tpu.memory_space<vmem>>, vector<512x2xi32>,
    %concatenate3A_91 = tpu.concatenate %div3A_83, %div3A_87 in 1 : vector<512x1xf32>, vector<512x1xf32> -> vector<512x2xf32>
    %swap3A_92 = arith.constant 0 : index
    %swap3A_93 = arith.constant 0 : index
    %swap3A_94 = vector.load %arg12[%swap3A_92, %swap3A_93] : memref<512x2xf32, #tpu.memory_space<vmem>>, vector<512x2xf32>
    tpu.vector_store %arg12[%swap3A_92, %swap3A_93], %concatenate3A_91 {strides = array<i32>} : memref<512x2xf32, #tpu.memory_space<vmem>>, vector<512x2xf32>,
    return
  }
  func.func @transform_0(%arg0: i32) -> (i32, i32) {
    %c0_i32 = arith.constant 0 : i32
    %c0_i32_0 = arith.constant 0 : i32
    return %arg0, %c0_i32 : i32, i32
  }
  func.func @transform_1(%arg0: i32) -> (i32, i32) {
    %c0_i32 = arith.constant 0 : i32
    %c0_i32_0 = arith.constant 0 : i32
    return %arg0, %c0_i32 : i32, i32
  }
  func.func @transform_2(%arg0: i32) -> (i32, i32) {
    %c0_i32 = arith.constant 0 : i32
    %c0_i32_0 = arith.constant 0 : i32
    %c0_i32_1 = arith.constant 0 : i32
    return %c0_i32, %c0_i32_0 : i32, i32
  }
  func.func @transform_3(%arg0: i32) -> i32 {
    %c0_i32 = arith.constant 0 : i32
    %c0_i32_0 = arith.constant 0 : i32
    return %c0_i32 : i32
  }
  func.func @transform_4(%arg0: i32) -> i32 {
    %c0_i32 = arith.constant 0 : i32
    %c0_i32_0 = arith.constant 0 : i32
    return %c0_i32 : i32
  }
  func.func @transform_5(%arg0: i32) -> i32 {
    %c0_i32 = arith.constant 0 : i32
    %c0_i32_0 = arith.constant 0 : i32
    return %c0_i32 : i32
  }
  func.func @transform_6(%arg0: i32) -> (i32, i32) {
    %c0_i32 = arith.constant 0 : i32
    %c0_i32_0 = arith.constant 0 : i32
    %c0_i32_1 = arith.constant 0 : i32
    return %c0_i32, %c0_i32_0 : i32, i32
  }
  func.func @transform_7(%arg0: i32) -> i32 {
    %c0_i32 = arith.constant 0 : i32
    %c0_i32_0 = arith.constant 0 : i32
    return %c0_i32 : i32
  }
  func.func @transform_8(%arg0: i32) -> (i32, i32) {
    %c0_i32 = arith.constant 0 : i32
    %c0_i32_0 = arith.constant 0 : i32
    return %arg0, %c0_i32 : i32, i32
  }
  func.func @transform_9(%arg0: i32) -> (i32, i32) {
    %c0_i32 = arith.constant 0 : i32
    %c0_i32_0 = arith.constant 0 : i32
    return %arg0, %c0_i32 : i32, i32
  }
  func.func @transform_10(%arg0: i32) -> (i32, i32) {
    %c0_i32 = arith.constant 0 : i32
    %c0_i32_0 = arith.constant 0 : i32
    return %arg0, %c0_i32 : i32, i32
  }
  func.func @transform_11(%arg0: i32) -> (i32, i32) {
    %c0_i32 = arith.constant 0 : i32
    %c0_i32_0 = arith.constant 0 : i32
    return %arg0, %c0_i32 : i32, i32
  }
}

module attributes {stable_mosaic.version = 14 : i64} {
  func.func @_ffn_body(%arg0: i32, %arg1: memref<48xi32, #tpu.memory_space<smem>>, %arg2: memref<128x768xf32, #tpu.memory_space<vmem>>, %arg3: memref<1x768x3072xbf16, #tpu.memory_space<vmem>>, %arg4: memref<1x1x3072xf32, #tpu.memory_space<vmem>>, %arg5: memref<1x3072x768xbf16, #tpu.memory_space<vmem>>, %arg6: memref<1x1x768xf32, #tpu.memory_space<vmem>>, %arg7: memref<128x1xf32, #tpu.memory_space<vmem>>, %arg8: memref<128x768xf32, #tpu.memory_space<vmem>>) attributes {dimension_semantics = [#tpu.dimension_semantics<arbitrary>], iteration_bounds = array<i64: 40>, scalar_prefetch = 1 : i64, scratch_operands = 0 : i64, tpu.core_type = #tpu.core_type<tc>, window_params = [{transform_indices = @transform_0, window_bounds = array<i64: 128, 768>}, {transform_indices = @transform_1, window_bounds = array<i64: 1, 768, 3072>}, {transform_indices = @transform_2, window_bounds = array<i64: 1, 1, 3072>}, {transform_indices = @transform_3, window_bounds = array<i64: 1, 3072, 768>}, {transform_indices = @transform_4, window_bounds = array<i64: 1, 1, 768>}, {transform_indices = @transform_5, window_bounds = array<i64: 128, 1>}, {transform_indices = @transform_6, window_bounds = array<i64: 128, 768>}]} {
    %get3A = arith.constant 0 : index
    %get3A_0 = arith.constant 0 : index
    %get3A_1 = vector.load %arg2[%get3A, %get3A_0] : memref<128x768xf32, #tpu.memory_space<vmem>>, vector<128x768xf32>
    %convert_element_type3A = arith.truncf %get3A_1 : vector<128x768xf32> to vector<128x768xbf16>
    %get3A_2 = arith.constant 0 : index
    %get3A_3 = arith.constant 0 : index
    %get3A_4 = arith.constant 0 : index
    %get3A_5 = vector.load %arg3[%get3A_2, %get3A_3, %get3A_4] : memref<1x768x3072xbf16, #tpu.memory_space<vmem>>, vector<1x768x3072xbf16>
    %get3A_6 = vector.shape_cast %get3A_5 : vector<1x768x3072xbf16> to vector<768x3072xbf16>
    %dot_general3A = arith.constant dense<0.000000e+00> : vector<128x3072xf32>
    %dot_general3A_7 = tpu.matmul %convert_element_type3A, %get3A_6, %dot_general3A {dimension_numbers = #tpu.dot_dimension_numbers<[1], [0], [0], [1], [0, 0, 1, 1], [], []>, transpose_lhs_hint = false} : vector<128x768xbf16>, vector<768x3072xbf16>, vector<128x3072xf32> -> vector<128x3072xf32>
    %get3A_8 = arith.constant 0 : index
    %get3A_9 = arith.constant 0 : index
    %get3A_10 = arith.constant 0 : index
    %get3A_11 = vector.load %arg4[%get3A_8, %get3A_9, %get3A_10] : memref<1x1x3072xf32, #tpu.memory_space<vmem>>, vector<1x1x3072xf32>
    %get3A_12 = vector.shape_cast %get3A_11 : vector<1x1x3072xf32> to vector<1x3072xf32>
    %add3A = vector.broadcast %get3A_12 : vector<1x3072xf32> to vector<128x3072xf32>
    %add3A_13 = arith.addf %dot_general3A_7, %add3A : vector<128x3072xf32>
    %mul3A = arith.constant 5.000000e-01 : f32
    %mul3A_14 = vector.broadcast %mul3A : f32 to vector<128x3072xf32>
    %mul3A_15 = arith.mulf %mul3A_14, %add3A_13 : vector<128x3072xf32>
    %mul3A_16 = arith.constant 0.707106769 : f32
    %mul3A_17 = vector.broadcast %mul3A_16 : f32 to vector<128x3072xf32>
    %mul3A_18 = arith.mulf %add3A_13, %mul3A_17 : vector<128x3072xf32>
    %erf3A = math.erf %mul3A_18 : vector<128x3072xf32>
    %add3A_19 = arith.constant 1.000000e+00 : f32
    %add3A_20 = vector.broadcast %add3A_19 : f32 to vector<128x3072xf32>
    %add3A_21 = arith.addf %add3A_20, %erf3A : vector<128x3072xf32>
    %mul3A_22 = arith.mulf %mul3A_15, %add3A_21 : vector<128x3072xf32>
    %convert_element_type3A_23 = arith.truncf %mul3A_22 : vector<128x3072xf32> to vector<128x3072xbf16>
    %get3A_24 = arith.constant 0 : index
    %get3A_25 = arith.constant 0 : index
    %get3A_26 = arith.constant 0 : index
    %get3A_27 = vector.load %arg5[%get3A_24, %get3A_25, %get3A_26] : memref<1x3072x768xbf16, #tpu.memory_space<vmem>>, vector<1x3072x768xbf16>
    %get3A_28 = vector.shape_cast %get3A_27 : vector<1x3072x768xbf16> to vector<3072x768xbf16>
    %dot_general3A_29 = arith.constant dense<0.000000e+00> : vector<128x768xf32>
    %dot_general3A_30 = tpu.matmul %convert_element_type3A_23, %get3A_28, %dot_general3A_29 {dimension_numbers = #tpu.dot_dimension_numbers<[1], [0], [0], [1], [0, 0, 1, 1], [], []>, transpose_lhs_hint = false} : vector<128x3072xbf16>, vector<3072x768xbf16>, vector<128x768xf32> -> vector<128x768xf32>
    %get3A_31 = arith.constant 0 : index
    %get3A_32 = arith.constant 0 : index
    %get3A_33 = arith.constant 0 : index
    %get3A_34 = vector.load %arg6[%get3A_31, %get3A_32, %get3A_33] : memref<1x1x768xf32, #tpu.memory_space<vmem>>, vector<1x1x768xf32>
    %get3A_35 = vector.shape_cast %get3A_34 : vector<1x1x768xf32> to vector<1x768xf32>
    %add3A_36 = vector.broadcast %get3A_35 : vector<1x768xf32> to vector<128x768xf32>
    %add3A_37 = arith.addf %dot_general3A_30, %add3A_36 : vector<128x768xf32>
    %get3A_38 = arith.constant 0 : index
    %get3A_39 = arith.constant 0 : index
    %get3A_40 = vector.load %arg7[%get3A_38, %get3A_39] : memref<128x1xf32, #tpu.memory_space<vmem>>, vector<128x1xf32>
    %mul3A_41 = vector.broadcast %get3A_40 : vector<128x1xf32> to vector<128x768xf32>
    %mul3A_42 = arith.mulf %add3A_37, %mul3A_41 : vector<128x768xf32>
    %swap3A = arith.constant 0 : index
    %swap3A_43 = arith.constant 0 : index
    %swap3A_44 = vector.load %arg8[%swap3A, %swap3A_43] : memref<128x768xf32, #tpu.memory_space<vmem>>, vector<128x768xf32>
    tpu.vector_store %arg8[%swap3A, %swap3A_43], %mul3A_42 {strides = array<i32>} : memref<128x768xf32, #tpu.memory_space<vmem>>, vector<128x768xf32>,
    return
  }
  func.func @transform_0(%arg0: i32, %arg1: memref<48xi32, #tpu.memory_space<smem>>) -> (i32, i32) {
    %c0_i32 = arith.constant 0 : i32
    %c0_i32_0 = arith.constant 0 : i32
    return %arg0, %c0_i32 : i32, i32
  }
  func.func @transform_1(%arg0: i32, %arg1: memref<48xi32, #tpu.memory_space<smem>>) -> (i32, i32, i32) {
    %get3A = arith.index_cast %arg0 : i32 to index
    %get3A_0 = memref.load %arg1[%get3A] : memref<48xi32, #tpu.memory_space<smem>>
    %c0_i32 = arith.constant 0 : i32
    %c0_i32_1 = arith.constant 0 : i32
    %c0_i32_2 = arith.constant 0 : i32
    return %get3A_0, %c0_i32, %c0_i32_1 : i32, i32, i32
  }
  func.func @transform_2(%arg0: i32, %arg1: memref<48xi32, #tpu.memory_space<smem>>) -> (i32, i32, i32) {
    %get3A = arith.index_cast %arg0 : i32 to index
    %get3A_0 = memref.load %arg1[%get3A] : memref<48xi32, #tpu.memory_space<smem>>
    %c0_i32 = arith.constant 0 : i32
    %c0_i32_1 = arith.constant 0 : i32
    %c0_i32_2 = arith.constant 0 : i32
    return %get3A_0, %c0_i32, %c0_i32_1 : i32, i32, i32
  }
  func.func @transform_3(%arg0: i32, %arg1: memref<48xi32, #tpu.memory_space<smem>>) -> (i32, i32, i32) {
    %get3A = arith.index_cast %arg0 : i32 to index
    %get3A_0 = memref.load %arg1[%get3A] : memref<48xi32, #tpu.memory_space<smem>>
    %c0_i32 = arith.constant 0 : i32
    %c0_i32_1 = arith.constant 0 : i32
    %c0_i32_2 = arith.constant 0 : i32
    return %get3A_0, %c0_i32, %c0_i32_1 : i32, i32, i32
  }
  func.func @transform_4(%arg0: i32, %arg1: memref<48xi32, #tpu.memory_space<smem>>) -> (i32, i32, i32) {
    %get3A = arith.index_cast %arg0 : i32 to index
    %get3A_0 = memref.load %arg1[%get3A] : memref<48xi32, #tpu.memory_space<smem>>
    %c0_i32 = arith.constant 0 : i32
    %c0_i32_1 = arith.constant 0 : i32
    %c0_i32_2 = arith.constant 0 : i32
    return %get3A_0, %c0_i32, %c0_i32_1 : i32, i32, i32
  }
  func.func @transform_5(%arg0: i32, %arg1: memref<48xi32, #tpu.memory_space<smem>>) -> (i32, i32) {
    %c0_i32 = arith.constant 0 : i32
    %c0_i32_0 = arith.constant 0 : i32
    return %arg0, %c0_i32 : i32, i32
  }
  func.func @transform_6(%arg0: i32, %arg1: memref<48xi32, #tpu.memory_space<smem>>) -> (i32, i32) {
    %c0_i32 = arith.constant 0 : i32
    %c0_i32_0 = arith.constant 0 : i32
    return %arg0, %c0_i32 : i32, i32
  }
}

</mosaic_0001>

<sc_bundles>
// kernel: kernel.12.cloned.1.call-start
scs
__scs_entry_jumppad:
0x0: {  	(pc) =	sbr.rel $0x88, $3  }
0x1: {  	(tag) =	ssettag $0x0;
	lr =	simm.s32 $0x1  }
0x2: {  	[smem:$0x3F92] =	sst lr;
	_ =	strace $0xD0000000  }
0x3: {  	_ = 	snop  }
0x4: {  	_ = 	snop  }
0x5: {  	_ = 	snop  }
0x6: {  	_ = 	snop  }
0x7: {  	_ = 	snop  }
__scs_overlays_trampoline_lowered:
0x8: {  	[smem:$0x3FA1] =	sst s0  }
0x9: {  	[smem:$0x3FA2] =	sst s1  }
0xa: {  	[smem:$0x3FA3] =	sst s2  }
0xb: {  	[smem:$0x3FA4] =	sst s3  }
0xc: {  	[smem:$0x3FA5] =	sst s4  }
0xd: {  	[smem:$0x3FA6] =	sst s5  }
0xe: {  	[smem:$0x3FA7] =	sst s6  }
0xf: {  	[smem:$0x3FA8] =	sst s7  }
0x10: {  	[smem:$0x3FA9] =	sst s8  }
0x11: {  	[smem:$0x3FAA] =	sst s9;
	s0 =	simm.s32 @!p0 $0x0  }
0x12: {  	s1 =	sld [smem:$0x3F90];
	s0 =	simm.s32 @p0 $0x1  }
0x13: {  	[smem:$0x3FAB] =	sst s0;
	s0 =	simm.s32 @!p1 $0x0  }
0x14: {  	s2 =	sld [smem:$0x3F8F];
	s0 =	simm.s32 @p1 $0x1  }
0x15: {  	[smem:$0x3FAC] =	sst s0;
	s0 =	simm.s32 @!p2 $0x0  }
0x16: {  	s3 =	sld [smem:$0x3FDB];
	s0 =	simm.s32 @p2 $0x1  }
0x17: {  	s4 =	simm.s32 $0x1BF5;
	[smem:$0x3FAE] =	sst s0  }
0x18: {  	s0 =	sld [smem:$0x3F91];
	_ =	swait.ge [sflag:s4], $0x0  }
0x19: {  	s7 =	sld [smem:$0x3F92]  }
0x1a: {  	s8 =	sadd.s32 $0xFFFFE003, lr  }
0x1b: {  	s9 =	sadd.s32 $0xFFFFFEF7, lr;
	s5 =	simm.s32 $0xFFFFFFFF;
	p2 =	slt.u32 s8, $0xFFFFF086  }
0x1c: {  	p1 =	slt.u32 s9, $0xF7A;
	s5 =	simm.s32 @!p2 $0x0  }
0x1d: {  	s5 =	simm.s32 @p1 $0x1;
	p0 =	seq.s32 s7, s2  }
0x1e: {  	s7 =	smul.u32 @!p0 $0xF7A, s2;
	p2 =	seq.s32 @!p0 s5, $0x0  }
0x1f: {  	s9 =	smul.u32 $0xF7A, s1;
	s8 =	simm.s32 @!p0 $0x1BF5;
	p2 =	por !p2, p0  }
0x20: {  	[sflag:s8] =	ssyncset.s32 @!p0 $0xFFFFF086;
	s6 =	sadd.s32 @!p0 s3, s7;
	s7 =	simm.s32 @!p0 $0x108  }
0x21: {  	s3 =	sadd.s32 s3, s9;
	s6 =	sadd.s32 @!p0 $0x88, s6;
	s7 =	simm.s32 @p2 $0x1082  }
0x22: {  	[simem:s7], [sflag:s8] =	dma.local @!p0 [hbm:s6], $0xF7A  }
0x23: {  	s9 =	sor.u32 $0xD0000000, s2;
	s6 =	simm.s32 $0x108;
	_ =	swait.ge @!p0 [sflag:s8], $0x0  }
0x24: {  	s3 =	sadd.s32 $0x88, s3;
	s6 =	simm.s32 @!p1 $0x1082;
	[sflag:s4] =	ssyncset.s32 $0xFFFFF086  }
0x25: {  	[simem:s6], [sflag:s4] =	dma.local [hbm:s3], $0xF7A  }
0x26: {  	[smem:$0x3F92] =	sst s1;
	(tag) =	ssettag s2;
	_ =	strace s9  }
0x27: {  	s1 =	sld [smem:$0x3FA2]  }
0x28: {  	s2 =	sld [smem:$0x3FA3]  }
0x29: {  	s4 =	sld [smem:$0x3FA5]  }
0x2a: {  	p0 =	seq.s32 s5, $0x0;
	s5 =	sld [smem:$0x3FA6]  }
0x2b: {  	s6 =	sld [smem:$0x3FA7]  }
0x2c: {  	s7 =	sld [smem:$0x3FA8]  }
0x2d: {  	s3 =	simm.s32 $0x108;
	s8 =	sld [smem:$0x3FA9]  }
0x2e: {  	s3 =	simm.s32 @!p0 $0x1082;
	s9 =	sld [smem:$0x3FAA]  }
0x2f: {  	lr =	sadd.s32 s0, s3;
	s0 =	sld [smem:$0x3FA1]  }
0x30: {  	s3 =	sld [smem:$0x3FA4]  }
0x31: {  	[smem:$0x3FAD] =	sst s10  }
0x32: {  	s10 =	sld [smem:$0x3FAB];
	_ =	sdelay $0x3  }
0x33: {  	p0 =	seq.s32 s10, $0x1;
	s10 =	sld [smem:$0x3FAD];
	_ =	sdelay $0x3  }
0x34: {  	[smem:$0x3FAD] =	sst s10  }
0x35: {  	s10 =	sld [smem:$0x3FAC];
	_ =	sdelay $0x3  }
0x36: {  	p1 =	seq.s32 s10, $0x1;
	s10 =	sld [smem:$0x3FAD];
	_ =	sdelay $0x3  }
0x37: {  	[smem:$0x3FAD] =	sst s10  }
0x38: {  	s10 =	sld [smem:$0x3FAE]  }
0x39: {  	_ = 	snop;
	(pc) =	sbr.ind lr, $3  }
0x3a: {  	_ = 	snop  }
0x3b: {  	_ = 	snop  }
0x3c: {  	p2 =	seq.s32 s10, $0x1;
	s10 =	sld [smem:$0x3FAD]  }
0x3d: {  	_ =	shalt  }
0x3e: {  	_ =	shalt  }
0x3f: {  	_ =	shalt  }
0x40: {  	_ =	shalt  }
0x41: {  	_ =	shalt  }
0x42: {  	_ =	shalt  }
0x43: {  	_ =	shalt  }
0x44: {  	_ =	shalt  }
0x45: {  	_ =	shalt  }
0x46: {  	_ =	shalt  }
0x47: {  	_ =	shalt  }
0x48: {  	_ =	shalt  }
0x49: {  	_ =	shalt  }
0x4a: {  	_ =	shalt  }
0x4b: {  	_ =	shalt  }
0x4c: {  	_ =	shalt  }
0x4d: {  	_ =	shalt  }
0x4e: {  	_ =	shalt  }
0x4f: {  	_ =	shalt  }
0x50: {  	_ =	shalt  }
0x51: {  	_ =	shalt  }
0x52: {  	_ =	shalt  }
0x53: {  	_ =	shalt  }
0x54: {  	_ =	shalt  }
0x55: {  	_ =	shalt  }
0x56: {  	_ =	shalt  }
0x57: {  	_ =	shalt  }
0x58: {  	_ =	shalt  }
0x59: {  	_ =	shalt  }
0x5a: {  	_ =	shalt  }
0x5b: {  	_ =	shalt  }
0x5c: {  	_ =	shalt  }
0x5d: {  	_ =	shalt  }
0x5e: {  	_ =	shalt  }
0x5f: {  	_ =	shalt  }
0x60: {  	_ =	shalt  }
0x61: {  	_ =	shalt  }
0x62: {  	_ =	shalt  }
0x63: {  	_ =	shalt  }
0x64: {  	_ =	shalt  }
0x65: {  	_ =	shalt  }
0x66: {  	_ =	shalt  }
0x67: {  	_ =	shalt  }
0x68: {  	_ =	shalt  }
0x69: {  	_ =	shalt  }
0x6a: {  	_ =	shalt  }
0x6b: {  	_ =	shalt  }
0x6c: {  	_ =	shalt  }
0x6d: {  	_ =	shalt  }
0x6e: {  	_ =	shalt  }
0x6f: {  	_ =	shalt  }
0x70: {  	_ =	shalt  }
0x71: {  	_ =	shalt  }
0x72: {  	_ =	shalt  }
0x73: {  	_ =	shalt  }
0x74: {  	_ =	shalt  }
0x75: {  	_ =	shalt  }
0x76: {  	_ =	shalt  }
0x77: {  	_ =	shalt  }
0x78: {  	_ =	shalt  }
0x79: {  	_ =	shalt  }
0x7a: {  	_ =	shalt  }
0x7b: {  	_ =	shalt  }
0x7c: {  	_ =	shalt  }
0x7d: {  	_ =	shalt  }
0x7e: {  	_ =	shalt  }
0x7f: {  	_ =	shalt  }
0x80: {  	_ =	shalt  }
0x81: {  	_ =	shalt  }
0x82: {  	_ =	shalt  }
0x83: {  	_ =	shalt  }
0x84: {  	_ =	shalt  }
0x85: {  	_ =	shalt  }
0x86: {  	_ =	shalt  }
0x87: {  	_ =	shalt  }
.Lfunc_end0:
.L_simem_size_0:
called_computation.1_lowered:
.L_overlay_start_0:
0x88: {  	s2 =	sld [smem:$0x3FD9]  }
0x89: {  	s3 =	sld [smem:$0x3FFE];
	_ =	sdelay $0x1  }
0x8a: {  	s1 =	srdreg.scid  }
0x8b: {  	s0 =	sand.u32 $0x1, s1  }
0x8c: {  	s17 =	sshll.u32 s0, $0xA;
	s2 =	sadd.s32 s3, s2  }
0x8d: {  	s2 =	sadd.s32 s2, s17  }
0x8e: {  	[smem:$0x3FB9] =	sst s2  }
0x8f: {  	_ = 	snop  }
0x90: {  	s2 =	sld [smem:$0x3FD0];
	(tm) =	ssettm $0x1  }
0x91: {  	s18 =	sld [smem:$0x3FFB];
	_ =	sdelay $0x3  }
0x92: {  	_ =	strace s18  }
0x93: {  	s3 =	sld [smem:$0x3FFC];
	_ =	sdelay $0x3  }
0x94: {  	_ =	strace s3  }
0x95: {  	s3 =	sld [smem:$0x3FFD];
	_ =	sdelay $0x3  }
0x96: {  	_ =	strace s3  }
0x97: {  	_ =	strace $0x8FFFFFFF  }
0x98: {  	s19 =	sld [smem:$0x3FDB];
	_ =	sdelay $0x1  }
0x99: {  	s4 =	simm.s32 $_scs_section_size  }
0x9a: {  	s5 =	simm.s32 $_size__tile_overlayer_lowered;
	s6 =	simm.s32 $_tile_overlayer_lowered  }
0x9b: {  	s22 =	simm.s32 $0x1BFF;
	s21 =	sshll.u32 s6, $0x1;
	s3 =	sadd.s32 s4, s19  }
0x9c: {  	s7 =	simm.s32 $0x0;
	s20 =	sshll.u32 s5, $0x1;
	s5 =	sadd.s32 s21, s3  }
0x9d: {  	[timem:s7], [sflag:s22] =	dma.local [hbm:s5], s20  }
0x9e: {  	_ =	swait.ge [sflag:s22], s20  }
0x9f: {  	s4 =	ssub.s32 $0x0, s20;
	[sflag:s22] =	ssyncset.done $0x0  }
0xa0: {  	[sflag:s22] =	ssyncadd.s32 s4;
	_ =	sdelay $0x1  }
0xa1: {  	s23 =	simm.s32 $0x1B8B  }
0xa2: {  	_ =	swait.ge [sflag:s23], $0x1  }
0xa3: {  	[sflag:s23] =	ssyncset.done $0x0  }
0xa4: {  	s25 =	simm.s32 $0x1B8E;
	s24 =	sld [smem:$0x3FFE];
	[sflag:s23] =	ssyncadd.s32 $0xFFFFFFFF  }
0xa5: {  	s26 =	simm.s32 $execute0_lowered;
	[smem:$0x3FD2] =	sst s25  }
0xa6: {  	s5 =	sshll.u32 s26, $0x1;
	_ =	strace $0x80000049;
	[dreg:$0x1] =	wrdreg $0xFFFFFFFF  }
0xa7: {  	s28 =	simm.s32 $_size_execute0_lowered;
	s3 =	sadd.s32 s3, s5;
	[dreg:$0x0] =	wrdreg $0x0  }
0xa8: {  	s5 =	sshll.u32 s28, $0x1;
	[dreg:$0x2] =	wrdreg s3  }
0xa9: {  	[dreg:$0x3] =	wrdreg s5  }
0xaa: {  	[dreg:$0x4] =	wrdreg $0xC0  }
0xab: {  	_ =	task [dreg:s7], $0x5FFFF  }
0xac: {  	[dreg:$0x1] =	wrdreg $0xFFFFFFFF  }
0xad: {  	[dreg:$0x0] =	wrdreg $0x60  }
0xae: {  	[dreg:$0x2] =	wrdreg s2  }
0xaf: {  	[dreg:$0x3] =	wrdreg s24  }
0xb0: {  	[dreg:$0x4] =	wrdreg $0x9  }
0xb1: {  	_ =	task.clear_ibuf [dreg:s7], $0x5FFFF;
	_ =	strace $0x90000049  }
0xb2: {  	s29 =	simm.s32 $0x9;
	_ =	strace $0x8000004B  }
0xb3: {  	_ =	swait.ge [sflag:s29], $0x1  }
0xb4: {  	[sflag:s29] =	ssyncadd.s32 $0xFFFFFFFF  }
0xb5: {  	_ =	strace $0x9000004B  }
0xb6: {  	_ =	sfence  }
0xb7: {  	s30 =	sld [smem:$0x0];
	_ =	sdelay $0x2  }
0xb8: {  	s31 =	sshll.u32 s1, $0xD;
	s1 =	sshrl.u32 s1, $0x2  }
0xb9: {  	s3 =	sand.u32 $0x4000, s31;
	s1 =	sadd.s32 s1, s30  }
0xba: {  	s0 =	sor.u32 s3, s0;
	s1 =	sshll.u32 s1, $0x11  }
0xbb: {  	s0 =	sor.u32 s1, s0  }
0xbc: {  	s0 =	sadd.s32 $0x8F2B, s0  }
0xbd: {  	[sflag:s0] =	ssyncadd.remote.s32 $0x1  }
0xbe: {  	_ =	sfence.sel $0xFFFF  }
0xbf: {  	[dreg:$0x0] =	wrdreg $0xFFFFFFFF;
	(pc) =	sbr.abs _section_cstart, $3  }
0xc0: {  	[dreg:$0x1] =	wrdreg $0xFFFFFFFF  }
0xc1: {  	_ =	task.clear_ibuf [dreg:s7], $0x2FFFF;
	_ =	strace $0x9FFFFFFF  }
0xc2: {  	(tm) =	ssettm $0x7FFFFFFF  }
0xc3: {  	_ =	shalt  }
tec
execute0_lowered:
.L_overlay_start_1:
0x0: {  	(tag) =	ssettag $0x1  }
0x1: {  	s0 =	srdreg.scid;
	s2 =	rddreg [dreg:$0x0]  }
0x2: {  	s1 =	stileid.u32;
	s4 =	rddreg [dreg:$0x1]  }
0x3: {  	s3 =	simm.s32 $0x0;
	s7 =	simm.s32 $0x2;
	s14 =	simm.s32 $0x1  }
0x4: {  	s16 =	simm.s32 $0x880;
	s17 =	simm.s32 $0x1080;
	s18 =	simm.s32 $0x1880  }
0x5: {  	s19 =	simm.s32 $0x2080;
	s20 =	simm.s32 $0x2880;
	s21 =	simm.s32 $0x3080  }
0x6: {  	s22 =	simm.s32 $0x3880;
	s23 =	simm.s32 $0x4080;
	s28 =	simm.s32 $0x6080  }
0x7: {  	s29 =	simm.s32 $0x6880;
	s0 =	sand.u32 $0x1, s0;
	s1 =	sshll.u32 s1, $0x1  }
0x8: {  	s30 =	simm.s32 $0x7080;
	s31 =	simm.s32 $0x7880;
	s1 =	sor.u32 s0, s1  }
0x9: {  	s9 =	simm.s32 $0x9080;
	s10 =	simm.s32 $0x9880;
	s1 =	smul.u32 $0xA0, s1  }
0xa: {  	s11 =	simm.s32 $0xA080;
	s12 =	simm.s32 $0xA880;
	s13 =	simm.s32 $0xB080  }
0xb: {  	[smem:$0x7FF] =	sst s3;
	s0 =	ssub.s32 $0x2, s0;
	s1 =	sshrl.u32 s1, $0x3  }
0xc: {  	s6 =	sshrl.u32 s0, $0x1;
	s5 =	smul.u32 $0x300, s1;
	s1 =	sadd.s32 s1, s4  }
0xd: {  	_ =	strace $0x8000004A;
	s0 =	ssub.s32 s0, s6;
	s24 =	sadd.s32 $0x34200, s1  }
0xe: {  	s6 =	smax.u32 s0, $0x1;
	s1 =	sadd.s32 $0x3420A, s1;
	[dreg:$0x3] =	wrdreg s24  }
0xf: {  	s0 =	simm.s32 $0x80;
	s4 =	sadd.s32 s5, s4;
	[dreg:$0x5] =	wrdreg s1  }
0x10: {  	v2 =	vlaneseq.u32;
	s5 =	sadd.s32 $0x200, s2;
	s24 =	simm.s32 $0x4880;
	s25 =	sadd.s32 $0x34C00, s4  }
0x11: {  	vm0 =	vmmov $0xffff;
	v1 =	vshrl.u32 v2, $0x3;
	s26 =	sadd.s32 $0x36A00, s4;
	s4 =	sadd.s32 $0x100, s2;
	[dreg:$0x4] =	wrdreg s25  }
0x12: {  	v0 =	vand.u32 $0x7, v2;
	v2 =	vor.u32 $0x8, v2;
	v1 =	vmul.u32 $0x8, v1;
	[dreg:$0x6] =	wrdreg s26;
	s25 =	simm.s32 $0x5080;
	s26 =	simm.s32 $0x5880  }
.LBB2_1:
0x13: {  	s15 =	rddreg [dreg:$0x3]  }
0x14: {  	[tilespmem:s3], [sflag:$0x2] =	stream.linear.gather [hbm4b:s15+s3], $0x50, $0x38;
	[tilespmem:$0xF080] =	vst v63  }
0x15: {  	_ =	swait.ge [sflag:s7], $0x50  }
0x16: {  	[sflag:s7] =	ssyncset.done $0x0  }
0x17: {  	[sflag:s7] =	ssyncadd.s32 $0xFFFFFFB0  }
0x18: {  	v3 =	vld [tilespmem:$0x0];
	_ =	sdelay $0x4  }
0x19: {  	v4 =	vshrl.u32 v3, $0x3  }
0x1a: {  	v4 =	vmul.u32 $0x30, v4  }
0x1b: {  	v3 =	vand.u32 $0x7, v3  }
0x1c: {  	v3 =	vor.u32 v3, v4  }
0x1d: {  	v4 =	vperm.xlane v3, v0;
	_ =	sdelay $0x1  }
0x1e: {  	v4 =	vadd.s32 v1, v4;
	_ =	sdelay $0x3  }
0x1f: {  	v3 =	vperm.xlane v3, v2  }
0x20: {  	[tilespmem:s0], [sflag:$0x1] =	stream.indirect_vreg.gather [hbm4b:s2+s3], $0x80, v4, vm0, $0xb8;
	[tilespmem:$0xF080] =	vst v63  }
0x21: {  	v3 =	vadd.s32 v1, v3  }
0x22: {  	[tilespmem:s16], [sflag:$0x1] =	stream.indirect_vreg.gather [hbm4b:s4+s3], $0x80, v4, vm0, $0xb8;
	[tilespmem:$0xF080] =	vst v63  }
0x23: {  	_ = 	snop  }
0x24: {  	[tilespmem:s17], [sflag:$0x1] =	stream.indirect_vreg.gather [hbm4b:s5+s3], $0x80, v4, vm0, $0xb8;
	[tilespmem:$0xF080] =	vst v63  }
0x25: {  	_ = 	snop  }
0x26: {  	[tilespmem:s18], [sflag:$0x1] =	stream.indirect_vreg.gather [hbm4b:s2+s3], $0x80, v3, vm0, $0xb8;
	[tilespmem:$0xF080] =	vst v63  }
0x27: {  	_ = 	snop  }
0x28: {  	[tilespmem:s19], [sflag:$0x1] =	stream.indirect_vreg.gather [hbm4b:s4+s3], $0x80, v3, vm0, $0xb8;
	[tilespmem:$0xF080] =	vst v63  }
0x29: {  	_ = 	snop  }
0x2a: {  	[tilespmem:s20], [sflag:$0x1] =	stream.indirect_vreg.gather [hbm4b:s5+s3], $0x80, v3, vm0, $0xb8;
	[tilespmem:$0xF080] =	vst v63  }
0x2b: {  	v3 =	vld [tilespmem:$0x10];
	_ =	sdelay $0x4  }
0x2c: {  	v55 =	vshrl.u32 v3, $0x3  }
0x2d: {  	v4 =	vmul.u32 $0x30, v55  }
0x2e: {  	v3 =	vand.u32 $0x7, v3  }
0x2f: {  	v3 =	vor.u32 v3, v4  }
0x30: {  	v4 =	vperm.xlane v3, v0;
	_ =	sdelay $0x1  }
0x31: {  	v4 =	vadd.s32 v1, v4;
	_ =	sdelay $0x3  }
0x32: {  	v3 =	vperm.xlane v3, v2  }
0x33: {  	[tilespmem:s21], [sflag:$0x1] =	stream.indirect_vreg.gather [hbm4b:s2+s3], $0x80, v4, vm0, $0xb8;
	[tilespmem:$0xF080] =	vst v63  }
0x34: {  	v3 =	vadd.s32 v1, v3  }
0x35: {  	[tilespmem:s22], [sflag:$0x1] =	stream.indirect_vreg.gather [hbm4b:s4+s3], $0x80, v4, vm0, $0xb8;
	[tilespmem:$0xF080] =	vst v63  }
0x36: {  	_ = 	snop  }
0x37: {  	[tilespmem:s23], [sflag:$0x1] =	stream.indirect_vreg.gather [hbm4b:s5+s3], $0x80, v4, vm0, $0xb8;
	[tilespmem:$0xF080] =	vst v63  }
0x38: {  	_ = 	snop  }
0x39: {  	[tilespmem:s24], [sflag:$0x1] =	stream.indirect_vreg.gather [hbm4b:s2+s3], $0x80, v3, vm0, $0xb8;
	[tilespmem:$0xF080] =	vst v63  }
0x3a: {  	_ = 	snop  }
0x3b: {  	[tilespmem:s25], [sflag:$0x1] =	stream.indirect_vreg.gather [hbm4b:s4+s3], $0x80, v3, vm0, $0xb8;
	[tilespmem:$0xF080] =	vst v63  }
0x3c: {  	_ = 	snop  }
0x3d: {  	[tilespmem:s26], [sflag:$0x1] =	stream.indirect_vreg.gather [hbm4b:s5+s3], $0x80, v3, vm0, $0xb8;
	[tilespmem:$0xF080] =	vst v63  }
0x3e: {  	v3 =	vld [tilespmem:$0x20];
	_ =	sdelay $0x4  }
0x3f: {  	v56 =	vshrl.u32 v3, $0x3  }
0x40: {  	v4 =	vmul.u32 $0x30, v56  }
0x41: {  	v3 =	vand.u32 $0x7, v3  }
0x42: {  	v3 =	vor.u32 v3, v4  }
0x43: {  	v4 =	vperm.xlane v3, v0;
	_ =	sdelay $0x1  }
0x44: {  	v4 =	vadd.s32 v1, v4;
	_ =	sdelay $0x3  }
0x45: {  	v3 =	vperm.xlane v3, v2  }
0x46: {  	[tilespmem:s28], [sflag:$0x1] =	stream.indirect_vreg.gather [hbm4b:s2+s3], $0x80, v4, vm0, $0xb8;
	[tilespmem:$0xF080] =	vst v63  }
0x47: {  	v3 =	vadd.s32 v1, v3  }
0x48: {  	[tilespmem:s29], [sflag:$0x1] =	stream.indirect_vreg.gather [hbm4b:s4+s3], $0x80, v4, vm0, $0xb8;
	[tilespmem:$0xF080] =	vst v63  }
0x49: {  	_ = 	snop  }
0x4a: {  	[tilespmem:s30], [sflag:$0x1] =	stream.indirect_vreg.gather [hbm4b:s5+s3], $0x80, v4, vm0, $0xb8;
	[tilespmem:$0xF080] =	vst v63  }
0x4b: {  	_ = 	snop  }
0x4c: {  	[tilespmem:s31], [sflag:$0x1] =	stream.indirect_vreg.gather [hbm4b:s2+s3], $0x80, v3, vm0, $0xb8;
	[tilespmem:$0xF080] =	vst v63  }
0x4d: {  	s1 =	simm.s32 $0x8080  }
0x4e: {  	[tilespmem:s1], [sflag:$0x1] =	stream.indirect_vreg.gather [hbm4b:s4+s3], $0x80, v3, vm0, $0xb8;
	[tilespmem:$0xF080] =	vst v63  }
0x4f: {  	s8 =	simm.s32 $0x8880  }
0x50: {  	[tilespmem:s8], [sflag:$0x1] =	stream.indirect_vreg.gather [hbm4b:s5+s3], $0x80, v3, vm0, $0xb8;
	[tilespmem:$0xF080] =	vst v63  }
0x51: {  	v3 =	vld [tilespmem:$0x30];
	_ =	sdelay $0x4  }
0x52: {  	v57 =	vshrl.u32 v3, $0x3  }
0x53: {  	v4 =	vmul.u32 $0x30, v57  }
0x54: {  	v3 =	vand.u32 $0x7, v3  }
0x55: {  	v3 =	vor.u32 v3, v4  }
0x56: {  	v4 =	vperm.xlane v3, v0;
	_ =	sdelay $0x1  }
0x57: {  	v4 =	vadd.s32 v1, v4;
	_ =	sdelay $0x3  }
0x58: {  	v3 =	vperm.xlane v3, v2  }
0x59: {  	[tilespmem:s9], [sflag:$0x1] =	stream.indirect_vreg.gather [hbm4b:s2+s3], $0x80, v4, vm0, $0xb8;
	[tilespmem:$0xF080] =	vst v63  }
0x5a: {  	v3 =	vadd.s32 v1, v3  }
0x5b: {  	[tilespmem:s10], [sflag:$0x1] =	stream.indirect_vreg.gather [hbm4b:s4+s3], $0x80, v4, vm0, $0xb8;
	[tilespmem:$0xF080] =	vst v63  }
0x5c: {  	_ = 	snop  }
0x5d: {  	[tilespmem:s11], [sflag:$0x1] =	stream.indirect_vreg.gather [hbm4b:s5+s3], $0x80, v4, vm0, $0xb8;
	[tilespmem:$0xF080] =	vst v63  }
0x5e: {  	_ = 	snop  }
0x5f: {  	[tilespmem:s12], [sflag:$0x1] =	stream.indirect_vreg.gather [hbm4b:s2+s3], $0x80, v3, vm0, $0xb8;
	[tilespmem:$0xF080] =	vst v63  }
0x60: {  	_ = 	snop  }
0x61: {  	[tilespmem:s13], [sflag:$0x1] =	stream.indirect_vreg.gather [hbm4b:s4+s3], $0x80, v3, vm0, $0xb8;
	[tilespmem:$0xF080] =	vst v63  }
0x62: {  	s8 =	simm.s32 $0xB880  }
0x63: {  	[tilespmem:s8], [sflag:$0x1] =	stream.indirect_vreg.gather [hbm4b:s5+s3], $0x80, v3, vm0, $0xb8;
	[tilespmem:$0xF080] =	vst v63  }
0x64: {  	v3 =	vld [tilespmem:$0x40];
	_ =	sdelay $0x4  }
0x65: {  	v58 =	vshrl.u32 v3, $0x3  }
0x66: {  	v4 =	vmul.u32 $0x30, v58  }
0x67: {  	v3 =	vand.u32 $0x7, v3  }
0x68: {  	v3 =	vor.u32 v3, v4  }
0x69: {  	v4 =	vperm.xlane v3, v0;
	_ =	sdelay $0x1  }
0x6a: {  	v4 =	vadd.s32 v1, v4;
	_ =	sdelay $0x3  }
0x6b: {  	s15 =	simm.s32 $0xC080;
	v3 =	vperm.xlane v3, v2  }
0x6c: {  	[tilespmem:s15], [sflag:$0x1] =	stream.indirect_vreg.gather [hbm4b:s2+s3], $0x80, v4, vm0, $0xb8;
	[tilespmem:$0xF080] =	vst v63  }
0x6d: {  	v3 =	vadd.s32 v1, v3;
	s15 =	simm.s32 $0xC880  }
0x6e: {  	[tilespmem:s15], [sflag:$0x1] =	stream.indirect_vreg.gather [hbm4b:s4+s3], $0x80, v4, vm0, $0xb8;
	[tilespmem:$0xF080] =	vst v63  }
0x6f: {  	s15 =	simm.s32 $0xD080  }
0x70: {  	[tilespmem:s15], [sflag:$0x1] =	stream.indirect_vreg.gather [hbm4b:s5+s3], $0x80, v4, vm0, $0xb8;
	[tilespmem:$0xF080] =	vst v63  }
0x71: {  	s15 =	simm.s32 $0xD880  }
0x72: {  	[tilespmem:s15], [sflag:$0x1] =	stream.indirect_vreg.gather [hbm4b:s2+s3], $0x80, v3, vm0, $0xb8;
	[tilespmem:$0xF080] =	vst v63  }
0x73: {  	s15 =	simm.s32 $0xE080  }
0x74: {  	[tilespmem:s15], [sflag:$0x1] =	stream.indirect_vreg.gather [hbm4b:s4+s3], $0x80, v3, vm0, $0xb8;
	[tilespmem:$0xF080] =	vst v63  }
0x75: {  	s15 =	simm.s32 $0xE880  }
0x76: {  	[tilespmem:s15], [sflag:$0x1] =	stream.indirect_vreg.gather [hbm4b:s5+s3], $0x80, v3, vm0, $0xb8;
	[tilespmem:$0xF080] =	vst v63  }
0x77: {  	_ =	swait.ge [sflag:s14], $0xF000  }
0x78: {  	[sflag:s14] =	ssyncset.done $0x0  }
0x79: {  	s15 =	rddreg [dreg:$0x4];
	[sflag:s14] =	ssyncadd.s32 $0xFFFF1000  }
0x7a: {  	[hbm4b:s15+s3] =	stream.linear.scatter [tilespmem:s0], [sflag:$0x2], $0xF000, $0x38;
	[tilespmem:$0xF080] =	vst v63  }
0x7b: {  	_ =	swait.ge [sflag:s7], $0xF000  }
0x7c: {  	[sflag:s7] =	ssyncset.done $0x0  }
0x7d: {  	s15 =	rddreg [dreg:$0x5];
	[sflag:s7] =	ssyncadd.s32 $0xFFFF1000  }
0x7e: {  	[tilespmem:s3], [sflag:$0x2] =	stream.linear.gather [hbm4b:s15+s3], $0x50, $0x38;
	[tilespmem:$0xF080] =	vst v63  }
0x7f: {  	_ =	swait.ge [sflag:s7], $0x50  }
0x80: {  	[sflag:s7] =	ssyncset.done $0x0  }
0x81: {  	[sflag:s7] =	ssyncadd.s32 $0xFFFFFFB0  }
0x82: {  	v3 =	vld [tilespmem:$0x0];
	_ =	sdelay $0x4  }
0x83: {  	v59 =	vshrl.u32 v3, $0x3  }
0x84: {  	v4 =	vmul.u32 $0x30, v59  }
0x85: {  	v3 =	vand.u32 $0x7, v3  }
0x86: {  	v3 =	vor.u32 v3, v4  }
0x87: {  	v4 =	vperm.xlane v3, v0;
	_ =	sdelay $0x1  }
0x88: {  	v4 =	vadd.s32 v1, v4;
	_ =	sdelay $0x3  }
0x89: {  	v3 =	vperm.xlane v3, v2  }
0x8a: {  	[tilespmem:s0], [sflag:$0x1] =	stream.indirect_vreg.gather [hbm4b:s2+s3], $0x80, v4, vm0, $0xb8;
	[tilespmem:$0xF080] =	vst v63  }
0x8b: {  	v3 =	vadd.s32 v1, v3  }
0x8c: {  	[tilespmem:s16], [sflag:$0x1] =	stream.indirect_vreg.gather [hbm4b:s4+s3], $0x80, v4, vm0, $0xb8;
	[tilespmem:$0xF080] =	vst v63  }
0x8d: {  	_ = 	snop  }
0x8e: {  	[tilespmem:s17], [sflag:$0x1] =	stream.indirect_vreg.gather [hbm4b:s5+s3], $0x80, v4, vm0, $0xb8;
	[tilespmem:$0xF080] =	vst v63  }
0x8f: {  	_ = 	snop  }
0x90: {  	[tilespmem:s18], [sflag:$0x1] =	stream.indirect_vreg.gather [hbm4b:s2+s3], $0x80, v3, vm0, $0xb8;
	[tilespmem:$0xF080] =	vst v63  }
0x91: {  	_ = 	snop  }
0x92: {  	[tilespmem:s19], [sflag:$0x1] =	stream.indirect_vreg.gather [hbm4b:s4+s3], $0x80, v3, vm0, $0xb8;
	[tilespmem:$0xF080] =	vst v63  }
0x93: {  	_ = 	snop  }
0x94: {  	[tilespmem:s20], [sflag:$0x1] =	stream.indirect_vreg.gather [hbm4b:s5+s3], $0x80, v3, vm0, $0xb8;
	[tilespmem:$0xF080] =	vst v63  }
0x95: {  	v3 =	vld [tilespmem:$0x10];
	_ =	sdelay $0x4  }
0x96: {  	v60 =	vshrl.u32 v3, $0x3  }
0x97: {  	v4 =	vmul.u32 $0x30, v60  }
0x98: {  	v3 =	vand.u32 $0x7, v3  }
0x99: {  	v3 =	vor.u32 v3, v4  }
0x9a: {  	v4 =	vperm.xlane v3, v0;
	_ =	sdelay $0x1  }
0x9b: {  	v4 =	vadd.s32 v1, v4;
	_ =	sdelay $0x3  }
0x9c: {  	v3 =	vperm.xlane v3, v2  }
0x9d: {  	[tilespmem:s21], [sflag:$0x1] =	stream.indirect_vreg.gather [hbm4b:s2+s3], $0x80, v4, vm0, $0xb8;
	[tilespmem:$0xF080] =	vst v63  }
0x9e: {  	v3 =	vadd.s32 v1, v3  }
0x9f: {  	[tilespmem:s22], [sflag:$0x1] =	stream.indirect_vreg.gather [hbm4b:s4+s3], $0x80, v4, vm0, $0xb8;
	[tilespmem:$0xF080] =	vst v63  }
0xa0: {  	_ = 	snop  }
0xa1: {  	[tilespmem:s23], [sflag:$0x1] =	stream.indirect_vreg.gather [hbm4b:s5+s3], $0x80, v4, vm0, $0xb8;
	[tilespmem:$0xF080] =	vst v63  }
0xa2: {  	_ = 	snop  }
0xa3: {  	[tilespmem:s24], [sflag:$0x1] =	stream.indirect_vreg.gather [hbm4b:s2+s3], $0x80, v3, vm0, $0xb8;
	[tilespmem:$0xF080] =	vst v63  }
0xa4: {  	_ = 	snop  }
0xa5: {  	[tilespmem:s25], [sflag:$0x1] =	stream.indirect_vreg.gather [hbm4b:s4+s3], $0x80, v3, vm0, $0xb8;
	[tilespmem:$0xF080] =	vst v63  }
0xa6: {  	_ = 	snop  }
0xa7: {  	[tilespmem:s26], [sflag:$0x1] =	stream.indirect_vreg.gather [hbm4b:s5+s3], $0x80, v3, vm0, $0xb8;
	[tilespmem:$0xF080] =	vst v63  }
0xa8: {  	v3 =	vld [tilespmem:$0x20];
	_ =	sdelay $0x4  }
0xa9: {  	v61 =	vshrl.u32 v3, $0x3  }
0xaa: {  	v4 =	vmul.u32 $0x30, v61  }
0xab: {  	v3 =	vand.u32 $0x7, v3  }
0xac: {  	v3 =	vor.u32 v3, v4  }
0xad: {  	v4 =	vperm.xlane v3, v0;
	_ =	sdelay $0x1  }
0xae: {  	v4 =	vadd.s32 v1, v4;
	_ =	sdelay $0x3  }
0xaf: {  	v3 =	vperm.xlane v3, v2  }
0xb0: {  	[tilespmem:s28], [sflag:$0x1] =	stream.indirect_vreg.gather [hbm4b:s2+s3], $0x80, v4, vm0, $0xb8;
	[tilespmem:$0xF080] =	vst v63  }
0xb1: {  	v3 =	vadd.s32 v1, v3  }
0xb2: {  	[tilespmem:s29], [sflag:$0x1] =	stream.indirect_vreg.gather [hbm4b:s4+s3], $0x80, v4, vm0, $0xb8;
	[tilespmem:$0xF080] =	vst v63  }
0xb3: {  	_ = 	snop  }
0xb4: {  	[tilespmem:s30], [sflag:$0x1] =	stream.indirect_vreg.gather [hbm4b:s5+s3], $0x80, v4, vm0, $0xb8;
	[tilespmem:$0xF080] =	vst v63  }
0xb5: {  	_ = 	snop  }
0xb6: {  	[tilespmem:s31], [sflag:$0x1] =	stream.indirect_vreg.gather [hbm4b:s2+s3], $0x80, v3, vm0, $0xb8;
	[tilespmem:$0xF080] =	vst v63  }
0xb7: {  	_ = 	snop  }
0xb8: {  	[tilespmem:s1], [sflag:$0x1] =	stream.indirect_vreg.gather [hbm4b:s4+s3], $0x80, v3, vm0, $0xb8;
	[tilespmem:$0xF080] =	vst v63  }
0xb9: {  	s15 =	simm.s32 $0x8880  }
0xba: {  	[tilespmem:s15], [sflag:$0x1] =	stream.indirect_vreg.gather [hbm4b:s5+s3], $0x80, v3, vm0, $0xb8;
	[tilespmem:$0xF080] =	vst v63  }
0xbb: {  	v3 =	vld [tilespmem:$0x30];
	_ =	sdelay $0x4  }
0xbc: {  	v62 =	vshrl.u32 v3, $0x3  }
0xbd: {  	v4 =	vmul.u32 $0x30, v62  }
0xbe: {  	v3 =	vand.u32 $0x7, v3  }
0xbf: {  	v3 =	vor.u32 v3, v4  }
0xc0: {  	v4 =	vperm.xlane v3, v0;
	_ =	sdelay $0x1  }
0xc1: {  	v4 =	vadd.s32 v1, v4;
	_ =	sdelay $0x3  }
0xc2: {  	v3 =	vperm.xlane v3, v2  }
0xc3: {  	[tilespmem:s9], [sflag:$0x1] =	stream.indirect_vreg.gather [hbm4b:s2+s3], $0x80, v4, vm0, $0xb8;
	[tilespmem:$0xF080] =	vst v63  }
0xc4: {  	v3 =	vadd.s32 v1, v3  }
0xc5: {  	[tilespmem:s10], [sflag:$0x1] =	stream.indirect_vreg.gather [hbm4b:s4+s3], $0x80, v4, vm0, $0xb8;
	[tilespmem:$0xF080] =	vst v63  }
0xc6: {  	_ = 	snop  }
0xc7: {  	[tilespmem:s11], [sflag:$0x1] =	stream.indirect_vreg.gather [hbm4b:s5+s3], $0x80, v4, vm0, $0xb8;
	[tilespmem:$0xF080] =	vst v63  }
0xc8: {  	_ = 	snop  }
0xc9: {  	[tilespmem:s12], [sflag:$0x1] =	stream.indirect_vreg.gather [hbm4b:s2+s3], $0x80, v3, vm0, $0xb8;
	[tilespmem:$0xF080] =	vst v63  }
0xca: {  	_ = 	snop  }
0xcb: {  	[tilespmem:s13], [sflag:$0x1] =	stream.indirect_vreg.gather [hbm4b:s4+s3], $0x80, v3, vm0, $0xb8;
	[tilespmem:$0xF080] =	vst v63  }
0xcc: {  	_ = 	snop  }
0xcd: {  	[tilespmem:s8], [sflag:$0x1] =	stream.indirect_vreg.gather [hbm4b:s5+s3], $0x80, v3, vm0, $0xb8;
	[tilespmem:$0xF080] =	vst v63  }
0xce: {  	v3 =	vld [tilespmem:$0x40];
	_ =	sdelay $0x4  }
0xcf: {  	v63 =	vshrl.u32 v3, $0x3  }
0xd0: {  	v4 =	vmul.u32 $0x30, v63  }
0xd1: {  	v3 =	vand.u32 $0x7, v3  }
0xd2: {  	v3 =	vor.u32 v3, v4  }
0xd3: {  	v4 =	vperm.xlane v3, v0;
	_ =	sdelay $0x1  }
0xd4: {  	v4 =	vadd.s32 v1, v4;
	_ =	sdelay $0x3  }
0xd5: {  	s8 =	simm.s32 $0xC080;
	v3 =	vperm.xlane v3, v2  }
0xd6: {  	[tilespmem:s8], [sflag:$0x1] =	stream.indirect_vreg.gather [hbm4b:s2+s3], $0x80, v4, vm0, $0xb8;
	[tilespmem:$0xF080] =	vst v63  }
0xd7: {  	s15 =	simm.s32 $0xC880;
	v3 =	vadd.s32 v1, v3  }
0xd8: {  	[tilespmem:s15], [sflag:$0x1] =	stream.indirect_vreg.gather [hbm4b:s4+s3], $0x80, v4, vm0, $0xb8;
	[tilespmem:$0xF080] =	vst v63  }
0xd9: {  	s8 =	simm.s32 $0xD080  }
0xda: {  	[tilespmem:s8], [sflag:$0x1] =	stream.indirect_vreg.gather [hbm4b:s5+s3], $0x80, v4, vm0, $0xb8;
	[tilespmem:$0xF080] =	vst v63  }
0xdb: {  	s15 =	simm.s32 $0xD880  }
0xdc: {  	[tilespmem:s15], [sflag:$0x1] =	stream.indirect_vreg.gather [hbm4b:s2+s3], $0x80, v3, vm0, $0xb8;
	[tilespmem:$0xF080] =	vst v63  }
0xdd: {  	s8 =	simm.s32 $0xE080  }
0xde: {  	[tilespmem:s8], [sflag:$0x1] =	stream.indirect_vreg.gather [hbm4b:s4+s3], $0x80, v3, vm0, $0xb8;
	[tilespmem:$0xF080] =	vst v63  }
0xdf: {  	s15 =	simm.s32 $0xE880  }
0xe0: {  	[tilespmem:s15], [sflag:$0x1] =	stream.indirect_vreg.gather [hbm4b:s5+s3], $0x80, v3, vm0, $0xb8;
	[tilespmem:$0xF080] =	vst v63  }
0xe1: {  	_ =	swait.ge [sflag:s14], $0xF000  }
0xe2: {  	p0 =	sne.s32 s6, $0x1;
	[sflag:s14] =	ssyncset.done $0x0  }
.Ltmp0:
0xe3: {  	s8 =	rddreg [dreg:$0x6];
	[sflag:s14] =	ssyncadd.s32 $0xFFFF1000;
	(pc) =	sbr.rel @p0 .LBB2_1-.Ltmp0, $4  }
0xe4: {  	[hbm4b:s8+s3] =	stream.linear.scatter [tilespmem:s0], [sflag:$0x2], $0xF000, $0x38;
	[tilespmem:$0xF080] =	vst v63  }
0xe5: {  	_ =	swait.ge [sflag:s7], $0xF000  }
0xe6: {  	[sflag:s7] =	ssyncset.done $0x0  }
0xe7: {  	s6 =	sadd.s32 $0xFFFFFFFF, s6;
	[sflag:s7] =	ssyncadd.s32 $0xFFFF1000  }
0xe8: {  	_ =	sfence.sel $0x180000  }
0xe9: {  	[bflag:$0x0] =	sbarrier.arrive $0xFFFF  }
0xea: {  	_ =	strace $0x9000004A  }
0xeb: {  	s0 =	stileid.u32;
	[bflag:$0x2] =	sbarrier.arrive $0xFFFF  }
0xec: {  	p0 =	sne.s32 s0, $0x0;
	s0 =	rddreg [dreg:$0x2]  }
0xed: {  	s0 =	sadd.s32 @!p0 $0x100000, s0  }
0xee: {  	[sflag:s0] =	ssyncadd.tile.s32 @!p0 $0x1;
	_ =	shalt  }
.Lfunc_end2:
_tile_overlayer_lowered:
.L_overlay_start_2:
0xef: {  	(tag) =	ssettag $0x2  }
0xf0: {  	s0 =	rddreg [dreg:$0x0];
	s2 =	stileid.u32  }
0xf1: {  	s1 =	rddreg [dreg:$0x1];
	p0 =	sne.s32 s2, $0x0  }
0xf2: {  	s3 =	rddreg [dreg:$0x2];
	[bflag:$0x3] =	sbarrier.arrive $0xFFFF;
	s2 =	simm.s32 @!p0 $0x1C02  }
0xf3: {  	[timem:s3], [sflag:s2] =	dma.local @!p0 [hbm:s0], s1  }
0xf4: {  	s0 =	simm.s32 @!p0 $0x2  }
0xf5: {  	_ =	swait.ge @!p0 [sflag:s0], s1  }
0xf6: {  	s1 =	ssub.s32 @!p0 $0x0, s1;
	[sflag:s0] =	ssyncset.done @!p0 $0x0  }
0xf7: {  	[sflag:s0] =	ssyncadd.s32 @!p0 s1  }
0xf8: {  	[bflag:$0x3] =	sbarrier.arrive $0xFFFF  }
0xf9: {  	_ =	shalt  }

// kernel: kernel.15.cloned.1.call-start
scs
__scs_entry_jumppad:
0x0: {  	(pc) =	sbr.rel $0x88, $3  }
0x1: {  	(tag) =	ssettag $0x0;
	lr =	simm.s32 $0x1  }
0x2: {  	[smem:$0x3F92] =	sst lr;
	_ =	strace $0xD0000000  }
0x3: {  	_ = 	snop  }
0x4: {  	_ = 	snop  }
0x5: {  	_ = 	snop  }
0x6: {  	_ = 	snop  }
0x7: {  	_ = 	snop  }
__scs_overlays_trampoline_lowered:
0x8: {  	[smem:$0x3FA1] =	sst s0  }
0x9: {  	[smem:$0x3FA2] =	sst s1  }
0xa: {  	[smem:$0x3FA3] =	sst s2  }
0xb: {  	[smem:$0x3FA4] =	sst s3  }
0xc: {  	[smem:$0x3FA5] =	sst s4  }
0xd: {  	[smem:$0x3FA6] =	sst s5  }
0xe: {  	[smem:$0x3FA7] =	sst s6  }
0xf: {  	[smem:$0x3FA8] =	sst s7  }
0x10: {  	[smem:$0x3FA9] =	sst s8  }
0x11: {  	[smem:$0x3FAA] =	sst s9;
	s0 =	simm.s32 @!p0 $0x0  }
0x12: {  	s1 =	sld [smem:$0x3F90];
	s0 =	simm.s32 @p0 $0x1  }
0x13: {  	[smem:$0x3FAB] =	sst s0;
	s0 =	simm.s32 @!p1 $0x0  }
0x14: {  	s2 =	sld [smem:$0x3F8F];
	s0 =	simm.s32 @p1 $0x1  }
0x15: {  	[smem:$0x3FAC] =	sst s0;
	s0 =	simm.s32 @!p2 $0x0  }
0x16: {  	s3 =	sld [smem:$0x3FDB];
	s0 =	simm.s32 @p2 $0x1  }
0x17: {  	s4 =	simm.s32 $0x1BF5;
	[smem:$0x3FAE] =	sst s0  }
0x18: {  	s0 =	sld [smem:$0x3F91];
	_ =	swait.ge [sflag:s4], $0x0  }
0x19: {  	s7 =	sld [smem:$0x3F92]  }
0x1a: {  	s8 =	sadd.s32 $0xFFFFE003, lr  }
0x1b: {  	s9 =	sadd.s32 $0xFFFFFEF7, lr;
	s5 =	simm.s32 $0xFFFFFFFF;
	p2 =	slt.u32 s8, $0xFFFFF086  }
0x1c: {  	p1 =	slt.u32 s9, $0xF7A;
	s5 =	simm.s32 @!p2 $0x0  }
0x1d: {  	s5 =	simm.s32 @p1 $0x1;
	p0 =	seq.s32 s7, s2  }
0x1e: {  	s7 =	smul.u32 @!p0 $0xF7A, s2;
	p2 =	seq.s32 @!p0 s5, $0x0  }
0x1f: {  	s9 =	smul.u32 $0xF7A, s1;
	s8 =	simm.s32 @!p0 $0x1BF5;
	p2 =	por !p2, p0  }
0x20: {  	[sflag:s8] =	ssyncset.s32 @!p0 $0xFFFFF086;
	s6 =	sadd.s32 @!p0 s3, s7;
	s7 =	simm.s32 @!p0 $0x108  }
0x21: {  	s3 =	sadd.s32 s3, s9;
	s6 =	sadd.s32 @!p0 $0x88, s6;
	s7 =	simm.s32 @p2 $0x1082  }
0x22: {  	[simem:s7], [sflag:s8] =	dma.local @!p0 [hbm:s6], $0xF7A  }
0x23: {  	s9 =	sor.u32 $0xD0000000, s2;
	s6 =	simm.s32 $0x108;
	_ =	swait.ge @!p0 [sflag:s8], $0x0  }
0x24: {  	s3 =	sadd.s32 $0x88, s3;
	s6 =	simm.s32 @!p1 $0x1082;
	[sflag:s4] =	ssyncset.s32 $0xFFFFF086  }
0x25: {  	[simem:s6], [sflag:s4] =	dma.local [hbm:s3], $0xF7A  }
0x26: {  	[smem:$0x3F92] =	sst s1;
	(tag) =	ssettag s2;
	_ =	strace s9  }
0x27: {  	s1 =	sld [smem:$0x3FA2]  }
0x28: {  	s2 =	sld [smem:$0x3FA3]  }
0x29: {  	s4 =	sld [smem:$0x3FA5]  }
0x2a: {  	p0 =	seq.s32 s5, $0x0;
	s5 =	sld [smem:$0x3FA6]  }
0x2b: {  	s6 =	sld [smem:$0x3FA7]  }
0x2c: {  	s7 =	sld [smem:$0x3FA8]  }
0x2d: {  	s3 =	simm.s32 $0x108;
	s8 =	sld [smem:$0x3FA9]  }
0x2e: {  	s3 =	simm.s32 @!p0 $0x1082;
	s9 =	sld [smem:$0x3FAA]  }
0x2f: {  	lr =	sadd.s32 s0, s3;
	s0 =	sld [smem:$0x3FA1]  }
0x30: {  	s3 =	sld [smem:$0x3FA4]  }
0x31: {  	[smem:$0x3FAD] =	sst s10  }
0x32: {  	s10 =	sld [smem:$0x3FAB];
	_ =	sdelay $0x3  }
0x33: {  	p0 =	seq.s32 s10, $0x1;
	s10 =	sld [smem:$0x3FAD];
	_ =	sdelay $0x3  }
0x34: {  	[smem:$0x3FAD] =	sst s10  }
0x35: {  	s10 =	sld [smem:$0x3FAC];
	_ =	sdelay $0x3  }
0x36: {  	p1 =	seq.s32 s10, $0x1;
	s10 =	sld [smem:$0x3FAD];
	_ =	sdelay $0x3  }
0x37: {  	[smem:$0x3FAD] =	sst s10  }
0x38: {  	s10 =	sld [smem:$0x3FAE]  }
0x39: {  	_ = 	snop;
	(pc) =	sbr.ind lr, $3  }
0x3a: {  	_ = 	snop  }
0x3b: {  	_ = 	snop  }
0x3c: {  	p2 =	seq.s32 s10, $0x1;
	s10 =	sld [smem:$0x3FAD]  }
0x3d: {  	_ =	shalt  }
0x3e: {  	_ =	shalt  }
0x3f: {  	_ =	shalt  }
0x40: {  	_ =	shalt  }
0x41: {  	_ =	shalt  }
0x42: {  	_ =	shalt  }
0x43: {  	_ =	shalt  }
0x44: {  	_ =	shalt  }
0x45: {  	_ =	shalt  }
0x46: {  	_ =	shalt  }
0x47: {  	_ =	shalt  }
0x48: {  	_ =	shalt  }
0x49: {  	_ =	shalt  }
0x4a: {  	_ =	shalt  }
0x4b: {  	_ =	shalt  }
0x4c: {  	_ =	shalt  }
0x4d: {  	_ =	shalt  }
0x4e: {  	_ =	shalt  }
0x4f: {  	_ =	shalt  }
0x50: {  	_ =	shalt  }
0x51: {  	_ =	shalt  }
0x52: {  	_ =	shalt  }
0x53: {  	_ =	shalt  }
0x54: {  	_ =	shalt  }
0x55: {  	_ =	shalt  }
0x56: {  	_ =	shalt  }
0x57: {  	_ =	shalt  }
0x58: {  	_ =	shalt  }
0x59: {  	_ =	shalt  }
0x5a: {  	_ =	shalt  }
0x5b: {  	_ =	shalt  }
0x5c: {  	_ =	shalt  }
0x5d: {  	_ =	shalt  }
0x5e: {  	_ =	shalt  }
0x5f: {  	_ =	shalt  }
0x60: {  	_ =	shalt  }
0x61: {  	_ =	shalt  }
0x62: {  	_ =	shalt  }
0x63: {  	_ =	shalt  }
0x64: {  	_ =	shalt  }
0x65: {  	_ =	shalt  }
0x66: {  	_ =	shalt  }
0x67: {  	_ =	shalt  }
0x68: {  	_ =	shalt  }
0x69: {  	_ =	shalt  }
0x6a: {  	_ =	shalt  }
0x6b: {  	_ =	shalt  }
0x6c: {  	_ =	shalt  }
0x6d: {  	_ =	shalt  }
0x6e: {  	_ =	shalt  }
0x6f: {  	_ =	shalt  }
0x70: {  	_ =	shalt  }
0x71: {  	_ =	shalt  }
0x72: {  	_ =	shalt  }
0x73: {  	_ =	shalt  }
0x74: {  	_ =	shalt  }
0x75: {  	_ =	shalt  }
0x76: {  	_ =	shalt  }
0x77: {  	_ =	shalt  }
0x78: {  	_ =	shalt  }
0x79: {  	_ =	shalt  }
0x7a: {  	_ =	shalt  }
0x7b: {  	_ =	shalt  }
0x7c: {  	_ =	shalt  }
0x7d: {  	_ =	shalt  }
0x7e: {  	_ =	shalt  }
0x7f: {  	_ =	shalt  }
0x80: {  	_ =	shalt  }
0x81: {  	_ =	shalt  }
0x82: {  	_ =	shalt  }
0x83: {  	_ =	shalt  }
0x84: {  	_ =	shalt  }
0x85: {  	_ =	shalt  }
0x86: {  	_ =	shalt  }
0x87: {  	_ =	shalt  }
.Lfunc_end0:
.L_simem_size_0:
called_computation.2_lowered:
.L_overlay_start_0:
0x88: {  	s2 =	sld [smem:$0x3FD9]  }
0x89: {  	s3 =	sld [smem:$0x3FFE];
	_ =	sdelay $0x1  }
0x8a: {  	s1 =	srdreg.scid  }
0x8b: {  	s0 =	sand.u32 $0x1, s1  }
0x8c: {  	s16 =	sshll.u32 s0, $0xA;
	s2 =	sadd.s32 s3, s2  }
0x8d: {  	s2 =	sadd.s32 s2, s16  }
0x8e: {  	[smem:$0x3FB9] =	sst s2  }
0x8f: {  	_ = 	snop  }
0x90: {  	(tm) =	ssettm $0x1  }
0x91: {  	s17 =	sld [smem:$0x3FFB];
	_ =	sdelay $0x3  }
0x92: {  	_ =	strace s17  }
0x93: {  	s2 =	sld [smem:$0x3FFC];
	_ =	sdelay $0x3  }
0x94: {  	_ =	strace s2  }
0x95: {  	s2 =	sld [smem:$0x3FFD];
	_ =	sdelay $0x3  }
0x96: {  	_ =	strace s2  }
0x97: {  	_ =	strace $0x8FFFFFFF  }
0x98: {  	s18 =	sld [smem:$0x3FDB];
	_ =	sdelay $0x1  }
0x99: {  	s19 =	simm.s32 $_scs_section_size  }
0x9a: {  	s4 =	simm.s32 $_size__tile_overlayer_lowered;
	s5 =	simm.s32 $_tile_overlayer_lowered  }
0x9b: {  	s22 =	simm.s32 $0x1BFF;
	s21 =	sshll.u32 s5, $0x1;
	s2 =	sadd.s32 s19, s18  }
0x9c: {  	s6 =	simm.s32 $0x0;
	s20 =	sshll.u32 s4, $0x1;
	s4 =	sadd.s32 s21, s2  }
0x9d: {  	[timem:s6], [sflag:s22] =	dma.local [hbm:s4], s20  }
0x9e: {  	_ =	swait.ge [sflag:s22], s20  }
0x9f: {  	s3 =	ssub.s32 $0x0, s20;
	[sflag:s22] =	ssyncset.done $0x0  }
0xa0: {  	[sflag:s22] =	ssyncadd.s32 s3;
	_ =	sdelay $0x1  }
0xa1: {  	s23 =	simm.s32 $0x1B8B  }
0xa2: {  	_ =	swait.ge [sflag:s23], $0x1  }
0xa3: {  	[sflag:s23] =	ssyncset.done $0x0  }
0xa4: {  	s25 =	simm.s32 $0x1B8E;
	s24 =	sld [smem:$0x3FFE];
	[sflag:s23] =	ssyncadd.s32 $0xFFFFFFFF  }
0xa5: {  	s26 =	simm.s32 $execute0_lowered;
	[smem:$0x3FD2] =	sst s25  }
0xa6: {  	s4 =	sshll.u32 s26, $0x1;
	_ =	strace $0x8000004C;
	[dreg:$0x1] =	wrdreg $0xFFFFFFFF  }
0xa7: {  	s28 =	simm.s32 $_size_execute0_lowered;
	s2 =	sadd.s32 s2, s4;
	[dreg:$0x0] =	wrdreg $0x0  }
0xa8: {  	s4 =	sshll.u32 s28, $0x1;
	[dreg:$0x2] =	wrdreg s2  }
0xa9: {  	[dreg:$0x3] =	wrdreg s4  }
0xaa: {  	[dreg:$0x4] =	wrdreg $0xC0  }
0xab: {  	_ =	task [dreg:s6], $0x5FFFF  }
0xac: {  	[dreg:$0x1] =	wrdreg $0xFFFFFFFF  }
0xad: {  	[dreg:$0x0] =	wrdreg $0x60  }
0xae: {  	[dreg:$0x2] =	wrdreg s24  }
0xaf: {  	[dreg:$0x3] =	wrdreg $0x9  }
0xb0: {  	_ =	task.clear_ibuf [dreg:s6], $0x4FFFF;
	_ =	strace $0x9000004C  }
0xb1: {  	s29 =	simm.s32 $0x9;
	_ =	strace $0x8000004E  }
0xb2: {  	_ =	swait.ge [sflag:s29], $0x1  }
0xb3: {  	[sflag:s29] =	ssyncadd.s32 $0xFFFFFFFF  }
0xb4: {  	_ =	strace $0x9000004E  }
0xb5: {  	_ =	sfence  }
0xb6: {  	s30 =	sld [smem:$0x0];
	_ =	sdelay $0x2  }
0xb7: {  	s31 =	sshll.u32 s1, $0xD;
	s1 =	sshrl.u32 s1, $0x2  }
0xb8: {  	s3 =	sand.u32 $0x4000, s31;
	s1 =	sadd.s32 s1, s30  }
0xb9: {  	s0 =	sor.u32 s3, s0;
	s1 =	sshll.u32 s1, $0x11  }
0xba: {  	s0 =	sor.u32 s1, s0  }
0xbb: {  	s0 =	sadd.s32 $0x8F2B, s0  }
0xbc: {  	[sflag:s0] =	ssyncadd.remote.s32 $0x1  }
0xbd: {  	_ =	sfence.sel $0xFFFF  }
0xbe: {  	[dreg:$0x0] =	wrdreg $0xFFFFFFFF;
	(pc) =	sbr.abs _section_cstart, $3  }
0xbf: {  	[dreg:$0x1] =	wrdreg $0xFFFFFFFF  }
0xc0: {  	_ =	task.clear_ibuf [dreg:s6], $0x2FFFF;
	_ =	strace $0x9FFFFFFF  }
0xc1: {  	(tm) =	ssettm $0x7FFFFFFF  }
tec
execute0_lowered:
.L_overlay_start_1:
0x0: {  	(tag) =	ssettag $0x1  }
0x1: {  	s0 =	rddreg [dreg:$0x0]  }
0x2: {  	s1 =	srdreg.scid;
	s3 =	stileid.u32;
	s2 =	simm.s32 $0x0  }
0x3: {  	s9 =	simm.s32 $0xD680;
	s11 =	simm.s32 $0x2;
	s12 =	simm.s32 $0x1600  }
0x4: {  	s13 =	simm.s32 $0x1;
	s28 =	simm.s32 $0x7E80;
	s29 =	simm.s32 $0x8680  }
0x5: {  	s30 =	simm.s32 $0x8E80;
	s31 =	simm.s32 $0x9680;
	s10 =	simm.s32 $0xAE80  }
0x6: {  	s14 =	simm.s32 $0xBE80;
	s15 =	simm.s32 $0xC680;
	s16 =	simm.s32 $0xCE80  }
0x7: {  	s17 =	simm.s32 $0x0;
	s1 =	sand.u32 $0x1, s1;
	s3 =	sshll.u32 s3, $0x1  }
0x8: {  	[smem:$0x7FF] =	sst s2;
	s6 =	sadd.s32 $0x34800, s0;
	s7 =	sadd.s32 $0x34E00, s0  }
0x9: {  	s4 =	sor.u32 s1, s3;
	_ =	strace $0x8000004D;
	s3 =	sadd.s32 $0x34C00, s0  }
0xa: {  	[dreg:$0x2] =	wrdreg s6;
	s1 =	ssub.s32 $0x2, s1;
	s6 =	sadd.s32 $0x34D00, s0  }
0xb: {  	s5 =	smul.u32 $0x1800, s4;
	s23 =	sshrl.u32 s1, $0x1;
	s4 =	sshll.u32 s4, $0x7  }
0xc: {  	s1 =	ssub.s32 s1, s23;
	s8 =	sadd.s32 $0x80, s4;
	v0 =	vmov s4;
	s4 =	simm.s32 $0xB680  }
0xd: {  	s5 =	sadd.s32 s5, s0;
	s26 =	smax.u32 s1, $0x1;
	s0 =	simm.s32 $0x9E80  }
0xe: {  	v1 =	vlaneseq.u32;
	s1 =	simm.s32 $0xA680;
	s24 =	sadd.s32 $0x3A00, s5;
	[dreg:$0x5] =	wrdreg s26  }
0xf: {  	vm0 =	vmmov $0xffff;
	v4 =	vshrl.u32 v1, $0x3;
	v3 =	vand.u32 $0x7, v1;
	s25 =	sadd.s32 $0xACC00, s5;
	s26 =	simm.s32 $0x7680;
	[dreg:$0x3] =	wrdreg s24  }
0x10: {  	v5 =	vor.u32 $0x8, v1;
	v4 =	vmul.u32 $0x8, v4;
	v2 =	vmov s8;
	[dreg:$0x4] =	wrdreg s25;
	s24 =	simm.s32 $0x1680;
	s25 =	simm.s32 $0x6E80  }
.LBB2_1:
0x11: {  	s5 =	rddreg [dreg:$0x3]  }
0x12: {  	[tilespmem:s9], [sflag:$0x1] =	stream.linear.gather [hbm4b:s5+s2], $0xC000, $0x38;
	[tilespmem:$0x19680] =	vst v63  }
0x13: {  	s23 =	rddreg [dreg:$0x2]  }
0x14: {  	[tilespmem:s2], [sflag:$0x2] =	stream.linear.gather [hbm4b:s23+s2], $0x1400, $0x38;
	[tilespmem:$0x19680] =	vst v63  }
0x15: {  	_ =	swait.ge [sflag:s11], $0x1400  }
0x16: {  	[sflag:s11] =	ssyncset.done $0x0  }
0x17: {  	[sflag:s11] =	ssyncadd.s32 $0xFFFFEC00  }
0x18: {  	v6 =	vld [tilespmem:s2+$0x0];
	_ =	sdelay $0x4  }
0x19: {  	vm1 =	vge.s32 v6, v0;
	vm2 =	vlt.s32 v6, v2  }
0x1a: {  	vm1 =	vmand vm1, vm2  }
0x1b: {  	v8 =	vmpcnt.ones.xlane vm1;
	_ =	sdelay $0x1  }
0x1c: {  	(v2sf) =	vpush v8, $0x0;
	_ =	sdelay $0x3  }
0x1d: {  	v7 =	vor.u32 s2, v1  }
0x1e: {  	[tilespmem:s2+$0x1400] =	vst.msk vm1, v7  }
0x1f: {  	s5 =	simm.s32 $0x10;
	[tilespmem:s2+$0x1500] =	vst.msk vm1, v6  }
0x20: {  	s8 =	simm.s32 $0x0;
	s18 =	simm.s32 $0x10;
	s9 =	simm.s32 $0x20;
	v6 =	vld [tilespmem:s5+$0x0]  }
.LBB2_2:
0x21: {  	p0 =	sne.s32 s9, $0x13F0;
	_ =	sdelay $0x3  }
0x22: {  	vm1 =	vge.s32 v6, v0;
	vm2 =	vlt.s32 v6, v2  }
0x23: {  	vm1 =	vmand vm1, vm2  }
0x24: {  	v7 =	vmpcnt.ones.xlane vm1  }
0x25: {  	s19 =	spop (v2sf)  }
0x26: {  	v8 =	vor.u32 s5, v1;
	s5 =	smov.u32 s9;
	(v2sf) =	vpush v7, $0x0;
	s8 =	sadd.s32 s8, s19  }
0x27: {  	[tilespmem:s8+$0x1400] =	vst.msk vm1, v8  }
0x28: {  	[tilespmem:s8+$0x1500] =	vst.msk vm1, v6  }
.Ltmp0:
0x29: {  	(pc) =	sbr.rel @p0 .LBB2_2-.Ltmp0, $3  }
0x2a: {  	_ =	sdelay $0x1  }
0x2b: {  	s18 =	sadd.s32 $0x10, s18  }
0x2c: {  	s9 =	sadd.s32 $0x10, s9;
	v6 =	vld [tilespmem:s18+$0x0]  }
0x2d: {  	_ =	sdelay $0x6  }
0x2e: {  	vm1 =	vge.s32 v6, v0;
	vm2 =	vlt.s32 v6, v2;
	s9 =	spop (v2sf)  }
0x2f: {  	v7 =	vor.u32 s5, v1;
	vm1 =	vmand vm1, vm2;
	s20 =	sadd.s32 s8, s9  }
0x30: {  	[tilespmem:s20+$0x1400] =	vst.msk vm1, v7  }
0x31: {  	[tilespmem:s20+$0x1500] =	vst.msk vm1, v6  }
0x32: {  	v6 =	vld [tilespmem:$0x1500];
	_ =	sdelay $0x4  }
0x33: {  	v7 =	vsub.s32 v6, v0  }
0x34: {  	v6 =	vand.u32 $0x7F, v6;
	v7 =	vand.u32 $0xFFFFFF80, v7  }
0x35: {  	v8 =	vld [tilespmem:$0x1400];
	v6 =	vor.u32 v6, v7;
	_ =	sdelay $0x4  }
0x36: {  	[tilespmem:v6+s12+$0x0] =	vst.idx.msk $0xffff, v8  }
0x37: {  	v6 =	vld [tilespmem:$0x1510];
	_ =	sdelay $0x4  }
0x38: {  	v7 =	vsub.s32 v6, v0  }
0x39: {  	v6 =	vand.u32 $0x7F, v6;
	v7 =	vand.u32 $0xFFFFFF80, v7  }
0x3a: {  	v8 =	vld [tilespmem:$0x1410];
	v6 =	vor.u32 v6, v7;
	_ =	sdelay $0x4  }
0x3b: {  	[tilespmem:v6+s12+$0x0] =	vst.idx.msk $0xffff, v8  }
0x3c: {  	v6 =	vld [tilespmem:$0x1520];
	_ =	sdelay $0x4  }
0x3d: {  	v7 =	vsub.s32 v6, v0  }
0x3e: {  	v6 =	vand.u32 $0x7F, v6;
	v7 =	vand.u32 $0xFFFFFF80, v7  }
0x3f: {  	v8 =	vld [tilespmem:$0x1420];
	v6 =	vor.u32 v6, v7;
	_ =	sdelay $0x4  }
0x40: {  	[tilespmem:v6+s12+$0x0] =	vst.idx.msk $0xffff, v8  }
0x41: {  	v6 =	vld [tilespmem:$0x1530];
	_ =	sdelay $0x4  }
0x42: {  	v7 =	vsub.s32 v6, v0  }
0x43: {  	v6 =	vand.u32 $0x7F, v6;
	v7 =	vand.u32 $0xFFFFFF80, v7  }
0x44: {  	v8 =	vld [tilespmem:$0x1430];
	v6 =	vor.u32 v6, v7;
	_ =	sdelay $0x4  }
0x45: {  	[tilespmem:v6+s12+$0x0] =	vst.idx.msk $0xffff, v8  }
0x46: {  	v6 =	vld [tilespmem:$0x1540];
	_ =	sdelay $0x4  }
0x47: {  	v7 =	vsub.s32 v6, v0  }
0x48: {  	v6 =	vand.u32 $0x7F, v6;
	v7 =	vand.u32 $0xFFFFFF80, v7  }
0x49: {  	v8 =	vld [tilespmem:$0x1440];
	v6 =	vor.u32 v6, v7;
	_ =	sdelay $0x4  }
0x4a: {  	[tilespmem:v6+s12+$0x0] =	vst.idx.msk $0xffff, v8  }
0x4b: {  	v6 =	vld [tilespmem:$0x1550];
	_ =	sdelay $0x4  }
0x4c: {  	v7 =	vsub.s32 v6, v0  }
0x4d: {  	v6 =	vand.u32 $0x7F, v6;
	v7 =	vand.u32 $0xFFFFFF80, v7  }
0x4e: {  	v8 =	vld [tilespmem:$0x1450];
	v6 =	vor.u32 v6, v7;
	_ =	sdelay $0x4  }
0x4f: {  	[tilespmem:v6+s12+$0x0] =	vst.idx.msk $0xffff, v8  }
0x50: {  	v6 =	vld [tilespmem:$0x1560];
	_ =	sdelay $0x4  }
0x51: {  	v7 =	vsub.s32 v6, v0  }
0x52: {  	v6 =	vand.u32 $0x7F, v6;
	v7 =	vand.u32 $0xFFFFFF80, v7  }
0x53: {  	v8 =	vld [tilespmem:$0x1460];
	v6 =	vor.u32 v6, v7  }
0x54: {  	v7 =	vmpcnt.ones.xlane vm1;
	_ =	sdelay $0x1  }
0x55: {  	(v2sf) =	vpush v7, $0x0;
	_ =	sdelay $0x1  }
0x56: {  	[tilespmem:v6+s12+$0x0] =	vst.idx.msk $0xffff, v8  }
0x57: {  	v6 =	vld [tilespmem:$0x1570];
	_ =	sdelay $0x4  }
0x58: {  	v7 =	vsub.s32 v6, v0  }
0x59: {  	v6 =	vand.u32 $0x7F, v6;
	v7 =	vand.u32 $0xFFFFFF80, v7  }
0x5a: {  	v8 =	vld [tilespmem:$0x1470];
	v6 =	vor.u32 v6, v7;
	_ =	sdelay $0x4  }
0x5b: {  	s21 =	spop (v2sf);
	[tilespmem:v6+s12+$0x0] =	vst.idx.msk $0xffff, v8  }
0x5c: {  	_ =	swait.ge [sflag:s13], $0xC000  }
0x5d: {  	[sflag:s13] =	ssyncset.done $0x0  }
0x5e: {  	[sflag:s13] =	ssyncadd.s32 $0xFFFF4000  }
0x5f: {  	v6 =	vld [tilespmem:$0x1600];
	_ =	sdelay $0x4  }
0x60: {  	v7 =	vshrl.u32 v6, $0x3  }
0x61: {  	v7 =	vmul.u32 $0x30, v7  }
0x62: {  	v6 =	vand.u32 $0x7, v6  }
0x63: {  	v6 =	vor.u32 v6, v7  }
0x64: {  	v7 =	vperm.xlane v6, v3;
	_ =	sdelay $0x1  }
0x65: {  	v7 =	vadd.s32 v4, v7;
	_ =	sdelay $0x3  }
0x66: {  	s18 =	simm.s32 $0x0;
	v6 =	vperm.xlane v6, v5  }
0x67: {  	[tilespmem:s24], [sflag:$0x1] =	stream.indirect_vreg.gather [hbm4b:s3+s18], $0x80, v7, vm0, $0xb8;
	[tilespmem:$0x19680] =	vst v63  }
0x68: {  	s5 =	simm.s32 $0x1E80;
	v6 =	vadd.s32 v4, v6  }
0x69: {  	[tilespmem:s5], [sflag:$0x1] =	stream.indirect_vreg.gather [hbm4b:s6+s18], $0x80, v7, vm0, $0xb8;
	[tilespmem:$0x19680] =	vst v63  }
0x6a: {  	s22 =	simm.s32 $0x2680  }
0x6b: {  	[tilespmem:s22], [sflag:$0x1] =	stream.indirect_vreg.gather [hbm4b:s7+s18], $0x80, v7, vm0, $0xb8;
	[tilespmem:$0x19680] =	vst v63  }
0x6c: {  	s23 =	simm.s32 $0x2E80  }
0x6d: {  	[tilespmem:s23], [sflag:$0x1] =	stream.indirect_vreg.gather [hbm4b:s3+s18], $0x80, v6, vm0, $0xb8;
	[tilespmem:$0x19680] =	vst v63  }
0x6e: {  	s8 =	simm.s32 $0x3680  }
0x6f: {  	[tilespmem:s8], [sflag:$0x1] =	stream.indirect_vreg.gather [hbm4b:s6+s18], $0x80, v6, vm0, $0xb8;
	[tilespmem:$0x19680] =	vst v63  }
0x70: {  	s9 =	simm.s32 $0x3E80  }
0x71: {  	[tilespmem:s9], [sflag:$0x1] =	stream.indirect_vreg.gather [hbm4b:s7+s18], $0x80, v6, vm0, $0xb8;
	[tilespmem:$0x19680] =	vst v63  }
0x72: {  	v6 =	vld [tilespmem:$0x1610];
	_ =	sdelay $0x4  }
0x73: {  	v7 =	vshrl.u32 v6, $0x3  }
0x74: {  	v7 =	vmul.u32 $0x30, v7  }
0x75: {  	v6 =	vand.u32 $0x7, v6  }
0x76: {  	v6 =	vor.u32 v6, v7  }
0x77: {  	v7 =	vperm.xlane v6, v3;
	_ =	sdelay $0x1  }
0x78: {  	v7 =	vadd.s32 v4, v7;
	_ =	sdelay $0x3  }
0x79: {  	s19 =	simm.s32 $0x4680;
	v6 =	vperm.xlane v6, v5  }
0x7a: {  	[tilespmem:s19], [sflag:$0x1] =	stream.indirect_vreg.gather [hbm4b:s3+s18], $0x80, v7, vm0, $0xb8;
	[tilespmem:$0x19680] =	vst v63  }
0x7b: {  	s20 =	simm.s32 $0x4E80;
	v6 =	vadd.s32 v4, v6  }
0x7c: {  	[tilespmem:s20], [sflag:$0x1] =	stream.indirect_vreg.gather [hbm4b:s6+s18], $0x80, v7, vm0, $0xb8;
	[tilespmem:$0x19680] =	vst v63  }
0x7d: {  	s21 =	simm.s32 $0x5680  }
0x7e: {  	[tilespmem:s21], [sflag:$0x1] =	stream.indirect_vreg.gather [hbm4b:s7+s18], $0x80, v7, vm0, $0xb8;
	[tilespmem:$0x19680] =	vst v63  }
0x7f: {  	s22 =	simm.s32 $0x5E80  }
0x80: {  	[tilespmem:s22], [sflag:$0x1] =	stream.indirect_vreg.gather [hbm4b:s3+s18], $0x80, v6, vm0, $0xb8;
	[tilespmem:$0x19680] =	vst v63  }
0x81: {  	s23 =	simm.s32 $0x6680  }
0x82: {  	[tilespmem:s23], [sflag:$0x1] =	stream.indirect_vreg.gather [hbm4b:s6+s18], $0x80, v6, vm0, $0xb8;
	[tilespmem:$0x19680] =	vst v63  }
0x83: {  	_ = 	snop  }
0x84: {  	[tilespmem:s25], [sflag:$0x1] =	stream.indirect_vreg.gather [hbm4b:s7+s18], $0x80, v6, vm0, $0xb8;
	[tilespmem:$0x19680] =	vst v63  }
0x85: {  	v6 =	vld [tilespmem:$0x1620];
	_ =	sdelay $0x4  }
0x86: {  	v7 =	vshrl.u32 v6, $0x3  }
0x87: {  	v7 =	vmul.u32 $0x30, v7  }
0x88: {  	v6 =	vand.u32 $0x7, v6  }
0x89: {  	v6 =	vor.u32 v6, v7  }
0x8a: {  	v7 =	vperm.xlane v6, v3;
	_ =	sdelay $0x1  }
0x8b: {  	v7 =	vadd.s32 v4, v7;
	_ =	sdelay $0x3  }
0x8c: {  	v6 =	vperm.xlane v6, v5  }
0x8d: {  	[tilespmem:s26], [sflag:$0x1] =	stream.indirect_vreg.gather [hbm4b:s3+s18], $0x80, v7, vm0, $0xb8;
	[tilespmem:$0x19680] =	vst v63  }
0x8e: {  	v6 =	vadd.s32 v4, v6  }
0x8f: {  	[tilespmem:s28], [sflag:$0x1] =	stream.indirect_vreg.gather [hbm4b:s6+s18], $0x80, v7, vm0, $0xb8;
	[tilespmem:$0x19680] =	vst v63  }
0x90: {  	_ = 	snop  }
0x91: {  	[tilespmem:s29], [sflag:$0x1] =	stream.indirect_vreg.gather [hbm4b:s7+s18], $0x80, v7, vm0, $0xb8;
	[tilespmem:$0x19680] =	vst v63  }
0x92: {  	_ = 	snop  }
0x93: {  	[tilespmem:s30], [sflag:$0x1] =	stream.indirect_vreg.gather [hbm4b:s3+s18], $0x80, v6, vm0, $0xb8;
	[tilespmem:$0x19680] =	vst v63  }
0x94: {  	_ = 	snop  }
0x95: {  	[tilespmem:s31], [sflag:$0x1] =	stream.indirect_vreg.gather [hbm4b:s6+s18], $0x80, v6, vm0, $0xb8;
	[tilespmem:$0x19680] =	vst v63  }
0x96: {  	_ = 	snop  }
0x97: {  	[tilespmem:s0], [sflag:$0x1] =	stream.indirect_vreg.gather [hbm4b:s7+s18], $0x80, v6, vm0, $0xb8;
	[tilespmem:$0x19680] =	vst v63  }
0x98: {  	v6 =	vld [tilespmem:$0x1630];
	_ =	sdelay $0x4  }
0x99: {  	v7 =	vshrl.u32 v6, $0x3  }
0x9a: {  	v7 =	vmul.u32 $0x30, v7  }
0x9b: {  	v6 =	vand.u32 $0x7, v6  }
0x9c: {  	v6 =	vor.u32 v6, v7  }
0x9d: {  	v7 =	vperm.xlane v6, v3;
	_ =	sdelay $0x1  }
0x9e: {  	v7 =	vadd.s32 v4, v7;
	_ =	sdelay $0x3  }
0x9f: {  	v6 =	vperm.xlane v6, v5  }
0xa0: {  	[tilespmem:s1], [sflag:$0x1] =	stream.indirect_vreg.gather [hbm4b:s3+s18], $0x80, v7, vm0, $0xb8;
	[tilespmem:$0x19680] =	vst v63  }
0xa1: {  	v6 =	vadd.s32 v4, v6  }
0xa2: {  	[tilespmem:s10], [sflag:$0x1] =	stream.indirect_vreg.gather [hbm4b:s6+s18], $0x80, v7, vm0, $0xb8;
	[tilespmem:$0x19680] =	vst v63  }
0xa3: {  	_ = 	snop  }
0xa4: {  	[tilespmem:s4], [sflag:$0x1] =	stream.indirect_vreg.gather [hbm4b:s7+s18], $0x80, v7, vm0, $0xb8;
	[tilespmem:$0x19680] =	vst v63  }
0xa5: {  	_ = 	snop  }
0xa6: {  	[tilespmem:s14], [sflag:$0x1] =	stream.indirect_vreg.gather [hbm4b:s3+s18], $0x80, v6, vm0, $0xb8;
	[tilespmem:$0x19680] =	vst v63  }
0xa7: {  	_ = 	snop  }
0xa8: {  	[tilespmem:s15], [sflag:$0x1] =	stream.indirect_vreg.gather [hbm4b:s6+s18], $0x80, v6, vm0, $0xb8;
	[tilespmem:$0x19680] =	vst v63  }
0xa9: {  	_ = 	snop  }
0xaa: {  	[tilespmem:s16], [sflag:$0x1] =	stream.indirect_vreg.gather [hbm4b:s7+s18], $0x80, v6, vm0, $0xb8;
	[tilespmem:$0x19680] =	vst v63  }
0xab: {  	_ =	swait.ge [sflag:s13], $0xC000  }
0xac: {  	[sflag:s13] =	ssyncset.done $0x0  }
0xad: {  	s5 =	simm.s32 $0x0;
	s19 =	simm.s32 $0x0;
	[sflag:s13] =	ssyncadd.s32 $0xFFFF4000  }
.LBB2_4:
0xae: {  	s8 =	sshrl.u32 s19, $0x3  }
0xaf: {  	s9 =	sshrl.u32 s19, $0x2;
	s8 =	smul.u32 $0x6000, s8  }
0xb0: {  	s9 =	smul.u32 $0x6000, s9;
	_ =	sdelay $0x1  }
0xb1: {  	s20 =	sand.u32 $0x380, s18;
	s8 =	sshra.s32 s8, $0x2;
	s21 =	sshra.s32 s9, $0x2  }
0xb2: {  	s20 =	sor.u32 s20, s8;
	s8 =	sand.u32 $0x300, s5;
	s9 =	sadd.s32 $0x1680, s21  }
0xb3: {  	v6 =	vld [tilespmem:s20+$0xD680];
	s23 =	sadd.s32 s8, s9  }
0xb4: {  	s22 =	sor.u32 $0x80, s8;
	v7 =	vld [tilespmem:s23+$0x0]  }
0xb5: {  	s9 =	sadd.s32 s22, s9  }
0xb6: {  	v8 =	vld [tilespmem:s9+$0x0];
	_ =	sdelay $0x2  }
0xb7: {  	v6 =	vadd.f32 v7, v6;
	_ =	sdelay $0x1  }
0xb8: {  	v6 =	vadd.f32 v8, v6;
	_ =	sdelay $0x1  }
0xb9: {  	[tilespmem:s20+$0xD680] =	vst v6;
	v6 =	vld [tilespmem:s20+$0xD690]  }
0xba: {  	v7 =	vld [tilespmem:s23+$0x10];
	_ =	sdelay $0x1  }
0xbb: {  	v17 =	vld [tilespmem:s9+$0x10];
	_ =	sdelay $0x2  }
0xbc: {  	v6 =	vadd.f32 v7, v6;
	_ =	sdelay $0x1  }
0xbd: {  	v6 =	vadd.f32 v17, v6;
	_ =	sdelay $0x1  }
0xbe: {  	[tilespmem:s20+$0xD690] =	vst v6;
	v6 =	vld [tilespmem:s20+$0xD6A0]  }
0xbf: {  	v7 =	vld [tilespmem:s23+$0x20];
	_ =	sdelay $0x1  }
0xc0: {  	v18 =	vld [tilespmem:s9+$0x20];
	_ =	sdelay $0x2  }
0xc1: {  	v6 =	vadd.f32 v7, v6;
	_ =	sdelay $0x1  }
0xc2: {  	v6 =	vadd.f32 v18, v6;
	_ =	sdelay $0x1  }
0xc3: {  	[tilespmem:s20+$0xD6A0] =	vst v6;
	v6 =	vld [tilespmem:s20+$0xD6B0]  }
0xc4: {  	v7 =	vld [tilespmem:s23+$0x30];
	_ =	sdelay $0x1  }
0xc5: {  	v19 =	vld [tilespmem:s9+$0x30];
	_ =	sdelay $0x2  }
0xc6: {  	v6 =	vadd.f32 v7, v6;
	_ =	sdelay $0x1  }
0xc7: {  	v6 =	vadd.f32 v19, v6;
	_ =	sdelay $0x1  }
0xc8: {  	[tilespmem:s20+$0xD6B0] =	vst v6;
	v6 =	vld [tilespmem:s20+$0xD6C0]  }
0xc9: {  	v7 =	vld [tilespmem:s23+$0x40];
	_ =	sdelay $0x1  }
0xca: {  	v20 =	vld [tilespmem:s9+$0x40];
	_ =	sdelay $0x2  }
0xcb: {  	v6 =	vadd.f32 v7, v6;
	_ =	sdelay $0x1  }
0xcc: {  	v6 =	vadd.f32 v20, v6;
	_ =	sdelay $0x1  }
0xcd: {  	[tilespmem:s20+$0xD6C0] =	vst v6;
	v6 =	vld [tilespmem:s20+$0xD6D0]  }
0xce: {  	v7 =	vld [tilespmem:s23+$0x50];
	_ =	sdelay $0x1  }
0xcf: {  	v21 =	vld [tilespmem:s9+$0x50];
	_ =	sdelay $0x2  }
0xd0: {  	v6 =	vadd.f32 v7, v6;
	_ =	sdelay $0x1  }
0xd1: {  	v6 =	vadd.f32 v21, v6;
	_ =	sdelay $0x1  }
0xd2: {  	[tilespmem:s20+$0xD6D0] =	vst v6;
	v6 =	vld [tilespmem:s20+$0xD6E0]  }
0xd3: {  	v7 =	vld [tilespmem:s23+$0x60];
	_ =	sdelay $0x1  }
0xd4: {  	v22 =	vld [tilespmem:s9+$0x60];
	_ =	sdelay $0x2  }
0xd5: {  	v6 =	vadd.f32 v7, v6;
	_ =	sdelay $0x1  }
0xd6: {  	v6 =	vadd.f32 v22, v6;
	_ =	sdelay $0x1  }
0xd7: {  	[tilespmem:s20+$0xD6E0] =	vst v6;
	v6 =	vld [tilespmem:s20+$0xD6F0]  }
0xd8: {  	v7 =	vld [tilespmem:s23+$0x70];
	_ =	sdelay $0x1  }
0xd9: {  	v23 =	vld [tilespmem:s9+$0x70];
	_ =	sdelay $0x2  }
0xda: {  	v6 =	vadd.f32 v7, v6;
	_ =	sdelay $0x1  }
0xdb: {  	v6 =	vadd.f32 v23, v6;
	_ =	sdelay $0x1  }
0xdc: {  	[tilespmem:s20+$0xD6F0] =	vst v6;
	v6 =	vld [tilespmem:s20+$0xDA80]  }
0xdd: {  	v7 =	vld [tilespmem:s23+$0x400];
	_ =	sdelay $0x1  }
0xde: {  	v24 =	vld [tilespmem:s9+$0x400];
	_ =	sdelay $0x2  }
0xdf: {  	v6 =	vadd.f32 v7, v6;
	_ =	sdelay $0x1  }
0xe0: {  	v6 =	vadd.f32 v24, v6;
	_ =	sdelay $0x1  }
0xe1: {  	[tilespmem:s20+$0xDA80] =	vst v6;
	v6 =	vld [tilespmem:s20+$0xDA90]  }
0xe2: {  	v7 =	vld [tilespmem:s23+$0x410];
	_ =	sdelay $0x1  }
0xe3: {  	v25 =	vld [tilespmem:s9+$0x410];
	_ =	sdelay $0x2  }
0xe4: {  	v6 =	vadd.f32 v7, v6;
	_ =	sdelay $0x1  }
0xe5: {  	v6 =	vadd.f32 v25, v6;
	_ =	sdelay $0x1  }
0xe6: {  	[tilespmem:s20+$0xDA90] =	vst v6;
	v6 =	vld [tilespmem:s20+$0xDAA0]  }
0xe7: {  	v7 =	vld [tilespmem:s23+$0x420];
	_ =	sdelay $0x1  }
0xe8: {  	v26 =	vld [tilespmem:s9+$0x420];
	_ =	sdelay $0x2  }
0xe9: {  	v6 =	vadd.f32 v7, v6;
	_ =	sdelay $0x1  }
0xea: {  	v6 =	vadd.f32 v26, v6;
	_ =	sdelay $0x1  }
0xeb: {  	[tilespmem:s20+$0xDAA0] =	vst v6;
	v6 =	vld [tilespmem:s20+$0xDAB0]  }
0xec: {  	v7 =	vld [tilespmem:s23+$0x430];
	_ =	sdelay $0x1  }
0xed: {  	v27 =	vld [tilespmem:s9+$0x430];
	_ =	sdelay $0x2  }
0xee: {  	v6 =	vadd.f32 v7, v6;
	_ =	sdelay $0x1  }
0xef: {  	v6 =	vadd.f32 v27, v6;
	_ =	sdelay $0x1  }
0xf0: {  	[tilespmem:s20+$0xDAB0] =	vst v6;
	v6 =	vld [tilespmem:s20+$0xDAC0]  }
0xf1: {  	v7 =	vld [tilespmem:s23+$0x440];
	_ =	sdelay $0x1  }
0xf2: {  	v28 =	vld [tilespmem:s9+$0x440];
	_ =	sdelay $0x2  }
0xf3: {  	v6 =	vadd.f32 v7, v6;
	_ =	sdelay $0x1  }
0xf4: {  	v6 =	vadd.f32 v28, v6;
	_ =	sdelay $0x1  }
0xf5: {  	[tilespmem:s20+$0xDAC0] =	vst v6;
	v6 =	vld [tilespmem:s20+$0xDAD0]  }
0xf6: {  	v7 =	vld [tilespmem:s23+$0x450];
	_ =	sdelay $0x1  }
0xf7: {  	v29 =	vld [tilespmem:s9+$0x450];
	_ =	sdelay $0x2  }
0xf8: {  	v6 =	vadd.f32 v7, v6;
	_ =	sdelay $0x1  }
0xf9: {  	v6 =	vadd.f32 v29, v6;
	_ =	sdelay $0x1  }
0xfa: {  	[tilespmem:s20+$0xDAD0] =	vst v6;
	v6 =	vld [tilespmem:s20+$0xDAE0]  }
0xfb: {  	v7 =	vld [tilespmem:s23+$0x460];
	_ =	sdelay $0x1  }
0xfc: {  	v30 =	vld [tilespmem:s9+$0x460];
	_ =	sdelay $0x2  }
0xfd: {  	v6 =	vadd.f32 v7, v6;
	_ =	sdelay $0x1  }
0xfe: {  	v6 =	vadd.f32 v30, v6;
	_ =	sdelay $0x1  }
0xff: {  	[tilespmem:s20+$0xDAE0] =	vst v6;
	v6 =	vld [tilespmem:s20+$0xDAF0]  }
0x100: {  	v7 =	vld [tilespmem:s23+$0x470];
	_ =	sdelay $0x1  }
0x101: {  	v31 =	vld [tilespmem:s9+$0x470];
	_ =	sdelay $0x2  }
0x102: {  	v6 =	vadd.f32 v7, v6;
	_ =	sdelay $0x1  }
0x103: {  	v6 =	vadd.f32 v31, v6  }
0x104: {  	s9 =	sadd.s32 $0x1E80, s21  }
0x105: {  	s23 =	sadd.s32 s8, s9;
	[tilespmem:s20+$0xDAF0] =	vst v6;
	v6 =	vld [tilespmem:s20+$0xDE80]  }
0x106: {  	v7 =	vld [tilespmem:s23+$0x0]  }
0x107: {  	s9 =	sadd.s32 s22, s9  }
0x108: {  	v32 =	vld [tilespmem:s9+$0x0];
	_ =	sdelay $0x2  }
0x109: {  	v6 =	vadd.f32 v7, v6;
	_ =	sdelay $0x1  }
0x10a: {  	v6 =	vadd.f32 v32, v6;
	_ =	sdelay $0x1  }
0x10b: {  	[tilespmem:s20+$0xDE80] =	vst v6;
	v6 =	vld [tilespmem:s20+$0xDE90]  }
0x10c: {  	v7 =	vld [tilespmem:s23+$0x10];
	_ =	sdelay $0x1  }
0x10d: {  	v33 =	vld [tilespmem:s9+$0x10];
	_ =	sdelay $0x2  }
0x10e: {  	v6 =	vadd.f32 v7, v6;
	_ =	sdelay $0x1  }
0x10f: {  	v6 =	vadd.f32 v33, v6;
	_ =	sdelay $0x1  }
0x110: {  	[tilespmem:s20+$0xDE90] =	vst v6;
	v6 =	vld [tilespmem:s20+$0xDEA0]  }
0x111: {  	v7 =	vld [tilespmem:s23+$0x20];
	_ =	sdelay $0x1  }
0x112: {  	v34 =	vld [tilespmem:s9+$0x20];
	_ =	sdelay $0x2  }
0x113: {  	v6 =	vadd.f32 v7, v6;
	_ =	sdelay $0x1  }
0x114: {  	v6 =	vadd.f32 v34, v6;
	_ =	sdelay $0x1  }
0x115: {  	[tilespmem:s20+$0xDEA0] =	vst v6;
	v6 =	vld [tilespmem:s20+$0xDEB0]  }
0x116: {  	v7 =	vld [tilespmem:s23+$0x30];
	_ =	sdelay $0x1  }
0x117: {  	v35 =	vld [tilespmem:s9+$0x30];
	_ =	sdelay $0x2  }
0x118: {  	v6 =	vadd.f32 v7, v6;
	_ =	sdelay $0x1  }
0x119: {  	v6 =	vadd.f32 v35, v6;
	_ =	sdelay $0x1  }
0x11a: {  	[tilespmem:s20+$0xDEB0] =	vst v6;
	v6 =	vld [tilespmem:s20+$0xDEC0]  }
0x11b: {  	v7 =	vld [tilespmem:s23+$0x40];
	_ =	sdelay $0x1  }
0x11c: {  	v36 =	vld [tilespmem:s9+$0x40];
	_ =	sdelay $0x2  }
0x11d: {  	v6 =	vadd.f32 v7, v6;
	_ =	sdelay $0x1  }
0x11e: {  	v6 =	vadd.f32 v36, v6;
	_ =	sdelay $0x1  }
0x11f: {  	[tilespmem:s20+$0xDEC0] =	vst v6;
	v6 =	vld [tilespmem:s20+$0xDED0]  }
0x120: {  	v7 =	vld [tilespmem:s23+$0x50];
	_ =	sdelay $0x1  }
0x121: {  	v37 =	vld [tilespmem:s9+$0x50];
	_ =	sdelay $0x2  }
0x122: {  	v6 =	vadd.f32 v7, v6;
	_ =	sdelay $0x1  }
0x123: {  	v6 =	vadd.f32 v37, v6;
	_ =	sdelay $0x1  }
0x124: {  	[tilespmem:s20+$0xDED0] =	vst v6;
	v6 =	vld [tilespmem:s20+$0xDEE0]  }
0x125: {  	v7 =	vld [tilespmem:s23+$0x60];
	_ =	sdelay $0x1  }
0x126: {  	v38 =	vld [tilespmem:s9+$0x60];
	_ =	sdelay $0x2  }
0x127: {  	v6 =	vadd.f32 v7, v6;
	_ =	sdelay $0x1  }
0x128: {  	v6 =	vadd.f32 v38, v6;
	_ =	sdelay $0x1  }
0x129: {  	[tilespmem:s20+$0xDEE0] =	vst v6;
	v6 =	vld [tilespmem:s20+$0xDEF0]  }
0x12a: {  	v7 =	vld [tilespmem:s23+$0x70];
	_ =	sdelay $0x1  }
0x12b: {  	v39 =	vld [tilespmem:s9+$0x70];
	_ =	sdelay $0x2  }
0x12c: {  	v6 =	vadd.f32 v7, v6;
	_ =	sdelay $0x1  }
0x12d: {  	v6 =	vadd.f32 v39, v6  }
0x12e: {  	s9 =	sadd.s32 $0x2280, s21  }
0x12f: {  	s23 =	sadd.s32 s8, s9;
	[tilespmem:s20+$0xDEF0] =	vst v6;
	v6 =	vld [tilespmem:s20+$0xE280]  }
0x130: {  	v7 =	vld [tilespmem:s23+$0x0]  }
0x131: {  	s9 =	sadd.s32 s22, s9  }
0x132: {  	v40 =	vld [tilespmem:s9+$0x0];
	_ =	sdelay $0x2  }
0x133: {  	v6 =	vadd.f32 v7, v6;
	_ =	sdelay $0x1  }
0x134: {  	v6 =	vadd.f32 v40, v6;
	_ =	sdelay $0x1  }
0x135: {  	[tilespmem:s20+$0xE280] =	vst v6;
	v6 =	vld [tilespmem:s20+$0xE290]  }
0x136: {  	v7 =	vld [tilespmem:s23+$0x10];
	_ =	sdelay $0x1  }
0x137: {  	v41 =	vld [tilespmem:s9+$0x10];
	_ =	sdelay $0x2  }
0x138: {  	v6 =	vadd.f32 v7, v6;
	_ =	sdelay $0x1  }
0x139: {  	v6 =	vadd.f32 v41, v6;
	_ =	sdelay $0x1  }
0x13a: {  	[tilespmem:s20+$0xE290] =	vst v6;
	v6 =	vld [tilespmem:s20+$0xE2A0]  }
0x13b: {  	v7 =	vld [tilespmem:s23+$0x20];
	_ =	sdelay $0x1  }
0x13c: {  	v42 =	vld [tilespmem:s9+$0x20];
	_ =	sdelay $0x2  }
0x13d: {  	v6 =	vadd.f32 v7, v6;
	_ =	sdelay $0x1  }
0x13e: {  	v6 =	vadd.f32 v42, v6;
	_ =	sdelay $0x1  }
0x13f: {  	[tilespmem:s20+$0xE2A0] =	vst v6;
	v6 =	vld [tilespmem:s20+$0xE2B0]  }
0x140: {  	v7 =	vld [tilespmem:s23+$0x30];
	_ =	sdelay $0x1  }
0x141: {  	v43 =	vld [tilespmem:s9+$0x30];
	_ =	sdelay $0x2  }
0x142: {  	v6 =	vadd.f32 v7, v6;
	_ =	sdelay $0x1  }
0x143: {  	v6 =	vadd.f32 v43, v6;
	_ =	sdelay $0x1  }
0x144: {  	[tilespmem:s20+$0xE2B0] =	vst v6;
	v6 =	vld [tilespmem:s20+$0xE2C0]  }
0x145: {  	v7 =	vld [tilespmem:s23+$0x40];
	_ =	sdelay $0x1  }
0x146: {  	v44 =	vld [tilespmem:s9+$0x40];
	_ =	sdelay $0x2  }
0x147: {  	v6 =	vadd.f32 v7, v6;
	_ =	sdelay $0x1  }
0x148: {  	v6 =	vadd.f32 v44, v6;
	_ =	sdelay $0x1  }
0x149: {  	[tilespmem:s20+$0xE2C0] =	vst v6;
	v6 =	vld [tilespmem:s20+$0xE2D0]  }
0x14a: {  	v7 =	vld [tilespmem:s23+$0x50];
	_ =	sdelay $0x1  }
0x14b: {  	v45 =	vld [tilespmem:s9+$0x50];
	_ =	sdelay $0x2  }
0x14c: {  	v6 =	vadd.f32 v7, v6;
	_ =	sdelay $0x1  }
0x14d: {  	v6 =	vadd.f32 v45, v6;
	_ =	sdelay $0x1  }
0x14e: {  	[tilespmem:s20+$0xE2D0] =	vst v6;
	v6 =	vld [tilespmem:s20+$0xE2E0]  }
0x14f: {  	v7 =	vld [tilespmem:s23+$0x60];
	_ =	sdelay $0x1  }
0x150: {  	v46 =	vld [tilespmem:s9+$0x60];
	_ =	sdelay $0x2  }
0x151: {  	v6 =	vadd.f32 v7, v6;
	_ =	sdelay $0x1  }
0x152: {  	v6 =	vadd.f32 v46, v6;
	_ =	sdelay $0x1  }
0x153: {  	[tilespmem:s20+$0xE2E0] =	vst v6;
	v6 =	vld [tilespmem:s20+$0xE2F0]  }
0x154: {  	v7 =	vld [tilespmem:s23+$0x70];
	_ =	sdelay $0x1  }
0x155: {  	v47 =	vld [tilespmem:s9+$0x70];
	_ =	sdelay $0x2  }
0x156: {  	v6 =	vadd.f32 v7, v6;
	_ =	sdelay $0x1  }
0x157: {  	v6 =	vadd.f32 v47, v6  }
0x158: {  	s9 =	sadd.s32 $0x2680, s21  }
0x159: {  	s23 =	sadd.s32 s8, s9;
	[tilespmem:s20+$0xE2F0] =	vst v6;
	v6 =	vld [tilespmem:s20+$0xE680]  }
0x15a: {  	v7 =	vld [tilespmem:s23+$0x0]  }
0x15b: {  	s9 =	sadd.s32 s22, s9  }
0x15c: {  	v48 =	vld [tilespmem:s9+$0x0];
	_ =	sdelay $0x2  }
0x15d: {  	v6 =	vadd.f32 v7, v6;
	_ =	sdelay $0x1  }
0x15e: {  	v6 =	vadd.f32 v48, v6;
	_ =	sdelay $0x1  }
0x15f: {  	[tilespmem:s20+$0xE680] =	vst v6;
	v6 =	vld [tilespmem:s20+$0xE690]  }
0x160: {  	v7 =	vld [tilespmem:s23+$0x10];
	_ =	sdelay $0x1  }
0x161: {  	v49 =	vld [tilespmem:s9+$0x10];
	_ =	sdelay $0x2  }
0x162: {  	v6 =	vadd.f32 v7, v6;
	_ =	sdelay $0x1  }
0x163: {  	v6 =	vadd.f32 v49, v6;
	_ =	sdelay $0x1  }
0x164: {  	[tilespmem:s20+$0xE690] =	vst v6;
	v6 =	vld [tilespmem:s20+$0xE6A0]  }
0x165: {  	v7 =	vld [tilespmem:s23+$0x20];
	_ =	sdelay $0x1  }
0x166: {  	v50 =	vld [tilespmem:s9+$0x20];
	_ =	sdelay $0x2  }
0x167: {  	v6 =	vadd.f32 v7, v6;
	_ =	sdelay $0x1  }
0x168: {  	v6 =	vadd.f32 v50, v6;
	_ =	sdelay $0x1  }
0x169: {  	[tilespmem:s20+$0xE6A0] =	vst v6;
	v6 =	vld [tilespmem:s20+$0xE6B0]  }
0x16a: {  	v7 =	vld [tilespmem:s23+$0x30];
	_ =	sdelay $0x1  }
0x16b: {  	v51 =	vld [tilespmem:s9+$0x30];
	_ =	sdelay $0x2  }
0x16c: {  	v6 =	vadd.f32 v7, v6;
	_ =	sdelay $0x1  }
0x16d: {  	v6 =	vadd.f32 v51, v6;
	_ =	sdelay $0x1  }
0x16e: {  	[tilespmem:s20+$0xE6B0] =	vst v6;
	v6 =	vld [tilespmem:s20+$0xE6C0]  }
0x16f: {  	v7 =	vld [tilespmem:s23+$0x40];
	_ =	sdelay $0x1  }
0x170: {  	v52 =	vld [tilespmem:s9+$0x40];
	_ =	sdelay $0x2  }
0x171: {  	v6 =	vadd.f32 v7, v6;
	_ =	sdelay $0x1  }
0x172: {  	v6 =	vadd.f32 v52, v6;
	_ =	sdelay $0x1  }
0x173: {  	[tilespmem:s20+$0xE6C0] =	vst v6;
	v6 =	vld [tilespmem:s20+$0xE6D0]  }
0x174: {  	v7 =	vld [tilespmem:s23+$0x50];
	_ =	sdelay $0x1  }
0x175: {  	v53 =	vld [tilespmem:s9+$0x50];
	_ =	sdelay $0x2  }
0x176: {  	v6 =	vadd.f32 v7, v6;
	_ =	sdelay $0x1  }
0x177: {  	v6 =	vadd.f32 v53, v6;
	_ =	sdelay $0x1  }
0x178: {  	[tilespmem:s20+$0xE6D0] =	vst v6;
	v6 =	vld [tilespmem:s20+$0xE6E0]  }
0x179: {  	v7 =	vld [tilespmem:s23+$0x60];
	_ =	sdelay $0x1  }
0x17a: {  	v54 =	vld [tilespmem:s9+$0x60];
	_ =	sdelay $0x2  }
0x17b: {  	v6 =	vadd.f32 v7, v6;
	_ =	sdelay $0x1  }
0x17c: {  	v6 =	vadd.f32 v54, v6;
	_ =	sdelay $0x1  }
0x17d: {  	[tilespmem:s20+$0xE6E0] =	vst v6;
	v6 =	vld [tilespmem:s20+$0xE6F0]  }
0x17e: {  	v7 =	vld [tilespmem:s23+$0x70];
	_ =	sdelay $0x1  }
0x17f: {  	v55 =	vld [tilespmem:s9+$0x70];
	_ =	sdelay $0x2  }
0x180: {  	v6 =	vadd.f32 v7, v6;
	_ =	sdelay $0x1  }
0x181: {  	v6 =	vadd.f32 v55, v6  }
0x182: {  	s23 =	sadd.s32 $0x2A80, s21  }
0x183: {  	s8 =	sadd.s32 s8, s23;
	[tilespmem:s20+$0xE6F0] =	vst v6;
	v6 =	vld [tilespmem:s20+$0xEA80]  }
0x184: {  	v7 =	vld [tilespmem:s8+$0x0]  }
0x185: {  	s9 =	sadd.s32 s22, s23  }
0x186: {  	v56 =	vld [tilespmem:s9+$0x0];
	_ =	sdelay $0x2  }
0x187: {  	v6 =	vadd.f32 v7, v6;
	_ =	sdelay $0x1  }
0x188: {  	v6 =	vadd.f32 v56, v6;
	_ =	sdelay $0x1  }
0x189: {  	[tilespmem:s20+$0xEA80] =	vst v6;
	v6 =	vld [tilespmem:s20+$0xEA90]  }
0x18a: {  	v7 =	vld [tilespmem:s8+$0x10];
	_ =	sdelay $0x1  }
0x18b: {  	v57 =	vld [tilespmem:s9+$0x10];
	_ =	sdelay $0x2  }
0x18c: {  	v6 =	vadd.f32 v7, v6;
	_ =	sdelay $0x1  }
0x18d: {  	v6 =	vadd.f32 v57, v6;
	_ =	sdelay $0x1  }
0x18e: {  	[tilespmem:s20+$0xEA90] =	vst v6;
	v6 =	vld [tilespmem:s20+$0xEAA0]  }
0x18f: {  	v7 =	vld [tilespmem:s8+$0x20];
	_ =	sdelay $0x1  }
0x190: {  	v58 =	vld [tilespmem:s9+$0x20];
	_ =	sdelay $0x2  }
0x191: {  	v6 =	vadd.f32 v7, v6;
	_ =	sdelay $0x1  }
0x192: {  	v6 =	vadd.f32 v58, v6;
	_ =	sdelay $0x1  }
0x193: {  	[tilespmem:s20+$0xEAA0] =	vst v6;
	v6 =	vld [tilespmem:s20+$0xEAB0]  }
0x194: {  	v7 =	vld [tilespmem:s8+$0x30];
	_ =	sdelay $0x1  }
0x195: {  	v59 =	vld [tilespmem:s9+$0x30];
	_ =	sdelay $0x2  }
0x196: {  	v6 =	vadd.f32 v7, v6;
	_ =	sdelay $0x1  }
0x197: {  	v6 =	vadd.f32 v59, v6;
	_ =	sdelay $0x1  }
0x198: {  	[tilespmem:s20+$0xEAB0] =	vst v6;
	v6 =	vld [tilespmem:s20+$0xEAC0]  }
0x199: {  	v7 =	vld [tilespmem:s8+$0x40];
	_ =	sdelay $0x1  }
0x19a: {  	v60 =	vld [tilespmem:s9+$0x40];
	_ =	sdelay $0x2  }
0x19b: {  	v6 =	vadd.f32 v7, v6;
	_ =	sdelay $0x1  }
0x19c: {  	v6 =	vadd.f32 v60, v6;
	_ =	sdelay $0x1  }
0x19d: {  	[tilespmem:s20+$0xEAC0] =	vst v6;
	v6 =	vld [tilespmem:s20+$0xEAD0]  }
0x19e: {  	v7 =	vld [tilespmem:s8+$0x50];
	_ =	sdelay $0x1  }
0x19f: {  	v61 =	vld [tilespmem:s9+$0x50];
	_ =	sdelay $0x2  }
0x1a0: {  	v6 =	vadd.f32 v7, v6;
	_ =	sdelay $0x1  }
0x1a1: {  	v6 =	vadd.f32 v61, v6;
	_ =	sdelay $0x1  }
0x1a2: {  	[tilespmem:s20+$0xEAD0] =	vst v6;
	v6 =	vld [tilespmem:s20+$0xEAE0]  }
0x1a3: {  	v7 =	vld [tilespmem:s8+$0x60];
	_ =	sdelay $0x1  }
0x1a4: {  	v62 =	vld [tilespmem:s9+$0x60];
	_ =	sdelay $0x2  }
0x1a5: {  	v6 =	vadd.f32 v7, v6;
	_ =	sdelay $0x1  }
0x1a6: {  	v6 =	vadd.f32 v62, v6;
	_ =	sdelay $0x1  }
0x1a7: {  	[tilespmem:s20+$0xEAE0] =	vst v6;
	v6 =	vld [tilespmem:s20+$0xEAF0]  }
0x1a8: {  	v7 =	vld [tilespmem:s8+$0x70];
	_ =	sdelay $0x1  }
0x1a9: {  	v63 =	vld [tilespmem:s9+$0x70];
	_ =	sdelay $0x1  }
0x1aa: {  	p0 =	sne.s32 s19, $0x1F  }
.Ltmp1:
0x1ab: {  	v6 =	vadd.f32 v7, v6;
	(pc) =	sbr.rel @p0 .LBB2_4-.Ltmp1, $3  }
0x1ac: {  	_ = 	snop  }
0x1ad: {  	v6 =	vadd.f32 v63, v6;
	_ =	sdelay $0x1  }
0x1ae: {  	s18 =	sadd.s32 $0x80, s18;
	s19 =	sadd.s32 $0x1, s19;
	s5 =	sadd.s32 $0x100, s5;
	[tilespmem:s20+$0xEAF0] =	vst v6  }
0x1af: {  	v6 =	vld [tilespmem:$0x1640];
	_ =	sdelay $0x4  }
0x1b0: {  	v7 =	vshrl.u32 v6, $0x3  }
0x1b1: {  	v7 =	vmul.u32 $0x30, v7  }
0x1b2: {  	v6 =	vand.u32 $0x7, v6  }
0x1b3: {  	v6 =	vor.u32 v6, v7  }
0x1b4: {  	v7 =	vperm.xlane v6, v3;
	_ =	sdelay $0x1  }
0x1b5: {  	v7 =	vadd.s32 v4, v7;
	_ =	sdelay $0x3  }
0x1b6: {  	s18 =	simm.s32 $0x0;
	v6 =	vperm.xlane v6, v5  }
0x1b7: {  	[tilespmem:s24], [sflag:$0x1] =	stream.indirect_vreg.gather [hbm4b:s3+s18], $0x80, v7, vm0, $0xb8;
	[tilespmem:$0x19680] =	vst v63  }
0x1b8: {  	s5 =	simm.s32 $0x1E80;
	v6 =	vadd.s32 v4, v6  }
0x1b9: {  	[tilespmem:s5], [sflag:$0x1] =	stream.indirect_vreg.gather [hbm4b:s6+s18], $0x80, v7, vm0, $0xb8;
	[tilespmem:$0x19680] =	vst v63  }
0x1ba: {  	s24 =	simm.s32 $0x2680  }
0x1bb: {  	[tilespmem:s24], [sflag:$0x1] =	stream.indirect_vreg.gather [hbm4b:s7+s18], $0x80, v7, vm0, $0xb8;
	[tilespmem:$0x19680] =	vst v63  }
0x1bc: {  	s8 =	simm.s32 $0x2E80  }
0x1bd: {  	[tilespmem:s8], [sflag:$0x1] =	stream.indirect_vreg.gather [hbm4b:s3+s18], $0x80, v6, vm0, $0xb8;
	[tilespmem:$0x19680] =	vst v63  }
0x1be: {  	s9 =	simm.s32 $0x3680  }
0x1bf: {  	[tilespmem:s9], [sflag:$0x1] =	stream.indirect_vreg.gather [hbm4b:s6+s18], $0x80, v6, vm0, $0xb8;
	[tilespmem:$0x19680] =	vst v63  }
0x1c0: {  	s19 =	simm.s32 $0x3E80  }
0x1c1: {  	[tilespmem:s19], [sflag:$0x1] =	stream.indirect_vreg.gather [hbm4b:s7+s18], $0x80, v6, vm0, $0xb8;
	[tilespmem:$0x19680] =	vst v63  }
0x1c2: {  	v6 =	vld [tilespmem:$0x1650];
	_ =	sdelay $0x4  }
0x1c3: {  	v7 =	vshrl.u32 v6, $0x3  }
0x1c4: {  	v7 =	vmul.u32 $0x30, v7  }
0x1c5: {  	v6 =	vand.u32 $0x7, v6  }
0x1c6: {  	v6 =	vor.u32 v6, v7  }
0x1c7: {  	v7 =	vperm.xlane v6, v3;
	_ =	sdelay $0x1  }
0x1c8: {  	v7 =	vadd.s32 v4, v7;
	_ =	sdelay $0x3  }
0x1c9: {  	s20 =	simm.s32 $0x4680;
	v6 =	vperm.xlane v6, v5  }
0x1ca: {  	[tilespmem:s20], [sflag:$0x1] =	stream.indirect_vreg.gather [hbm4b:s3+s18], $0x80, v7, vm0, $0xb8;
	[tilespmem:$0x19680] =	vst v63  }
0x1cb: {  	s21 =	simm.s32 $0x4E80;
	v6 =	vadd.s32 v4, v6  }
0x1cc: {  	[tilespmem:s21], [sflag:$0x1] =	stream.indirect_vreg.gather [hbm4b:s6+s18], $0x80, v7, vm0, $0xb8;
	[tilespmem:$0x19680] =	vst v63  }
0x1cd: {  	s22 =	simm.s32 $0x5680  }
0x1ce: {  	[tilespmem:s22], [sflag:$0x1] =	stream.indirect_vreg.gather [hbm4b:s7+s18], $0x80, v7, vm0, $0xb8;
	[tilespmem:$0x19680] =	vst v63  }
0x1cf: {  	s23 =	simm.s32 $0x5E80  }
0x1d0: {  	[tilespmem:s23], [sflag:$0x1] =	stream.indirect_vreg.gather [hbm4b:s3+s18], $0x80, v6, vm0, $0xb8;
	[tilespmem:$0x19680] =	vst v63  }
0x1d1: {  	s24 =	simm.s32 $0x6680  }
0x1d2: {  	[tilespmem:s24], [sflag:$0x1] =	stream.indirect_vreg.gather [hbm4b:s6+s18], $0x80, v6, vm0, $0xb8;
	[tilespmem:$0x19680] =	vst v63  }
0x1d3: {  	_ = 	snop  }
0x1d4: {  	[tilespmem:s25], [sflag:$0x1] =	stream.indirect_vreg.gather [hbm4b:s7+s18], $0x80, v6, vm0, $0xb8;
	[tilespmem:$0x19680] =	vst v63  }
0x1d5: {  	v6 =	vld [tilespmem:$0x1660];
	_ =	sdelay $0x4  }
0x1d6: {  	v7 =	vshrl.u32 v6, $0x3  }
0x1d7: {  	v7 =	vmul.u32 $0x30, v7  }
0x1d8: {  	v6 =	vand.u32 $0x7, v6  }
0x1d9: {  	v6 =	vor.u32 v6, v7  }
0x1da: {  	v7 =	vperm.xlane v6, v3;
	_ =	sdelay $0x1  }
0x1db: {  	v7 =	vadd.s32 v4, v7;
	_ =	sdelay $0x3  }
0x1dc: {  	v6 =	vperm.xlane v6, v5  }
0x1dd: {  	[tilespmem:s26], [sflag:$0x1] =	stream.indirect_vreg.gather [hbm4b:s3+s18], $0x80, v7, vm0, $0xb8;
	[tilespmem:$0x19680] =	vst v63  }
0x1de: {  	v6 =	vadd.s32 v4, v6  }
0x1df: {  	[tilespmem:s28], [sflag:$0x1] =	stream.indirect_vreg.gather [hbm4b:s6+s18], $0x80, v7, vm0, $0xb8;
	[tilespmem:$0x19680] =	vst v63  }
0x1e0: {  	_ = 	snop  }
0x1e1: {  	[tilespmem:s29], [sflag:$0x1] =	stream.indirect_vreg.gather [hbm4b:s7+s18], $0x80, v7, vm0, $0xb8;
	[tilespmem:$0x19680] =	vst v63  }
0x1e2: {  	_ = 	snop  }
0x1e3: {  	[tilespmem:s30], [sflag:$0x1] =	stream.indirect_vreg.gather [hbm4b:s3+s18], $0x80, v6, vm0, $0xb8;
	[tilespmem:$0x19680] =	vst v63  }
0x1e4: {  	_ = 	snop  }
0x1e5: {  	[tilespmem:s31], [sflag:$0x1] =	stream.indirect_vreg.gather [hbm4b:s6+s18], $0x80, v6, vm0, $0xb8;
	[tilespmem:$0x19680] =	vst v63  }
0x1e6: {  	_ = 	snop  }
0x1e7: {  	[tilespmem:s0], [sflag:$0x1] =	stream.indirect_vreg.gather [hbm4b:s7+s18], $0x80, v6, vm0, $0xb8;
	[tilespmem:$0x19680] =	vst v63  }
0x1e8: {  	v6 =	vld [tilespmem:$0x1670];
	_ =	sdelay $0x4  }
0x1e9: {  	v7 =	vshrl.u32 v6, $0x3  }
0x1ea: {  	v7 =	vmul.u32 $0x30, v7  }
0x1eb: {  	v6 =	vand.u32 $0x7, v6  }
0x1ec: {  	v6 =	vor.u32 v6, v7  }
0x1ed: {  	v7 =	vperm.xlane v6, v3;
	_ =	sdelay $0x1  }
0x1ee: {  	v7 =	vadd.s32 v4, v7;
	_ =	sdelay $0x3  }
0x1ef: {  	v6 =	vperm.xlane v6, v5  }
0x1f0: {  	[tilespmem:s1], [sflag:$0x1] =	stream.indirect_vreg.gather [hbm4b:s3+s18], $0x80, v7, vm0, $0xb8;
	[tilespmem:$0x19680] =	vst v63  }
0x1f1: {  	v6 =	vadd.s32 v4, v6  }
0x1f2: {  	[tilespmem:s10], [sflag:$0x1] =	stream.indirect_vreg.gather [hbm4b:s6+s18], $0x80, v7, vm0, $0xb8;
	[tilespmem:$0x19680] =	vst v63  }
0x1f3: {  	_ = 	snop  }
0x1f4: {  	[tilespmem:s4], [sflag:$0x1] =	stream.indirect_vreg.gather [hbm4b:s7+s18], $0x80, v7, vm0, $0xb8;
	[tilespmem:$0x19680] =	vst v63  }
0x1f5: {  	_ = 	snop  }
0x1f6: {  	[tilespmem:s14], [sflag:$0x1] =	stream.indirect_vreg.gather [hbm4b:s3+s18], $0x80, v6, vm0, $0xb8;
	[tilespmem:$0x19680] =	vst v63  }
0x1f7: {  	_ = 	snop  }
0x1f8: {  	[tilespmem:s15], [sflag:$0x1] =	stream.indirect_vreg.gather [hbm4b:s6+s18], $0x80, v6, vm0, $0xb8;
	[tilespmem:$0x19680] =	vst v63  }
0x1f9: {  	_ = 	snop  }
0x1fa: {  	[tilespmem:s16], [sflag:$0x1] =	stream.indirect_vreg.gather [hbm4b:s7+s18], $0x80, v6, vm0, $0xb8;
	[tilespmem:$0x19680] =	vst v63  }
0x1fb: {  	_ =	swait.ge [sflag:s13], $0xC000  }
0x1fc: {  	[sflag:s13] =	ssyncset.done $0x0  }
0x1fd: {  	s5 =	simm.s32 $0x0;
	s19 =	simm.s32 $0x0;
	[sflag:s13] =	ssyncadd.s32 $0xFFFF4000  }
.LBB2_6:
0x1fe: {  	s8 =	sshrl.u32 s19, $0x3  }
0x1ff: {  	s9 =	sshrl.u32 s19, $0x2;
	s8 =	smul.u32 $0x6000, s8  }
0x200: {  	s9 =	smul.u32 $0x6000, s9;
	_ =	sdelay $0x1  }
0x201: {  	s20 =	sand.u32 $0x380, s18;
	s8 =	sshra.s32 s8, $0x2;
	s22 =	sshra.s32 s9, $0x2  }
0x202: {  	s21 =	sand.u32 $0x300, s5;
	s20 =	sor.u32 s20, s8;
	s9 =	sadd.s32 $0x1680, s22  }
0x203: {  	v6 =	vld [tilespmem:s20+$0x13680];
	s23 =	sadd.s32 s21, s9  }
0x204: {  	s8 =	sor.u32 $0x80, s21;
	v7 =	vld [tilespmem:s23+$0x0]  }
0x205: {  	s9 =	sadd.s32 s8, s9  }
0x206: {  	v8 =	vld [tilespmem:s9+$0x0];
	_ =	sdelay $0x2  }
0x207: {  	v6 =	vadd.f32 v7, v6;
	_ =	sdelay $0x1  }
0x208: {  	v6 =	vadd.f32 v8, v6;
	_ =	sdelay $0x1  }
0x209: {  	s24 =	sadd.s32 $0x13680, s20;
	[tilespmem:s20+$0x13680] =	vst v6  }
0x20a: {  	v6 =	vld [tilespmem:s24+$0x10]  }
0x20b: {  	v7 =	vld [tilespmem:s23+$0x10];
	_ =	sdelay $0x1  }
0x20c: {  	v17 =	vld [tilespmem:s9+$0x10];
	_ =	sdelay $0x2  }
0x20d: {  	v6 =	vadd.f32 v7, v6;
	_ =	sdelay $0x1  }
0x20e: {  	v6 =	vadd.f32 v17, v6;
	_ =	sdelay $0x1  }
0x20f: {  	[tilespmem:s24+$0x10] =	vst v6;
	v6 =	vld [tilespmem:s24+$0x20]  }
0x210: {  	v7 =	vld [tilespmem:s23+$0x20];
	_ =	sdelay $0x1  }
0x211: {  	v18 =	vld [tilespmem:s9+$0x20];
	_ =	sdelay $0x2  }
0x212: {  	v6 =	vadd.f32 v7, v6;
	_ =	sdelay $0x1  }
0x213: {  	v6 =	vadd.f32 v18, v6;
	_ =	sdelay $0x1  }
0x214: {  	[tilespmem:s24+$0x20] =	vst v6;
	v6 =	vld [tilespmem:s24+$0x30]  }
0x215: {  	v7 =	vld [tilespmem:s23+$0x30];
	_ =	sdelay $0x1  }
0x216: {  	v19 =	vld [tilespmem:s9+$0x30];
	_ =	sdelay $0x2  }
0x217: {  	v6 =	vadd.f32 v7, v6;
	_ =	sdelay $0x1  }
0x218: {  	v6 =	vadd.f32 v19, v6;
	_ =	sdelay $0x1  }
0x219: {  	[tilespmem:s24+$0x30] =	vst v6;
	v6 =	vld [tilespmem:s24+$0x40]  }
0x21a: {  	v7 =	vld [tilespmem:s23+$0x40];
	_ =	sdelay $0x1  }
0x21b: {  	v20 =	vld [tilespmem:s9+$0x40];
	_ =	sdelay $0x2  }
0x21c: {  	v6 =	vadd.f32 v7, v6;
	_ =	sdelay $0x1  }
0x21d: {  	v6 =	vadd.f32 v20, v6;
	_ =	sdelay $0x1  }
0x21e: {  	[tilespmem:s24+$0x40] =	vst v6;
	v6 =	vld [tilespmem:s24+$0x50]  }
0x21f: {  	v7 =	vld [tilespmem:s23+$0x50];
	_ =	sdelay $0x1  }
0x220: {  	v21 =	vld [tilespmem:s9+$0x50];
	_ =	sdelay $0x2  }
0x221: {  	v6 =	vadd.f32 v7, v6;
	_ =	sdelay $0x1  }
0x222: {  	v6 =	vadd.f32 v21, v6;
	_ =	sdelay $0x1  }
0x223: {  	[tilespmem:s24+$0x50] =	vst v6;
	v6 =	vld [tilespmem:s24+$0x60]  }
0x224: {  	v7 =	vld [tilespmem:s23+$0x60];
	_ =	sdelay $0x1  }
0x225: {  	v22 =	vld [tilespmem:s9+$0x60];
	_ =	sdelay $0x2  }
0x226: {  	v6 =	vadd.f32 v7, v6;
	_ =	sdelay $0x1  }
0x227: {  	v6 =	vadd.f32 v22, v6;
	_ =	sdelay $0x1  }
0x228: {  	[tilespmem:s24+$0x60] =	vst v6;
	v6 =	vld [tilespmem:s24+$0x70]  }
0x229: {  	v7 =	vld [tilespmem:s23+$0x70];
	_ =	sdelay $0x1  }
0x22a: {  	v23 =	vld [tilespmem:s9+$0x70];
	_ =	sdelay $0x2  }
0x22b: {  	v6 =	vadd.f32 v7, v6;
	_ =	sdelay $0x1  }
0x22c: {  	v6 =	vadd.f32 v23, v6;
	_ =	sdelay $0x1  }
0x22d: {  	[tilespmem:s24+$0x70] =	vst v6;
	v6 =	vld [tilespmem:s24+$0x400]  }
0x22e: {  	v7 =	vld [tilespmem:s23+$0x400];
	_ =	sdelay $0x1  }
0x22f: {  	v24 =	vld [tilespmem:s9+$0x400];
	_ =	sdelay $0x2  }
0x230: {  	v6 =	vadd.f32 v7, v6;
	_ =	sdelay $0x1  }
0x231: {  	v6 =	vadd.f32 v24, v6;
	_ =	sdelay $0x1  }
0x232: {  	[tilespmem:s24+$0x400] =	vst v6;
	v6 =	vld [tilespmem:s24+$0x410]  }
0x233: {  	v7 =	vld [tilespmem:s23+$0x410];
	_ =	sdelay $0x1  }
0x234: {  	v25 =	vld [tilespmem:s9+$0x410];
	_ =	sdelay $0x2  }
0x235: {  	v6 =	vadd.f32 v7, v6;
	_ =	sdelay $0x1  }
0x236: {  	v6 =	vadd.f32 v25, v6;
	_ =	sdelay $0x1  }
0x237: {  	[tilespmem:s24+$0x410] =	vst v6;
	v6 =	vld [tilespmem:s24+$0x420]  }
0x238: {  	v7 =	vld [tilespmem:s23+$0x420];
	_ =	sdelay $0x1  }
0x239: {  	v26 =	vld [tilespmem:s9+$0x420];
	_ =	sdelay $0x2  }
0x23a: {  	v6 =	vadd.f32 v7, v6;
	_ =	sdelay $0x1  }
0x23b: {  	v6 =	vadd.f32 v26, v6;
	_ =	sdelay $0x1  }
0x23c: {  	[tilespmem:s24+$0x420] =	vst v6;
	v6 =	vld [tilespmem:s24+$0x430]  }
0x23d: {  	v7 =	vld [tilespmem:s23+$0x430];
	_ =	sdelay $0x1  }
0x23e: {  	v27 =	vld [tilespmem:s9+$0x430];
	_ =	sdelay $0x2  }
0x23f: {  	v6 =	vadd.f32 v7, v6;
	_ =	sdelay $0x1  }
0x240: {  	v6 =	vadd.f32 v27, v6;
	_ =	sdelay $0x1  }
0x241: {  	[tilespmem:s24+$0x430] =	vst v6;
	v6 =	vld [tilespmem:s24+$0x440]  }
0x242: {  	v7 =	vld [tilespmem:s23+$0x440];
	_ =	sdelay $0x1  }
0x243: {  	v28 =	vld [tilespmem:s9+$0x440];
	_ =	sdelay $0x2  }
0x244: {  	v6 =	vadd.f32 v7, v6;
	_ =	sdelay $0x1  }
0x245: {  	v6 =	vadd.f32 v28, v6;
	_ =	sdelay $0x1  }
0x246: {  	[tilespmem:s24+$0x440] =	vst v6;
	v6 =	vld [tilespmem:s24+$0x450]  }
0x247: {  	v7 =	vld [tilespmem:s23+$0x450];
	_ =	sdelay $0x1  }
0x248: {  	v29 =	vld [tilespmem:s9+$0x450];
	_ =	sdelay $0x2  }
0x249: {  	v6 =	vadd.f32 v7, v6;
	_ =	sdelay $0x1  }
0x24a: {  	v6 =	vadd.f32 v29, v6;
	_ =	sdelay $0x1  }
0x24b: {  	[tilespmem:s24+$0x450] =	vst v6;
	v6 =	vld [tilespmem:s24+$0x460]  }
0x24c: {  	v7 =	vld [tilespmem:s23+$0x460];
	_ =	sdelay $0x1  }
0x24d: {  	v30 =	vld [tilespmem:s9+$0x460];
	_ =	sdelay $0x2  }
0x24e: {  	v6 =	vadd.f32 v7, v6;
	_ =	sdelay $0x1  }
0x24f: {  	v6 =	vadd.f32 v30, v6;
	_ =	sdelay $0x1  }
0x250: {  	[tilespmem:s24+$0x460] =	vst v6;
	v6 =	vld [tilespmem:s24+$0x470]  }
0x251: {  	v7 =	vld [tilespmem:s23+$0x470];
	_ =	sdelay $0x1  }
0x252: {  	v31 =	vld [tilespmem:s9+$0x470];
	_ =	sdelay $0x2  }
0x253: {  	v6 =	vadd.f32 v7, v6;
	_ =	sdelay $0x1  }
0x254: {  	v6 =	vadd.f32 v31, v6;
	_ =	sdelay $0x1  }
0x255: {  	[tilespmem:s24+$0x470] =	vst v6;
	s24 =	sadd.s32 $0x1E80, s22  }
0x256: {  	v6 =	vld [tilespmem:s20+$0x13E80];
	s23 =	sadd.s32 s21, s24  }
0x257: {  	v7 =	vld [tilespmem:s23+$0x0]  }
0x258: {  	s9 =	sadd.s32 s8, s24  }
0x259: {  	v32 =	vld [tilespmem:s9+$0x0];
	_ =	sdelay $0x2  }
0x25a: {  	v6 =	vadd.f32 v7, v6;
	_ =	sdelay $0x1  }
0x25b: {  	v6 =	vadd.f32 v32, v6;
	_ =	sdelay $0x1  }
0x25c: {  	s24 =	sadd.s32 $0x13E80, s20;
	[tilespmem:s20+$0x13E80] =	vst v6  }
0x25d: {  	v6 =	vld [tilespmem:s24+$0x10]  }
0x25e: {  	v7 =	vld [tilespmem:s23+$0x10];
	_ =	sdelay $0x1  }
0x25f: {  	v33 =	vld [tilespmem:s9+$0x10];
	_ =	sdelay $0x2  }
0x260: {  	v6 =	vadd.f32 v7, v6;
	_ =	sdelay $0x1  }
0x261: {  	v6 =	vadd.f32 v33, v6;
	_ =	sdelay $0x1  }
0x262: {  	[tilespmem:s24+$0x10] =	vst v6;
	v6 =	vld [tilespmem:s24+$0x20]  }
0x263: {  	v7 =	vld [tilespmem:s23+$0x20];
	_ =	sdelay $0x1  }
0x264: {  	v34 =	vld [tilespmem:s9+$0x20];
	_ =	sdelay $0x2  }
0x265: {  	v6 =	vadd.f32 v7, v6;
	_ =	sdelay $0x1  }
0x266: {  	v6 =	vadd.f32 v34, v6;
	_ =	sdelay $0x1  }
0x267: {  	[tilespmem:s24+$0x20] =	vst v6;
	v6 =	vld [tilespmem:s24+$0x30]  }
0x268: {  	v7 =	vld [tilespmem:s23+$0x30];
	_ =	sdelay $0x1  }
0x269: {  	v35 =	vld [tilespmem:s9+$0x30];
	_ =	sdelay $0x2  }
0x26a: {  	v6 =	vadd.f32 v7, v6;
	_ =	sdelay $0x1  }
0x26b: {  	v6 =	vadd.f32 v35, v6;
	_ =	sdelay $0x1  }
0x26c: {  	[tilespmem:s24+$0x30] =	vst v6;
	v6 =	vld [tilespmem:s24+$0x40]  }
0x26d: {  	v7 =	vld [tilespmem:s23+$0x40];
	_ =	sdelay $0x1  }
0x26e: {  	v36 =	vld [tilespmem:s9+$0x40];
	_ =	sdelay $0x2  }
0x26f: {  	v6 =	vadd.f32 v7, v6;
	_ =	sdelay $0x1  }
0x270: {  	v6 =	vadd.f32 v36, v6;
	_ =	sdelay $0x1  }
0x271: {  	[tilespmem:s24+$0x40] =	vst v6;
	v6 =	vld [tilespmem:s24+$0x50]  }
0x272: {  	v7 =	vld [tilespmem:s23+$0x50];
	_ =	sdelay $0x1  }
0x273: {  	v37 =	vld [tilespmem:s9+$0x50];
	_ =	sdelay $0x2  }
0x274: {  	v6 =	vadd.f32 v7, v6;
	_ =	sdelay $0x1  }
0x275: {  	v6 =	vadd.f32 v37, v6;
	_ =	sdelay $0x1  }
0x276: {  	[tilespmem:s24+$0x50] =	vst v6;
	v6 =	vld [tilespmem:s24+$0x60]  }
0x277: {  	v7 =	vld [tilespmem:s23+$0x60];
	_ =	sdelay $0x1  }
0x278: {  	v38 =	vld [tilespmem:s9+$0x60];
	_ =	sdelay $0x2  }
0x279: {  	v6 =	vadd.f32 v7, v6;
	_ =	sdelay $0x1  }
0x27a: {  	v6 =	vadd.f32 v38, v6;
	_ =	sdelay $0x1  }
0x27b: {  	[tilespmem:s24+$0x60] =	vst v6;
	v6 =	vld [tilespmem:s24+$0x70]  }
0x27c: {  	v7 =	vld [tilespmem:s23+$0x70];
	_ =	sdelay $0x1  }
0x27d: {  	v39 =	vld [tilespmem:s9+$0x70];
	_ =	sdelay $0x2  }
0x27e: {  	v6 =	vadd.f32 v7, v6;
	_ =	sdelay $0x1  }
0x27f: {  	v6 =	vadd.f32 v39, v6;
	_ =	sdelay $0x1  }
0x280: {  	[tilespmem:s24+$0x70] =	vst v6;
	s24 =	sadd.s32 $0x2280, s22  }
0x281: {  	v6 =	vld [tilespmem:s20+$0x14280];
	s23 =	sadd.s32 s21, s24  }
0x282: {  	v7 =	vld [tilespmem:s23+$0x0]  }
0x283: {  	s9 =	sadd.s32 s8, s24  }
0x284: {  	v40 =	vld [tilespmem:s9+$0x0];
	_ =	sdelay $0x2  }
0x285: {  	v6 =	vadd.f32 v7, v6;
	_ =	sdelay $0x1  }
0x286: {  	v6 =	vadd.f32 v40, v6;
	_ =	sdelay $0x1  }
0x287: {  	s24 =	sadd.s32 $0x14280, s20;
	[tilespmem:s20+$0x14280] =	vst v6  }
0x288: {  	v6 =	vld [tilespmem:s24+$0x10]  }
0x289: {  	v7 =	vld [tilespmem:s23+$0x10];
	_ =	sdelay $0x1  }
0x28a: {  	v41 =	vld [tilespmem:s9+$0x10];
	_ =	sdelay $0x2  }
0x28b: {  	v6 =	vadd.f32 v7, v6;
	_ =	sdelay $0x1  }
0x28c: {  	v6 =	vadd.f32 v41, v6;
	_ =	sdelay $0x1  }
0x28d: {  	[tilespmem:s24+$0x10] =	vst v6;
	v6 =	vld [tilespmem:s24+$0x20]  }
0x28e: {  	v7 =	vld [tilespmem:s23+$0x20];
	_ =	sdelay $0x1  }
0x28f: {  	v42 =	vld [tilespmem:s9+$0x20];
	_ =	sdelay $0x2  }
0x290: {  	v6 =	vadd.f32 v7, v6;
	_ =	sdelay $0x1  }
0x291: {  	v6 =	vadd.f32 v42, v6;
	_ =	sdelay $0x1  }
0x292: {  	[tilespmem:s24+$0x20] =	vst v6;
	v6 =	vld [tilespmem:s24+$0x30]  }
0x293: {  	v7 =	vld [tilespmem:s23+$0x30];
	_ =	sdelay $0x1  }
0x294: {  	v43 =	vld [tilespmem:s9+$0x30];
	_ =	sdelay $0x2  }
0x295: {  	v6 =	vadd.f32 v7, v6;
	_ =	sdelay $0x1  }
0x296: {  	v6 =	vadd.f32 v43, v6;
	_ =	sdelay $0x1  }
0x297: {  	[tilespmem:s24+$0x30] =	vst v6;
	v6 =	vld [tilespmem:s24+$0x40]  }
0x298: {  	v7 =	vld [tilespmem:s23+$0x40];
	_ =	sdelay $0x1  }
0x299: {  	v44 =	vld [tilespmem:s9+$0x40];
	_ =	sdelay $0x2  }
0x29a: {  	v6 =	vadd.f32 v7, v6;
	_ =	sdelay $0x1  }
0x29b: {  	v6 =	vadd.f32 v44, v6;
	_ =	sdelay $0x1  }
0x29c: {  	[tilespmem:s24+$0x40] =	vst v6;
	v6 =	vld [tilespmem:s24+$0x50]  }
0x29d: {  	v7 =	vld [tilespmem:s23+$0x50];
	_ =	sdelay $0x1  }
0x29e: {  	v45 =	vld [tilespmem:s9+$0x50];
	_ =	sdelay $0x2  }
0x29f: {  	v6 =	vadd.f32 v7, v6;
	_ =	sdelay $0x1  }
0x2a0: {  	v6 =	vadd.f32 v45, v6;
	_ =	sdelay $0x1  }
0x2a1: {  	[tilespmem:s24+$0x50] =	vst v6;
	v6 =	vld [tilespmem:s24+$0x60]  }
0x2a2: {  	v7 =	vld [tilespmem:s23+$0x60];
	_ =	sdelay $0x1  }
0x2a3: {  	v46 =	vld [tilespmem:s9+$0x60];
	_ =	sdelay $0x2  }
0x2a4: {  	v6 =	vadd.f32 v7, v6;
	_ =	sdelay $0x1  }
0x2a5: {  	v6 =	vadd.f32 v46, v6;
	_ =	sdelay $0x1  }
0x2a6: {  	[tilespmem:s24+$0x60] =	vst v6;
	v6 =	vld [tilespmem:s24+$0x70]  }
0x2a7: {  	v7 =	vld [tilespmem:s23+$0x70];
	_ =	sdelay $0x1  }
0x2a8: {  	v47 =	vld [tilespmem:s9+$0x70];
	_ =	sdelay $0x2  }
0x2a9: {  	v6 =	vadd.f32 v7, v6;
	_ =	sdelay $0x1  }
0x2aa: {  	v6 =	vadd.f32 v47, v6;
	_ =	sdelay $0x1  }
0x2ab: {  	[tilespmem:s24+$0x70] =	vst v6;
	s24 =	sadd.s32 $0x2680, s22  }
0x2ac: {  	v6 =	vld [tilespmem:s20+$0x14680];
	s23 =	sadd.s32 s21, s24  }
0x2ad: {  	v7 =	vld [tilespmem:s23+$0x0]  }
0x2ae: {  	s9 =	sadd.s32 s8, s24  }
0x2af: {  	v48 =	vld [tilespmem:s9+$0x0];
	_ =	sdelay $0x2  }
0x2b0: {  	v6 =	vadd.f32 v7, v6;
	_ =	sdelay $0x1  }
0x2b1: {  	v6 =	vadd.f32 v48, v6;
	_ =	sdelay $0x1  }
0x2b2: {  	s24 =	sadd.s32 $0x14680, s20;
	[tilespmem:s20+$0x14680] =	vst v6  }
0x2b3: {  	v6 =	vld [tilespmem:s24+$0x10]  }
0x2b4: {  	v7 =	vld [tilespmem:s23+$0x10];
	_ =	sdelay $0x1  }
0x2b5: {  	v49 =	vld [tilespmem:s9+$0x10];
	_ =	sdelay $0x2  }
0x2b6: {  	v6 =	vadd.f32 v7, v6;
	_ =	sdelay $0x1  }
0x2b7: {  	v6 =	vadd.f32 v49, v6;
	_ =	sdelay $0x1  }
0x2b8: {  	[tilespmem:s24+$0x10] =	vst v6;
	v6 =	vld [tilespmem:s24+$0x20]  }
0x2b9: {  	v7 =	vld [tilespmem:s23+$0x20];
	_ =	sdelay $0x1  }
0x2ba: {  	v50 =	vld [tilespmem:s9+$0x20];
	_ =	sdelay $0x2  }
0x2bb: {  	v6 =	vadd.f32 v7, v6;
	_ =	sdelay $0x1  }
0x2bc: {  	v6 =	vadd.f32 v50, v6;
	_ =	sdelay $0x1  }
0x2bd: {  	[tilespmem:s24+$0x20] =	vst v6;
	v6 =	vld [tilespmem:s24+$0x30]  }
0x2be: {  	v7 =	vld [tilespmem:s23+$0x30];
	_ =	sdelay $0x1  }
0x2bf: {  	v51 =	vld [tilespmem:s9+$0x30];
	_ =	sdelay $0x2  }
0x2c0: {  	v6 =	vadd.f32 v7, v6;
	_ =	sdelay $0x1  }
0x2c1: {  	v6 =	vadd.f32 v51, v6;
	_ =	sdelay $0x1  }
0x2c2: {  	[tilespmem:s24+$0x30] =	vst v6;
	v6 =	vld [tilespmem:s24+$0x40]  }
0x2c3: {  	v7 =	vld [tilespmem:s23+$0x40];
	_ =	sdelay $0x1  }
0x2c4: {  	v52 =	vld [tilespmem:s9+$0x40];
	_ =	sdelay $0x2  }
0x2c5: {  	v6 =	vadd.f32 v7, v6;
	_ =	sdelay $0x1  }
0x2c6: {  	v6 =	vadd.f32 v52, v6;
	_ =	sdelay $0x1  }
0x2c7: {  	[tilespmem:s24+$0x40] =	vst v6;
	v6 =	vld [tilespmem:s24+$0x50]  }
0x2c8: {  	v7 =	vld [tilespmem:s23+$0x50];
	_ =	sdelay $0x1  }
0x2c9: {  	v53 =	vld [tilespmem:s9+$0x50];
	_ =	sdelay $0x2  }
0x2ca: {  	v6 =	vadd.f32 v7, v6;
	_ =	sdelay $0x1  }
0x2cb: {  	v6 =	vadd.f32 v53, v6;
	_ =	sdelay $0x1  }
0x2cc: {  	[tilespmem:s24+$0x50] =	vst v6;
	v6 =	vld [tilespmem:s24+$0x60]  }
0x2cd: {  	v7 =	vld [tilespmem:s23+$0x60];
	_ =	sdelay $0x1  }
0x2ce: {  	v54 =	vld [tilespmem:s9+$0x60];
	_ =	sdelay $0x2  }
0x2cf: {  	v6 =	vadd.f32 v7, v6;
	_ =	sdelay $0x1  }
0x2d0: {  	v6 =	vadd.f32 v54, v6;
	_ =	sdelay $0x1  }
0x2d1: {  	[tilespmem:s24+$0x60] =	vst v6;
	v6 =	vld [tilespmem:s24+$0x70]  }
0x2d2: {  	v7 =	vld [tilespmem:s23+$0x70];
	_ =	sdelay $0x1  }
0x2d3: {  	v55 =	vld [tilespmem:s9+$0x70];
	_ =	sdelay $0x2  }
0x2d4: {  	v6 =	vadd.f32 v7, v6;
	_ =	sdelay $0x1  }
0x2d5: {  	v6 =	vadd.f32 v55, v6;
	_ =	sdelay $0x1  }
0x2d6: {  	s23 =	sadd.s32 $0x2A80, s22;
	[tilespmem:s24+$0x70] =	vst v6  }
0x2d7: {  	s21 =	sadd.s32 s21, s23;
	v6 =	vld [tilespmem:s20+$0x14A80]  }
0x2d8: {  	v7 =	vld [tilespmem:s21+$0x0]  }
0x2d9: {  	s8 =	sadd.s32 s8, s23  }
0x2da: {  	v56 =	vld [tilespmem:s8+$0x0];
	_ =	sdelay $0x2  }
0x2db: {  	v6 =	vadd.f32 v7, v6;
	_ =	sdelay $0x1  }
0x2dc: {  	v6 =	vadd.f32 v56, v6;
	_ =	sdelay $0x1  }
0x2dd: {  	s24 =	sadd.s32 $0x14A80, s20;
	[tilespmem:s20+$0x14A80] =	vst v6  }
0x2de: {  	v6 =	vld [tilespmem:s24+$0x10]  }
0x2df: {  	v7 =	vld [tilespmem:s21+$0x10];
	_ =	sdelay $0x1  }
0x2e0: {  	v57 =	vld [tilespmem:s8+$0x10];
	_ =	sdelay $0x2  }
0x2e1: {  	v6 =	vadd.f32 v7, v6;
	_ =	sdelay $0x1  }
0x2e2: {  	v6 =	vadd.f32 v57, v6;
	_ =	sdelay $0x1  }
0x2e3: {  	[tilespmem:s24+$0x10] =	vst v6;
	v6 =	vld [tilespmem:s24+$0x20]  }
0x2e4: {  	v7 =	vld [tilespmem:s21+$0x20];
	_ =	sdelay $0x1  }
0x2e5: {  	v58 =	vld [tilespmem:s8+$0x20];
	_ =	sdelay $0x2  }
0x2e6: {  	v6 =	vadd.f32 v7, v6;
	_ =	sdelay $0x1  }
0x2e7: {  	v6 =	vadd.f32 v58, v6;
	_ =	sdelay $0x1  }
0x2e8: {  	[tilespmem:s24+$0x20] =	vst v6;
	v6 =	vld [tilespmem:s24+$0x30]  }
0x2e9: {  	v7 =	vld [tilespmem:s21+$0x30];
	_ =	sdelay $0x1  }
0x2ea: {  	v59 =	vld [tilespmem:s8+$0x30];
	_ =	sdelay $0x2  }
0x2eb: {  	v6 =	vadd.f32 v7, v6;
	_ =	sdelay $0x1  }
0x2ec: {  	v6 =	vadd.f32 v59, v6;
	_ =	sdelay $0x1  }
0x2ed: {  	[tilespmem:s24+$0x30] =	vst v6;
	v6 =	vld [tilespmem:s24+$0x40]  }
0x2ee: {  	v7 =	vld [tilespmem:s21+$0x40];
	_ =	sdelay $0x1  }
0x2ef: {  	v60 =	vld [tilespmem:s8+$0x40];
	_ =	sdelay $0x2  }
0x2f0: {  	v6 =	vadd.f32 v7, v6;
	_ =	sdelay $0x1  }
0x2f1: {  	v6 =	vadd.f32 v60, v6;
	_ =	sdelay $0x1  }
0x2f2: {  	[tilespmem:s24+$0x40] =	vst v6;
	v6 =	vld [tilespmem:s24+$0x50]  }
0x2f3: {  	v7 =	vld [tilespmem:s21+$0x50];
	_ =	sdelay $0x1  }
0x2f4: {  	v61 =	vld [tilespmem:s8+$0x50];
	_ =	sdelay $0x2  }
0x2f5: {  	v6 =	vadd.f32 v7, v6;
	_ =	sdelay $0x1  }
0x2f6: {  	v6 =	vadd.f32 v61, v6;
	_ =	sdelay $0x1  }
0x2f7: {  	[tilespmem:s24+$0x50] =	vst v6;
	v6 =	vld [tilespmem:s24+$0x60]  }
0x2f8: {  	v7 =	vld [tilespmem:s21+$0x60];
	_ =	sdelay $0x1  }
0x2f9: {  	v62 =	vld [tilespmem:s8+$0x60];
	_ =	sdelay $0x2  }
0x2fa: {  	v6 =	vadd.f32 v7, v6;
	_ =	sdelay $0x1  }
0x2fb: {  	v6 =	vadd.f32 v62, v6;
	_ =	sdelay $0x1  }
0x2fc: {  	[tilespmem:s24+$0x60] =	vst v6;
	v6 =	vld [tilespmem:s24+$0x70]  }
0x2fd: {  	v7 =	vld [tilespmem:s21+$0x70];
	_ =	sdelay $0x1  }
0x2fe: {  	v63 =	vld [tilespmem:s8+$0x70];
	_ =	sdelay $0x1  }
0x2ff: {  	p0 =	sne.s32 s19, $0x1F  }
.Ltmp2:
0x300: {  	v6 =	vadd.f32 v7, v6;
	(pc) =	sbr.rel @p0 .LBB2_6-.Ltmp2, $3  }
0x301: {  	_ = 	snop  }
0x302: {  	v6 =	vadd.f32 v63, v6;
	_ =	sdelay $0x1  }
0x303: {  	s5 =	sadd.s32 $0x100, s5;
	s18 =	sadd.s32 $0x80, s18;
	s19 =	sadd.s32 $0x1, s19;
	[tilespmem:s24+$0x70] =	vst v6  }
0x304: {  	s5 =	rddreg [dreg:$0x4];
	s9 =	simm.s32 $0xD680  }
0x305: {  	[hbm4b:s5+s2] =	stream.linear.scatter [tilespmem:s9], [sflag:$0x2], $0xC000, $0x38;
	[tilespmem:$0x19680] =	vst v63  }
0x306: {  	_ =	swait.ge [sflag:s11], $0xC000  }
0x307: {  	s17 =	sadd.s32 $0x1, s17;
	s24 =	rddreg [dreg:$0x5]  }
0x308: {  	p0 =	sne.s32 s17, s24  }
.Ltmp3:
0x309: {  	_ = 	snop;
	(pc) =	sbr.rel @p0 .LBB2_1-.Ltmp3, $3  }
0x30a: {  	_ =	sdelay $0x1  }
0x30b: {  	[sflag:s11] =	ssyncset.done $0x0  }
0x30c: {  	[sflag:s11] =	ssyncadd.s32 $0xFFFF4000;
	s24 =	simm.s32 $0x1680  }
0x30d: {  	_ =	sfence.sel $0x180000  }
0x30e: {  	[bflag:$0x0] =	sbarrier.arrive $0xFFFF  }
0x30f: {  	_ =	strace $0x9000004D  }
0x310: {  	s0 =	stileid.u32;
	[bflag:$0x2] =	sbarrier.arrive $0xFFFF  }
0x311: {  	p0 =	sne.s32 s0, $0x0;
	s0 =	rddreg [dreg:$0x1]  }
0x312: {  	s0 =	sadd.s32 @!p0 $0x100000, s0  }
0x313: {  	[sflag:s0] =	ssyncadd.tile.s32 @!p0 $0x1;
	_ =	shalt  }
.Lfunc_end2:
_tile_overlayer_lowered:
.L_overlay_start_2:
0x314: {  	(tag) =	ssettag $0x2  }
0x315: {  	s0 =	rddreg [dreg:$0x0];
	s2 =	stileid.u32  }
0x316: {  	s1 =	rddreg [dreg:$0x1];
	p0 =	sne.s32 s2, $0x0  }
0x317: {  	s3 =	rddreg [dreg:$0x2];
	[bflag:$0x3] =	sbarrier.arrive $0xFFFF;
	s2 =	simm.s32 @!p0 $0x1C02  }
0x318: {  	[timem:s3], [sflag:s2] =	dma.local @!p0 [hbm:s0], s1  }
0x319: {  	s0 =	simm.s32 @!p0 $0x2  }
0x31a: {  	_ =	swait.ge @!p0 [sflag:s0], s1  }
0x31b: {  	s1 =	ssub.s32 @!p0 $0x0, s1;
	[sflag:s0] =	ssyncset.done @!p0 $0x0  }
0x31c: {  	[sflag:s0] =	ssyncadd.s32 @!p0 s1  }
0x31d: {  	[bflag:$0x3] =	sbarrier.arrive $0xFFFF  }
0x31e: {  	_ =	shalt  }

// kernel: kernel.9.cloned.1.call-start
scs
__scs_entry_jumppad:
0x0: {  	(pc) =	sbr.rel $0x88, $3  }
0x1: {  	(tag) =	ssettag $0x0;
	lr =	simm.s32 $0x1  }
0x2: {  	[smem:$0x3F92] =	sst lr;
	_ =	strace $0xD0000000  }
0x3: {  	_ = 	snop  }
0x4: {  	_ = 	snop  }
0x5: {  	_ = 	snop  }
0x6: {  	_ = 	snop  }
0x7: {  	_ = 	snop  }
__scs_overlays_trampoline_lowered:
0x8: {  	[smem:$0x3FA1] =	sst s0  }
0x9: {  	[smem:$0x3FA2] =	sst s1  }
0xa: {  	[smem:$0x3FA3] =	sst s2  }
0xb: {  	[smem:$0x3FA4] =	sst s3  }
0xc: {  	[smem:$0x3FA5] =	sst s4  }
0xd: {  	[smem:$0x3FA6] =	sst s5  }
0xe: {  	[smem:$0x3FA7] =	sst s6  }
0xf: {  	[smem:$0x3FA8] =	sst s7  }
0x10: {  	[smem:$0x3FA9] =	sst s8  }
0x11: {  	[smem:$0x3FAA] =	sst s9;
	s0 =	simm.s32 @!p0 $0x0  }
0x12: {  	s1 =	sld [smem:$0x3F90];
	s0 =	simm.s32 @p0 $0x1  }
0x13: {  	[smem:$0x3FAB] =	sst s0;
	s0 =	simm.s32 @!p1 $0x0  }
0x14: {  	s2 =	sld [smem:$0x3F8F];
	s0 =	simm.s32 @p1 $0x1  }
0x15: {  	[smem:$0x3FAC] =	sst s0;
	s0 =	simm.s32 @!p2 $0x0  }
0x16: {  	s3 =	sld [smem:$0x3FDB];
	s0 =	simm.s32 @p2 $0x1  }
0x17: {  	s4 =	simm.s32 $0x1BF5;
	[smem:$0x3FAE] =	sst s0  }
0x18: {  	s0 =	sld [smem:$0x3F91];
	_ =	swait.ge [sflag:s4], $0x0  }
0x19: {  	s7 =	sld [smem:$0x3F92]  }
0x1a: {  	s8 =	sadd.s32 $0xFFFFE003, lr  }
0x1b: {  	s9 =	sadd.s32 $0xFFFFFEF7, lr;
	s5 =	simm.s32 $0xFFFFFFFF;
	p2 =	slt.u32 s8, $0xFFFFF086  }
0x1c: {  	p1 =	slt.u32 s9, $0xF7A;
	s5 =	simm.s32 @!p2 $0x0  }
0x1d: {  	s5 =	simm.s32 @p1 $0x1;
	p0 =	seq.s32 s7, s2  }
0x1e: {  	s7 =	smul.u32 @!p0 $0xF7A, s2;
	p2 =	seq.s32 @!p0 s5, $0x0  }
0x1f: {  	s9 =	smul.u32 $0xF7A, s1;
	s8 =	simm.s32 @!p0 $0x1BF5;
	p2 =	por !p2, p0  }
0x20: {  	[sflag:s8] =	ssyncset.s32 @!p0 $0xFFFFF086;
	s6 =	sadd.s32 @!p0 s3, s7;
	s7 =	simm.s32 @!p0 $0x108  }
0x21: {  	s3 =	sadd.s32 s3, s9;
	s6 =	sadd.s32 @!p0 $0x88, s6;
	s7 =	simm.s32 @p2 $0x1082  }
0x22: {  	[simem:s7], [sflag:s8] =	dma.local @!p0 [hbm:s6], $0xF7A  }
0x23: {  	s9 =	sor.u32 $0xD0000000, s2;
	s6 =	simm.s32 $0x108;
	_ =	swait.ge @!p0 [sflag:s8], $0x0  }
0x24: {  	s3 =	sadd.s32 $0x88, s3;
	s6 =	simm.s32 @!p1 $0x1082;
	[sflag:s4] =	ssyncset.s32 $0xFFFFF086  }
0x25: {  	[simem:s6], [sflag:s4] =	dma.local [hbm:s3], $0xF7A  }
0x26: {  	[smem:$0x3F92] =	sst s1;
	(tag) =	ssettag s2;
	_ =	strace s9  }
0x27: {  	s1 =	sld [smem:$0x3FA2]  }
0x28: {  	s2 =	sld [smem:$0x3FA3]  }
0x29: {  	s4 =	sld [smem:$0x3FA5]  }
0x2a: {  	p0 =	seq.s32 s5, $0x0;
	s5 =	sld [smem:$0x3FA6]  }
0x2b: {  	s6 =	sld [smem:$0x3FA7]  }
0x2c: {  	s7 =	sld [smem:$0x3FA8]  }
0x2d: {  	s3 =	simm.s32 $0x108;
	s8 =	sld [smem:$0x3FA9]  }
0x2e: {  	s3 =	simm.s32 @!p0 $0x1082;
	s9 =	sld [smem:$0x3FAA]  }
0x2f: {  	lr =	sadd.s32 s0, s3;
	s0 =	sld [smem:$0x3FA1]  }
0x30: {  	s3 =	sld [smem:$0x3FA4]  }
0x31: {  	[smem:$0x3FAD] =	sst s10  }
0x32: {  	s10 =	sld [smem:$0x3FAB];
	_ =	sdelay $0x3  }
0x33: {  	p0 =	seq.s32 s10, $0x1;
	s10 =	sld [smem:$0x3FAD];
	_ =	sdelay $0x3  }
0x34: {  	[smem:$0x3FAD] =	sst s10  }
0x35: {  	s10 =	sld [smem:$0x3FAC];
	_ =	sdelay $0x3  }
0x36: {  	p1 =	seq.s32 s10, $0x1;
	s10 =	sld [smem:$0x3FAD];
	_ =	sdelay $0x3  }
0x37: {  	[smem:$0x3FAD] =	sst s10  }
0x38: {  	s10 =	sld [smem:$0x3FAE]  }
0x39: {  	_ = 	snop;
	(pc) =	sbr.ind lr, $3  }
0x3a: {  	_ = 	snop  }
0x3b: {  	_ = 	snop  }
0x3c: {  	p2 =	seq.s32 s10, $0x1;
	s10 =	sld [smem:$0x3FAD]  }
0x3d: {  	_ =	shalt  }
0x3e: {  	_ =	shalt  }
0x3f: {  	_ =	shalt  }
0x40: {  	_ =	shalt  }
0x41: {  	_ =	shalt  }
0x42: {  	_ =	shalt  }
0x43: {  	_ =	shalt  }
0x44: {  	_ =	shalt  }
0x45: {  	_ =	shalt  }
0x46: {  	_ =	shalt  }
0x47: {  	_ =	shalt  }
0x48: {  	_ =	shalt  }
0x49: {  	_ =	shalt  }
0x4a: {  	_ =	shalt  }
0x4b: {  	_ =	shalt  }
0x4c: {  	_ =	shalt  }
0x4d: {  	_ =	shalt  }
0x4e: {  	_ =	shalt  }
0x4f: {  	_ =	shalt  }
0x50: {  	_ =	shalt  }
0x51: {  	_ =	shalt  }
0x52: {  	_ =	shalt  }
0x53: {  	_ =	shalt  }
0x54: {  	_ =	shalt  }
0x55: {  	_ =	shalt  }
0x56: {  	_ =	shalt  }
0x57: {  	_ =	shalt  }
0x58: {  	_ =	shalt  }
0x59: {  	_ =	shalt  }
0x5a: {  	_ =	shalt  }
0x5b: {  	_ =	shalt  }
0x5c: {  	_ =	shalt  }
0x5d: {  	_ =	shalt  }
0x5e: {  	_ =	shalt  }
0x5f: {  	_ =	shalt  }
0x60: {  	_ =	shalt  }
0x61: {  	_ =	shalt  }
0x62: {  	_ =	shalt  }
0x63: {  	_ =	shalt  }
0x64: {  	_ =	shalt  }
0x65: {  	_ =	shalt  }
0x66: {  	_ =	shalt  }
0x67: {  	_ =	shalt  }
0x68: {  	_ =	shalt  }
0x69: {  	_ =	shalt  }
0x6a: {  	_ =	shalt  }
0x6b: {  	_ =	shalt  }
0x6c: {  	_ =	shalt  }
0x6d: {  	_ =	shalt  }
0x6e: {  	_ =	shalt  }
0x6f: {  	_ =	shalt  }
0x70: {  	_ =	shalt  }
0x71: {  	_ =	shalt  }
0x72: {  	_ =	shalt  }
0x73: {  	_ =	shalt  }
0x74: {  	_ =	shalt  }
0x75: {  	_ =	shalt  }
0x76: {  	_ =	shalt  }
0x77: {  	_ =	shalt  }
0x78: {  	_ =	shalt  }
0x79: {  	_ =	shalt  }
0x7a: {  	_ =	shalt  }
0x7b: {  	_ =	shalt  }
0x7c: {  	_ =	shalt  }
0x7d: {  	_ =	shalt  }
0x7e: {  	_ =	shalt  }
0x7f: {  	_ =	shalt  }
0x80: {  	_ =	shalt  }
0x81: {  	_ =	shalt  }
0x82: {  	_ =	shalt  }
0x83: {  	_ =	shalt  }
0x84: {  	_ =	shalt  }
0x85: {  	_ =	shalt  }
0x86: {  	_ =	shalt  }
0x87: {  	_ =	shalt  }
.Lfunc_end0:
.L_simem_size_0:
called_computation_lowered:
.L_overlay_start_0:
0x88: {  	s2 =	sld [smem:$0x3FD9]  }
0x89: {  	s3 =	sld [smem:$0x3FFE];
	_ =	sdelay $0x1  }
0x8a: {  	s1 =	srdreg.scid  }
0x8b: {  	s0 =	sand.u32 $0x1, s1  }
0x8c: {  	s16 =	sshll.u32 s0, $0xA;
	s2 =	sadd.s32 s3, s2  }
0x8d: {  	s2 =	sadd.s32 s2, s16  }
0x8e: {  	[smem:$0x3FB9] =	sst s2  }
0x8f: {  	_ = 	snop  }
0x90: {  	(tm) =	ssettm $0x1  }
0x91: {  	s17 =	sld [smem:$0x3FFB];
	_ =	sdelay $0x3  }
0x92: {  	_ =	strace s17  }
0x93: {  	s2 =	sld [smem:$0x3FFC];
	_ =	sdelay $0x3  }
0x94: {  	_ =	strace s2  }
0x95: {  	s2 =	sld [smem:$0x3FFD];
	_ =	sdelay $0x3  }
0x96: {  	_ =	strace s2  }
0x97: {  	_ =	strace $0x8FFFFFFF  }
0x98: {  	s18 =	sld [smem:$0x3FDB];
	_ =	sdelay $0x1  }
0x99: {  	s19 =	simm.s32 $_scs_section_size  }
0x9a: {  	s4 =	simm.s32 $_size__tile_overlayer_lowered;
	s5 =	simm.s32 $_tile_overlayer_lowered  }
0x9b: {  	s22 =	simm.s32 $0x1BFF;
	s21 =	sshll.u32 s5, $0x1;
	s2 =	sadd.s32 s19, s18  }
0x9c: {  	s6 =	simm.s32 $0x0;
	s20 =	sshll.u32 s4, $0x1;
	s4 =	sadd.s32 s21, s2  }
0x9d: {  	[timem:s6], [sflag:s22] =	dma.local [hbm:s4], s20  }
0x9e: {  	_ =	swait.ge [sflag:s22], s20  }
0x9f: {  	s3 =	ssub.s32 $0x0, s20;
	[sflag:s22] =	ssyncset.done $0x0  }
0xa0: {  	[sflag:s22] =	ssyncadd.s32 s3;
	_ =	sdelay $0x1  }
0xa1: {  	s23 =	simm.s32 $0x1B8B  }
0xa2: {  	_ =	swait.ge [sflag:s23], $0x1  }
0xa3: {  	[sflag:s23] =	ssyncset.done $0x0  }
0xa4: {  	s25 =	simm.s32 $0x1B8E;
	s24 =	sld [smem:$0x3FFE];
	[sflag:s23] =	ssyncadd.s32 $0xFFFFFFFF  }
0xa5: {  	s26 =	simm.s32 $execute0_lowered;
	[smem:$0x3FD2] =	sst s25  }
0xa6: {  	s4 =	sshll.u32 s26, $0x1;
	_ =	strace $0x80000046;
	[dreg:$0x1] =	wrdreg $0xFFFFFFFF  }
0xa7: {  	s28 =	simm.s32 $_size_execute0_lowered;
	s2 =	sadd.s32 s2, s4;
	[dreg:$0x0] =	wrdreg $0x0  }
0xa8: {  	s4 =	sshll.u32 s28, $0x1;
	[dreg:$0x2] =	wrdreg s2  }
0xa9: {  	[dreg:$0x3] =	wrdreg s4  }
0xaa: {  	[dreg:$0x4] =	wrdreg $0xC0  }
0xab: {  	_ =	task [dreg:s6], $0x5FFFF  }
0xac: {  	[dreg:$0x1] =	wrdreg $0xFFFFFFFF  }
0xad: {  	[dreg:$0x0] =	wrdreg $0x60  }
0xae: {  	[dreg:$0x2] =	wrdreg s24  }
0xaf: {  	[dreg:$0x3] =	wrdreg $0x9  }
0xb0: {  	_ =	task.clear_ibuf [dreg:s6], $0x4FFFF;
	_ =	strace $0x90000046  }
0xb1: {  	s29 =	simm.s32 $0x9;
	_ =	strace $0x80000048  }
0xb2: {  	_ =	swait.ge [sflag:s29], $0x1  }
0xb3: {  	[sflag:s29] =	ssyncadd.s32 $0xFFFFFFFF  }
0xb4: {  	_ =	strace $0x90000048  }
0xb5: {  	_ =	sfence  }
0xb6: {  	s30 =	sld [smem:$0x0];
	_ =	sdelay $0x2  }
0xb7: {  	s31 =	sshll.u32 s1, $0xD;
	s1 =	sshrl.u32 s1, $0x2  }
0xb8: {  	s3 =	sand.u32 $0x4000, s31;
	s1 =	sadd.s32 s1, s30  }
0xb9: {  	s0 =	sor.u32 s3, s0;
	s1 =	sshll.u32 s1, $0x11  }
0xba: {  	s0 =	sor.u32 s1, s0  }
0xbb: {  	s0 =	sadd.s32 $0x8F2B, s0  }
0xbc: {  	[sflag:s0] =	ssyncadd.remote.s32 $0x1  }
0xbd: {  	_ =	sfence.sel $0xFFFF  }
0xbe: {  	[dreg:$0x0] =	wrdreg $0xFFFFFFFF;
	(pc) =	sbr.abs _section_cstart, $3  }
0xbf: {  	[dreg:$0x1] =	wrdreg $0xFFFFFFFF  }
0xc0: {  	_ =	task.clear_ibuf [dreg:s6], $0x2FFFF;
	_ =	strace $0x9FFFFFFF  }
0xc1: {  	(tm) =	ssettm $0x7FFFFFFF  }
tec
execute0_lowered:
.L_overlay_start_1:
0x0: {  	(tag) =	ssettag $0x1  }
0x1: {  	s1 =	stileid.u32  }
0x2: {  	p0 =	sgt.u32 s1, $0x3  }
.Ltmp0:
0x3: {  	_ = 	snop;
	(pc) =	sbr.rel @p0 .LBB2_27-.Ltmp0, $4  }
0x4: {  	_ = 	snop  }
0x5: {  	s2 =	simm.s32 $0x0  }
0x6: {  	[smem:$0x7FF] =	sst s2  }
0x7: {  	s0 =	rddreg [dreg:$0x0];
	_ =	strace $0x80000047  }
0x8: {  	s1 =	srdreg.scid;
	s3 =	sadd.s32 $0x33A00, s0  }
0x9: {  	s26 =	sadd.s32 $0x33C00, s0;
	s5 =	sadd.s32 $0x34200, s0;
	s29 =	stileid.u32  }
0xa: {  	s6 =	sadd.s32 $0x33E00, s0;
	s1 =	sand.u32 $0x1, s1;
	s30 =	sshll.u32 s29, $0x1  }
0xb: {  	s28 =	sadd.s32 $0x34600, s0;
	s8 =	sadd.s32 $0x34800, s0;
	s0 =	sor.u32 s1, s30  }
0xc: {  	p0 =	seq.s32 s0, $0x6  }
0xd: {  	s7 =	ssub.s32 $0x2, s1;
	s1 =	simm.s32 @!p0 $0x0  }
0xe: {  	[dreg:$0x2] =	wrdreg s3;
	s1 =	simm.s32 @p0 $0x1;
	p0 =	seq.s32 s0, $0x5  }
0xf: {  	[smem:$0x7F4] =	sst s1;
	s1 =	simm.s32 @!p0 $0x0  }
0x10: {  	[dreg:$0x3] =	wrdreg s26;
	s1 =	simm.s32 @p0 $0x1;
	p0 =	seq.s32 s0, $0x4  }
0x11: {  	s10 =	simm.s32 $0x2;
	[smem:$0x7F5] =	sst s1;
	s1 =	simm.s32 @!p0 $0x0  }
0x12: {  	[dreg:$0x4] =	wrdreg s28;
	s1 =	simm.s32 @p0 $0x1;
	p0 =	sgt.u32 s0, $0x4  }
0x13: {  	s12 =	simm.s32 $0x1;
	[smem:$0x7F6] =	sst s1;
	s1 =	simm.s32 @!p0 $0x0  }
0x14: {  	p1 =	seq.s32 s0, $0x7;
	s1 =	simm.s32 @p0 $0x1;
	p0 =	seq.s32 s0, $0x3  }
0x15: {  	p6 =	seq.s32 s0, $0x2;
	[smem:$0x7F7] =	sst s1;
	s1 =	simm.s32 @!p0 $0x0  }
0x16: {  	p4 =	seq.s32 s0, $0x1;
	s1 =	simm.s32 @p0 $0x1;
	p0 =	sgt.u32 s0, $0x2  }
0x17: {  	p2 =	sne.s32 s0, $0x0;
	[smem:$0x7F8] =	sst s1;
	s1 =	simm.s32 @!p0 $0x0  }
0x18: {  	v2 =	vmov s0;
	s1 =	simm.s32 @p0 $0x1;
	p0 =	seq.s32 s0, $0x0;
	s0 =	simm.s32 @!p2 $0x0  }
0x19: {  	s9 =	sshrl.u32 s7, $0x1;
	s0 =	simm.s32 @p2 $0x1;
	p2 =	seq.s32 s29, $0x3  }
0x1a: {  	s7 =	ssub.s32 s7, s9;
	[smem:$0x7FA] =	sst s0;
	s0 =	simm.s32 @!p2 $0x0  }
0x1b: {  	s31 =	smax.u32 s7, $0x1;
	s0 =	simm.s32 @p2 $0x1;
	p2 =	sgt.u32 s29, $0x1  }
.Ltmp1:
0x1c: {  	v0 =	vlaneseq.u32;
	[smem:$0x7FB] =	sst s0;
	s0 =	simm.s32 @!p2 $0x0;
	(pc) =	sbr.rel .LBB2_2-.Ltmp1, $4  }
0x1d: {  	v1 =	vmul.u32 $0x40, v0;
	[dreg:$0x5] =	wrdreg s31;
	s0 =	simm.s32 @p2 $0x1;
	p2 =	seq.s32 s29, $0x0  }
0x1e: {  	s13 =	simm.s32 $0x3A00;
	v3 =	vimm.f32 $0.0e+00;
	v9 =	vmul.u32 $0x80, v0;
	[smem:$0x7FC] =	sst s0;
	s0 =	simm.s32 @!p2 $0x0  }
0x1f: {  	s14 =	simm.s32 $0x3A80;
	v4 =	vimm.s32 $0x1000;
	v7 =	vimm.s32 $0x0;
	v5 =	vor.u32 $0x400, v1;
	[smem:$0x7F9] =	sst s1;
	s0 =	simm.s32 @p2 $0x1  }
0x20: {  	s15 =	simm.s32 $0x3B00;
	s17 =	simm.s32 $0x0;
	v6 =	vor.u32 $0x1, v9;
	v8 =	vor.u32 $0x801, v9;
	v9 =	vor.u32 $0x1001, v9;
	[smem:$0x7FD] =	sst s0  }
.LBB2_25:
0x21: {  	[sflag:s12] =	ssyncadd.s32 $0xFFFFFF80  }
.LBB2_26:
0x22: {  	s17 =	sadd.s32 $0x1, s17;
	s0 =	rddreg [dreg:$0x5]  }
0x23: {  	p2 =	sne.s32 s17, s0  }
.Ltmp2:
0x24: {  	_ = 	snop;
	(pc) =	sbr.rel @!p2 .LBB2_27-.Ltmp2, $1  }
0x25: {  	_ =	sdelay $0x3  }
.LBB2_2:
0x26: {  	s18 =	simm.s32 $0x0;
	s0 =	rddreg [dreg:$0x2]  }
0x27: {  	[tilespmem:s18], [sflag:$0x2] =	stream.linear.gather [hbm4b:s0+s18], $0x1000, $0x38;
	[tilespmem:$0x3B80] =	vst v63  }
0x28: {  	_ =	swait.ge [sflag:s10], $0x1000  }
0x29: {  	[sflag:s10] =	ssyncset.done $0x0  }
0x2a: {  	s1 =	simm.s32 $0x1000;
	s29 =	rddreg [dreg:$0x3];
	[sflag:s10] =	ssyncadd.s32 $0xFFFFF000  }
0x2b: {  	[tilespmem:s1], [sflag:$0x2] =	stream.linear.gather [hbm4b:s29+s18], $0x1000, $0x38;
	[tilespmem:$0x3B80] =	vst v63  }
0x2c: {  	_ =	swait.ge [sflag:s10], $0x1000  }
0x2d: {  	[sflag:s10] =	ssyncset.done $0x0  }
0x2e: {  	s30 =	simm.s32 $0x0;
	[sflag:s10] =	ssyncadd.s32 $0xFFFFF000  }
0x2f: {  	v10 =	vld [tilespmem:s30+$0x0]  }
0x30: {  	s31 =	simm.s32 $0x10  }
0x31: {  	v18 =	vld [tilespmem:s31+$0x0];
	_ =	sdelay $0x2  }
0x32: {  	vm0 =	veq.s32 v10, $0x0;
	vm1 =	veq.s32 v10, $0x1;
	vm2 =	veq.s32 v10, $0x7  }
0x33: {  	vm3 =	veq.s32 v10, $0x2;
	vm4 =	veq.s32 v10, $0x3;
	vm5 =	veq.s32 v10, $0x5  }
0x34: {  	vm6 =	veq.s32 v18, $0x5;
	v11 =	vmpcnt.ones.xlane vm2;
	v12 =	vmpcnt.ones.xlane vm0  }
0x35: {  	vm2 =	veq.s32 v10, $0x4;
	v13 =	vmpcnt.ones.xlane vm1;
	v14 =	vmpcnt.ones.xlane vm3  }
0x36: {  	vm0 =	veq.s32 v10, $0x6;
	v15 =	vmpcnt.ones.xlane vm4;
	v20 =	vmpcnt.ones.xlane vm5  }
0x37: {  	vm1 =	veq.s32 v18, $0x0;
	vm3 =	veq.s32 v18, $0x2;
	vm4 =	veq.s32 v18, $0x3  }
0x38: {  	vm5 =	veq.s32 v18, $0x4;
	v19 =	vmpcnt.ones.xlane vm2;
	v17 =	vmpcnt.ones.xlane vm0  }
0x39: {  	vm2 =	veq.s32 v18, $0x1;
	vm0 =	veq.s32 v18, $0x7;
	v16 =	vadd.s32 v7, v11  }
0x3a: {  	v10 =	vadd.s32 v7, v12;
	v11 =	vadd.s32 v7, v13;
	v12 =	vadd.s32 v7, v14  }
0x3b: {  	v13 =	vadd.s32 v7, v15;
	v14 =	vadd.s32 v7, v19;
	v19 =	vmpcnt.ones.xlane vm0  }
0x3c: {  	s19 =	simm.s32 $0xC0;
	s0 =	simm.s32 $0x20;
	v15 =	vadd.s32 v7, v20;
	vm0 =	veq.s32 v18, $0x6;
	v18 =	vimm.s32 $0x0  }
.LBB2_3:
0x3d: {  	p2 =	sne.s32 s19, $0x3FC0;
	v20 =	vld [tilespmem:s0+$0x0];
	v21 =	vmpcnt.ones.xlane vm1;
	v22 =	vmpcnt.ones.xlane vm2;
	v16 =	vadd.s32 v16, v19  }
0x3e: {  	v19 =	vmpcnt.ones.xlane vm3;
	v23 =	vmpcnt.ones.xlane vm4;
	v18 =	vadd.s32 v18, v17  }
0x3f: {  	v24 =	vmpcnt.ones.xlane vm6;
	v10 =	vadd.s32 v10, v21;
	v21 =	vmpcnt.ones.xlane vm5  }
.Ltmp3:
0x40: {  	v17 =	vmpcnt.ones.xlane vm0;
	v11 =	vadd.s32 v11, v22;
	v12 =	vadd.s32 v12, v19;
	(pc) =	sbr.rel @p2 .LBB2_3-.Ltmp3, $4  }
0x41: {  	v13 =	vadd.s32 v13, v23;
	v15 =	vadd.s32 v15, v24;
	v14 =	vadd.s32 v14, v21  }
0x42: {  	vm1 =	veq.s32 v20, $0x0;
	vm2 =	veq.s32 v20, $0x1;
	vm0 =	veq.s32 v20, $0x7  }
0x43: {  	vm3 =	veq.s32 v20, $0x2;
	vm4 =	veq.s32 v20, $0x3;
	v19 =	vmpcnt.ones.xlane vm0  }
0x44: {  	s0 =	sshra.s32 s19, $0x2;
	s19 =	sadd.s32 $0x40, s19;
	vm5 =	veq.s32 v20, $0x4;
	vm6 =	veq.s32 v20, $0x5;
	vm0 =	veq.s32 v20, $0x6  }
0x45: {  	v20 =	vld [tilespmem:s0+$0x0];
	v21 =	vmpcnt.ones.xlane vm1;
	v22 =	vmpcnt.ones.xlane vm2  }
0x46: {  	v16 =	vadd.s32 v16, v19;
	v19 =	vmpcnt.ones.xlane vm3;
	v23 =	vmpcnt.ones.xlane vm4  }
0x47: {  	v17 =	vadd.s32 v18, v17;
	v61 =	vmpcnt.ones.xlane vm6;
	v18 =	vadd.s32 v10, v21  }
0x48: {  	v10 =	vmpcnt.ones.xlane vm5;
	v22 =	vadd.s32 v11, v22;
	v11 =	vmpcnt.ones.xlane vm0  }
0x49: {  	v19 =	vadd.s32 v12, v19;
	v23 =	vadd.s32 v13, v23;
	v15 =	vadd.s32 v15, v61  }
0x4a: {  	v24 =	vadd.s32 v14, v10;
	v63 =	vadd.s32 v17, v11;
	vm0 =	veq.s32 v20, $0x0  }
0x4b: {  	vm9 =	veq.s32 v20, $0x1;
	vm10 =	veq.s32 v20, $0x7;
	vm11 =	veq.s32 v20, $0x2  }
0x4c: {  	vm12 =	veq.s32 v20, $0x3;
	vm13 =	veq.s32 v20, $0x4;
	v10 =	vmpcnt.ones.xlane vm10  }
0x4d: {  	vm14 =	veq.s32 v20, $0x5;
	vm15 =	veq.s32 v20, $0x6;
	v12 =	vmpcnt.ones.xlane vm0  }
0x4e: {  	v13 =	vmpcnt.ones.xlane vm9;
	v10 =	vadd.s32 v16, v10;
	v16 =	vmov s18  }
0x4f: {  	v14 =	vmpcnt.ones.xlane vm11;
	v62 =	vmpcnt.ones.xlane vm12;
	v16 =	vshll.u32 v16, $0x6  }
0x50: {  	v17 =	vmpcnt.ones.xlane vm13;
	v11 =	vadd.s32 v18, v12;
	v12 =	vor.u32 v1, v16  }
0x51: {  	s0 =	simm.s32 $0x2000;
	v25 =	vmpcnt.ones.xlane vm15;
	v18 =	vmpcnt.ones.xlane vm14;
	v16 =	vand.u32 $0x7C0, v12  }
0x52: {  	s1 =	simm.s32 $0x2880;
	v12 =	vadd.s32 v22, v13;
	v13 =	vadd.s32 v19, v14;
	v14 =	vadd.s32 v23, v62;
	[tilespmem:s0+$0x0] =	vst v16  }
0x53: {  	s7 =	simm.s32 $0x3100;
	s11 =	simm.s32 $0x10;
	v16 =	vadd.s32 v24, v17;
	v17 =	vadd.s32 v15, v18;
	v15 =	vadd.s32 v63, v25;
	[tilespmem:s1+$0x0] =	vst v3  }
.LBB2_5:
0x54: {  	v18 =	vmov s11;
	[tilespmem:s7+$0x0] =	vst v4;
	p2 =	sne.s32 s11, $0x800  }
.Ltmp4:
0x55: {  	v18 =	vshll.u32 v18, $0x6;
	(pc) =	sbr.rel @p2 .LBB2_5-.Ltmp4, $4  }
0x56: {  	s11 =	sadd.s32 $0x10, s11;
	v18 =	vor.u32 v1, v18  }
0x57: {  	s0 =	sadd.s32 $0x10, s0;
	v18 =	vand.u32 $0x7C0, v18  }
0x58: {  	s1 =	sadd.s32 $0x10, s1;
	[tilespmem:s0+$0x0] =	vst v18  }
0x59: {  	s7 =	sadd.s32 $0x10, s7;
	[tilespmem:s1+$0x0] =	vst v3  }
0x5a: {  	[tilespmem:s7+$0x0] =	vst v4;
	s19 =	simm.s32 $0x0  }
0x5b: {  	v18 =	vld [tilespmem:s19+$0x0];
	_ =	sdelay $0x4  }
0x5c: {  	vm0 =	veq.s32 v18, v2  }
0x5d: {  	v20 =	vmpcnt.ones.xlane vm0  }
0x5e: {  	v19 =	vor.u32 s19, v0  }
0x5f: {  	v18 =	vshrl.u32 v19, $0x1;
	(v2sf) =	vpush v20, $0x0  }
0x60: {  	s18 =	simm.s32 $0x1000;
	[tilespmem:s19+$0x2000] =	vst.msk vm0, v18  }
0x61: {  	v18 =	vld [tilespmem:s18+$0x0];
	_ =	sdelay $0x4  }
0x62: {  	[tilespmem:s19+$0x2880] =	vst.msk vm0, v18  }
0x63: {  	s22 =	simm.s32 $0x10;
	[tilespmem:s19+$0x3100] =	vst.msk vm0, v19  }
0x64: {  	s20 =	simm.s32 $0x20;
	s0 =	simm.s32 $0x10;
	v18 =	vld [tilespmem:s22+$0x0]  }
.LBB2_7:
0x65: {  	p2 =	sne.s32 s20, $0xFF0;
	_ =	sdelay $0x3  }
0x66: {  	vm0 =	veq.s32 v18, v2  }
0x67: {  	v18 =	vor.u32 s22, v0;
	s22 =	smov.u32 s20;
	v19 =	vmpcnt.ones.xlane vm0;
	s1 =	spop (v2sf)  }
0x68: {  	v20 =	vshrl.u32 v18, $0x1;
	s19 =	sadd.s32 s19, s1  }
0x69: {  	s18 =	sadd.s32 $0x10, s18;
	[tilespmem:s19+$0x2000] =	vst.msk vm0, v20;
	(v2sf) =	vpush v19, $0x0  }
0x6a: {  	v19 =	vld [tilespmem:s18+$0x0];
	_ =	sdelay $0x3  }
.Ltmp5:
0x6b: {  	(pc) =	sbr.rel @p2 .LBB2_7-.Ltmp5, $4  }
0x6c: {  	[tilespmem:s19+$0x2880] =	vst.msk vm0, v19  }
0x6d: {  	[tilespmem:s19+$0x3100] =	vst.msk vm0, v18  }
0x6e: {  	s0 =	sadd.s32 $0x10, s0  }
0x6f: {  	s20 =	sadd.s32 $0x10, s20;
	v18 =	vld [tilespmem:s0+$0x0]  }
0x70: {  	_ =	sdelay $0x3  }
0x71: {  	vm0 =	veq.s32 v18, v2  }
0x72: {  	v18 =	vmpcnt.ones.xlane vm0;
	_ =	sdelay $0x1  }
0x73: {  	(v2sf) =	vpush v18, $0x0  }
0x74: {  	(v2sf) =	vpush v11, $0x0  }
0x75: {  	(v2sf) =	vpush v12, $0x0  }
0x76: {  	(v2sf) =	vpush v13, $0x0  }
0x77: {  	(v2sf) =	vpush v14, $0x0  }
0x78: {  	(v2sf) =	vpush v16, $0x0;
	_ =	sdelay $0x2  }
0x79: {  	(v2sf) =	vpush v17, $0x0;
	_ =	sdelay $0x2  }
0x7a: {  	s20 =	spop (v2sf);
	(v2sf) =	vpush v15, $0x0;
	_ =	sdelay $0x3  }
0x7b: {  	s0 =	spop (v2sf)  }
0x7c: {  	s24 =	simm.s32 $0x1;
	s28 =	simm.s32 $0x1;
	s0 =	spop (v2sf)  }
0x7d: {  	(v2sf) =	vpush v10, $0x0;
	v10 =	vor.u32 s22, v0;
	s22 =	sld [smem:$0x7F8];
	s1 =	spop (v2sf);
	s21 =	sadd.s32 $0x7F, s0  }
0x7e: {  	s7 =	spop (v2sf);
	s11 =	sand.u32 $0x7F, s21;
	p2 =	slt.s32 s21, $0x1  }
0x7f: {  	s25 =	sadd.s32 $0x7F, s1;
	s29 =	spop (v2sf);
	p3 =	sne.s32 s11, $0x0  }
0x80: {  	s1 =	sand.u32 $0x7F, s25;
	s23 =	sadd.s32 $0x7F, s7;
	s16 =	spop (v2sf)  }
0x81: {  	p2 =	por !p2, !p3;
	p3 =	slt.s32 s25, $0x1;
	p5 =	sne.s32 s1, $0x0  }
0x82: {  	s31 =	sand.u32 $0x7F, s23;
	s1 =	simm.s32 $0x1;
	s0 =	sadd.s32 $0x7F, s29  }
0x83: {  	s29 =	simm.s32 $0x1;
	s30 =	spop (v2sf);
	p2 =	por !p2, !p2  }
0x84: {  	p3 =	por !p3, !p5;
	p5 =	sne.s32 s31, $0x0;
	s3 =	sand.u32 $0x7F, s0  }
0x85: {  	s16 =	sadd.s32 $0x7F, s16;
	s31 =	simm.s32 $0x1;
	s24 =	simm.s32 @!p2 $0x0  }
0x86: {  	p2 =	por !p3, !p3;
	p3 =	slt.s32 s23, $0x1;
	s7 =	spop (v2sf)  }
0x87: {  	s26 =	sand.u32 $0x7F, s16;
	s11 =	sadd.s32 $0x7F, s30;
	s30 =	sshra.s32 s21, $0x1F  }
0x88: {  	p3 =	por !p3, !p5;
	s1 =	simm.s32 @!p2 $0x0;
	p5 =	sne.s32 s3, $0x0  }
0x89: {  	s4 =	sand.u32 $0x7F, s11;
	s30 =	sshrl.u32 s30, $0x19;
	s3 =	simm.s32 $0x1  }
0x8a: {  	s7 =	sadd.s32 $0x7F, s7;
	p2 =	por !p3, !p3;
	p3 =	slt.s32 s0, $0x1  }
0x8b: {  	s21 =	sadd.s32 s30, s21;
	s28 =	simm.s32 @!p2 $0x0;
	p5 =	por !p3, !p5  }
0x8c: {  	p3 =	slt.s32 s16, $0x1;
	s21 =	sshrl.u32 s21, $0x7;
	p2 =	por !p5, !p5  }
0x8d: {  	p5 =	sne.s32 s26, $0x0;
	s26 =	sshra.s32 s25, $0x1F;
	s29 =	simm.s32 @!p2 $0x0  }
0x8e: {  	p2 =	por !p3, !p5;
	p3 =	slt.s32 s11, $0x1;
	p5 =	sne.s32 s4, $0x0  }
0x8f: {  	s4 =	sand.u32 $0x7F, s7;
	s26 =	sshrl.u32 s26, $0x19;
	p3 =	por !p3, !p5  }
0x90: {  	p2 =	por !p2, !p2;
	p5 =	sne.s32 s4, $0x0;
	s25 =	sadd.s32 s26, s25  }
0x91: {  	s26 =	sadd.s32 s19, s20;
	s19 =	ssub.s32 s21, s24;
	s21 =	sshra.s32 s23, $0x1F  }
0x92: {  	s24 =	sshra.s32 s0, $0x1F;
	p3 =	por !p3, !p3;
	s31 =	simm.s32 @!p2 $0x0  }
0x93: {  	s30 =	sshrl.u32 s25, $0x7;
	s20 =	sshrl.u32 s21, $0x19;
	s25 =	sshra.s32 s16, $0x1F  }
0x94: {  	s21 =	sshrl.u32 s24, $0x19;
	s24 =	sshra.s32 s11, $0x1F;
	s9 =	spop (v2sf)  }
0x95: {  	s3 =	simm.s32 @!p3 $0x0;
	p3 =	slt.s32 s7, $0x1;
	s1 =	ssub.s32 s30, s1  }
0x96: {  	s20 =	sadd.s32 s20, s23;
	s30 =	sshrl.u32 s25, $0x19;
	s0 =	sadd.s32 s21, s0  }
0x97: {  	s25 =	sadd.s32 $0x10, s18;
	s18 =	sshll.u32 s19, $0x7;
	s21 =	sshrl.u32 s24, $0x19  }
0x98: {  	s4 =	sadd.s32 $0x7F, s9;
	p2 =	por !p3, !p5;
	s16 =	sadd.s32 s30, s16  }
0x99: {  	s20 =	sshrl.u32 s20, $0x7;
	s0 =	sshrl.u32 s0, $0x7;
	s19 =	sshll.u32 s1, $0x7  }
0x9a: {  	s9 =	sand.u32 $0x7F, s4;
	p2 =	por !p2, !p2;
	p5 =	slt.s32 s4, $0x1  }
0x9b: {  	s20 =	ssub.s32 s20, s28;
	s16 =	sshrl.u32 s16, $0x7;
	s0 =	ssub.s32 s0, s29  }
0x9c: {  	s28 =	sadd.s32 s21, s11;
	s29 =	sshra.s32 s7, $0x1F;
	p3 =	sne.s32 s9, $0x0  }
0x9d: {  	s9 =	simm.s32 $0x1;
	s16 =	ssub.s32 s16, s31;
	s20 =	sshll.u32 s20, $0x7  }
0x9e: {  	s21 =	sshll.u32 s0, $0x7;
	s30 =	sshrl.u32 s29, $0x19;
	s1 =	sshrl.u32 s28, $0x7  }
0x9f: {  	s31 =	sshra.s32 s4, $0x1F;
	s29 =	sld [smem:$0x7F6];
	s9 =	simm.s32 @!p2 $0x0  }
0xa0: {  	p2 =	por !p5, !p3;
	s0 =	sadd.s32 s30, s7;
	s1 =	ssub.s32 s1, s3  }
0xa1: {  	s11 =	sshrl.u32 s31, $0x19;
	s7 =	smov.u32 s18;
	s30 =	sld [smem:$0x7F5]  }
0xa2: {  	s23 =	sshll.u32 s16, $0x7;
	s31 =	sld [smem:$0x7F4];
	s0 =	sshrl.u32 s0, $0x7  }
0xa3: {  	s3 =	sadd.s32 s11, s4;
	p2 =	por !p2, !p2;
	s4 =	simm.s32 $0x1  }
0xa4: {  	s7 =	simm.s32 @!p0 $0x0;
	s24 =	sshll.u32 s1, $0x7;
	s0 =	ssub.s32 s0, s9  }
0xa5: {  	v11 =	vshrl.u32 v10, $0x1;
	s3 =	sshrl.u32 s3, $0x7;
	s4 =	simm.s32 @!p2 $0x0;
	s9 =	smov.u32 s19  }
0xa6: {  	[tilespmem:s26+$0x2000] =	vst.msk vm0, v11;
	p2 =	seq.s32 s22, $0x1;
	s1 =	smov.u32 s24;
	s3 =	ssub.s32 s3, s4  }
0xa7: {  	v11 =	vld [tilespmem:s25+$0x0];
	s9 =	simm.s32 @!p4 $0x0;
	s4 =	smov.u32 s20;
	s25 =	sshll.u32 s0, $0x7  }
0xa8: {  	s7 =	sadd.s32 s7, s9;
	s4 =	simm.s32 @!p6 $0x0;
	s9 =	smov.u32 s21  }
0xa9: {  	s22 =	sshll.u32 s3, $0x7;
	s3 =	smov.u32 s25;
	s16 =	sadd.s32 s4, s7  }
0xaa: {  	s9 =	simm.s32 @!p2 $0x0;
	s4 =	smov.u32 s23;
	p2 =	seq.s32 s29, $0x1  }
0xab: {  	s28 =	sadd.s32 s9, s16;
	s4 =	simm.s32 @!p2 $0x0;
	p2 =	seq.s32 s30, $0x1  }
0xac: {  	s0 =	sadd.s32 s4, s28;
	s1 =	simm.s32 @!p2 $0x0;
	p2 =	seq.s32 s31, $0x1  }
0xad: {  	s0 =	sadd.s32 s1, s0;
	s3 =	simm.s32 @!p2 $0x0;
	s1 =	smov.u32 s22  }
0xae: {  	s0 =	sadd.s32 s3, s0;
	s1 =	simm.s32 @!p1 $0x0  }
0xaf: {  	s0 =	sadd.s32 s1, s0  }
0xb0: {  	p2 =	slt.s32 s0, $0x80  }
.Ltmp6:
0xb1: {  	_ = 	snop;
	(pc) =	sbr.rel @p2 .LBB2_17-.Ltmp6, $3  }
0xb2: {  	_ =	sdelay $0x1  }
0xb3: {  	[tilespmem:s26+$0x2880] =	vst.msk vm0, v11  }
0xb4: {  	[tilespmem:s26+$0x3100] =	vst.msk vm0, v10  }
0xb5: {  	s4 =	sld [smem:$0x7F9]  }
0xb6: {  	s16 =	sld [smem:$0x7FC]  }
0xb7: {  	s7 =	sld [smem:$0x7F7]  }
0xb8: {  	s1 =	smov.u32 s20;
	s3 =	smov.u32 s21;
	s26 =	sld [smem:$0x7FB]  }
0xb9: {  	s9 =	sshra.s32 s0, $0x1F;
	s11 =	sld [smem:$0x7FD];
	p2 =	seq.s32 s4, $0x1  }
0xba: {  	s9 =	sshrl.u32 s9, $0x19;
	s1 =	simm.s32 @!p2 $0x0;
	p2 =	seq.s32 s16, $0x1  }
0xbb: {  	s4 =	smov.u32 s23;
	s3 =	simm.s32 @!p2 $0x0;
	p2 =	seq.s32 s7, $0x1  }
0xbc: {  	s9 =	sadd.s32 s9, s0;
	s7 =	smov.u32 s24;
	s4 =	simm.s32 @!p2 $0x0  }
0xbd: {  	s1 =	sadd.s32 s3, s1;
	p2 =	seq.s32 s26, $0x1;
	s3 =	smov.u32 s25  }
0xbe: {  	s7 =	simm.s32 @!p2 $0x0;
	s1 =	sadd.s32 s4, s1;
	s4 =	smov.u32 s19  }
0xbf: {  	s3 =	simm.s32 @!p1 $0x0;
	p2 =	seq.s32 s11, $0x1;
	s11 =	sshra.s32 s9, $0x7  }
0xc0: {  	s1 =	sadd.s32 s7, s1;
	s4 =	simm.s32 @p2 $0x0;
	p2 =	sne.s32 s11, $0x1  }
.Ltmp7:
0xc1: {  	s7 =	smov.u32 s18;
	s1 =	sadd.s32 s3, s1;
	(pc) =	sbr.rel @!p2 .LBB2_10-.Ltmp7, $4  }
0xc2: {  	s7 =	simm.s32 @p0 $0x0;
	s16 =	sadd.s32 s4, s1  }
0xc3: {  	s28 =	simm.s32 $0x3100;
	s0 =	sadd.s32 s7, s16  }
0xc4: {  	s29 =	simm.s32 $0x2880;
	s30 =	simm.s32 $0x2000;
	s26 =	sshrl.u32 s0, $0x3  }
0xc5: {  	p3 =	por $0x0, $0x0;
	s31 =	sand.u32 $0x1FFFFFF0, s26;
	s26 =	sadd.s32 $0xFFFFFFFF, s11  }
0xc6: {  	s1 =	sadd.s32 s5, s31  }
0xc7: {  	s11 =	sadd.s32 s6, s31;
	s7 =	sadd.s32 $0x80, s0;
	p5 =	sne.s32 s26, $0x1  }
0xc8: {  	[hbm4b:s1+s2] =	stream.linear.scatter [tilespmem:s30], [sflag:$0x1], $0x80, $0x38;
	[tilespmem:$0x3B80] =	vst v63  }
.Ltmp8:
0xc9: {  	s16 =	sadd.s32 s8, s31;
	s0 =	sshrl.u32 s7, $0x3;
	(pc) =	sbr.rel @!p5 .LBB2_12-.Ltmp8, $4  }
0xca: {  	[hbm4b:s11+s2] =	stream.linear.scatter [tilespmem:s29], [sflag:$0x1], $0x80, $0x38;
	[tilespmem:$0x3B80] =	vst v63  }
0xcb: {  	p3 =	por $0x1, $0x1;
	s1 =	simm.s32 $0x2880;
	s31 =	sand.u32 $0x1FFFFFF0, s0  }
0xcc: {  	[hbm4b:s16+s2] =	stream.linear.scatter [tilespmem:s28], [sflag:$0x1], $0x80, $0x38;
	[tilespmem:$0x3B80] =	vst v63  }
0xcd: {  	s0 =	simm.s32 $0x3100;
	s11 =	sadd.s32 $0xFFFFFFFF, s26;
	s16 =	simm.s32 $0x2000  }
.LBB2_13:
0xce: {  	p5 =	sne.s32 s11, $0x1  }
0xcf: {  	s3 =	sadd.s32 s5, s31;
	s16 =	sadd.s32 $0x80, s16;
	s7 =	sadd.s32 $0x80, s7  }
0xd0: {  	[hbm4b:s3+s2] =	stream.linear.scatter [tilespmem:s16], [sflag:$0x1], $0x80, $0x38;
	[tilespmem:$0x3B80] =	vst v63  }
.Ltmp9:
0xd1: {  	s1 =	sadd.s32 $0x80, s1;
	s3 =	sadd.s32 s6, s31;
	(pc) =	sbr.rel @p5 .LBB2_13-.Ltmp9, $4  }
0xd2: {  	[hbm4b:s3+s2] =	stream.linear.scatter [tilespmem:s1], [sflag:$0x1], $0x80, $0x38;
	[tilespmem:$0x3B80] =	vst v63  }
0xd3: {  	s4 =	sadd.s32 s8, s31;
	s0 =	sadd.s32 $0x80, s0;
	s3 =	sshrl.u32 s7, $0x3  }
0xd4: {  	[hbm4b:s4+s2] =	stream.linear.scatter [tilespmem:s0], [sflag:$0x1], $0x80, $0x38;
	[tilespmem:$0x3B80] =	vst v63  }
0xd5: {  	s11 =	sadd.s32 $0xFFFFFFFF, s11;
	s31 =	sand.u32 $0x1FFFFFF0, s3  }
.LBB2_14:
0xd6: {  	s3 =	sadd.s32 @p3 $0x80, s16  }
0xd7: {  	s4 =	sadd.s32 s5, s31;
	s1 =	sadd.s32 @p3 $0x80, s1;
	s30 =	smov.u32 @p3 s3  }
0xd8: {  	[hbm4b:s4+s2] =	stream.linear.scatter [tilespmem:s30], [sflag:$0x1], $0x80, $0x38;
	[tilespmem:$0x3B80] =	vst v63  }
0xd9: {  	s0 =	sadd.s32 @p3 $0x80, s0;
	s29 =	smov.u32 @p3 s1;
	s30 =	sadd.s32 s6, s31  }
0xda: {  	[hbm4b:s30+s2] =	stream.linear.scatter [tilespmem:s29], [sflag:$0x1], $0x80, $0x38;
	[tilespmem:$0x3B80] =	vst v63  }
0xdb: {  	s28 =	smov.u32 @p3 s0;
	s31 =	sadd.s32 s8, s31  }
0xdc: {  	[hbm4b:s31+s2] =	stream.linear.scatter [tilespmem:s28], [sflag:$0x1], $0x80, $0x38;
	[tilespmem:$0x3B80] =	vst v63  }
0xdd: {  	_ =	swait.ge [sflag:s12], $0x80  }
0xde: {  	[sflag:s12] =	ssyncset.done $0x0  }
0xdf: {  	[sflag:s12] =	ssyncadd.s32 $0xFFFFFF80  }
.Ltmp10:
0xe0: {  	_ =	swait.ge [sflag:s12], $0x80;
	(pc) =	sbr.rel @!p2 .LBB2_16-.Ltmp10, $4  }
0xe1: {  	[sflag:s12] =	ssyncset.done $0x0  }
0xe2: {  	[sflag:s12] =	ssyncadd.s32 $0xFFFFFF80  }
0xe3: {  	_ =	swait.ge [sflag:s12], $0x80  }
0xe4: {  	[sflag:s12] =	ssyncset.done $0x0  }
.LBB2_15:
0xe5: {  	p2 =	sne.s32 s26, $0x1;
	s26 =	sadd.s32 $0xFFFFFFFF, s26;
	[sflag:s12] =	ssyncadd.s32 $0xFFFFFF80  }
0xe6: {  	_ =	swait.ge [sflag:s12], $0x80  }
0xe7: {  	[sflag:s12] =	ssyncset.done $0x0  }
0xe8: {  	[sflag:s12] =	ssyncadd.s32 $0xFFFFFF80  }
.Ltmp11:
0xe9: {  	_ =	swait.ge [sflag:s12], $0x80;
	(pc) =	sbr.rel @p2 .LBB2_15-.Ltmp11, $4  }
0xea: {  	[sflag:s12] =	ssyncset.done $0x0  }
0xeb: {  	[sflag:s12] =	ssyncadd.s32 $0xFFFFFF80  }
0xec: {  	_ =	swait.ge [sflag:s12], $0x80  }
0xed: {  	[sflag:s12] =	ssyncset.done $0x0  }
.LBB2_16:
0xee: {  	[sflag:s12] =	ssyncadd.s32 $0xFFFFFF80  }
.LBB2_17:
0xef: {  	s16 =	sadd.s32 s18, s19  }
.Ltmp12:
0xf0: {  	s11 =	sadd.s32 s20, s16;
	(pc) =	sbr.rel @p1 .LBB2_20-.Ltmp12, $4  }
0xf1: {  	s7 =	sadd.s32 s21, s11  }
0xf2: {  	s1 =	sadd.s32 s23, s7  }
0xf3: {  	s0 =	sadd.s32 s24, s1  }
0xf4: {  	s19 =	sadd.s32 s25, s0  }
0xf5: {  	s3 =	sld [smem:$0x7FA];
	_ =	sdelay $0x2  }
0xf6: {  	p2 =	seq.s32 s3, $0x1  }
.Ltmp13:
0xf7: {  	_ = 	snop;
	(pc) =	sbr.rel @p2 .LBB2_26-.Ltmp13, $1  }
0xf8: {  	_ =	sdelay $0x3  }
0xf9: {  	v10 =	vmov s18;
	v11 =	vmov s16;
	v13 =	vmov s11  }
0xfa: {  	v15 =	vmov s7;
	v17 =	vmov s1;
	v19 =	vmov s0  }
0xfb: {  	v21 =	vmov s19;
	vm0 =	vlt.s32 v10, v6;
	vm8 =	vlt.s32 v11, v6  }
0xfc: {  	vm9 =	vlt.s32 v13, v6;
	vm10 =	vlt.s32 v15, v6;
	vm11 =	vlt.s32 v17, v6  }
0xfd: {  	vm12 =	vlt.s32 v19, v6;
	vm13 =	vlt.s32 v21, v6;
	vm14 =	vlt.s32 v10, v8  }
0xfe: {  	vm15 =	vlt.s32 v11, v8;
	vm4 =	vlt.s32 v13, v8;
	vm5 =	vlt.s32 v15, v8  }
0xff: {  	vm6 =	vlt.s32 v17, v8;
	vm7 =	vlt.s32 v19, v8;
	v12 =	vsel vm0, $0x1, v7  }
0x100: {  	v14 =	vsel vm8, $0x1, v7;
	v16 =	vsel vm9, $0x1, v7;
	v18 =	vsel vm10, $0x1, v7  }
0x101: {  	v20 =	vsel vm11, $0x1, v7;
	v50 =	vsel vm12, $0x1, v7;
	v51 =	vsel vm13, $0x1, v7  }
0x102: {  	v52 =	vsel vm14, $0x1, v7;
	v53 =	vsel vm15, $0x1, v7;
	v54 =	vsel vm4, $0x1, v7  }
0x103: {  	v55 =	vsel vm5, $0x1, v7;
	v56 =	vsel vm6, $0x1, v7;
	v57 =	vsel vm7, $0x1, v7  }
0x104: {  	vm8 =	vlt.s32 v21, v8;
	vm9 =	vlt.s32 v10, v9;
	vm10 =	vlt.s32 v11, v9  }
0x105: {  	vm11 =	vlt.s32 v13, v9;
	vm12 =	vlt.s32 v15, v9;
	vm13 =	vlt.s32 v17, v9  }
0x106: {  	vm14 =	vlt.s32 v19, v9;
	vm15 =	vlt.s32 v21, v9;
	v12 =	vadd.s32 v12, v14  }
0x107: {  	v58 =	vsel vm8, $0x1, v7;
	v59 =	vsel vm9, $0x1, v7;
	v11 =	vsel vm10, $0x1, v7  }
0x108: {  	v13 =	vsel vm11, $0x1, v7;
	v60 =	vsel vm12, $0x1, v7;
	v12 =	vadd.s32 v16, v12  }
0x109: {  	v61 =	vsel vm13, $0x1, v7;
	v12 =	vadd.s32 v18, v12;
	v18 =	vadd.s32 v52, v53  }
0x10a: {  	v62 =	vsel vm14, $0x1, v7;
	v11 =	vadd.s32 v59, v11;
	v14 =	vadd.s32 v54, v18  }
0x10b: {  	v11 =	vadd.s32 v13, v11;
	v12 =	vadd.s32 v20, v12;
	v14 =	vadd.s32 v55, v14  }
0x10c: {  	v11 =	vadd.s32 v60, v11;
	v12 =	vadd.s32 v50, v12;
	v10 =	vadd.s32 v56, v14  }
0x10d: {  	v11 =	vadd.s32 v61, v11;
	v12 =	vadd.s32 v51, v12;
	v10 =	vadd.s32 v57, v10  }
0x10e: {  	v63 =	vsel vm15, $0x1, v7;
	v11 =	vadd.s32 v62, v11;
	[tilespmem:$0x3980] =	vst v12;
	v10 =	vadd.s32 v58, v10  }
0x10f: {  	[tilespmem:$0x3990] =	vst v10;
	v10 =	vadd.s32 v63, v11  }
.Ltmp14:
0x110: {  	s30 =	rddreg [dreg:$0x4];
	s31 =	simm.s32 $0x3980;
	[tilespmem:$0x39A0] =	vst v10;
	(pc) =	sbr.rel .LBB2_26-.Ltmp14, $4  }
0x111: {  	[hbm4b:s30+s2] =	stream.linear.scatter [tilespmem:s31], [sflag:$0x2], $0x80, $0x38;
	[tilespmem:$0x3B80] =	vst v63  }
0x112: {  	_ =	swait.ge [sflag:s10], $0x80  }
0x113: {  	[sflag:s10] =	ssyncset.done $0x0  }
0x114: {  	[sflag:s10] =	ssyncadd.s32 $0xFFFFFF80  }
.LBB2_20:
0x115: {  	[tilespmem:$0x3A00] =	vst v1  }
0x116: {  	[tilespmem:$0x3A80] =	vst v3  }
0x117: {  	[tilespmem:$0x3B00] =	vst v4  }
0x118: {  	[tilespmem:$0x3A10] =	vst v5  }
0x119: {  	[tilespmem:$0x3A90] =	vst v3  }
0x11a: {  	[tilespmem:$0x3B10] =	vst v4  }
0x11b: {  	[tilespmem:$0x3A20] =	vst v1  }
0x11c: {  	[tilespmem:$0x3AA0] =	vst v3  }
0x11d: {  	[tilespmem:$0x3B20] =	vst v4  }
0x11e: {  	[tilespmem:$0x3A30] =	vst v5  }
0x11f: {  	[tilespmem:$0x3AB0] =	vst v3  }
0x120: {  	[tilespmem:$0x3B30] =	vst v4  }
0x121: {  	[tilespmem:$0x3A40] =	vst v1  }
0x122: {  	[tilespmem:$0x3AC0] =	vst v3  }
0x123: {  	[tilespmem:$0x3B40] =	vst v4  }
0x124: {  	[tilespmem:$0x3A50] =	vst v5  }
0x125: {  	[tilespmem:$0x3AD0] =	vst v3  }
0x126: {  	[tilespmem:$0x3B50] =	vst v4;
	s0 =	sadd.s32 s22, s19  }
0x127: {  	[tilespmem:$0x3A60] =	vst v1;
	p2 =	sgt.s32 s0, $0x13FF  }
.Ltmp15:
0x128: {  	[tilespmem:$0x3AE0] =	vst v3;
	(pc) =	sbr.rel @p2 .LBB2_26-.Ltmp15, $4  }
0x129: {  	[tilespmem:$0x3B60] =	vst v4  }
0x12a: {  	[tilespmem:$0x3A70] =	vst v5  }
0x12b: {  	[tilespmem:$0x3AF0] =	vst v3  }
0x12c: {  	[tilespmem:$0x3B70] =	vst v4  }
0x12d: {  	s1 =	sshra.s32 s0, $0x1F  }
0x12e: {  	s1 =	sshrl.u32 s1, $0x19  }
0x12f: {  	s29 =	sadd.s32 s1, s0  }
0x130: {  	s0 =	sshra.s32 s29, $0x7  }
0x131: {  	p2 =	sgt.s32 s0, $0x27;
	s3 =	smov.u32 s0  }
0x132: {  	s3 =	simm.s32 @!p2 $0x27  }
0x133: {  	s4 =	sshll.u32 s0, $0x4;
	s0 =	ssub.s32 s3, s0  }
0x134: {  	s0 =	sadd.s32 $0x1, s0  }
0x135: {  	p2 =	sne.s32 s0, $0x1  }
.Ltmp16:
0x136: {  	s1 =	sand.u32 $0x1FFFFFF0, s4;
	(pc) =	sbr.rel @!p2 .LBB2_23-.Ltmp16, $4  }
0x137: {  	s30 =	sadd.s32 s5, s1  }
0x138: {  	[hbm4b:s30+s2] =	stream.linear.scatter [tilespmem:s13], [sflag:$0x1], $0x80, $0x38;
	[tilespmem:$0x3B80] =	vst v63  }
0x139: {  	s11 =	sadd.s32 $0x10, s4;
	s31 =	sadd.s32 s6, s1;
	s7 =	sadd.s32 $0xFFFFFFFF, s0  }
0x13a: {  	[hbm4b:s31+s2] =	stream.linear.scatter [tilespmem:s14], [sflag:$0x1], $0x80, $0x38;
	[tilespmem:$0x3B80] =	vst v63  }
.LBB2_22:
0x13b: {  	s3 =	sadd.s32 s8, s1;
	s1 =	sand.u32 $0x1FFFFFF0, s11;
	p3 =	sne.s32 s7, $0x1  }
0x13c: {  	[hbm4b:s3+s2] =	stream.linear.scatter [tilespmem:s15], [sflag:$0x1], $0x80, $0x38;
	[tilespmem:$0x3B80] =	vst v63  }
.Ltmp17:
0x13d: {  	_ = 	snop;
	(pc) =	sbr.rel @p3 .LBB2_22-.Ltmp17, $4  }
0x13e: {  	s7 =	sadd.s32 $0xFFFFFFFF, s7;
	s3 =	sadd.s32 s5, s1  }
0x13f: {  	[hbm4b:s3+s2] =	stream.linear.scatter [tilespmem:s13], [sflag:$0x1], $0x80, $0x38;
	[tilespmem:$0x3B80] =	vst v63  }
0x140: {  	s11 =	sadd.s32 $0x10, s11;
	s3 =	sadd.s32 s6, s1  }
0x141: {  	[hbm4b:s3+s2] =	stream.linear.scatter [tilespmem:s14], [sflag:$0x1], $0x80, $0x38;
	[tilespmem:$0x3B80] =	vst v63  }
.LBB2_23:
0x142: {  	s1 =	sadd.s32 s8, s1  }
0x143: {  	[hbm4b:s1+s2] =	stream.linear.scatter [tilespmem:s15], [sflag:$0x1], $0x80, $0x38;
	[tilespmem:$0x3B80] =	vst v63  }
0x144: {  	_ =	swait.ge [sflag:s12], $0x80  }
0x145: {  	[sflag:s12] =	ssyncset.done $0x0  }
0x146: {  	[sflag:s12] =	ssyncadd.s32 $0xFFFFFF80  }
.Ltmp18:
0x147: {  	_ =	swait.ge [sflag:s12], $0x80;
	(pc) =	sbr.rel @!p2 .LBB2_25-.Ltmp18, $4  }
0x148: {  	[sflag:s12] =	ssyncset.done $0x0  }
0x149: {  	[sflag:s12] =	ssyncadd.s32 $0xFFFFFF80  }
0x14a: {  	_ =	swait.ge [sflag:s12], $0x80  }
0x14b: {  	s0 =	sadd.s32 $0xFFFFFFFF, s0;
	[sflag:s12] =	ssyncset.done $0x0  }
.LBB2_24:
0x14c: {  	p2 =	sne.s32 s0, $0x1;
	s0 =	sadd.s32 $0xFFFFFFFF, s0;
	[sflag:s12] =	ssyncadd.s32 $0xFFFFFF80  }
0x14d: {  	_ =	swait.ge [sflag:s12], $0x80  }
0x14e: {  	[sflag:s12] =	ssyncset.done $0x0  }
0x14f: {  	[sflag:s12] =	ssyncadd.s32 $0xFFFFFF80  }
.Ltmp19:
0x150: {  	_ =	swait.ge [sflag:s12], $0x80;
	(pc) =	sbr.rel @p2 .LBB2_24-.Ltmp19, $4  }
0x151: {  	[sflag:s12] =	ssyncset.done $0x0  }
0x152: {  	[sflag:s12] =	ssyncadd.s32 $0xFFFFFF80  }
0x153: {  	_ =	swait.ge [sflag:s12], $0x80  }
0x154: {  	[sflag:s12] =	ssyncset.done $0x0  }
.Ltmp20:
0x155: {  	_ = 	snop;
	(pc) =	sbr.rel .LBB2_25-.Ltmp20, $1  }
0x156: {  	_ =	sdelay $0x3  }
.LBB2_10:
.Ltmp21:
0x157: {  	(pc) =	sbr.rel .LBB2_14-.Ltmp21, $2  }
0x158: {  	_ =	sdelay $0x2  }
0x159: {  	s16 =	simm.s32 $0x2000;
	s1 =	simm.s32 $0x2880;
	s0 =	simm.s32 $0x3100  }
.LBB2_12:
.Ltmp22:
0x15a: {  	(pc) =	sbr.rel .LBB2_14-.Ltmp22, $2  }
0x15b: {  	_ =	sdelay $0x2  }
0x15c: {  	s16 =	simm.s32 $0x2000;
	s1 =	simm.s32 $0x2880;
	s0 =	simm.s32 $0x3100  }
.LBB2_27:
0x15d: {  	_ =	sfence.sel $0x180000  }
0x15e: {  	[bflag:$0x0] =	sbarrier.arrive $0xFFFF  }
0x15f: {  	_ =	strace $0x90000047  }
0x160: {  	s0 =	stileid.u32;
	[bflag:$0x2] =	sbarrier.arrive $0xFFFF  }
0x161: {  	p0 =	sne.s32 s0, $0x0;
	s0 =	rddreg [dreg:$0x1]  }
0x162: {  	s0 =	sadd.s32 @!p0 $0x100000, s0  }
0x163: {  	[sflag:s0] =	ssyncadd.tile.s32 @!p0 $0x1;
	_ =	shalt  }
.Lfunc_end2:
_tile_overlayer_lowered:
.L_overlay_start_2:
0x164: {  	(tag) =	ssettag $0x2  }
0x165: {  	s0 =	rddreg [dreg:$0x0];
	s2 =	stileid.u32  }
0x166: {  	s1 =	rddreg [dreg:$0x1];
	p0 =	sne.s32 s2, $0x0  }
0x167: {  	s3 =	rddreg [dreg:$0x2];
	[bflag:$0x3] =	sbarrier.arrive $0xFFFF;
	s2 =	simm.s32 @!p0 $0x1C02  }
0x168: {  	[timem:s3], [sflag:s2] =	dma.local @!p0 [hbm:s0], s1  }
0x169: {  	s0 =	simm.s32 @!p0 $0x2  }
0x16a: {  	_ =	swait.ge @!p0 [sflag:s0], s1  }
0x16b: {  	s1 =	ssub.s32 @!p0 $0x0, s1;
	[sflag:s0] =	ssyncset.done @!p0 $0x0  }
0x16c: {  	[sflag:s0] =	ssyncadd.s32 @!p0 s1  }
0x16d: {  	[bflag:$0x3] =	sbarrier.arrive $0xFFFF  }
0x16e: {  	_ =	shalt  }

</sc_bundles>
